<compile_context>
chip_gen: v7x
topology: tpu7x:2x2x1
jax: 0.10.2.dev20260603
libtpu: 0.0.44.dev20260713+nightly
codegen_flags: <defaults>
</compile_context>

<pallas_src>
import jax
import jax.numpy as jnp
from jax import lax
from jax.experimental import pallas as pl
from jax.experimental.pallas import tpu as pltpu
from jax.experimental.pallas import tpu_sc as plsc

_N = 10000
_E = 320000
_DIN = 128
_H = 64

_NC = 2
_NS = 16
_NW = _NC * _NS
_C = 128
_EPAD = 327680
_PW = _EPAD // _NW
_NCH = _PW // _C
_NACC = 10240
_RPS = _NACC // _NS
_ZR = 128
_DEGW = 16


def _dotb(a, b):
    return lax.dot_general(a.astype(jnp.bfloat16), b.astype(jnp.bfloat16),
                           (((1,), (0,)), ((), ())),
                           preferred_element_type=jnp.float32)



def _make_sc_agg(nsrc, with_deg, staged=False, nbuf=4, idx_map=None):
    mesh = plsc.VectorSubcoreMesh(core_axis_name="c", subcore_axis_name="s")
    out_types = [jax.ShapeDtypeStruct((_N, _NC * _H), jnp.float32)
                 for _ in range(nsrc)]
    scratch = [
        pltpu.VMEM((_NCH, _C), jnp.int32),
        pltpu.VMEM((_NCH, _C), jnp.int32),
        pltpu.VMEM((_ZR, _H), jnp.float32),
    ]
    for _ in range(nsrc):
        scratch += [[pltpu.VMEM((_C, _H), jnp.float32) for _ in range(nbuf)],
                    pltpu.VMEM_SHARED((_NACC, _H), jnp.float32),
                    [pltpu.SemaphoreType.DMA for _ in range(nbuf)]]
        if staged:
            scratch.append(pltpu.VMEM_SHARED((_N, _H), jnp.float32))
    if with_deg:
        out_types.append(jax.ShapeDtypeStruct((_NC, _N, _DEGW), jnp.float32))
        scratch += [
            pltpu.VMEM((_ZR, _DEGW), jnp.float32),
            pltpu.VMEM((_C, _DEGW), jnp.float32),
            pltpu.VMEM_SHARED((_NACC, _DEGW), jnp.float32),
        ]

    def body(*refs):
        y_hbm = refs[:nsrc]
        col_hbm, row_hbm = refs[nsrc:nsrc + 2]
        refs = refs[nsrc + 2:]
        acc_hbm = refs[:nsrc]
        refs = refs[nsrc:]
        if with_deg:
            deg_hbm = refs[0]
            refs = refs[1:]
        colv, rowv, zbuf = refs[:3]
        refs = refs[3:]
        stride = 4 if staged else 3
        bufs, acc_sh, sems, src_sh = [], [], [], []
        for s in range(nsrc):
            bufs.append(refs[stride * s])
            acc_sh.append(refs[stride * s + 1])
            sems.append(refs[stride * s + 2])
            if staged:
                src_sh.append(refs[stride * s + 3])
        refs = refs[stride * nsrc:]
        if with_deg:
            dzbuf, onesb, deg_sh = refs

        cid = lax.axis_index("c")
        sid = lax.axis_index("s")
        wid = cid * _NS + sid

        z16 = jnp.zeros((16,), jnp.float32)

        @pl.loop(0, _ZR)
        def _(r):
            @pl.loop(0, _H, step=16)
            def _(c0):
                zbuf[r, pl.ds(c0, 16)] = z16

        for s in range(nsrc):
            @pl.loop(0, _RPS, step=_ZR)
            def _(r0, s=s):
                pltpu.sync_copy(zbuf, acc_sh[s].at[pl.ds(sid * _RPS + r0, _ZR)])

        if with_deg:
            one16 = jnp.ones((16,), jnp.float32)

            @pl.loop(0, _ZR)
            def _(r):
                dzbuf[r, pl.ds(0, _DEGW)] = z16

            @pl.loop(0, _C)
            def _(r):
                onesb[r, pl.ds(0, _DEGW)] = one16

            @pl.loop(0, _RPS, step=_ZR)
            def _(r0):
                pltpu.sync_copy(dzbuf, deg_sh.at[pl.ds(sid * _RPS + r0, _ZR)])

        if staged:
            rps = _N // _NS
            for s in range(nsrc):
                pltpu.sync_copy(y_hbm[s].at[pl.ds(sid * rps, rps)],
                                src_sh[s].at[pl.ds(sid * rps, rps)])
            src = src_sh
        else:
            src = y_hbm

        pltpu.sync_copy(col_hbm.at[pl.ds(wid * _NCH, _NCH)], colv)
        pltpu.sync_copy(row_hbm.at[pl.ds(wid * _NCH, _NCH)], rowv)

        if idx_map is not None:
            scale, off = idx_map

            @pl.loop(0, _NCH)
            def _(r):
                @pl.loop(0, _C, step=16)
                def _(c0):
                    colv[r, pl.ds(c0, 16)] = (
                        colv[r, pl.ds(c0, 16)] * scale + off)

        for k in range(nbuf):
            for s in range(nsrc):
                pltpu.async_copy(src[s].at[colv.at[k]], bufs[s][k],
                                 sems[s][k])

        plsc.subcore_barrier()

        @pl.loop(0, _NCH // nbuf)
        def _(j):
            for k in range(nbuf):
                i = nbuf * j + k
                for s in range(nsrc):
                    pltpu.make_async_copy(src[s].at[colv.at[i]], bufs[s][k],
                                          sems[s][k]).wait()
                    pltpu.sync_copy(bufs[s][k], acc_sh[s].at[rowv.at[i]],
                                    add=True)
                if with_deg:
                    pltpu.sync_copy(onesb, deg_sh.at[rowv.at[i]], add=True)

                @pl.when(i + nbuf < _NCH)
                def _(i=i, k=k):
                    for s in range(nsrc):
                        pltpu.async_copy(src[s].at[colv.at[i + nbuf]],
                                         bufs[s][k], sems[s][k])

        plsc.subcore_barrier()
        wps = _N // _NS
        for s in range(nsrc):
            pltpu.sync_copy(acc_sh[s].at[pl.ds(sid * wps, wps)],
                            acc_hbm[s].at[pl.ds(sid * wps, wps),
                                          pl.ds(cid * _H, _H)])
        if with_deg:
            pltpu.sync_copy(deg_sh.at[pl.ds(sid * wps, wps)],
                            deg_hbm.at[cid, pl.ds(sid * wps, wps)])

    return pl.kernel(body, out_type=out_types, mesh=mesh, scratch_types=scratch,
                     compiler_params=pltpu.CompilerParams(use_tc_tiling_on_sc=False))


_sc_agg_deg = _make_sc_agg(1, True, idx_map=(2, 0))
_sc_agg_odd = _make_sc_agg(1, False, idx_map=(2, 1))
_sc_agg = _make_sc_agg(1, False)



def _psum(accp_ref):
    return accp_ref[:, :_H] + accp_ref[:, _H:]


def _tc_layer_body(accp_ref, degm_ref, h_ref, wl_ref, wr_ref, b_ref, o_ref):
    aggn = _psum(accp_ref) / degm_ref[...]
    o_ref[...] = jnp.maximum(
        _dotb(aggn, wl_ref[...]) + b_ref[...] + _dotb(h_ref[...], wr_ref[...]),
        0.0)


def _tc_layer0_body(accpa_ref, accpb_ref, degp_ref, x_ref, wl_ref, wr_ref,
                    b_ref, o_ref, degm_ref):
    degm = jnp.maximum(degp_ref[0, :, 0:1] + degp_ref[1, :, 0:1], 1.0)
    degm_ref[...] = degm
    agg = jnp.concatenate([_psum(accpa_ref), _psum(accpb_ref)], axis=1)
    aggn = agg / degm
    o_ref[...] = jnp.maximum(
        _dotb(aggn, wl_ref[...]) + b_ref[...] + _dotb(x_ref[...], wr_ref[...]),
        0.0)


def _tc_final_body(accp_ref, degm_ref, h_ref, wlp_ref, wrdv_ref, brdv_ref,
                   o_ref):
    aggn = _psum(accp_ref) / degm_ref[...]
    h = h_ref[...]
    hd = _dotb(h, wrdv_ref[...]) + brdv_ref[...]
    probs = _dotb(aggn, wlp_ref[...]) + hd[:, 0:1]
    o_ref[...] = jnp.concatenate([probs, hd[:, 1:3]], axis=1)


def _f32(*shape):
    return jax.ShapeDtypeStruct(shape, jnp.float32)


def kernel(x, edge_index, Wl0, bl0, Wr0, Wl1, bl1, Wr1, Wl2, bl2, Wr2,
           Wl3, bl3, Wr3, Wlp, blp, Wrp, Wdn, bdn, Wv, bv):
    row = edge_index[0]
    col = edge_index[1]
    pad = _EPAD - _E
    ar = jnp.arange(pad, dtype=jnp.int32)
    rowp = jnp.concatenate([row, _N + ar % (_NACC - _N)])
    colp = jnp.concatenate([col, ar % _N])
    rowp = rowp.reshape(_EPAD // _C, _C)
    colp = colp.reshape(_EPAD // _C, _C)

    x64 = x.reshape(2 * _N, _H)
    accpa, degp = _sc_agg_deg(x64, colp, rowp)
    accpb = _sc_agg_odd(x64, colp, rowp)[0]
    h, degm = pl.pallas_call(
        _tc_layer0_body, out_shape=[_f32(_N, _H), _f32(_N, 1)])(
        accpa, accpb, degp, x, Wl0, Wr0, bl0.reshape(1, _H))

    for Wl, bl, Wr in ((Wl1, bl1, Wr1), (Wl2, bl2, Wr2), (Wl3, bl3, Wr3)):
        accp = _sc_agg(h, colp, rowp)[0]
        h = pl.pallas_call(_tc_layer_body, out_shape=_f32(_N, _H))(
            accp, degm, h, Wl, Wr, bl.reshape(1, _H))

    accp = _sc_agg(h, colp, rowp)[0]
    wrdv = jnp.concatenate([Wrp, Wdn, Wv], axis=1)
    brdv = jnp.concatenate([blp, bdn, bv]).reshape(1, 3)
    return pl.pallas_call(_tc_final_body, out_shape=_f32(_N, 3))(
        accp, degm, h, Wlp, wrdv, brdv)

# --- scband reference (transcript-rebuilt; emitter-appended) ---
"""Pipeline reference for scband-simple-net-wsage-2542620639565 (READ-ONLY COPY).

The authoritative reference and input builder live on the scoring server;
editing this copy changes nothing except your own understanding.
"""

import jax, jax.numpy as jnp
import numpy as np

N = 10000
E = 320000
D_IN = 128
H = 64

def _w(key, fan_in, fan_out):
    return jax.random.normal(key, (fan_in, fan_out), dtype=jnp.float32) * (1.0 / np.sqrt(fan_in))

def setup_inputs(seed: int = 0):
    key = jax.random.key(seed)
    ks = [jax.random.fold_in(key, i) for i in range(40)]
    x = jax.random.normal(ks[0], (N, D_IN), dtype=jnp.float32)
    edge_index = jax.random.randint(ks[1], (2, E), 0, N, dtype=jnp.int32)
    inp = {"x": x, "edge_index": edge_index}
    dims = [(D_IN, H), (H, H), (H, H), (H, H)]
    ki = 2
    for i, (fi, fo) in enumerate(dims):
        inp[f"Wl{i}"] = _w(ks[ki], fi, fo); ki += 1
        inp[f"bl{i}"] = jnp.zeros((fo,), dtype=jnp.float32)
        inp[f"Wr{i}"] = _w(ks[ki], fi, fo); ki += 1
    inp["Wlp"] = _w(ks[ki], H, 1); ki += 1
    inp["blp"] = jnp.zeros((1,), dtype=jnp.float32)
    inp["Wrp"] = _w(ks[ki], H, 1); ki += 1
    inp["Wdn"] = _w(ks[ki], H, 1); ki += 1
    inp["bdn"] = jnp.zeros((1,), dtype=jnp.float32)
    inp["Wv"] = _w(ks[ki], H, 1); ki += 1
    inp["bv"] = jnp.zeros((1,), dtype=jnp.float32)
    return inp

def _sage(x, row, col, Wl, bl, Wr):
    # flow='target_to_source': aggregate neighbor feats x[col] into node row (mean)
    msg = jnp.take(x, col, axis=0)
    agg = jax.ops.segment_sum(msg, row, num_segments=N)
    deg = jax.ops.segment_sum(jnp.ones((row.shape[0],), jnp.float32), row, num_segments=N)
    agg = agg / jnp.maximum(deg, 1.0)[:, None]
    return agg @ Wl + bl + x @ Wr

def reference(x, edge_index, Wl0, bl0, Wr0, Wl1, bl1, Wr1, Wl2, bl2, Wr2, Wl3, bl3, Wr3, Wlp, blp, Wrp, Wdn, bdn, Wv, bv):
    row = edge_index[0]
    col = edge_index[1]
    h = jax.nn.relu(_sage(x, row, col, Wl0, bl0, Wr0))   # conv_succ1
    h = jax.nn.relu(_sage(h, row, col, Wl1, bl1, Wr1))   # conv_succ3
    h = jax.nn.relu(_sage(h, row, col, Wl2, bl2, Wr2))   # conv_succ2
    h = jax.nn.relu(_sage(h, row, col, Wl3, bl3, Wr3))   # conv_succ4
    probs = _sage(h, row, col, Wlp, blp, Wrp)            # conv_probs -> [N,1]
    dn = h @ Wdn + bdn                                   # do_nothing head
    v = h @ Wv + bv                                      # value head
    return jnp.concatenate([probs, dn, v], axis=1)

if __name__ == "__main__":
    import jax
    _d = setup_inputs()
    print(jax.jit(kernel)(*tuple(_d.values())))

</pallas_src>

<mosaic_0001>
#map = affine_map<(d0, d1) -> (0, 0)>
#map1 = affine_map<(d0, d1) -> (0, 0, 0)>
module attributes {stable_mosaic.version = 14 : i64} {
  func.func @body(%arg0: i32, %arg1: i32, %arg2: memref<20000x64xf32, #tpu.memory_space<hbm>>, %arg3: memref<2560x128xi32, #tpu.memory_space<hbm>>, %arg4: memref<2560x128xi32, #tpu.memory_space<hbm>>, %arg5: memref<10000x128xf32, #tpu.memory_space<hbm>>, %arg6: memref<2x10000x16xf32, #tpu.memory_space<hbm>>, %arg7: memref<80x128xi32, #tpu.memory_space<vmem>>, %arg8: memref<80x128xi32, #tpu.memory_space<vmem>>, %arg9: memref<128x64xf32, #tpu.memory_space<vmem>>, %arg10: memref<128x64xf32, #tpu.memory_space<vmem>>, %arg11: memref<128x64xf32, #tpu.memory_space<vmem>>, %arg12: memref<128x64xf32, #tpu.memory_space<vmem>>, %arg13: memref<128x64xf32, #tpu.memory_space<vmem>>, %arg14: memref<10240x64xf32, #tpu.memory_space<vmem_shared>>, %arg15: memref<!tpu.dma_semaphore, #tpu.memory_space<semaphore_mem>>, %arg16: memref<!tpu.dma_semaphore, #tpu.memory_space<semaphore_mem>>, %arg17: memref<!tpu.dma_semaphore, #tpu.memory_space<semaphore_mem>>, %arg18: memref<!tpu.dma_semaphore, #tpu.memory_space<semaphore_mem>>, %arg19: memref<128x16xf32, #tpu.memory_space<vmem>>, %arg20: memref<128x16xf32, #tpu.memory_space<vmem>>, %arg21: memref<10240x16xf32, #tpu.memory_space<vmem_shared>>) attributes {dimension_semantics = [#tpu.dimension_semantics<core_parallel>, #tpu.dimension_semantics<subcore_parallel>], iteration_bounds = array<i64: 2, 16>, scalar_prefetch = 0 : i64, scratch_operands = 15 : i64, tpu.core_type = #tpu.core_type<sc_vector_subcore>, window_params = [{transform_indices = #map}, {transform_indices = #map}, {transform_indices = #map}, {transform_indices = #map}, {transform_indices = #map1}]} {
    %mul3A = arith.constant 16 : i32
    %mul3A_0 = arith.muli %arg0, %mul3A : i32
    %add3A = arith.addi %mul3A_0, %arg1 : i32
    %broadcast_in_dim3A = arith.constant 0.000000e+00 : f32
    %broadcast_in_dim3A_1 = vector.broadcast %broadcast_in_dim3A : f32 to vector<16xf32>
    %scan3A = arith.constant 0 : i32
    %scan3A_2 = arith.constant 128 : i32
    %scan3A_3 = arith.addi %scan3A, %scan3A_2 : i32
    %scan3A_4 = arith.constant 1 : i32
    scf.for %scan3A_80 = %scan3A to %scan3A_3 step %scan3A_4  : i32 {
      %mul3A_81 = arith.constant 1 : i32
      %mul3A_82 = arith.muli %scan3A_80, %mul3A_81 : i32
      %add3A_83 = arith.constant 0 : i32
      %add3A_84 = arith.addi %add3A_83, %mul3A_82 : i32
      %scan3A_85 = arith.constant 0 : i32
      %scan3A_86 = arith.constant 4 : i32
      %scan3A_87 = arith.addi %scan3A_85, %scan3A_86 : i32
      %scan3A_88 = arith.constant 1 : i32
      scf.for %scan3A_90 = %scan3A_85 to %scan3A_87 step %scan3A_88  : i32 {
        %mul3A_91 = arith.constant 16 : i32
        %mul3A_92 = arith.muli %scan3A_90, %mul3A_91 : i32
        %add3A_93 = arith.constant 0 : i32
        %add3A_94 = arith.addi %add3A_93, %mul3A_92 : i32
        %swap3A = arith.index_cast %add3A_84 : i32 to index
        %swap3A_95 = arith.index_cast %add3A_94 : i32 to index
        %swap3A_96 = tpu.vector_load %arg9[%swap3A, %swap3A_95] {strides = array<i32>} : memref<128x64xf32, #tpu.memory_space<vmem>>, vector<1x16xf32>,
        %swap3A_97 = vector.shape_cast %swap3A_96 : vector<1x16xf32> to vector<16xf32>
        %swap3A_98 = vector.shape_cast %broadcast_in_dim3A_1 : vector<16xf32> to vector<1x16xf32>
        tpu.vector_store %arg9[%swap3A, %swap3A_95], %swap3A_98 {strides = array<i32>} : memref<128x64xf32, #tpu.memory_space<vmem>>, vector<1x16xf32>,
      }
      %scan3A_89 = arith.constant 4 : i32
    }
    %scan3A_5 = arith.constant 128 : i32
    %scan3A_6 = arith.constant 0 : i32
    %scan3A_7 = arith.constant 5 : i32
    %scan3A_8 = arith.addi %scan3A_6, %scan3A_7 : i32
    %scan3A_9 = arith.constant 1 : i32
    scf.for %scan3A_80 = %scan3A_6 to %scan3A_8 step %scan3A_9  : i32 {
      %mul3A_81 = arith.constant 128 : i32
      %mul3A_82 = arith.muli %scan3A_80, %mul3A_81 : i32
      %add3A_83 = arith.constant 0 : i32
      %add3A_84 = arith.addi %add3A_83, %mul3A_82 : i32
      %mul3A_85 = arith.constant 640 : i32
      %mul3A_86 = arith.muli %arg1, %mul3A_85 : i32
      %add3A_87 = arith.addi %mul3A_86, %add3A_84 : i32
      "tpu.region"() ({
        %run_scoped3A = tpu.sem_alloc : memref<!tpu.dma_semaphore, #tpu.memory_space<semaphore_mem>>
        %dma_start3A_88 = arith.constant 0 : i32
        %dma_start3A_89 = tpu.memref_slice %arg14[%add3A_87, %dma_start3A_88] : memref<10240x64xf32, #tpu.memory_space<vmem_shared>> -> memref<128x64xf32, #tpu.memory_space<vmem_shared>>
        %dma_start3A_90 = arith.constant 0 : i32
        %dma_start3A_91 = tpu.memref_slice %arg14[%add3A_87, %dma_start3A_90] : memref<10240x64xf32, #tpu.memory_space<vmem_shared>> -> memref<128x64xf32, #tpu.memory_space<vmem_shared>>
        tpu.enqueue_dma source(%arg9 : memref<128x64xf32, #tpu.memory_space<vmem>>) target(%dma_start3A_91 : memref<128x64xf32, #tpu.memory_space<vmem_shared>>) target_semaphore(%run_scoped3A : memref<!tpu.dma_semaphore, #tpu.memory_space<semaphore_mem>>)
        %dma_wait3A = arith.constant 0 : i32
        %dma_wait3A_92 = tpu.memref_slice %arg14[%add3A_87, %dma_wait3A] : memref<10240x64xf32, #tpu.memory_space<vmem_shared>> -> memref<128x64xf32, #tpu.memory_space<vmem_shared>>
        %dma_wait3A_93 = arith.constant 0 : i32
        %dma_wait3A_94 = tpu.memref_slice %arg14[%add3A_87, %dma_wait3A_93] : memref<10240x64xf32, #tpu.memory_space<vmem_shared>> -> memref<128x64xf32, #tpu.memory_space<vmem_shared>>
        tpu.wait_dma2 semaphore(%run_scoped3A : memref<!tpu.dma_semaphore, #tpu.memory_space<semaphore_mem>>) src(%arg9 : memref<128x64xf32, #tpu.memory_space<vmem>>) dst(%dma_wait3A_94 : memref<128x64xf32, #tpu.memory_space<vmem_shared>>)
        tpu.yield
      }) : () -> ()
    }
    %scan3A_10 = arith.constant 5 : i32
    %broadcast_in_dim3A_11 = arith.constant 1.000000e+00 : f32
    %broadcast_in_dim3A_12 = vector.broadcast %broadcast_in_dim3A_11 : f32 to vector<16xf32>
    %scan3A_13 = arith.constant 0 : i32
    %scan3A_14 = arith.constant 128 : i32
    %scan3A_15 = arith.addi %scan3A_13, %scan3A_14 : i32
    %scan3A_16 = arith.constant 1 : i32
    scf.for %scan3A_80 = %scan3A_13 to %scan3A_15 step %scan3A_16  : i32 {
      %mul3A_81 = arith.constant 1 : i32
      %mul3A_82 = arith.muli %scan3A_80, %mul3A_81 : i32
      %add3A_83 = arith.constant 0 : i32
      %add3A_84 = arith.addi %add3A_83, %mul3A_82 : i32
      %swap3A = arith.index_cast %add3A_84 : i32 to index
      %swap3A_85 = arith.constant 0 : index
      %swap3A_86 = tpu.vector_load %arg19[%swap3A, %swap3A_85] {strides = array<i32>} : memref<128x16xf32, #tpu.memory_space<vmem>>, vector<1x16xf32>,
      %swap3A_87 = vector.shape_cast %swap3A_86 : vector<1x16xf32> to vector<16xf32>
      %swap3A_88 = vector.shape_cast %broadcast_in_dim3A_1 : vector<16xf32> to vector<1x16xf32>
      tpu.vector_store %arg19[%swap3A, %swap3A_85], %swap3A_88 {strides = array<i32>} : memref<128x16xf32, #tpu.memory_space<vmem>>, vector<1x16xf32>,
    }
    %scan3A_17 = arith.constant 128 : i32
    %scan3A_18 = arith.constant 0 : i32
    %scan3A_19 = arith.constant 128 : i32
    %scan3A_20 = arith.addi %scan3A_18, %scan3A_19 : i32
    %scan3A_21 = arith.constant 1 : i32
    scf.for %scan3A_80 = %scan3A_18 to %scan3A_20 step %scan3A_21  : i32 {
      %mul3A_81 = arith.constant 1 : i32
      %mul3A_82 = arith.muli %scan3A_80, %mul3A_81 : i32
      %add3A_83 = arith.constant 0 : i32
      %add3A_84 = arith.addi %add3A_83, %mul3A_82 : i32
      %swap3A = arith.index_cast %add3A_84 : i32 to index
      %swap3A_85 = arith.constant 0 : index
      %swap3A_86 = tpu.vector_load %arg20[%swap3A, %swap3A_85] {strides = array<i32>} : memref<128x16xf32, #tpu.memory_space<vmem>>, vector<1x16xf32>,
      %swap3A_87 = vector.shape_cast %swap3A_86 : vector<1x16xf32> to vector<16xf32>
      %swap3A_88 = vector.shape_cast %broadcast_in_dim3A_12 : vector<16xf32> to vector<1x16xf32>
      tpu.vector_store %arg20[%swap3A, %swap3A_85], %swap3A_88 {strides = array<i32>} : memref<128x16xf32, #tpu.memory_space<vmem>>, vector<1x16xf32>,
    }
    %scan3A_22 = arith.constant 128 : i32
    %scan3A_23 = arith.constant 0 : i32
    %scan3A_24 = arith.constant 5 : i32
    %scan3A_25 = arith.addi %scan3A_23, %scan3A_24 : i32
    %scan3A_26 = arith.constant 1 : i32
    scf.for %scan3A_80 = %scan3A_23 to %scan3A_25 step %scan3A_26  : i32 {
      %mul3A_81 = arith.constant 128 : i32
      %mul3A_82 = arith.muli %scan3A_80, %mul3A_81 : i32
      %add3A_83 = arith.constant 0 : i32
      %add3A_84 = arith.addi %add3A_83, %mul3A_82 : i32
      %mul3A_85 = arith.constant 640 : i32
      %mul3A_86 = arith.muli %arg1, %mul3A_85 : i32
      %add3A_87 = arith.addi %mul3A_86, %add3A_84 : i32
      "tpu.region"() ({
        %run_scoped3A = tpu.sem_alloc : memref<!tpu.dma_semaphore, #tpu.memory_space<semaphore_mem>>
        %dma_start3A_88 = arith.constant 0 : i32
        %dma_start3A_89 = tpu.memref_slice %arg21[%add3A_87, %dma_start3A_88] : memref<10240x16xf32, #tpu.memory_space<vmem_shared>> -> memref<128x16xf32, #tpu.memory_space<vmem_shared>>
        %dma_start3A_90 = arith.constant 0 : i32
        %dma_start3A_91 = tpu.memref_slice %arg21[%add3A_87, %dma_start3A_90] : memref<10240x16xf32, #tpu.memory_space<vmem_shared>> -> memref<128x16xf32, #tpu.memory_space<vmem_shared>>
        tpu.enqueue_dma source(%arg19 : memref<128x16xf32, #tpu.memory_space<vmem>>) target(%dma_start3A_91 : memref<128x16xf32, #tpu.memory_space<vmem_shared>>) target_semaphore(%run_scoped3A : memref<!tpu.dma_semaphore, #tpu.memory_space<semaphore_mem>>)
        %dma_wait3A = arith.constant 0 : i32
        %dma_wait3A_92 = tpu.memref_slice %arg21[%add3A_87, %dma_wait3A] : memref<10240x16xf32, #tpu.memory_space<vmem_shared>> -> memref<128x16xf32, #tpu.memory_space<vmem_shared>>
        %dma_wait3A_93 = arith.constant 0 : i32
        %dma_wait3A_94 = tpu.memref_slice %arg21[%add3A_87, %dma_wait3A_93] : memref<10240x16xf32, #tpu.memory_space<vmem_shared>> -> memref<128x16xf32, #tpu.memory_space<vmem_shared>>
        tpu.wait_dma2 semaphore(%run_scoped3A : memref<!tpu.dma_semaphore, #tpu.memory_space<semaphore_mem>>) src(%arg19 : memref<128x16xf32, #tpu.memory_space<vmem>>) dst(%dma_wait3A_94 : memref<128x16xf32, #tpu.memory_space<vmem_shared>>)
        tpu.yield
      }) : () -> ()
    }
    %scan3A_27 = arith.constant 5 : i32
    %mul3A_28 = arith.constant 80 : i32
    %mul3A_29 = arith.muli %add3A, %mul3A_28 : i32
    "tpu.region"() ({
      %run_scoped3A = tpu.sem_alloc : memref<!tpu.dma_semaphore, #tpu.memory_space<semaphore_mem>>
      %dma_start3A_80 = arith.constant 0 : i32
      %dma_start3A_81 = tpu.memref_slice %arg3[%mul3A_29, %dma_start3A_80] : memref<2560x128xi32, #tpu.memory_space<hbm>> -> memref<80x128xi32, #tpu.memory_space<hbm>>
      %dma_start3A_82 = arith.constant 0 : i32
      %dma_start3A_83 = tpu.memref_slice %arg3[%mul3A_29, %dma_start3A_82] : memref<2560x128xi32, #tpu.memory_space<hbm>> -> memref<80x128xi32, #tpu.memory_space<hbm>>
      tpu.enqueue_dma source(%dma_start3A_83 : memref<80x128xi32, #tpu.memory_space<hbm>>) target(%arg7 : memref<80x128xi32, #tpu.memory_space<vmem>>) target_semaphore(%run_scoped3A : memref<!tpu.dma_semaphore, #tpu.memory_space<semaphore_mem>>)
      %dma_wait3A = arith.constant 0 : i32
      %dma_wait3A_84 = tpu.memref_slice %arg3[%mul3A_29, %dma_wait3A] : memref<2560x128xi32, #tpu.memory_space<hbm>> -> memref<80x128xi32, #tpu.memory_space<hbm>>
      %dma_wait3A_85 = arith.constant 0 : i32
      %dma_wait3A_86 = tpu.memref_slice %arg3[%mul3A_29, %dma_wait3A_85] : memref<2560x128xi32, #tpu.memory_space<hbm>> -> memref<80x128xi32, #tpu.memory_space<hbm>>
      tpu.wait_dma2 semaphore(%run_scoped3A : memref<!tpu.dma_semaphore, #tpu.memory_space<semaphore_mem>>) src(%dma_wait3A_86 : memref<80x128xi32, #tpu.memory_space<hbm>>) dst(%arg7 : memref<80x128xi32, #tpu.memory_space<vmem>>)
      tpu.yield
    }) : () -> ()
    %mul3A_30 = arith.constant 80 : i32
    %mul3A_31 = arith.muli %add3A, %mul3A_30 : i32
    "tpu.region"() ({
      %run_scoped3A = tpu.sem_alloc : memref<!tpu.dma_semaphore, #tpu.memory_space<semaphore_mem>>
      %dma_start3A_80 = arith.constant 0 : i32
      %dma_start3A_81 = tpu.memref_slice %arg4[%mul3A_31, %dma_start3A_80] : memref<2560x128xi32, #tpu.memory_space<hbm>> -> memref<80x128xi32, #tpu.memory_space<hbm>>
      %dma_start3A_82 = arith.constant 0 : i32
      %dma_start3A_83 = tpu.memref_slice %arg4[%mul3A_31, %dma_start3A_82] : memref<2560x128xi32, #tpu.memory_space<hbm>> -> memref<80x128xi32, #tpu.memory_space<hbm>>
      tpu.enqueue_dma source(%dma_start3A_83 : memref<80x128xi32, #tpu.memory_space<hbm>>) target(%arg8 : memref<80x128xi32, #tpu.memory_space<vmem>>) target_semaphore(%run_scoped3A : memref<!tpu.dma_semaphore, #tpu.memory_space<semaphore_mem>>)
      %dma_wait3A = arith.constant 0 : i32
      %dma_wait3A_84 = tpu.memref_slice %arg4[%mul3A_31, %dma_wait3A] : memref<2560x128xi32, #tpu.memory_space<hbm>> -> memref<80x128xi32, #tpu.memory_space<hbm>>
      %dma_wait3A_85 = arith.constant 0 : i32
      %dma_wait3A_86 = tpu.memref_slice %arg4[%mul3A_31, %dma_wait3A_85] : memref<2560x128xi32, #tpu.memory_space<hbm>> -> memref<80x128xi32, #tpu.memory_space<hbm>>
      tpu.wait_dma2 semaphore(%run_scoped3A : memref<!tpu.dma_semaphore, #tpu.memory_space<semaphore_mem>>) src(%dma_wait3A_86 : memref<80x128xi32, #tpu.memory_space<hbm>>) dst(%arg8 : memref<80x128xi32, #tpu.memory_space<vmem>>)
      tpu.yield
    }) : () -> ()
    %scan3A_32 = arith.constant 0 : i32
    %scan3A_33 = arith.constant 80 : i32
    %scan3A_34 = arith.addi %scan3A_32, %scan3A_33 : i32
    %scan3A_35 = arith.constant 1 : i32
    scf.for %scan3A_80 = %scan3A_32 to %scan3A_34 step %scan3A_35  : i32 {
      %mul3A_81 = arith.constant 1 : i32
      %mul3A_82 = arith.muli %scan3A_80, %mul3A_81 : i32
      %add3A_83 = arith.constant 0 : i32
      %add3A_84 = arith.addi %add3A_83, %mul3A_82 : i32
      %scan3A_85 = arith.constant 0 : i32
      %scan3A_86 = arith.constant 8 : i32
      %scan3A_87 = arith.addi %scan3A_85, %scan3A_86 : i32
      %scan3A_88 = arith.constant 1 : i32
      scf.for %scan3A_90 = %scan3A_85 to %scan3A_87 step %scan3A_88  : i32 {
        %mul3A_91 = arith.constant 16 : i32
        %mul3A_92 = arith.muli %scan3A_90, %mul3A_91 : i32
        %add3A_93 = arith.constant 0 : i32
        %add3A_94 = arith.addi %add3A_93, %mul3A_92 : i32
        %get3A = arith.index_cast %add3A_84 : i32 to index
        %get3A_95 = arith.index_cast %add3A_94 : i32 to index
        %get3A_96 = tpu.vector_load %arg7[%get3A, %get3A_95] {strides = array<i32>} : memref<80x128xi32, #tpu.memory_space<vmem>>, vector<1x16xi32>,
        %get3A_97 = vector.shape_cast %get3A_96 : vector<1x16xi32> to vector<16xi32>
        %mul3A_98 = arith.constant 2 : i32
        %mul3A_99 = vector.broadcast %mul3A_98 : i32 to vector<16xi32>
        %mul3A_100 = arith.muli %get3A_97, %mul3A_99 : vector<16xi32>
        %add3A_101 = arith.constant 0 : i32
        %add3A_102 = vector.broadcast %add3A_101 : i32 to vector<16xi32>
        %add3A_103 = arith.addi %mul3A_100, %add3A_102 : vector<16xi32>
        %swap3A = arith.index_cast %add3A_84 : i32 to index
        %swap3A_104 = arith.index_cast %add3A_94 : i32 to index
        %swap3A_105 = tpu.vector_load %arg7[%swap3A, %swap3A_104] {strides = array<i32>} : memref<80x128xi32, #tpu.memory_space<vmem>>, vector<1x16xi32>,
        %swap3A_106 = vector.shape_cast %swap3A_105 : vector<1x16xi32> to vector<16xi32>
        %swap3A_107 = vector.shape_cast %add3A_103 : vector<16xi32> to vector<1x16xi32>
        tpu.vector_store %arg7[%swap3A, %swap3A_104], %swap3A_107 {strides = array<i32>} : memref<80x128xi32, #tpu.memory_space<vmem>>, vector<1x16xi32>,
      }
      %scan3A_89 = arith.constant 8 : i32
    }
    %scan3A_36 = arith.constant 80 : i32
    %dma_start3A = arith.constant 0 : i32
    %dma_start3A_37 = arith.constant 0 : i32
    %dma_start3A_38 = tpu.memref_slice %arg7[%dma_start3A, %dma_start3A_37] : memref<80x128xi32, #tpu.memory_space<vmem>> -> memref<1x128xi32, #tpu.memory_space<vmem>>
    %dma_start3A_39 = tpu.memref_squeeze %dma_start3A_38 : memref<1x128xi32, #tpu.memory_space<vmem>> -> memref<128xi32, #tpu.memory_space<vmem>>
    %dma_start3A_40 = arith.constant 0 : i32
    %dma_start3A_41 = arith.constant 0 : i32
    %dma_start3A_42 = tpu.memref_slice %arg2[%dma_start3A_40, %dma_start3A_41] : memref<20000x64xf32, #tpu.memory_space<hbm>> -> memref<20000x64xf32, #tpu.memory_space<hbm>>
    tpu.enqueue_indirect_dma source(%dma_start3A_42 : memref<20000x64xf32, #tpu.memory_space<hbm>>) target(%arg10 : memref<128x64xf32, #tpu.memory_space<vmem>>) offsets(%dma_start3A_39 : memref<128xi32, #tpu.memory_space<vmem>>) semaphore(%arg15 : memref<!tpu.dma_semaphore, #tpu.memory_space<semaphore_mem>>)
    %dma_start3A_43 = arith.constant 1 : i32
    %dma_start3A_44 = arith.constant 0 : i32
    %dma_start3A_45 = tpu.memref_slice %arg7[%dma_start3A_43, %dma_start3A_44] : memref<80x128xi32, #tpu.memory_space<vmem>> -> memref<1x128xi32, #tpu.memory_space<vmem>>
    %dma_start3A_46 = tpu.memref_squeeze %dma_start3A_45 : memref<1x128xi32, #tpu.memory_space<vmem>> -> memref<128xi32, #tpu.memory_space<vmem>>
    %dma_start3A_47 = arith.constant 0 : i32
    %dma_start3A_48 = arith.constant 0 : i32
    %dma_start3A_49 = tpu.memref_slice %arg2[%dma_start3A_47, %dma_start3A_48] : memref<20000x64xf32, #tpu.memory_space<hbm>> -> memref<20000x64xf32, #tpu.memory_space<hbm>>
    tpu.enqueue_indirect_dma source(%dma_start3A_49 : memref<20000x64xf32, #tpu.memory_space<hbm>>) target(%arg11 : memref<128x64xf32, #tpu.memory_space<vmem>>) offsets(%dma_start3A_46 : memref<128xi32, #tpu.memory_space<vmem>>) semaphore(%arg16 : memref<!tpu.dma_semaphore, #tpu.memory_space<semaphore_mem>>)
    %dma_start3A_50 = arith.constant 2 : i32
    %dma_start3A_51 = arith.constant 0 : i32
    %dma_start3A_52 = tpu.memref_slice %arg7[%dma_start3A_50, %dma_start3A_51] : memref<80x128xi32, #tpu.memory_space<vmem>> -> memref<1x128xi32, #tpu.memory_space<vmem>>
    %dma_start3A_53 = tpu.memref_squeeze %dma_start3A_52 : memref<1x128xi32, #tpu.memory_space<vmem>> -> memref<128xi32, #tpu.memory_space<vmem>>
    %dma_start3A_54 = arith.constant 0 : i32
    %dma_start3A_55 = arith.constant 0 : i32
    %dma_start3A_56 = tpu.memref_slice %arg2[%dma_start3A_54, %dma_start3A_55] : memref<20000x64xf32, #tpu.memory_space<hbm>> -> memref<20000x64xf32, #tpu.memory_space<hbm>>
    tpu.enqueue_indirect_dma source(%dma_start3A_56 : memref<20000x64xf32, #tpu.memory_space<hbm>>) target(%arg12 : memref<128x64xf32, #tpu.memory_space<vmem>>) offsets(%dma_start3A_53 : memref<128xi32, #tpu.memory_space<vmem>>) semaphore(%arg17 : memref<!tpu.dma_semaphore, #tpu.memory_space<semaphore_mem>>)
    %dma_start3A_57 = arith.constant 3 : i32
    %dma_start3A_58 = arith.constant 0 : i32
    %dma_start3A_59 = tpu.memref_slice %arg7[%dma_start3A_57, %dma_start3A_58] : memref<80x128xi32, #tpu.memory_space<vmem>> -> memref<1x128xi32, #tpu.memory_space<vmem>>
    %dma_start3A_60 = tpu.memref_squeeze %dma_start3A_59 : memref<1x128xi32, #tpu.memory_space<vmem>> -> memref<128xi32, #tpu.memory_space<vmem>>
    %dma_start3A_61 = arith.constant 0 : i32
    %dma_start3A_62 = arith.constant 0 : i32
    %dma_start3A_63 = tpu.memref_slice %arg2[%dma_start3A_61, %dma_start3A_62] : memref<20000x64xf32, #tpu.memory_space<hbm>> -> memref<20000x64xf32, #tpu.memory_space<hbm>>
    tpu.enqueue_indirect_dma source(%dma_start3A_63 : memref<20000x64xf32, #tpu.memory_space<hbm>>) target(%arg13 : memref<128x64xf32, #tpu.memory_space<vmem>>) offsets(%dma_start3A_60 : memref<128xi32, #tpu.memory_space<vmem>>) semaphore(%arg18 : memref<!tpu.dma_semaphore, #tpu.memory_space<semaphore_mem>>)
    %barrier3A = arith.constant 0 : index
    tpu.barrier barrier_id(%barrier3A)
    %scan3A_64 = arith.constant 0 : i32
    %scan3A_65 = arith.constant 20 : i32
    %scan3A_66 = arith.addi %scan3A_64, %scan3A_65 : i32
    %scan3A_67 = arith.constant 1 : i32
    scf.for %scan3A_80 = %scan3A_64 to %scan3A_66 step %scan3A_67  : i32 {
      %mul3A_81 = arith.constant 1 : i32
      %mul3A_82 = arith.muli %scan3A_80, %mul3A_81 : i32
      %add3A_83 = arith.constant 0 : i32
      %add3A_84 = arith.addi %add3A_83, %mul3A_82 : i32
      %mul3A_85 = arith.constant 4 : i32
      %mul3A_86 = arith.muli %mul3A_85, %add3A_84 : i32
      %add3A_87 = arith.constant 0 : i32
      %add3A_88 = arith.addi %mul3A_86, %add3A_87 : i32
      %dma_wait3A = arith.constant 0 : i32
      %dma_wait3A_89 = tpu.memref_slice %arg7[%add3A_88, %dma_wait3A] : memref<80x128xi32, #tpu.memory_space<vmem>> -> memref<1x128xi32, #tpu.memory_space<vmem>>
      %dma_wait3A_90 = tpu.memref_squeeze %dma_wait3A_89 : memref<1x128xi32, #tpu.memory_space<vmem>> -> memref<128xi32, #tpu.memory_space<vmem>>
      %dma_wait3A_91 = arith.constant 0 : i32
      %dma_wait3A_92 = arith.constant 0 : i32
      %dma_wait3A_93 = tpu.memref_slice %arg2[%dma_wait3A_91, %dma_wait3A_92] : memref<20000x64xf32, #tpu.memory_space<hbm>> -> memref<20000x64xf32, #tpu.memory_space<hbm>>
      tpu.wait_indirect_dma semaphore(%arg15 : memref<!tpu.dma_semaphore, #tpu.memory_space<semaphore_mem>>) src(%dma_wait3A_93 : memref<20000x64xf32, #tpu.memory_space<hbm>>) dst(%arg10 : memref<128x64xf32, #tpu.memory_space<vmem>>)
      "tpu.region"() ({
        %run_scoped3A = tpu.sem_alloc : memref<!tpu.dma_semaphore, #tpu.memory_space<semaphore_mem>>
        %dma_start3A_149 = arith.constant 0 : i32
        %dma_start3A_150 = tpu.memref_slice %arg8[%add3A_88, %dma_start3A_149] : memref<80x128xi32, #tpu.memory_space<vmem>> -> memref<1x128xi32, #tpu.memory_space<vmem>>
        %dma_start3A_151 = tpu.memref_squeeze %dma_start3A_150 : memref<1x128xi32, #tpu.memory_space<vmem>> -> memref<128xi32, #tpu.memory_space<vmem>>
        %dma_start3A_152 = arith.constant 0 : i32
        %dma_start3A_153 = arith.constant 0 : i32
        %dma_start3A_154 = tpu.memref_slice %arg14[%dma_start3A_152, %dma_start3A_153] : memref<10240x64xf32, #tpu.memory_space<vmem_shared>> -> memref<10240x64xf32, #tpu.memory_space<vmem_shared>>
        tpu.enqueue_indirect_dma source(%arg10 : memref<128x64xf32, #tpu.memory_space<vmem>>) target(%dma_start3A_154 : memref<10240x64xf32, #tpu.memory_space<vmem_shared>>) offsets(%dma_start3A_151 : memref<128xi32, #tpu.memory_space<vmem>>) semaphore(%run_scoped3A : memref<!tpu.dma_semaphore, #tpu.memory_space<semaphore_mem>>) {add = true}
        %dma_wait3A_155 = arith.constant 0 : i32
        %dma_wait3A_156 = tpu.memref_slice %arg8[%add3A_88, %dma_wait3A_155] : memref<80x128xi32, #tpu.memory_space<vmem>> -> memref<1x128xi32, #tpu.memory_space<vmem>>
        %dma_wait3A_157 = tpu.memref_squeeze %dma_wait3A_156 : memref<1x128xi32, #tpu.memory_space<vmem>> -> memref<128xi32, #tpu.memory_space<vmem>>
        %dma_wait3A_158 = arith.constant 0 : i32
        %dma_wait3A_159 = arith.constant 0 : i32
        %dma_wait3A_160 = tpu.memref_slice %arg14[%dma_wait3A_158, %dma_wait3A_159] : memref<10240x64xf32, #tpu.memory_space<vmem_shared>> -> memref<10240x64xf32, #tpu.memory_space<vmem_shared>>
        tpu.wait_indirect_dma semaphore(%run_scoped3A : memref<!tpu.dma_semaphore, #tpu.memory_space<semaphore_mem>>) src(%arg10 : memref<128x64xf32, #tpu.memory_space<vmem>>) dst(%dma_wait3A_160 : memref<10240x64xf32, #tpu.memory_space<vmem_shared>>)
        tpu.yield
      }) : () -> ()
      "tpu.region"() ({
        %run_scoped3A = tpu.sem_alloc : memref<!tpu.dma_semaphore, #tpu.memory_space<semaphore_mem>>
        %dma_start3A_149 = arith.constant 0 : i32
        %dma_start3A_150 = tpu.memref_slice %arg8[%add3A_88, %dma_start3A_149] : memref<80x128xi32, #tpu.memory_space<vmem>> -> memref<1x128xi32, #tpu.memory_space<vmem>>
        %dma_start3A_151 = tpu.memref_squeeze %dma_start3A_150 : memref<1x128xi32, #tpu.memory_space<vmem>> -> memref<128xi32, #tpu.memory_space<vmem>>
        %dma_start3A_152 = arith.constant 0 : i32
        %dma_start3A_153 = arith.constant 0 : i32
        %dma_start3A_154 = tpu.memref_slice %arg21[%dma_start3A_152, %dma_start3A_153] : memref<10240x16xf32, #tpu.memory_space<vmem_shared>> -> memref<10240x16xf32, #tpu.memory_space<vmem_shared>>
        tpu.enqueue_indirect_dma source(%arg20 : memref<128x16xf32, #tpu.memory_space<vmem>>) target(%dma_start3A_154 : memref<10240x16xf32, #tpu.memory_space<vmem_shared>>) offsets(%dma_start3A_151 : memref<128xi32, #tpu.memory_space<vmem>>) semaphore(%run_scoped3A : memref<!tpu.dma_semaphore, #tpu.memory_space<semaphore_mem>>) {add = true}
        %dma_wait3A_155 = arith.constant 0 : i32
        %dma_wait3A_156 = tpu.memref_slice %arg8[%add3A_88, %dma_wait3A_155] : memref<80x128xi32, #tpu.memory_space<vmem>> -> memref<1x128xi32, #tpu.memory_space<vmem>>
        %dma_wait3A_157 = tpu.memref_squeeze %dma_wait3A_156 : memref<1x128xi32, #tpu.memory_space<vmem>> -> memref<128xi32, #tpu.memory_space<vmem>>
        %dma_wait3A_158 = arith.constant 0 : i32
        %dma_wait3A_159 = arith.constant 0 : i32
        %dma_wait3A_160 = tpu.memref_slice %arg21[%dma_wait3A_158, %dma_wait3A_159] : memref<10240x16xf32, #tpu.memory_space<vmem_shared>> -> memref<10240x16xf32, #tpu.memory_space<vmem_shared>>
        tpu.wait_indirect_dma semaphore(%run_scoped3A : memref<!tpu.dma_semaphore, #tpu.memory_space<semaphore_mem>>) src(%arg20 : memref<128x16xf32, #tpu.memory_space<vmem>>) dst(%dma_wait3A_160 : memref<10240x16xf32, #tpu.memory_space<vmem_shared>>)
        tpu.yield
      }) : () -> ()
      %add3A_94 = arith.constant 4 : i32
      %add3A_95 = arith.addi %add3A_88, %add3A_94 : i32
      %lt3A = arith.constant 80 : i32
      %lt3A_96 = arith.cmpi slt, %add3A_95, %lt3A : i32
      %convert_element_type3A = arith.extui %lt3A_96 : i1 to i32
      %cond3A = arith.constant 0 : i32
      %cond3A_97 = arith.cmpi ne, %convert_element_type3A, %cond3A : i32
      scf.if %cond3A_97 {
        %add3A_149 = arith.constant 4 : i32
        %add3A_150 = arith.addi %add3A_88, %add3A_149 : i32
        %dma_start3A_151 = arith.constant 0 : i32
        %dma_start3A_152 = tpu.memref_slice %arg7[%add3A_150, %dma_start3A_151] : memref<80x128xi32, #tpu.memory_space<vmem>> -> memref<1x128xi32, #tpu.memory_space<vmem>>
        %dma_start3A_153 = tpu.memref_squeeze %dma_start3A_152 : memref<1x128xi32, #tpu.memory_space<vmem>> -> memref<128xi32, #tpu.memory_space<vmem>>
        %dma_start3A_154 = arith.constant 0 : i32
        %dma_start3A_155 = arith.constant 0 : i32
        %dma_start3A_156 = tpu.memref_slice %arg2[%dma_start3A_154, %dma_start3A_155] : memref<20000x64xf32, #tpu.memory_space<hbm>> -> memref<20000x64xf32, #tpu.memory_space<hbm>>
        tpu.enqueue_indirect_dma source(%dma_start3A_156 : memref<20000x64xf32, #tpu.memory_space<hbm>>) target(%arg10 : memref<128x64xf32, #tpu.memory_space<vmem>>) offsets(%dma_start3A_153 : memref<128xi32, #tpu.memory_space<vmem>>) semaphore(%arg15 : memref<!tpu.dma_semaphore, #tpu.memory_space<semaphore_mem>>)
      } else {
      }
      %mul3A_98 = arith.constant 4 : i32
      %mul3A_99 = arith.muli %mul3A_98, %add3A_84 : i32
      %add3A_100 = arith.constant 1 : i32
      %add3A_101 = arith.addi %mul3A_99, %add3A_100 : i32
      %dma_wait3A_102 = arith.constant 0 : i32
      %dma_wait3A_103 = tpu.memref_slice %arg7[%add3A_101, %dma_wait3A_102] : memref<80x128xi32, #tpu.memory_space<vmem>> -> memref<1x128xi32, #tpu.memory_space<vmem>>
      %dma_wait3A_104 = tpu.memref_squeeze %dma_wait3A_103 : memref<1x128xi32, #tpu.memory_space<vmem>> -> memref<128xi32, #tpu.memory_space<vmem>>
      %dma_wait3A_105 = arith.constant 0 : i32
      %dma_wait3A_106 = arith.constant 0 : i32
      %dma_wait3A_107 = tpu.memref_slice %arg2[%dma_wait3A_105, %dma_wait3A_106] : memref<20000x64xf32, #tpu.memory_space<hbm>> -> memref<20000x64xf32, #tpu.memory_space<hbm>>
      tpu.wait_indirect_dma semaphore(%arg16 : memref<!tpu.dma_semaphore, #tpu.memory_space<semaphore_mem>>) src(%dma_wait3A_107 : memref<20000x64xf32, #tpu.memory_space<hbm>>) dst(%arg11 : memref<128x64xf32, #tpu.memory_space<vmem>>)
      "tpu.region"() ({
        %run_scoped3A = tpu.sem_alloc : memref<!tpu.dma_semaphore, #tpu.memory_space<semaphore_mem>>
        %dma_start3A_149 = arith.constant 0 : i32
        %dma_start3A_150 = tpu.memref_slice %arg8[%add3A_101, %dma_start3A_149] : memref<80x128xi32, #tpu.memory_space<vmem>> -> memref<1x128xi32, #tpu.memory_space<vmem>>
        %dma_start3A_151 = tpu.memref_squeeze %dma_start3A_150 : memref<1x128xi32, #tpu.memory_space<vmem>> -> memref<128xi32, #tpu.memory_space<vmem>>
        %dma_start3A_152 = arith.constant 0 : i32
        %dma_start3A_153 = arith.constant 0 : i32
        %dma_start3A_154 = tpu.memref_slice %arg14[%dma_start3A_152, %dma_start3A_153] : memref<10240x64xf32, #tpu.memory_space<vmem_shared>> -> memref<10240x64xf32, #tpu.memory_space<vmem_shared>>
        tpu.enqueue_indirect_dma source(%arg11 : memref<128x64xf32, #tpu.memory_space<vmem>>) target(%dma_start3A_154 : memref<10240x64xf32, #tpu.memory_space<vmem_shared>>) offsets(%dma_start3A_151 : memref<128xi32, #tpu.memory_space<vmem>>) semaphore(%run_scoped3A : memref<!tpu.dma_semaphore, #tpu.memory_space<semaphore_mem>>) {add = true}
        %dma_wait3A_155 = arith.constant 0 : i32
        %dma_wait3A_156 = tpu.memref_slice %arg8[%add3A_101, %dma_wait3A_155] : memref<80x128xi32, #tpu.memory_space<vmem>> -> memref<1x128xi32, #tpu.memory_space<vmem>>
        %dma_wait3A_157 = tpu.memref_squeeze %dma_wait3A_156 : memref<1x128xi32, #tpu.memory_space<vmem>> -> memref<128xi32, #tpu.memory_space<vmem>>
        %dma_wait3A_158 = arith.constant 0 : i32
        %dma_wait3A_159 = arith.constant 0 : i32
        %dma_wait3A_160 = tpu.memref_slice %arg14[%dma_wait3A_158, %dma_wait3A_159] : memref<10240x64xf32, #tpu.memory_space<vmem_shared>> -> memref<10240x64xf32, #tpu.memory_space<vmem_shared>>
        tpu.wait_indirect_dma semaphore(%run_scoped3A : memref<!tpu.dma_semaphore, #tpu.memory_space<semaphore_mem>>) src(%arg11 : memref<128x64xf32, #tpu.memory_space<vmem>>) dst(%dma_wait3A_160 : memref<10240x64xf32, #tpu.memory_space<vmem_shared>>)
        tpu.yield
      }) : () -> ()
      "tpu.region"() ({
        %run_scoped3A = tpu.sem_alloc : memref<!tpu.dma_semaphore, #tpu.memory_space<semaphore_mem>>
        %dma_start3A_149 = arith.constant 0 : i32
        %dma_start3A_150 = tpu.memref_slice %arg8[%add3A_101, %dma_start3A_149] : memref<80x128xi32, #tpu.memory_space<vmem>> -> memref<1x128xi32, #tpu.memory_space<vmem>>
        %dma_start3A_151 = tpu.memref_squeeze %dma_start3A_150 : memref<1x128xi32, #tpu.memory_space<vmem>> -> memref<128xi32, #tpu.memory_space<vmem>>
        %dma_start3A_152 = arith.constant 0 : i32
        %dma_start3A_153 = arith.constant 0 : i32
        %dma_start3A_154 = tpu.memref_slice %arg21[%dma_start3A_152, %dma_start3A_153] : memref<10240x16xf32, #tpu.memory_space<vmem_shared>> -> memref<10240x16xf32, #tpu.memory_space<vmem_shared>>
        tpu.enqueue_indirect_dma source(%arg20 : memref<128x16xf32, #tpu.memory_space<vmem>>) target(%dma_start3A_154 : memref<10240x16xf32, #tpu.memory_space<vmem_shared>>) offsets(%dma_start3A_151 : memref<128xi32, #tpu.memory_space<vmem>>) semaphore(%run_scoped3A : memref<!tpu.dma_semaphore, #tpu.memory_space<semaphore_mem>>) {add = true}
        %dma_wait3A_155 = arith.constant 0 : i32
        %dma_wait3A_156 = tpu.memref_slice %arg8[%add3A_101, %dma_wait3A_155] : memref<80x128xi32, #tpu.memory_space<vmem>> -> memref<1x128xi32, #tpu.memory_space<vmem>>
        %dma_wait3A_157 = tpu.memref_squeeze %dma_wait3A_156 : memref<1x128xi32, #tpu.memory_space<vmem>> -> memref<128xi32, #tpu.memory_space<vmem>>
        %dma_wait3A_158 = arith.constant 0 : i32
        %dma_wait3A_159 = arith.constant 0 : i32
        %dma_wait3A_160 = tpu.memref_slice %arg21[%dma_wait3A_158, %dma_wait3A_159] : memref<10240x16xf32, #tpu.memory_space<vmem_shared>> -> memref<10240x16xf32, #tpu.memory_space<vmem_shared>>
        tpu.wait_indirect_dma semaphore(%run_scoped3A : memref<!tpu.dma_semaphore, #tpu.memory_space<semaphore_mem>>) src(%arg20 : memref<128x16xf32, #tpu.memory_space<vmem>>) dst(%dma_wait3A_160 : memref<10240x16xf32, #tpu.memory_space<vmem_shared>>)
        tpu.yield
      }) : () -> ()
      %add3A_108 = arith.constant 4 : i32
      %add3A_109 = arith.addi %add3A_101, %add3A_108 : i32
      %lt3A_110 = arith.constant 80 : i32
      %lt3A_111 = arith.cmpi slt, %add3A_109, %lt3A_110 : i32
      %convert_element_type3A_112 = arith.extui %lt3A_111 : i1 to i32
      %cond3A_113 = arith.constant 0 : i32
      %cond3A_114 = arith.cmpi ne, %convert_element_type3A_112, %cond3A_113 : i32
      scf.if %cond3A_114 {
        %add3A_149 = arith.constant 4 : i32
        %add3A_150 = arith.addi %add3A_101, %add3A_149 : i32
        %dma_start3A_151 = arith.constant 0 : i32
        %dma_start3A_152 = tpu.memref_slice %arg7[%add3A_150, %dma_start3A_151] : memref<80x128xi32, #tpu.memory_space<vmem>> -> memref<1x128xi32, #tpu.memory_space<vmem>>
        %dma_start3A_153 = tpu.memref_squeeze %dma_start3A_152 : memref<1x128xi32, #tpu.memory_space<vmem>> -> memref<128xi32, #tpu.memory_space<vmem>>
        %dma_start3A_154 = arith.constant 0 : i32
        %dma_start3A_155 = arith.constant 0 : i32
        %dma_start3A_156 = tpu.memref_slice %arg2[%dma_start3A_154, %dma_start3A_155] : memref<20000x64xf32, #tpu.memory_space<hbm>> -> memref<20000x64xf32, #tpu.memory_space<hbm>>
        tpu.enqueue_indirect_dma source(%dma_start3A_156 : memref<20000x64xf32, #tpu.memory_space<hbm>>) target(%arg11 : memref<128x64xf32, #tpu.memory_space<vmem>>) offsets(%dma_start3A_153 : memref<128xi32, #tpu.memory_space<vmem>>) semaphore(%arg16 : memref<!tpu.dma_semaphore, #tpu.memory_space<semaphore_mem>>)
      } else {
      }
      %mul3A_115 = arith.constant 4 : i32
      %mul3A_116 = arith.muli %mul3A_115, %add3A_84 : i32
      %add3A_117 = arith.constant 2 : i32
      %add3A_118 = arith.addi %mul3A_116, %add3A_117 : i32
      %dma_wait3A_119 = arith.constant 0 : i32
      %dma_wait3A_120 = tpu.memref_slice %arg7[%add3A_118, %dma_wait3A_119] : memref<80x128xi32, #tpu.memory_space<vmem>> -> memref<1x128xi32, #tpu.memory_space<vmem>>
      %dma_wait3A_121 = tpu.memref_squeeze %dma_wait3A_120 : memref<1x128xi32, #tpu.memory_space<vmem>> -> memref<128xi32, #tpu.memory_space<vmem>>
      %dma_wait3A_122 = arith.constant 0 : i32
      %dma_wait3A_123 = arith.constant 0 : i32
      %dma_wait3A_124 = tpu.memref_slice %arg2[%dma_wait3A_122, %dma_wait3A_123] : memref<20000x64xf32, #tpu.memory_space<hbm>> -> memref<20000x64xf32, #tpu.memory_space<hbm>>
      tpu.wait_indirect_dma semaphore(%arg17 : memref<!tpu.dma_semaphore, #tpu.memory_space<semaphore_mem>>) src(%dma_wait3A_124 : memref<20000x64xf32, #tpu.memory_space<hbm>>) dst(%arg12 : memref<128x64xf32, #tpu.memory_space<vmem>>)
      "tpu.region"() ({
        %run_scoped3A = tpu.sem_alloc : memref<!tpu.dma_semaphore, #tpu.memory_space<semaphore_mem>>
        %dma_start3A_149 = arith.constant 0 : i32
        %dma_start3A_150 = tpu.memref_slice %arg8[%add3A_118, %dma_start3A_149] : memref<80x128xi32, #tpu.memory_space<vmem>> -> memref<1x128xi32, #tpu.memory_space<vmem>>
        %dma_start3A_151 = tpu.memref_squeeze %dma_start3A_150 : memref<1x128xi32, #tpu.memory_space<vmem>> -> memref<128xi32, #tpu.memory_space<vmem>>
        %dma_start3A_152 = arith.constant 0 : i32
        %dma_start3A_153 = arith.constant 0 : i32
        %dma_start3A_154 = tpu.memref_slice %arg14[%dma_start3A_152, %dma_start3A_153] : memref<10240x64xf32, #tpu.memory_space<vmem_shared>> -> memref<10240x64xf32, #tpu.memory_space<vmem_shared>>
        tpu.enqueue_indirect_dma source(%arg12 : memref<128x64xf32, #tpu.memory_space<vmem>>) target(%dma_start3A_154 : memref<10240x64xf32, #tpu.memory_space<vmem_shared>>) offsets(%dma_start3A_151 : memref<128xi32, #tpu.memory_space<vmem>>) semaphore(%run_scoped3A : memref<!tpu.dma_semaphore, #tpu.memory_space<semaphore_mem>>) {add = true}
        %dma_wait3A_155 = arith.constant 0 : i32
        %dma_wait3A_156 = tpu.memref_slice %arg8[%add3A_118, %dma_wait3A_155] : memref<80x128xi32, #tpu.memory_space<vmem>> -> memref<1x128xi32, #tpu.memory_space<vmem>>
        %dma_wait3A_157 = tpu.memref_squeeze %dma_wait3A_156 : memref<1x128xi32, #tpu.memory_space<vmem>> -> memref<128xi32, #tpu.memory_space<vmem>>
        %dma_wait3A_158 = arith.constant 0 : i32
        %dma_wait3A_159 = arith.constant 0 : i32
        %dma_wait3A_160 = tpu.memref_slice %arg14[%dma_wait3A_158, %dma_wait3A_159] : memref<10240x64xf32, #tpu.memory_space<vmem_shared>> -> memref<10240x64xf32, #tpu.memory_space<vmem_shared>>
        tpu.wait_indirect_dma semaphore(%run_scoped3A : memref<!tpu.dma_semaphore, #tpu.memory_space<semaphore_mem>>) src(%arg12 : memref<128x64xf32, #tpu.memory_space<vmem>>) dst(%dma_wait3A_160 : memref<10240x64xf32, #tpu.memory_space<vmem_shared>>)
        tpu.yield
      }) : () -> ()
      "tpu.region"() ({
        %run_scoped3A = tpu.sem_alloc : memref<!tpu.dma_semaphore, #tpu.memory_space<semaphore_mem>>
        %dma_start3A_149 = arith.constant 0 : i32
        %dma_start3A_150 = tpu.memref_slice %arg8[%add3A_118, %dma_start3A_149] : memref<80x128xi32, #tpu.memory_space<vmem>> -> memref<1x128xi32, #tpu.memory_space<vmem>>
        %dma_start3A_151 = tpu.memref_squeeze %dma_start3A_150 : memref<1x128xi32, #tpu.memory_space<vmem>> -> memref<128xi32, #tpu.memory_space<vmem>>
        %dma_start3A_152 = arith.constant 0 : i32
        %dma_start3A_153 = arith.constant 0 : i32
        %dma_start3A_154 = tpu.memref_slice %arg21[%dma_start3A_152, %dma_start3A_153] : memref<10240x16xf32, #tpu.memory_space<vmem_shared>> -> memref<10240x16xf32, #tpu.memory_space<vmem_shared>>
        tpu.enqueue_indirect_dma source(%arg20 : memref<128x16xf32, #tpu.memory_space<vmem>>) target(%dma_start3A_154 : memref<10240x16xf32, #tpu.memory_space<vmem_shared>>) offsets(%dma_start3A_151 : memref<128xi32, #tpu.memory_space<vmem>>) semaphore(%run_scoped3A : memref<!tpu.dma_semaphore, #tpu.memory_space<semaphore_mem>>) {add = true}
        %dma_wait3A_155 = arith.constant 0 : i32
        %dma_wait3A_156 = tpu.memref_slice %arg8[%add3A_118, %dma_wait3A_155] : memref<80x128xi32, #tpu.memory_space<vmem>> -> memref<1x128xi32, #tpu.memory_space<vmem>>
        %dma_wait3A_157 = tpu.memref_squeeze %dma_wait3A_156 : memref<1x128xi32, #tpu.memory_space<vmem>> -> memref<128xi32, #tpu.memory_space<vmem>>
        %dma_wait3A_158 = arith.constant 0 : i32
        %dma_wait3A_159 = arith.constant 0 : i32
        %dma_wait3A_160 = tpu.memref_slice %arg21[%dma_wait3A_158, %dma_wait3A_159] : memref<10240x16xf32, #tpu.memory_space<vmem_shared>> -> memref<10240x16xf32, #tpu.memory_space<vmem_shared>>
        tpu.wait_indirect_dma semaphore(%run_scoped3A : memref<!tpu.dma_semaphore, #tpu.memory_space<semaphore_mem>>) src(%arg20 : memref<128x16xf32, #tpu.memory_space<vmem>>) dst(%dma_wait3A_160 : memref<10240x16xf32, #tpu.memory_space<vmem_shared>>)
        tpu.yield
      }) : () -> ()
      %add3A_125 = arith.constant 4 : i32
      %add3A_126 = arith.addi %add3A_118, %add3A_125 : i32
      %lt3A_127 = arith.constant 80 : i32
      %lt3A_128 = arith.cmpi slt, %add3A_126, %lt3A_127 : i32
      %convert_element_type3A_129 = arith.extui %lt3A_128 : i1 to i32
      %cond3A_130 = arith.constant 0 : i32
      %cond3A_131 = arith.cmpi ne, %convert_element_type3A_129, %cond3A_130 : i32
      scf.if %cond3A_131 {
        %add3A_149 = arith.constant 4 : i32
        %add3A_150 = arith.addi %add3A_118, %add3A_149 : i32
        %dma_start3A_151 = arith.constant 0 : i32
        %dma_start3A_152 = tpu.memref_slice %arg7[%add3A_150, %dma_start3A_151] : memref<80x128xi32, #tpu.memory_space<vmem>> -> memref<1x128xi32, #tpu.memory_space<vmem>>
        %dma_start3A_153 = tpu.memref_squeeze %dma_start3A_152 : memref<1x128xi32, #tpu.memory_space<vmem>> -> memref<128xi32, #tpu.memory_space<vmem>>
        %dma_start3A_154 = arith.constant 0 : i32
        %dma_start3A_155 = arith.constant 0 : i32
        %dma_start3A_156 = tpu.memref_slice %arg2[%dma_start3A_154, %dma_start3A_155] : memref<20000x64xf32, #tpu.memory_space<hbm>> -> memref<20000x64xf32, #tpu.memory_space<hbm>>
        tpu.enqueue_indirect_dma source(%dma_start3A_156 : memref<20000x64xf32, #tpu.memory_space<hbm>>) target(%arg12 : memref<128x64xf32, #tpu.memory_space<vmem>>) offsets(%dma_start3A_153 : memref<128xi32, #tpu.memory_space<vmem>>) semaphore(%arg17 : memref<!tpu.dma_semaphore, #tpu.memory_space<semaphore_mem>>)
      } else {
      }
      %mul3A_132 = arith.constant 4 : i32
      %mul3A_133 = arith.muli %mul3A_132, %add3A_84 : i32
      %add3A_134 = arith.constant 3 : i32
      %add3A_135 = arith.addi %mul3A_133, %add3A_134 : i32
      %dma_wait3A_136 = arith.constant 0 : i32
      %dma_wait3A_137 = tpu.memref_slice %arg7[%add3A_135, %dma_wait3A_136] : memref<80x128xi32, #tpu.memory_space<vmem>> -> memref<1x128xi32, #tpu.memory_space<vmem>>
      %dma_wait3A_138 = tpu.memref_squeeze %dma_wait3A_137 : memref<1x128xi32, #tpu.memory_space<vmem>> -> memref<128xi32, #tpu.memory_space<vmem>>
      %dma_wait3A_139 = arith.constant 0 : i32
      %dma_wait3A_140 = arith.constant 0 : i32
      %dma_wait3A_141 = tpu.memref_slice %arg2[%dma_wait3A_139, %dma_wait3A_140] : memref<20000x64xf32, #tpu.memory_space<hbm>> -> memref<20000x64xf32, #tpu.memory_space<hbm>>
      tpu.wait_indirect_dma semaphore(%arg18 : memref<!tpu.dma_semaphore, #tpu.memory_space<semaphore_mem>>) src(%dma_wait3A_141 : memref<20000x64xf32, #tpu.memory_space<hbm>>) dst(%arg13 : memref<128x64xf32, #tpu.memory_space<vmem>>)
      "tpu.region"() ({
        %run_scoped3A = tpu.sem_alloc : memref<!tpu.dma_semaphore, #tpu.memory_space<semaphore_mem>>
        %dma_start3A_149 = arith.constant 0 : i32
        %dma_start3A_150 = tpu.memref_slice %arg8[%add3A_135, %dma_start3A_149] : memref<80x128xi32, #tpu.memory_space<vmem>> -> memref<1x128xi32, #tpu.memory_space<vmem>>
        %dma_start3A_151 = tpu.memref_squeeze %dma_start3A_150 : memref<1x128xi32, #tpu.memory_space<vmem>> -> memref<128xi32, #tpu.memory_space<vmem>>
        %dma_start3A_152 = arith.constant 0 : i32
        %dma_start3A_153 = arith.constant 0 : i32
        %dma_start3A_154 = tpu.memref_slice %arg14[%dma_start3A_152, %dma_start3A_153] : memref<10240x64xf32, #tpu.memory_space<vmem_shared>> -> memref<10240x64xf32, #tpu.memory_space<vmem_shared>>
        tpu.enqueue_indirect_dma source(%arg13 : memref<128x64xf32, #tpu.memory_space<vmem>>) target(%dma_start3A_154 : memref<10240x64xf32, #tpu.memory_space<vmem_shared>>) offsets(%dma_start3A_151 : memref<128xi32, #tpu.memory_space<vmem>>) semaphore(%run_scoped3A : memref<!tpu.dma_semaphore, #tpu.memory_space<semaphore_mem>>) {add = true}
        %dma_wait3A_155 = arith.constant 0 : i32
        %dma_wait3A_156 = tpu.memref_slice %arg8[%add3A_135, %dma_wait3A_155] : memref<80x128xi32, #tpu.memory_space<vmem>> -> memref<1x128xi32, #tpu.memory_space<vmem>>
        %dma_wait3A_157 = tpu.memref_squeeze %dma_wait3A_156 : memref<1x128xi32, #tpu.memory_space<vmem>> -> memref<128xi32, #tpu.memory_space<vmem>>
        %dma_wait3A_158 = arith.constant 0 : i32
        %dma_wait3A_159 = arith.constant 0 : i32
        %dma_wait3A_160 = tpu.memref_slice %arg14[%dma_wait3A_158, %dma_wait3A_159] : memref<10240x64xf32, #tpu.memory_space<vmem_shared>> -> memref<10240x64xf32, #tpu.memory_space<vmem_shared>>
        tpu.wait_indirect_dma semaphore(%run_scoped3A : memref<!tpu.dma_semaphore, #tpu.memory_space<semaphore_mem>>) src(%arg13 : memref<128x64xf32, #tpu.memory_space<vmem>>) dst(%dma_wait3A_160 : memref<10240x64xf32, #tpu.memory_space<vmem_shared>>)
        tpu.yield
      }) : () -> ()
      "tpu.region"() ({
        %run_scoped3A = tpu.sem_alloc : memref<!tpu.dma_semaphore, #tpu.memory_space<semaphore_mem>>
        %dma_start3A_149 = arith.constant 0 : i32
        %dma_start3A_150 = tpu.memref_slice %arg8[%add3A_135, %dma_start3A_149] : memref<80x128xi32, #tpu.memory_space<vmem>> -> memref<1x128xi32, #tpu.memory_space<vmem>>
        %dma_start3A_151 = tpu.memref_squeeze %dma_start3A_150 : memref<1x128xi32, #tpu.memory_space<vmem>> -> memref<128xi32, #tpu.memory_space<vmem>>
        %dma_start3A_152 = arith.constant 0 : i32
        %dma_start3A_153 = arith.constant 0 : i32
        %dma_start3A_154 = tpu.memref_slice %arg21[%dma_start3A_152, %dma_start3A_153] : memref<10240x16xf32, #tpu.memory_space<vmem_shared>> -> memref<10240x16xf32, #tpu.memory_space<vmem_shared>>
        tpu.enqueue_indirect_dma source(%arg20 : memref<128x16xf32, #tpu.memory_space<vmem>>) target(%dma_start3A_154 : memref<10240x16xf32, #tpu.memory_space<vmem_shared>>) offsets(%dma_start3A_151 : memref<128xi32, #tpu.memory_space<vmem>>) semaphore(%run_scoped3A : memref<!tpu.dma_semaphore, #tpu.memory_space<semaphore_mem>>) {add = true}
        %dma_wait3A_155 = arith.constant 0 : i32
        %dma_wait3A_156 = tpu.memref_slice %arg8[%add3A_135, %dma_wait3A_155] : memref<80x128xi32, #tpu.memory_space<vmem>> -> memref<1x128xi32, #tpu.memory_space<vmem>>
        %dma_wait3A_157 = tpu.memref_squeeze %dma_wait3A_156 : memref<1x128xi32, #tpu.memory_space<vmem>> -> memref<128xi32, #tpu.memory_space<vmem>>
        %dma_wait3A_158 = arith.constant 0 : i32
        %dma_wait3A_159 = arith.constant 0 : i32
        %dma_wait3A_160 = tpu.memref_slice %arg21[%dma_wait3A_158, %dma_wait3A_159] : memref<10240x16xf32, #tpu.memory_space<vmem_shared>> -> memref<10240x16xf32, #tpu.memory_space<vmem_shared>>
        tpu.wait_indirect_dma semaphore(%run_scoped3A : memref<!tpu.dma_semaphore, #tpu.memory_space<semaphore_mem>>) src(%arg20 : memref<128x16xf32, #tpu.memory_space<vmem>>) dst(%dma_wait3A_160 : memref<10240x16xf32, #tpu.memory_space<vmem_shared>>)
        tpu.yield
      }) : () -> ()
      %add3A_142 = arith.constant 4 : i32
      %add3A_143 = arith.addi %add3A_135, %add3A_142 : i32
      %lt3A_144 = arith.constant 80 : i32
      %lt3A_145 = arith.cmpi slt, %add3A_143, %lt3A_144 : i32
      %convert_element_type3A_146 = arith.extui %lt3A_145 : i1 to i32
      %cond3A_147 = arith.constant 0 : i32
      %cond3A_148 = arith.cmpi ne, %convert_element_type3A_146, %cond3A_147 : i32
      scf.if %cond3A_148 {
        %add3A_149 = arith.constant 4 : i32
        %add3A_150 = arith.addi %add3A_135, %add3A_149 : i32
        %dma_start3A_151 = arith.constant 0 : i32
        %dma_start3A_152 = tpu.memref_slice %arg7[%add3A_150, %dma_start3A_151] : memref<80x128xi32, #tpu.memory_space<vmem>> -> memref<1x128xi32, #tpu.memory_space<vmem>>
        %dma_start3A_153 = tpu.memref_squeeze %dma_start3A_152 : memref<1x128xi32, #tpu.memory_space<vmem>> -> memref<128xi32, #tpu.memory_space<vmem>>
        %dma_start3A_154 = arith.constant 0 : i32
        %dma_start3A_155 = arith.constant 0 : i32
        %dma_start3A_156 = tpu.memref_slice %arg2[%dma_start3A_154, %dma_start3A_155] : memref<20000x64xf32, #tpu.memory_space<hbm>> -> memref<20000x64xf32, #tpu.memory_space<hbm>>
        tpu.enqueue_indirect_dma source(%dma_start3A_156 : memref<20000x64xf32, #tpu.memory_space<hbm>>) target(%arg13 : memref<128x64xf32, #tpu.memory_space<vmem>>) offsets(%dma_start3A_153 : memref<128xi32, #tpu.memory_space<vmem>>) semaphore(%arg18 : memref<!tpu.dma_semaphore, #tpu.memory_space<semaphore_mem>>)
      } else {
      }
    }
    %scan3A_68 = arith.constant 20 : i32
    %barrier3A_69 = arith.constant 0 : index
    tpu.barrier barrier_id(%barrier3A_69)
    %mul3A_70 = arith.constant 625 : i32
    %mul3A_71 = arith.muli %arg1, %mul3A_70 : i32
    %mul3A_72 = arith.constant 625 : i32
    %mul3A_73 = arith.muli %arg1, %mul3A_72 : i32
    %mul3A_74 = arith.constant 64 : i32
    %mul3A_75 = arith.muli %arg0, %mul3A_74 : i32
    "tpu.region"() ({
      %run_scoped3A = tpu.sem_alloc : memref<!tpu.dma_semaphore, #tpu.memory_space<semaphore_mem>>
      %dma_start3A_80 = tpu.memref_slice %arg5[%mul3A_73, %mul3A_75] : memref<10000x128xf32, #tpu.memory_space<hbm>> -> memref<625x64xf32, #tpu.memory_space<hbm>>
      %dma_start3A_81 = arith.constant 0 : i32
      %dma_start3A_82 = tpu.memref_slice %arg14[%mul3A_71, %dma_start3A_81] : memref<10240x64xf32, #tpu.memory_space<vmem_shared>> -> memref<625x64xf32, #tpu.memory_space<vmem_shared>>
      tpu.enqueue_dma source(%dma_start3A_82 : memref<625x64xf32, #tpu.memory_space<vmem_shared>>) target(%dma_start3A_80 : memref<625x64xf32, #tpu.memory_space<hbm>>) target_semaphore(%run_scoped3A : memref<!tpu.dma_semaphore, #tpu.memory_space<semaphore_mem>>)
      %dma_wait3A = tpu.memref_slice %arg5[%mul3A_73, %mul3A_75] : memref<10000x128xf32, #tpu.memory_space<hbm>> -> memref<625x64xf32, #tpu.memory_space<hbm>>
      %dma_wait3A_83 = arith.constant 0 : i32
      %dma_wait3A_84 = tpu.memref_slice %arg14[%mul3A_71, %dma_wait3A_83] : memref<10240x64xf32, #tpu.memory_space<vmem_shared>> -> memref<625x64xf32, #tpu.memory_space<vmem_shared>>
      tpu.wait_dma2 semaphore(%run_scoped3A : memref<!tpu.dma_semaphore, #tpu.memory_space<semaphore_mem>>) src(%dma_wait3A_84 : memref<625x64xf32, #tpu.memory_space<vmem_shared>>) dst(%dma_wait3A : memref<625x64xf32, #tpu.memory_space<hbm>>)
      tpu.yield
    }) : () -> ()
    %mul3A_76 = arith.constant 625 : i32
    %mul3A_77 = arith.muli %arg1, %mul3A_76 : i32
    %mul3A_78 = arith.constant 625 : i32
    %mul3A_79 = arith.muli %arg1, %mul3A_78 : i32
    "tpu.region"() ({
      %run_scoped3A = tpu.sem_alloc : memref<!tpu.dma_semaphore, #tpu.memory_space<semaphore_mem>>
      %dma_start3A_80 = arith.constant 0 : i32
      %dma_start3A_81 = tpu.memref_slice %arg6[%arg0, %mul3A_79, %dma_start3A_80] : memref<2x10000x16xf32, #tpu.memory_space<hbm>> -> memref<1x625x16xf32, #tpu.memory_space<hbm>>
      %dma_start3A_82 = tpu.memref_squeeze %dma_start3A_81 : memref<1x625x16xf32, #tpu.memory_space<hbm>> -> memref<625x16xf32, #tpu.memory_space<hbm>>
      %dma_start3A_83 = arith.constant 0 : i32
      %dma_start3A_84 = tpu.memref_slice %arg21[%mul3A_77, %dma_start3A_83] : memref<10240x16xf32, #tpu.memory_space<vmem_shared>> -> memref<625x16xf32, #tpu.memory_space<vmem_shared>>
      tpu.enqueue_dma source(%dma_start3A_84 : memref<625x16xf32, #tpu.memory_space<vmem_shared>>) target(%dma_start3A_82 : memref<625x16xf32, #tpu.memory_space<hbm>>) target_semaphore(%run_scoped3A : memref<!tpu.dma_semaphore, #tpu.memory_space<semaphore_mem>>)
      %dma_wait3A = arith.constant 0 : i32
      %dma_wait3A_85 = tpu.memref_slice %arg6[%arg0, %mul3A_79, %dma_wait3A] : memref<2x10000x16xf32, #tpu.memory_space<hbm>> -> memref<1x625x16xf32, #tpu.memory_space<hbm>>
      %dma_wait3A_86 = tpu.memref_squeeze %dma_wait3A_85 : memref<1x625x16xf32, #tpu.memory_space<hbm>> -> memref<625x16xf32, #tpu.memory_space<hbm>>
      %dma_wait3A_87 = arith.constant 0 : i32
      %dma_wait3A_88 = tpu.memref_slice %arg21[%mul3A_77, %dma_wait3A_87] : memref<10240x16xf32, #tpu.memory_space<vmem_shared>> -> memref<625x16xf32, #tpu.memory_space<vmem_shared>>
      tpu.wait_dma2 semaphore(%run_scoped3A : memref<!tpu.dma_semaphore, #tpu.memory_space<semaphore_mem>>) src(%dma_wait3A_88 : memref<625x16xf32, #tpu.memory_space<vmem_shared>>) dst(%dma_wait3A_86 : memref<625x16xf32, #tpu.memory_space<hbm>>)
      tpu.yield
    }) : () -> ()
    return
  }
}

#map = affine_map<(d0, d1) -> (0, 0)>
module attributes {stable_mosaic.version = 14 : i64} {
  func.func @body(%arg0: i32, %arg1: i32, %arg2: memref<20000x64xf32, #tpu.memory_space<hbm>>, %arg3: memref<2560x128xi32, #tpu.memory_space<hbm>>, %arg4: memref<2560x128xi32, #tpu.memory_space<hbm>>, %arg5: memref<10000x128xf32, #tpu.memory_space<hbm>>, %arg6: memref<80x128xi32, #tpu.memory_space<vmem>>, %arg7: memref<80x128xi32, #tpu.memory_space<vmem>>, %arg8: memref<128x64xf32, #tpu.memory_space<vmem>>, %arg9: memref<128x64xf32, #tpu.memory_space<vmem>>, %arg10: memref<128x64xf32, #tpu.memory_space<vmem>>, %arg11: memref<128x64xf32, #tpu.memory_space<vmem>>, %arg12: memref<128x64xf32, #tpu.memory_space<vmem>>, %arg13: memref<10240x64xf32, #tpu.memory_space<vmem_shared>>, %arg14: memref<!tpu.dma_semaphore, #tpu.memory_space<semaphore_mem>>, %arg15: memref<!tpu.dma_semaphore, #tpu.memory_space<semaphore_mem>>, %arg16: memref<!tpu.dma_semaphore, #tpu.memory_space<semaphore_mem>>, %arg17: memref<!tpu.dma_semaphore, #tpu.memory_space<semaphore_mem>>) attributes {dimension_semantics = [#tpu.dimension_semantics<core_parallel>, #tpu.dimension_semantics<subcore_parallel>], iteration_bounds = array<i64: 2, 16>, scalar_prefetch = 0 : i64, scratch_operands = 12 : i64, tpu.core_type = #tpu.core_type<sc_vector_subcore>, window_params = [{transform_indices = #map}, {transform_indices = #map}, {transform_indices = #map}, {transform_indices = #map}]} {
    %mul3A = arith.constant 16 : i32
    %mul3A_0 = arith.muli %arg0, %mul3A : i32
    %add3A = arith.addi %mul3A_0, %arg1 : i32
    %broadcast_in_dim3A = arith.constant 0.000000e+00 : f32
    %broadcast_in_dim3A_1 = vector.broadcast %broadcast_in_dim3A : f32 to vector<16xf32>
    %scan3A = arith.constant 0 : i32
    %scan3A_2 = arith.constant 128 : i32
    %scan3A_3 = arith.addi %scan3A, %scan3A_2 : i32
    %scan3A_4 = arith.constant 1 : i32
    scf.for %scan3A_59 = %scan3A to %scan3A_3 step %scan3A_4  : i32 {
      %mul3A_60 = arith.constant 1 : i32
      %mul3A_61 = arith.muli %scan3A_59, %mul3A_60 : i32
      %add3A_62 = arith.constant 0 : i32
      %add3A_63 = arith.addi %add3A_62, %mul3A_61 : i32
      %scan3A_64 = arith.constant 0 : i32
      %scan3A_65 = arith.constant 4 : i32
      %scan3A_66 = arith.addi %scan3A_64, %scan3A_65 : i32
      %scan3A_67 = arith.constant 1 : i32
      scf.for %scan3A_69 = %scan3A_64 to %scan3A_66 step %scan3A_67  : i32 {
        %mul3A_70 = arith.constant 16 : i32
        %mul3A_71 = arith.muli %scan3A_69, %mul3A_70 : i32
        %add3A_72 = arith.constant 0 : i32
        %add3A_73 = arith.addi %add3A_72, %mul3A_71 : i32
        %swap3A = arith.index_cast %add3A_63 : i32 to index
        %swap3A_74 = arith.index_cast %add3A_73 : i32 to index
        %swap3A_75 = tpu.vector_load %arg8[%swap3A, %swap3A_74] {strides = array<i32>} : memref<128x64xf32, #tpu.memory_space<vmem>>, vector<1x16xf32>,
        %swap3A_76 = vector.shape_cast %swap3A_75 : vector<1x16xf32> to vector<16xf32>
        %swap3A_77 = vector.shape_cast %broadcast_in_dim3A_1 : vector<16xf32> to vector<1x16xf32>
        tpu.vector_store %arg8[%swap3A, %swap3A_74], %swap3A_77 {strides = array<i32>} : memref<128x64xf32, #tpu.memory_space<vmem>>, vector<1x16xf32>,
      }
      %scan3A_68 = arith.constant 4 : i32
    }
    %scan3A_5 = arith.constant 128 : i32
    %scan3A_6 = arith.constant 0 : i32
    %scan3A_7 = arith.constant 5 : i32
    %scan3A_8 = arith.addi %scan3A_6, %scan3A_7 : i32
    %scan3A_9 = arith.constant 1 : i32
    scf.for %scan3A_59 = %scan3A_6 to %scan3A_8 step %scan3A_9  : i32 {
      %mul3A_60 = arith.constant 128 : i32
      %mul3A_61 = arith.muli %scan3A_59, %mul3A_60 : i32
      %add3A_62 = arith.constant 0 : i32
      %add3A_63 = arith.addi %add3A_62, %mul3A_61 : i32
      %mul3A_64 = arith.constant 640 : i32
      %mul3A_65 = arith.muli %arg1, %mul3A_64 : i32
      %add3A_66 = arith.addi %mul3A_65, %add3A_63 : i32
      "tpu.region"() ({
        %run_scoped3A = tpu.sem_alloc : memref<!tpu.dma_semaphore, #tpu.memory_space<semaphore_mem>>
        %dma_start3A_67 = arith.constant 0 : i32
        %dma_start3A_68 = tpu.memref_slice %arg13[%add3A_66, %dma_start3A_67] : memref<10240x64xf32, #tpu.memory_space<vmem_shared>> -> memref<128x64xf32, #tpu.memory_space<vmem_shared>>
        %dma_start3A_69 = arith.constant 0 : i32
        %dma_start3A_70 = tpu.memref_slice %arg13[%add3A_66, %dma_start3A_69] : memref<10240x64xf32, #tpu.memory_space<vmem_shared>> -> memref<128x64xf32, #tpu.memory_space<vmem_shared>>
        tpu.enqueue_dma source(%arg8 : memref<128x64xf32, #tpu.memory_space<vmem>>) target(%dma_start3A_70 : memref<128x64xf32, #tpu.memory_space<vmem_shared>>) target_semaphore(%run_scoped3A : memref<!tpu.dma_semaphore, #tpu.memory_space<semaphore_mem>>)
        %dma_wait3A = arith.constant 0 : i32
        %dma_wait3A_71 = tpu.memref_slice %arg13[%add3A_66, %dma_wait3A] : memref<10240x64xf32, #tpu.memory_space<vmem_shared>> -> memref<128x64xf32, #tpu.memory_space<vmem_shared>>
        %dma_wait3A_72 = arith.constant 0 : i32
        %dma_wait3A_73 = tpu.memref_slice %arg13[%add3A_66, %dma_wait3A_72] : memref<10240x64xf32, #tpu.memory_space<vmem_shared>> -> memref<128x64xf32, #tpu.memory_space<vmem_shared>>
        tpu.wait_dma2 semaphore(%run_scoped3A : memref<!tpu.dma_semaphore, #tpu.memory_space<semaphore_mem>>) src(%arg8 : memref<128x64xf32, #tpu.memory_space<vmem>>) dst(%dma_wait3A_73 : memref<128x64xf32, #tpu.memory_space<vmem_shared>>)
        tpu.yield
      }) : () -> ()
    }
    %scan3A_10 = arith.constant 5 : i32
    %mul3A_11 = arith.constant 80 : i32
    %mul3A_12 = arith.muli %add3A, %mul3A_11 : i32
    "tpu.region"() ({
      %run_scoped3A = tpu.sem_alloc : memref<!tpu.dma_semaphore, #tpu.memory_space<semaphore_mem>>
      %dma_start3A_59 = arith.constant 0 : i32
      %dma_start3A_60 = tpu.memref_slice %arg3[%mul3A_12, %dma_start3A_59] : memref<2560x128xi32, #tpu.memory_space<hbm>> -> memref<80x128xi32, #tpu.memory_space<hbm>>
      %dma_start3A_61 = arith.constant 0 : i32
      %dma_start3A_62 = tpu.memref_slice %arg3[%mul3A_12, %dma_start3A_61] : memref<2560x128xi32, #tpu.memory_space<hbm>> -> memref<80x128xi32, #tpu.memory_space<hbm>>
      tpu.enqueue_dma source(%dma_start3A_62 : memref<80x128xi32, #tpu.memory_space<hbm>>) target(%arg6 : memref<80x128xi32, #tpu.memory_space<vmem>>) target_semaphore(%run_scoped3A : memref<!tpu.dma_semaphore, #tpu.memory_space<semaphore_mem>>)
      %dma_wait3A = arith.constant 0 : i32
      %dma_wait3A_63 = tpu.memref_slice %arg3[%mul3A_12, %dma_wait3A] : memref<2560x128xi32, #tpu.memory_space<hbm>> -> memref<80x128xi32, #tpu.memory_space<hbm>>
      %dma_wait3A_64 = arith.constant 0 : i32
      %dma_wait3A_65 = tpu.memref_slice %arg3[%mul3A_12, %dma_wait3A_64] : memref<2560x128xi32, #tpu.memory_space<hbm>> -> memref<80x128xi32, #tpu.memory_space<hbm>>
      tpu.wait_dma2 semaphore(%run_scoped3A : memref<!tpu.dma_semaphore, #tpu.memory_space<semaphore_mem>>) src(%dma_wait3A_65 : memref<80x128xi32, #tpu.memory_space<hbm>>) dst(%arg6 : memref<80x128xi32, #tpu.memory_space<vmem>>)
      tpu.yield
    }) : () -> ()
    %mul3A_13 = arith.constant 80 : i32
    %mul3A_14 = arith.muli %add3A, %mul3A_13 : i32
    "tpu.region"() ({
      %run_scoped3A = tpu.sem_alloc : memref<!tpu.dma_semaphore, #tpu.memory_space<semaphore_mem>>
      %dma_start3A_59 = arith.constant 0 : i32
      %dma_start3A_60 = tpu.memref_slice %arg4[%mul3A_14, %dma_start3A_59] : memref<2560x128xi32, #tpu.memory_space<hbm>> -> memref<80x128xi32, #tpu.memory_space<hbm>>
      %dma_start3A_61 = arith.constant 0 : i32
      %dma_start3A_62 = tpu.memref_slice %arg4[%mul3A_14, %dma_start3A_61] : memref<2560x128xi32, #tpu.memory_space<hbm>> -> memref<80x128xi32, #tpu.memory_space<hbm>>
      tpu.enqueue_dma source(%dma_start3A_62 : memref<80x128xi32, #tpu.memory_space<hbm>>) target(%arg7 : memref<80x128xi32, #tpu.memory_space<vmem>>) target_semaphore(%run_scoped3A : memref<!tpu.dma_semaphore, #tpu.memory_space<semaphore_mem>>)
      %dma_wait3A = arith.constant 0 : i32
      %dma_wait3A_63 = tpu.memref_slice %arg4[%mul3A_14, %dma_wait3A] : memref<2560x128xi32, #tpu.memory_space<hbm>> -> memref<80x128xi32, #tpu.memory_space<hbm>>
      %dma_wait3A_64 = arith.constant 0 : i32
      %dma_wait3A_65 = tpu.memref_slice %arg4[%mul3A_14, %dma_wait3A_64] : memref<2560x128xi32, #tpu.memory_space<hbm>> -> memref<80x128xi32, #tpu.memory_space<hbm>>
      tpu.wait_dma2 semaphore(%run_scoped3A : memref<!tpu.dma_semaphore, #tpu.memory_space<semaphore_mem>>) src(%dma_wait3A_65 : memref<80x128xi32, #tpu.memory_space<hbm>>) dst(%arg7 : memref<80x128xi32, #tpu.memory_space<vmem>>)
      tpu.yield
    }) : () -> ()
    %scan3A_15 = arith.constant 0 : i32
    %scan3A_16 = arith.constant 80 : i32
    %scan3A_17 = arith.addi %scan3A_15, %scan3A_16 : i32
    %scan3A_18 = arith.constant 1 : i32
    scf.for %scan3A_59 = %scan3A_15 to %scan3A_17 step %scan3A_18  : i32 {
      %mul3A_60 = arith.constant 1 : i32
      %mul3A_61 = arith.muli %scan3A_59, %mul3A_60 : i32
      %add3A_62 = arith.constant 0 : i32
      %add3A_63 = arith.addi %add3A_62, %mul3A_61 : i32
      %scan3A_64 = arith.constant 0 : i32
      %scan3A_65 = arith.constant 8 : i32
      %scan3A_66 = arith.addi %scan3A_64, %scan3A_65 : i32
      %scan3A_67 = arith.constant 1 : i32
      scf.for %scan3A_69 = %scan3A_64 to %scan3A_66 step %scan3A_67  : i32 {
        %mul3A_70 = arith.constant 16 : i32
        %mul3A_71 = arith.muli %scan3A_69, %mul3A_70 : i32
        %add3A_72 = arith.constant 0 : i32
        %add3A_73 = arith.addi %add3A_72, %mul3A_71 : i32
        %get3A = arith.index_cast %add3A_63 : i32 to index
        %get3A_74 = arith.index_cast %add3A_73 : i32 to index
        %get3A_75 = tpu.vector_load %arg6[%get3A, %get3A_74] {strides = array<i32>} : memref<80x128xi32, #tpu.memory_space<vmem>>, vector<1x16xi32>,
        %get3A_76 = vector.shape_cast %get3A_75 : vector<1x16xi32> to vector<16xi32>
        %mul3A_77 = arith.constant 2 : i32
        %mul3A_78 = vector.broadcast %mul3A_77 : i32 to vector<16xi32>
        %mul3A_79 = arith.muli %get3A_76, %mul3A_78 : vector<16xi32>
        %add3A_80 = arith.constant 1 : i32
        %add3A_81 = vector.broadcast %add3A_80 : i32 to vector<16xi32>
        %add3A_82 = arith.addi %mul3A_79, %add3A_81 : vector<16xi32>
        %swap3A = arith.index_cast %add3A_63 : i32 to index
        %swap3A_83 = arith.index_cast %add3A_73 : i32 to index
        %swap3A_84 = tpu.vector_load %arg6[%swap3A, %swap3A_83] {strides = array<i32>} : memref<80x128xi32, #tpu.memory_space<vmem>>, vector<1x16xi32>,
        %swap3A_85 = vector.shape_cast %swap3A_84 : vector<1x16xi32> to vector<16xi32>
        %swap3A_86 = vector.shape_cast %add3A_82 : vector<16xi32> to vector<1x16xi32>
        tpu.vector_store %arg6[%swap3A, %swap3A_83], %swap3A_86 {strides = array<i32>} : memref<80x128xi32, #tpu.memory_space<vmem>>, vector<1x16xi32>,
      }
      %scan3A_68 = arith.constant 8 : i32
    }
    %scan3A_19 = arith.constant 80 : i32
    %dma_start3A = arith.constant 0 : i32
    %dma_start3A_20 = arith.constant 0 : i32
    %dma_start3A_21 = tpu.memref_slice %arg6[%dma_start3A, %dma_start3A_20] : memref<80x128xi32, #tpu.memory_space<vmem>> -> memref<1x128xi32, #tpu.memory_space<vmem>>
    %dma_start3A_22 = tpu.memref_squeeze %dma_start3A_21 : memref<1x128xi32, #tpu.memory_space<vmem>> -> memref<128xi32, #tpu.memory_space<vmem>>
    %dma_start3A_23 = arith.constant 0 : i32
    %dma_start3A_24 = arith.constant 0 : i32
    %dma_start3A_25 = tpu.memref_slice %arg2[%dma_start3A_23, %dma_start3A_24] : memref<20000x64xf32, #tpu.memory_space<hbm>> -> memref<20000x64xf32, #tpu.memory_space<hbm>>
    tpu.enqueue_indirect_dma source(%dma_start3A_25 : memref<20000x64xf32, #tpu.memory_space<hbm>>) target(%arg9 : memref<128x64xf32, #tpu.memory_space<vmem>>) offsets(%dma_start3A_22 : memref<128xi32, #tpu.memory_space<vmem>>) semaphore(%arg14 : memref<!tpu.dma_semaphore, #tpu.memory_space<semaphore_mem>>)
    %dma_start3A_26 = arith.constant 1 : i32
    %dma_start3A_27 = arith.constant 0 : i32
    %dma_start3A_28 = tpu.memref_slice %arg6[%dma_start3A_26, %dma_start3A_27] : memref<80x128xi32, #tpu.memory_space<vmem>> -> memref<1x128xi32, #tpu.memory_space<vmem>>
    %dma_start3A_29 = tpu.memref_squeeze %dma_start3A_28 : memref<1x128xi32, #tpu.memory_space<vmem>> -> memref<128xi32, #tpu.memory_space<vmem>>
    %dma_start3A_30 = arith.constant 0 : i32
    %dma_start3A_31 = arith.constant 0 : i32
    %dma_start3A_32 = tpu.memref_slice %arg2[%dma_start3A_30, %dma_start3A_31] : memref<20000x64xf32, #tpu.memory_space<hbm>> -> memref<20000x64xf32, #tpu.memory_space<hbm>>
    tpu.enqueue_indirect_dma source(%dma_start3A_32 : memref<20000x64xf32, #tpu.memory_space<hbm>>) target(%arg10 : memref<128x64xf32, #tpu.memory_space<vmem>>) offsets(%dma_start3A_29 : memref<128xi32, #tpu.memory_space<vmem>>) semaphore(%arg15 : memref<!tpu.dma_semaphore, #tpu.memory_space<semaphore_mem>>)
    %dma_start3A_33 = arith.constant 2 : i32
    %dma_start3A_34 = arith.constant 0 : i32
    %dma_start3A_35 = tpu.memref_slice %arg6[%dma_start3A_33, %dma_start3A_34] : memref<80x128xi32, #tpu.memory_space<vmem>> -> memref<1x128xi32, #tpu.memory_space<vmem>>
    %dma_start3A_36 = tpu.memref_squeeze %dma_start3A_35 : memref<1x128xi32, #tpu.memory_space<vmem>> -> memref<128xi32, #tpu.memory_space<vmem>>
    %dma_start3A_37 = arith.constant 0 : i32
    %dma_start3A_38 = arith.constant 0 : i32
    %dma_start3A_39 = tpu.memref_slice %arg2[%dma_start3A_37, %dma_start3A_38] : memref<20000x64xf32, #tpu.memory_space<hbm>> -> memref<20000x64xf32, #tpu.memory_space<hbm>>
    tpu.enqueue_indirect_dma source(%dma_start3A_39 : memref<20000x64xf32, #tpu.memory_space<hbm>>) target(%arg11 : memref<128x64xf32, #tpu.memory_space<vmem>>) offsets(%dma_start3A_36 : memref<128xi32, #tpu.memory_space<vmem>>) semaphore(%arg16 : memref<!tpu.dma_semaphore, #tpu.memory_space<semaphore_mem>>)
    %dma_start3A_40 = arith.constant 3 : i32
    %dma_start3A_41 = arith.constant 0 : i32
    %dma_start3A_42 = tpu.memref_slice %arg6[%dma_start3A_40, %dma_start3A_41] : memref<80x128xi32, #tpu.memory_space<vmem>> -> memref<1x128xi32, #tpu.memory_space<vmem>>
    %dma_start3A_43 = tpu.memref_squeeze %dma_start3A_42 : memref<1x128xi32, #tpu.memory_space<vmem>> -> memref<128xi32, #tpu.memory_space<vmem>>
    %dma_start3A_44 = arith.constant 0 : i32
    %dma_start3A_45 = arith.constant 0 : i32
    %dma_start3A_46 = tpu.memref_slice %arg2[%dma_start3A_44, %dma_start3A_45] : memref<20000x64xf32, #tpu.memory_space<hbm>> -> memref<20000x64xf32, #tpu.memory_space<hbm>>
    tpu.enqueue_indirect_dma source(%dma_start3A_46 : memref<20000x64xf32, #tpu.memory_space<hbm>>) target(%arg12 : memref<128x64xf32, #tpu.memory_space<vmem>>) offsets(%dma_start3A_43 : memref<128xi32, #tpu.memory_space<vmem>>) semaphore(%arg17 : memref<!tpu.dma_semaphore, #tpu.memory_space<semaphore_mem>>)
    %barrier3A = arith.constant 0 : index
    tpu.barrier barrier_id(%barrier3A)
    %scan3A_47 = arith.constant 0 : i32
    %scan3A_48 = arith.constant 20 : i32
    %scan3A_49 = arith.addi %scan3A_47, %scan3A_48 : i32
    %scan3A_50 = arith.constant 1 : i32
    scf.for %scan3A_59 = %scan3A_47 to %scan3A_49 step %scan3A_50  : i32 {
      %mul3A_60 = arith.constant 1 : i32
      %mul3A_61 = arith.muli %scan3A_59, %mul3A_60 : i32
      %add3A_62 = arith.constant 0 : i32
      %add3A_63 = arith.addi %add3A_62, %mul3A_61 : i32
      %mul3A_64 = arith.constant 4 : i32
      %mul3A_65 = arith.muli %mul3A_64, %add3A_63 : i32
      %add3A_66 = arith.constant 0 : i32
      %add3A_67 = arith.addi %mul3A_65, %add3A_66 : i32
      %dma_wait3A = arith.constant 0 : i32
      %dma_wait3A_68 = tpu.memref_slice %arg6[%add3A_67, %dma_wait3A] : memref<80x128xi32, #tpu.memory_space<vmem>> -> memref<1x128xi32, #tpu.memory_space<vmem>>
      %dma_wait3A_69 = tpu.memref_squeeze %dma_wait3A_68 : memref<1x128xi32, #tpu.memory_space<vmem>> -> memref<128xi32, #tpu.memory_space<vmem>>
      %dma_wait3A_70 = arith.constant 0 : i32
      %dma_wait3A_71 = arith.constant 0 : i32
      %dma_wait3A_72 = tpu.memref_slice %arg2[%dma_wait3A_70, %dma_wait3A_71] : memref<20000x64xf32, #tpu.memory_space<hbm>> -> memref<20000x64xf32, #tpu.memory_space<hbm>>
      tpu.wait_indirect_dma semaphore(%arg14 : memref<!tpu.dma_semaphore, #tpu.memory_space<semaphore_mem>>) src(%dma_wait3A_72 : memref<20000x64xf32, #tpu.memory_space<hbm>>) dst(%arg9 : memref<128x64xf32, #tpu.memory_space<vmem>>)
      "tpu.region"() ({
        %run_scoped3A = tpu.sem_alloc : memref<!tpu.dma_semaphore, #tpu.memory_space<semaphore_mem>>
        %dma_start3A_128 = arith.constant 0 : i32
        %dma_start3A_129 = tpu.memref_slice %arg7[%add3A_67, %dma_start3A_128] : memref<80x128xi32, #tpu.memory_space<vmem>> -> memref<1x128xi32, #tpu.memory_space<vmem>>
        %dma_start3A_130 = tpu.memref_squeeze %dma_start3A_129 : memref<1x128xi32, #tpu.memory_space<vmem>> -> memref<128xi32, #tpu.memory_space<vmem>>
        %dma_start3A_131 = arith.constant 0 : i32
        %dma_start3A_132 = arith.constant 0 : i32
        %dma_start3A_133 = tpu.memref_slice %arg13[%dma_start3A_131, %dma_start3A_132] : memref<10240x64xf32, #tpu.memory_space<vmem_shared>> -> memref<10240x64xf32, #tpu.memory_space<vmem_shared>>
        tpu.enqueue_indirect_dma source(%arg9 : memref<128x64xf32, #tpu.memory_space<vmem>>) target(%dma_start3A_133 : memref<10240x64xf32, #tpu.memory_space<vmem_shared>>) offsets(%dma_start3A_130 : memref<128xi32, #tpu.memory_space<vmem>>) semaphore(%run_scoped3A : memref<!tpu.dma_semaphore, #tpu.memory_space<semaphore_mem>>) {add = true}
        %dma_wait3A_134 = arith.constant 0 : i32
        %dma_wait3A_135 = tpu.memref_slice %arg7[%add3A_67, %dma_wait3A_134] : memref<80x128xi32, #tpu.memory_space<vmem>> -> memref<1x128xi32, #tpu.memory_space<vmem>>
        %dma_wait3A_136 = tpu.memref_squeeze %dma_wait3A_135 : memref<1x128xi32, #tpu.memory_space<vmem>> -> memref<128xi32, #tpu.memory_space<vmem>>
        %dma_wait3A_137 = arith.constant 0 : i32
        %dma_wait3A_138 = arith.constant 0 : i32
        %dma_wait3A_139 = tpu.memref_slice %arg13[%dma_wait3A_137, %dma_wait3A_138] : memref<10240x64xf32, #tpu.memory_space<vmem_shared>> -> memref<10240x64xf32, #tpu.memory_space<vmem_shared>>
        tpu.wait_indirect_dma semaphore(%run_scoped3A : memref<!tpu.dma_semaphore, #tpu.memory_space<semaphore_mem>>) src(%arg9 : memref<128x64xf32, #tpu.memory_space<vmem>>) dst(%dma_wait3A_139 : memref<10240x64xf32, #tpu.memory_space<vmem_shared>>)
        tpu.yield
      }) : () -> ()
      %add3A_73 = arith.constant 4 : i32
      %add3A_74 = arith.addi %add3A_67, %add3A_73 : i32
      %lt3A = arith.constant 80 : i32
      %lt3A_75 = arith.cmpi slt, %add3A_74, %lt3A : i32
      %convert_element_type3A = arith.extui %lt3A_75 : i1 to i32
      %cond3A = arith.constant 0 : i32
      %cond3A_76 = arith.cmpi ne, %convert_element_type3A, %cond3A : i32
      scf.if %cond3A_76 {
        %add3A_128 = arith.constant 4 : i32
        %add3A_129 = arith.addi %add3A_67, %add3A_128 : i32
        %dma_start3A_130 = arith.constant 0 : i32
        %dma_start3A_131 = tpu.memref_slice %arg6[%add3A_129, %dma_start3A_130] : memref<80x128xi32, #tpu.memory_space<vmem>> -> memref<1x128xi32, #tpu.memory_space<vmem>>
        %dma_start3A_132 = tpu.memref_squeeze %dma_start3A_131 : memref<1x128xi32, #tpu.memory_space<vmem>> -> memref<128xi32, #tpu.memory_space<vmem>>
        %dma_start3A_133 = arith.constant 0 : i32
        %dma_start3A_134 = arith.constant 0 : i32
        %dma_start3A_135 = tpu.memref_slice %arg2[%dma_start3A_133, %dma_start3A_134] : memref<20000x64xf32, #tpu.memory_space<hbm>> -> memref<20000x64xf32, #tpu.memory_space<hbm>>
        tpu.enqueue_indirect_dma source(%dma_start3A_135 : memref<20000x64xf32, #tpu.memory_space<hbm>>) target(%arg9 : memref<128x64xf32, #tpu.memory_space<vmem>>) offsets(%dma_start3A_132 : memref<128xi32, #tpu.memory_space<vmem>>) semaphore(%arg14 : memref<!tpu.dma_semaphore, #tpu.memory_space<semaphore_mem>>)
      } else {
      }
      %mul3A_77 = arith.constant 4 : i32
      %mul3A_78 = arith.muli %mul3A_77, %add3A_63 : i32
      %add3A_79 = arith.constant 1 : i32
      %add3A_80 = arith.addi %mul3A_78, %add3A_79 : i32
      %dma_wait3A_81 = arith.constant 0 : i32
      %dma_wait3A_82 = tpu.memref_slice %arg6[%add3A_80, %dma_wait3A_81] : memref<80x128xi32, #tpu.memory_space<vmem>> -> memref<1x128xi32, #tpu.memory_space<vmem>>
      %dma_wait3A_83 = tpu.memref_squeeze %dma_wait3A_82 : memref<1x128xi32, #tpu.memory_space<vmem>> -> memref<128xi32, #tpu.memory_space<vmem>>
      %dma_wait3A_84 = arith.constant 0 : i32
      %dma_wait3A_85 = arith.constant 0 : i32
      %dma_wait3A_86 = tpu.memref_slice %arg2[%dma_wait3A_84, %dma_wait3A_85] : memref<20000x64xf32, #tpu.memory_space<hbm>> -> memref<20000x64xf32, #tpu.memory_space<hbm>>
      tpu.wait_indirect_dma semaphore(%arg15 : memref<!tpu.dma_semaphore, #tpu.memory_space<semaphore_mem>>) src(%dma_wait3A_86 : memref<20000x64xf32, #tpu.memory_space<hbm>>) dst(%arg10 : memref<128x64xf32, #tpu.memory_space<vmem>>)
      "tpu.region"() ({
        %run_scoped3A = tpu.sem_alloc : memref<!tpu.dma_semaphore, #tpu.memory_space<semaphore_mem>>
        %dma_start3A_128 = arith.constant 0 : i32
        %dma_start3A_129 = tpu.memref_slice %arg7[%add3A_80, %dma_start3A_128] : memref<80x128xi32, #tpu.memory_space<vmem>> -> memref<1x128xi32, #tpu.memory_space<vmem>>
        %dma_start3A_130 = tpu.memref_squeeze %dma_start3A_129 : memref<1x128xi32, #tpu.memory_space<vmem>> -> memref<128xi32, #tpu.memory_space<vmem>>
        %dma_start3A_131 = arith.constant 0 : i32
        %dma_start3A_132 = arith.constant 0 : i32
        %dma_start3A_133 = tpu.memref_slice %arg13[%dma_start3A_131, %dma_start3A_132] : memref<10240x64xf32, #tpu.memory_space<vmem_shared>> -> memref<10240x64xf32, #tpu.memory_space<vmem_shared>>
        tpu.enqueue_indirect_dma source(%arg10 : memref<128x64xf32, #tpu.memory_space<vmem>>) target(%dma_start3A_133 : memref<10240x64xf32, #tpu.memory_space<vmem_shared>>) offsets(%dma_start3A_130 : memref<128xi32, #tpu.memory_space<vmem>>) semaphore(%run_scoped3A : memref<!tpu.dma_semaphore, #tpu.memory_space<semaphore_mem>>) {add = true}
        %dma_wait3A_134 = arith.constant 0 : i32
        %dma_wait3A_135 = tpu.memref_slice %arg7[%add3A_80, %dma_wait3A_134] : memref<80x128xi32, #tpu.memory_space<vmem>> -> memref<1x128xi32, #tpu.memory_space<vmem>>
        %dma_wait3A_136 = tpu.memref_squeeze %dma_wait3A_135 : memref<1x128xi32, #tpu.memory_space<vmem>> -> memref<128xi32, #tpu.memory_space<vmem>>
        %dma_wait3A_137 = arith.constant 0 : i32
        %dma_wait3A_138 = arith.constant 0 : i32
        %dma_wait3A_139 = tpu.memref_slice %arg13[%dma_wait3A_137, %dma_wait3A_138] : memref<10240x64xf32, #tpu.memory_space<vmem_shared>> -> memref<10240x64xf32, #tpu.memory_space<vmem_shared>>
        tpu.wait_indirect_dma semaphore(%run_scoped3A : memref<!tpu.dma_semaphore, #tpu.memory_space<semaphore_mem>>) src(%arg10 : memref<128x64xf32, #tpu.memory_space<vmem>>) dst(%dma_wait3A_139 : memref<10240x64xf32, #tpu.memory_space<vmem_shared>>)
        tpu.yield
      }) : () -> ()
      %add3A_87 = arith.constant 4 : i32
      %add3A_88 = arith.addi %add3A_80, %add3A_87 : i32
      %lt3A_89 = arith.constant 80 : i32
      %lt3A_90 = arith.cmpi slt, %add3A_88, %lt3A_89 : i32
      %convert_element_type3A_91 = arith.extui %lt3A_90 : i1 to i32
      %cond3A_92 = arith.constant 0 : i32
      %cond3A_93 = arith.cmpi ne, %convert_element_type3A_91, %cond3A_92 : i32
      scf.if %cond3A_93 {
        %add3A_128 = arith.constant 4 : i32
        %add3A_129 = arith.addi %add3A_80, %add3A_128 : i32
        %dma_start3A_130 = arith.constant 0 : i32
        %dma_start3A_131 = tpu.memref_slice %arg6[%add3A_129, %dma_start3A_130] : memref<80x128xi32, #tpu.memory_space<vmem>> -> memref<1x128xi32, #tpu.memory_space<vmem>>
        %dma_start3A_132 = tpu.memref_squeeze %dma_start3A_131 : memref<1x128xi32, #tpu.memory_space<vmem>> -> memref<128xi32, #tpu.memory_space<vmem>>
        %dma_start3A_133 = arith.constant 0 : i32
        %dma_start3A_134 = arith.constant 0 : i32
        %dma_start3A_135 = tpu.memref_slice %arg2[%dma_start3A_133, %dma_start3A_134] : memref<20000x64xf32, #tpu.memory_space<hbm>> -> memref<20000x64xf32, #tpu.memory_space<hbm>>
        tpu.enqueue_indirect_dma source(%dma_start3A_135 : memref<20000x64xf32, #tpu.memory_space<hbm>>) target(%arg10 : memref<128x64xf32, #tpu.memory_space<vmem>>) offsets(%dma_start3A_132 : memref<128xi32, #tpu.memory_space<vmem>>) semaphore(%arg15 : memref<!tpu.dma_semaphore, #tpu.memory_space<semaphore_mem>>)
      } else {
      }
      %mul3A_94 = arith.constant 4 : i32
      %mul3A_95 = arith.muli %mul3A_94, %add3A_63 : i32
      %add3A_96 = arith.constant 2 : i32
      %add3A_97 = arith.addi %mul3A_95, %add3A_96 : i32
      %dma_wait3A_98 = arith.constant 0 : i32
      %dma_wait3A_99 = tpu.memref_slice %arg6[%add3A_97, %dma_wait3A_98] : memref<80x128xi32, #tpu.memory_space<vmem>> -> memref<1x128xi32, #tpu.memory_space<vmem>>
      %dma_wait3A_100 = tpu.memref_squeeze %dma_wait3A_99 : memref<1x128xi32, #tpu.memory_space<vmem>> -> memref<128xi32, #tpu.memory_space<vmem>>
      %dma_wait3A_101 = arith.constant 0 : i32
      %dma_wait3A_102 = arith.constant 0 : i32
      %dma_wait3A_103 = tpu.memref_slice %arg2[%dma_wait3A_101, %dma_wait3A_102] : memref<20000x64xf32, #tpu.memory_space<hbm>> -> memref<20000x64xf32, #tpu.memory_space<hbm>>
      tpu.wait_indirect_dma semaphore(%arg16 : memref<!tpu.dma_semaphore, #tpu.memory_space<semaphore_mem>>) src(%dma_wait3A_103 : memref<20000x64xf32, #tpu.memory_space<hbm>>) dst(%arg11 : memref<128x64xf32, #tpu.memory_space<vmem>>)
      "tpu.region"() ({
        %run_scoped3A = tpu.sem_alloc : memref<!tpu.dma_semaphore, #tpu.memory_space<semaphore_mem>>
        %dma_start3A_128 = arith.constant 0 : i32
        %dma_start3A_129 = tpu.memref_slice %arg7[%add3A_97, %dma_start3A_128] : memref<80x128xi32, #tpu.memory_space<vmem>> -> memref<1x128xi32, #tpu.memory_space<vmem>>
        %dma_start3A_130 = tpu.memref_squeeze %dma_start3A_129 : memref<1x128xi32, #tpu.memory_space<vmem>> -> memref<128xi32, #tpu.memory_space<vmem>>
        %dma_start3A_131 = arith.constant 0 : i32
        %dma_start3A_132 = arith.constant 0 : i32
        %dma_start3A_133 = tpu.memref_slice %arg13[%dma_start3A_131, %dma_start3A_132] : memref<10240x64xf32, #tpu.memory_space<vmem_shared>> -> memref<10240x64xf32, #tpu.memory_space<vmem_shared>>
        tpu.enqueue_indirect_dma source(%arg11 : memref<128x64xf32, #tpu.memory_space<vmem>>) target(%dma_start3A_133 : memref<10240x64xf32, #tpu.memory_space<vmem_shared>>) offsets(%dma_start3A_130 : memref<128xi32, #tpu.memory_space<vmem>>) semaphore(%run_scoped3A : memref<!tpu.dma_semaphore, #tpu.memory_space<semaphore_mem>>) {add = true}
        %dma_wait3A_134 = arith.constant 0 : i32
        %dma_wait3A_135 = tpu.memref_slice %arg7[%add3A_97, %dma_wait3A_134] : memref<80x128xi32, #tpu.memory_space<vmem>> -> memref<1x128xi32, #tpu.memory_space<vmem>>
        %dma_wait3A_136 = tpu.memref_squeeze %dma_wait3A_135 : memref<1x128xi32, #tpu.memory_space<vmem>> -> memref<128xi32, #tpu.memory_space<vmem>>
        %dma_wait3A_137 = arith.constant 0 : i32
        %dma_wait3A_138 = arith.constant 0 : i32
        %dma_wait3A_139 = tpu.memref_slice %arg13[%dma_wait3A_137, %dma_wait3A_138] : memref<10240x64xf32, #tpu.memory_space<vmem_shared>> -> memref<10240x64xf32, #tpu.memory_space<vmem_shared>>
        tpu.wait_indirect_dma semaphore(%run_scoped3A : memref<!tpu.dma_semaphore, #tpu.memory_space<semaphore_mem>>) src(%arg11 : memref<128x64xf32, #tpu.memory_space<vmem>>) dst(%dma_wait3A_139 : memref<10240x64xf32, #tpu.memory_space<vmem_shared>>)
        tpu.yield
      }) : () -> ()
      %add3A_104 = arith.constant 4 : i32
      %add3A_105 = arith.addi %add3A_97, %add3A_104 : i32
      %lt3A_106 = arith.constant 80 : i32
      %lt3A_107 = arith.cmpi slt, %add3A_105, %lt3A_106 : i32
      %convert_element_type3A_108 = arith.extui %lt3A_107 : i1 to i32
      %cond3A_109 = arith.constant 0 : i32
      %cond3A_110 = arith.cmpi ne, %convert_element_type3A_108, %cond3A_109 : i32
      scf.if %cond3A_110 {
        %add3A_128 = arith.constant 4 : i32
        %add3A_129 = arith.addi %add3A_97, %add3A_128 : i32
        %dma_start3A_130 = arith.constant 0 : i32
        %dma_start3A_131 = tpu.memref_slice %arg6[%add3A_129, %dma_start3A_130] : memref<80x128xi32, #tpu.memory_space<vmem>> -> memref<1x128xi32, #tpu.memory_space<vmem>>
        %dma_start3A_132 = tpu.memref_squeeze %dma_start3A_131 : memref<1x128xi32, #tpu.memory_space<vmem>> -> memref<128xi32, #tpu.memory_space<vmem>>
        %dma_start3A_133 = arith.constant 0 : i32
        %dma_start3A_134 = arith.constant 0 : i32
        %dma_start3A_135 = tpu.memref_slice %arg2[%dma_start3A_133, %dma_start3A_134] : memref<20000x64xf32, #tpu.memory_space<hbm>> -> memref<20000x64xf32, #tpu.memory_space<hbm>>
        tpu.enqueue_indirect_dma source(%dma_start3A_135 : memref<20000x64xf32, #tpu.memory_space<hbm>>) target(%arg11 : memref<128x64xf32, #tpu.memory_space<vmem>>) offsets(%dma_start3A_132 : memref<128xi32, #tpu.memory_space<vmem>>) semaphore(%arg16 : memref<!tpu.dma_semaphore, #tpu.memory_space<semaphore_mem>>)
      } else {
      }
      %mul3A_111 = arith.constant 4 : i32
      %mul3A_112 = arith.muli %mul3A_111, %add3A_63 : i32
      %add3A_113 = arith.constant 3 : i32
      %add3A_114 = arith.addi %mul3A_112, %add3A_113 : i32
      %dma_wait3A_115 = arith.constant 0 : i32
      %dma_wait3A_116 = tpu.memref_slice %arg6[%add3A_114, %dma_wait3A_115] : memref<80x128xi32, #tpu.memory_space<vmem>> -> memref<1x128xi32, #tpu.memory_space<vmem>>
      %dma_wait3A_117 = tpu.memref_squeeze %dma_wait3A_116 : memref<1x128xi32, #tpu.memory_space<vmem>> -> memref<128xi32, #tpu.memory_space<vmem>>
      %dma_wait3A_118 = arith.constant 0 : i32
      %dma_wait3A_119 = arith.constant 0 : i32
      %dma_wait3A_120 = tpu.memref_slice %arg2[%dma_wait3A_118, %dma_wait3A_119] : memref<20000x64xf32, #tpu.memory_space<hbm>> -> memref<20000x64xf32, #tpu.memory_space<hbm>>
      tpu.wait_indirect_dma semaphore(%arg17 : memref<!tpu.dma_semaphore, #tpu.memory_space<semaphore_mem>>) src(%dma_wait3A_120 : memref<20000x64xf32, #tpu.memory_space<hbm>>) dst(%arg12 : memref<128x64xf32, #tpu.memory_space<vmem>>)
      "tpu.region"() ({
        %run_scoped3A = tpu.sem_alloc : memref<!tpu.dma_semaphore, #tpu.memory_space<semaphore_mem>>
        %dma_start3A_128 = arith.constant 0 : i32
        %dma_start3A_129 = tpu.memref_slice %arg7[%add3A_114, %dma_start3A_128] : memref<80x128xi32, #tpu.memory_space<vmem>> -> memref<1x128xi32, #tpu.memory_space<vmem>>
        %dma_start3A_130 = tpu.memref_squeeze %dma_start3A_129 : memref<1x128xi32, #tpu.memory_space<vmem>> -> memref<128xi32, #tpu.memory_space<vmem>>
        %dma_start3A_131 = arith.constant 0 : i32
        %dma_start3A_132 = arith.constant 0 : i32
        %dma_start3A_133 = tpu.memref_slice %arg13[%dma_start3A_131, %dma_start3A_132] : memref<10240x64xf32, #tpu.memory_space<vmem_shared>> -> memref<10240x64xf32, #tpu.memory_space<vmem_shared>>
        tpu.enqueue_indirect_dma source(%arg12 : memref<128x64xf32, #tpu.memory_space<vmem>>) target(%dma_start3A_133 : memref<10240x64xf32, #tpu.memory_space<vmem_shared>>) offsets(%dma_start3A_130 : memref<128xi32, #tpu.memory_space<vmem>>) semaphore(%run_scoped3A : memref<!tpu.dma_semaphore, #tpu.memory_space<semaphore_mem>>) {add = true}
        %dma_wait3A_134 = arith.constant 0 : i32
        %dma_wait3A_135 = tpu.memref_slice %arg7[%add3A_114, %dma_wait3A_134] : memref<80x128xi32, #tpu.memory_space<vmem>> -> memref<1x128xi32, #tpu.memory_space<vmem>>
        %dma_wait3A_136 = tpu.memref_squeeze %dma_wait3A_135 : memref<1x128xi32, #tpu.memory_space<vmem>> -> memref<128xi32, #tpu.memory_space<vmem>>
        %dma_wait3A_137 = arith.constant 0 : i32
        %dma_wait3A_138 = arith.constant 0 : i32
        %dma_wait3A_139 = tpu.memref_slice %arg13[%dma_wait3A_137, %dma_wait3A_138] : memref<10240x64xf32, #tpu.memory_space<vmem_shared>> -> memref<10240x64xf32, #tpu.memory_space<vmem_shared>>
        tpu.wait_indirect_dma semaphore(%run_scoped3A : memref<!tpu.dma_semaphore, #tpu.memory_space<semaphore_mem>>) src(%arg12 : memref<128x64xf32, #tpu.memory_space<vmem>>) dst(%dma_wait3A_139 : memref<10240x64xf32, #tpu.memory_space<vmem_shared>>)
        tpu.yield
      }) : () -> ()
      %add3A_121 = arith.constant 4 : i32
      %add3A_122 = arith.addi %add3A_114, %add3A_121 : i32
      %lt3A_123 = arith.constant 80 : i32
      %lt3A_124 = arith.cmpi slt, %add3A_122, %lt3A_123 : i32
      %convert_element_type3A_125 = arith.extui %lt3A_124 : i1 to i32
      %cond3A_126 = arith.constant 0 : i32
      %cond3A_127 = arith.cmpi ne, %convert_element_type3A_125, %cond3A_126 : i32
      scf.if %cond3A_127 {
        %add3A_128 = arith.constant 4 : i32
        %add3A_129 = arith.addi %add3A_114, %add3A_128 : i32
        %dma_start3A_130 = arith.constant 0 : i32
        %dma_start3A_131 = tpu.memref_slice %arg6[%add3A_129, %dma_start3A_130] : memref<80x128xi32, #tpu.memory_space<vmem>> -> memref<1x128xi32, #tpu.memory_space<vmem>>
        %dma_start3A_132 = tpu.memref_squeeze %dma_start3A_131 : memref<1x128xi32, #tpu.memory_space<vmem>> -> memref<128xi32, #tpu.memory_space<vmem>>
        %dma_start3A_133 = arith.constant 0 : i32
        %dma_start3A_134 = arith.constant 0 : i32
        %dma_start3A_135 = tpu.memref_slice %arg2[%dma_start3A_133, %dma_start3A_134] : memref<20000x64xf32, #tpu.memory_space<hbm>> -> memref<20000x64xf32, #tpu.memory_space<hbm>>
        tpu.enqueue_indirect_dma source(%dma_start3A_135 : memref<20000x64xf32, #tpu.memory_space<hbm>>) target(%arg12 : memref<128x64xf32, #tpu.memory_space<vmem>>) offsets(%dma_start3A_132 : memref<128xi32, #tpu.memory_space<vmem>>) semaphore(%arg17 : memref<!tpu.dma_semaphore, #tpu.memory_space<semaphore_mem>>)
      } else {
      }
    }
    %scan3A_51 = arith.constant 20 : i32
    %barrier3A_52 = arith.constant 0 : index
    tpu.barrier barrier_id(%barrier3A_52)
    %mul3A_53 = arith.constant 625 : i32
    %mul3A_54 = arith.muli %arg1, %mul3A_53 : i32
    %mul3A_55 = arith.constant 625 : i32
    %mul3A_56 = arith.muli %arg1, %mul3A_55 : i32
    %mul3A_57 = arith.constant 64 : i32
    %mul3A_58 = arith.muli %arg0, %mul3A_57 : i32
    "tpu.region"() ({
      %run_scoped3A = tpu.sem_alloc : memref<!tpu.dma_semaphore, #tpu.memory_space<semaphore_mem>>
      %dma_start3A_59 = tpu.memref_slice %arg5[%mul3A_56, %mul3A_58] : memref<10000x128xf32, #tpu.memory_space<hbm>> -> memref<625x64xf32, #tpu.memory_space<hbm>>
      %dma_start3A_60 = arith.constant 0 : i32
      %dma_start3A_61 = tpu.memref_slice %arg13[%mul3A_54, %dma_start3A_60] : memref<10240x64xf32, #tpu.memory_space<vmem_shared>> -> memref<625x64xf32, #tpu.memory_space<vmem_shared>>
      tpu.enqueue_dma source(%dma_start3A_61 : memref<625x64xf32, #tpu.memory_space<vmem_shared>>) target(%dma_start3A_59 : memref<625x64xf32, #tpu.memory_space<hbm>>) target_semaphore(%run_scoped3A : memref<!tpu.dma_semaphore, #tpu.memory_space<semaphore_mem>>)
      %dma_wait3A = tpu.memref_slice %arg5[%mul3A_56, %mul3A_58] : memref<10000x128xf32, #tpu.memory_space<hbm>> -> memref<625x64xf32, #tpu.memory_space<hbm>>
      %dma_wait3A_62 = arith.constant 0 : i32
      %dma_wait3A_63 = tpu.memref_slice %arg13[%mul3A_54, %dma_wait3A_62] : memref<10240x64xf32, #tpu.memory_space<vmem_shared>> -> memref<625x64xf32, #tpu.memory_space<vmem_shared>>
      tpu.wait_dma2 semaphore(%run_scoped3A : memref<!tpu.dma_semaphore, #tpu.memory_space<semaphore_mem>>) src(%dma_wait3A_63 : memref<625x64xf32, #tpu.memory_space<vmem_shared>>) dst(%dma_wait3A : memref<625x64xf32, #tpu.memory_space<hbm>>)
      tpu.yield
    }) : () -> ()
    return
  }
}

#map = affine_map<(d0, d1) -> (0, 0)>
module attributes {stable_mosaic.version = 14 : i64} {
  func.func @body(%arg0: i32, %arg1: i32, %arg2: memref<10000x64xf32, #tpu.memory_space<hbm>>, %arg3: memref<2560x128xi32, #tpu.memory_space<hbm>>, %arg4: memref<2560x128xi32, #tpu.memory_space<hbm>>, %arg5: memref<10000x128xf32, #tpu.memory_space<hbm>>, %arg6: memref<80x128xi32, #tpu.memory_space<vmem>>, %arg7: memref<80x128xi32, #tpu.memory_space<vmem>>, %arg8: memref<128x64xf32, #tpu.memory_space<vmem>>, %arg9: memref<128x64xf32, #tpu.memory_space<vmem>>, %arg10: memref<128x64xf32, #tpu.memory_space<vmem>>, %arg11: memref<128x64xf32, #tpu.memory_space<vmem>>, %arg12: memref<128x64xf32, #tpu.memory_space<vmem>>, %arg13: memref<10240x64xf32, #tpu.memory_space<vmem_shared>>, %arg14: memref<!tpu.dma_semaphore, #tpu.memory_space<semaphore_mem>>, %arg15: memref<!tpu.dma_semaphore, #tpu.memory_space<semaphore_mem>>, %arg16: memref<!tpu.dma_semaphore, #tpu.memory_space<semaphore_mem>>, %arg17: memref<!tpu.dma_semaphore, #tpu.memory_space<semaphore_mem>>) attributes {dimension_semantics = [#tpu.dimension_semantics<core_parallel>, #tpu.dimension_semantics<subcore_parallel>], iteration_bounds = array<i64: 2, 16>, scalar_prefetch = 0 : i64, scratch_operands = 12 : i64, tpu.core_type = #tpu.core_type<sc_vector_subcore>, window_params = [{transform_indices = #map}, {transform_indices = #map}, {transform_indices = #map}, {transform_indices = #map}]} {
    %mul3A = arith.constant 16 : i32
    %mul3A_0 = arith.muli %arg0, %mul3A : i32
    %add3A = arith.addi %mul3A_0, %arg1 : i32
    %broadcast_in_dim3A = arith.constant 0.000000e+00 : f32
    %broadcast_in_dim3A_1 = vector.broadcast %broadcast_in_dim3A : f32 to vector<16xf32>
    %scan3A = arith.constant 0 : i32
    %scan3A_2 = arith.constant 128 : i32
    %scan3A_3 = arith.addi %scan3A, %scan3A_2 : i32
    %scan3A_4 = arith.constant 1 : i32
    scf.for %scan3A_54 = %scan3A to %scan3A_3 step %scan3A_4  : i32 {
      %mul3A_55 = arith.constant 1 : i32
      %mul3A_56 = arith.muli %scan3A_54, %mul3A_55 : i32
      %add3A_57 = arith.constant 0 : i32
      %add3A_58 = arith.addi %add3A_57, %mul3A_56 : i32
      %scan3A_59 = arith.constant 0 : i32
      %scan3A_60 = arith.constant 4 : i32
      %scan3A_61 = arith.addi %scan3A_59, %scan3A_60 : i32
      %scan3A_62 = arith.constant 1 : i32
      scf.for %scan3A_64 = %scan3A_59 to %scan3A_61 step %scan3A_62  : i32 {
        %mul3A_65 = arith.constant 16 : i32
        %mul3A_66 = arith.muli %scan3A_64, %mul3A_65 : i32
        %add3A_67 = arith.constant 0 : i32
        %add3A_68 = arith.addi %add3A_67, %mul3A_66 : i32
        %swap3A = arith.index_cast %add3A_58 : i32 to index
        %swap3A_69 = arith.index_cast %add3A_68 : i32 to index
        %swap3A_70 = tpu.vector_load %arg8[%swap3A, %swap3A_69] {strides = array<i32>} : memref<128x64xf32, #tpu.memory_space<vmem>>, vector<1x16xf32>,
        %swap3A_71 = vector.shape_cast %swap3A_70 : vector<1x16xf32> to vector<16xf32>
        %swap3A_72 = vector.shape_cast %broadcast_in_dim3A_1 : vector<16xf32> to vector<1x16xf32>
        tpu.vector_store %arg8[%swap3A, %swap3A_69], %swap3A_72 {strides = array<i32>} : memref<128x64xf32, #tpu.memory_space<vmem>>, vector<1x16xf32>,
      }
      %scan3A_63 = arith.constant 4 : i32
    }
    %scan3A_5 = arith.constant 128 : i32
    %scan3A_6 = arith.constant 0 : i32
    %scan3A_7 = arith.constant 5 : i32
    %scan3A_8 = arith.addi %scan3A_6, %scan3A_7 : i32
    %scan3A_9 = arith.constant 1 : i32
    scf.for %scan3A_54 = %scan3A_6 to %scan3A_8 step %scan3A_9  : i32 {
      %mul3A_55 = arith.constant 128 : i32
      %mul3A_56 = arith.muli %scan3A_54, %mul3A_55 : i32
      %add3A_57 = arith.constant 0 : i32
      %add3A_58 = arith.addi %add3A_57, %mul3A_56 : i32
      %mul3A_59 = arith.constant 640 : i32
      %mul3A_60 = arith.muli %arg1, %mul3A_59 : i32
      %add3A_61 = arith.addi %mul3A_60, %add3A_58 : i32
      "tpu.region"() ({
        %run_scoped3A = tpu.sem_alloc : memref<!tpu.dma_semaphore, #tpu.memory_space<semaphore_mem>>
        %dma_start3A_62 = arith.constant 0 : i32
        %dma_start3A_63 = tpu.memref_slice %arg13[%add3A_61, %dma_start3A_62] : memref<10240x64xf32, #tpu.memory_space<vmem_shared>> -> memref<128x64xf32, #tpu.memory_space<vmem_shared>>
        %dma_start3A_64 = arith.constant 0 : i32
        %dma_start3A_65 = tpu.memref_slice %arg13[%add3A_61, %dma_start3A_64] : memref<10240x64xf32, #tpu.memory_space<vmem_shared>> -> memref<128x64xf32, #tpu.memory_space<vmem_shared>>
        tpu.enqueue_dma source(%arg8 : memref<128x64xf32, #tpu.memory_space<vmem>>) target(%dma_start3A_65 : memref<128x64xf32, #tpu.memory_space<vmem_shared>>) target_semaphore(%run_scoped3A : memref<!tpu.dma_semaphore, #tpu.memory_space<semaphore_mem>>)
        %dma_wait3A = arith.constant 0 : i32
        %dma_wait3A_66 = tpu.memref_slice %arg13[%add3A_61, %dma_wait3A] : memref<10240x64xf32, #tpu.memory_space<vmem_shared>> -> memref<128x64xf32, #tpu.memory_space<vmem_shared>>
        %dma_wait3A_67 = arith.constant 0 : i32
        %dma_wait3A_68 = tpu.memref_slice %arg13[%add3A_61, %dma_wait3A_67] : memref<10240x64xf32, #tpu.memory_space<vmem_shared>> -> memref<128x64xf32, #tpu.memory_space<vmem_shared>>
        tpu.wait_dma2 semaphore(%run_scoped3A : memref<!tpu.dma_semaphore, #tpu.memory_space<semaphore_mem>>) src(%arg8 : memref<128x64xf32, #tpu.memory_space<vmem>>) dst(%dma_wait3A_68 : memref<128x64xf32, #tpu.memory_space<vmem_shared>>)
        tpu.yield
      }) : () -> ()
    }
    %scan3A_10 = arith.constant 5 : i32
    %mul3A_11 = arith.constant 80 : i32
    %mul3A_12 = arith.muli %add3A, %mul3A_11 : i32
    "tpu.region"() ({
      %run_scoped3A = tpu.sem_alloc : memref<!tpu.dma_semaphore, #tpu.memory_space<semaphore_mem>>
      %dma_start3A_54 = arith.constant 0 : i32
      %dma_start3A_55 = tpu.memref_slice %arg3[%mul3A_12, %dma_start3A_54] : memref<2560x128xi32, #tpu.memory_space<hbm>> -> memref<80x128xi32, #tpu.memory_space<hbm>>
      %dma_start3A_56 = arith.constant 0 : i32
      %dma_start3A_57 = tpu.memref_slice %arg3[%mul3A_12, %dma_start3A_56] : memref<2560x128xi32, #tpu.memory_space<hbm>> -> memref<80x128xi32, #tpu.memory_space<hbm>>
      tpu.enqueue_dma source(%dma_start3A_57 : memref<80x128xi32, #tpu.memory_space<hbm>>) target(%arg6 : memref<80x128xi32, #tpu.memory_space<vmem>>) target_semaphore(%run_scoped3A : memref<!tpu.dma_semaphore, #tpu.memory_space<semaphore_mem>>)
      %dma_wait3A = arith.constant 0 : i32
      %dma_wait3A_58 = tpu.memref_slice %arg3[%mul3A_12, %dma_wait3A] : memref<2560x128xi32, #tpu.memory_space<hbm>> -> memref<80x128xi32, #tpu.memory_space<hbm>>
      %dma_wait3A_59 = arith.constant 0 : i32
      %dma_wait3A_60 = tpu.memref_slice %arg3[%mul3A_12, %dma_wait3A_59] : memref<2560x128xi32, #tpu.memory_space<hbm>> -> memref<80x128xi32, #tpu.memory_space<hbm>>
      tpu.wait_dma2 semaphore(%run_scoped3A : memref<!tpu.dma_semaphore, #tpu.memory_space<semaphore_mem>>) src(%dma_wait3A_60 : memref<80x128xi32, #tpu.memory_space<hbm>>) dst(%arg6 : memref<80x128xi32, #tpu.memory_space<vmem>>)
      tpu.yield
    }) : () -> ()
    %mul3A_13 = arith.constant 80 : i32
    %mul3A_14 = arith.muli %add3A, %mul3A_13 : i32
    "tpu.region"() ({
      %run_scoped3A = tpu.sem_alloc : memref<!tpu.dma_semaphore, #tpu.memory_space<semaphore_mem>>
      %dma_start3A_54 = arith.constant 0 : i32
      %dma_start3A_55 = tpu.memref_slice %arg4[%mul3A_14, %dma_start3A_54] : memref<2560x128xi32, #tpu.memory_space<hbm>> -> memref<80x128xi32, #tpu.memory_space<hbm>>
      %dma_start3A_56 = arith.constant 0 : i32
      %dma_start3A_57 = tpu.memref_slice %arg4[%mul3A_14, %dma_start3A_56] : memref<2560x128xi32, #tpu.memory_space<hbm>> -> memref<80x128xi32, #tpu.memory_space<hbm>>
      tpu.enqueue_dma source(%dma_start3A_57 : memref<80x128xi32, #tpu.memory_space<hbm>>) target(%arg7 : memref<80x128xi32, #tpu.memory_space<vmem>>) target_semaphore(%run_scoped3A : memref<!tpu.dma_semaphore, #tpu.memory_space<semaphore_mem>>)
      %dma_wait3A = arith.constant 0 : i32
      %dma_wait3A_58 = tpu.memref_slice %arg4[%mul3A_14, %dma_wait3A] : memref<2560x128xi32, #tpu.memory_space<hbm>> -> memref<80x128xi32, #tpu.memory_space<hbm>>
      %dma_wait3A_59 = arith.constant 0 : i32
      %dma_wait3A_60 = tpu.memref_slice %arg4[%mul3A_14, %dma_wait3A_59] : memref<2560x128xi32, #tpu.memory_space<hbm>> -> memref<80x128xi32, #tpu.memory_space<hbm>>
      tpu.wait_dma2 semaphore(%run_scoped3A : memref<!tpu.dma_semaphore, #tpu.memory_space<semaphore_mem>>) src(%dma_wait3A_60 : memref<80x128xi32, #tpu.memory_space<hbm>>) dst(%arg7 : memref<80x128xi32, #tpu.memory_space<vmem>>)
      tpu.yield
    }) : () -> ()
    %dma_start3A = arith.constant 0 : i32
    %dma_start3A_15 = arith.constant 0 : i32
    %dma_start3A_16 = tpu.memref_slice %arg6[%dma_start3A, %dma_start3A_15] : memref<80x128xi32, #tpu.memory_space<vmem>> -> memref<1x128xi32, #tpu.memory_space<vmem>>
    %dma_start3A_17 = tpu.memref_squeeze %dma_start3A_16 : memref<1x128xi32, #tpu.memory_space<vmem>> -> memref<128xi32, #tpu.memory_space<vmem>>
    %dma_start3A_18 = arith.constant 0 : i32
    %dma_start3A_19 = arith.constant 0 : i32
    %dma_start3A_20 = tpu.memref_slice %arg2[%dma_start3A_18, %dma_start3A_19] : memref<10000x64xf32, #tpu.memory_space<hbm>> -> memref<10000x64xf32, #tpu.memory_space<hbm>>
    tpu.enqueue_indirect_dma source(%dma_start3A_20 : memref<10000x64xf32, #tpu.memory_space<hbm>>) target(%arg9 : memref<128x64xf32, #tpu.memory_space<vmem>>) offsets(%dma_start3A_17 : memref<128xi32, #tpu.memory_space<vmem>>) semaphore(%arg14 : memref<!tpu.dma_semaphore, #tpu.memory_space<semaphore_mem>>)
    %dma_start3A_21 = arith.constant 1 : i32
    %dma_start3A_22 = arith.constant 0 : i32
    %dma_start3A_23 = tpu.memref_slice %arg6[%dma_start3A_21, %dma_start3A_22] : memref<80x128xi32, #tpu.memory_space<vmem>> -> memref<1x128xi32, #tpu.memory_space<vmem>>
    %dma_start3A_24 = tpu.memref_squeeze %dma_start3A_23 : memref<1x128xi32, #tpu.memory_space<vmem>> -> memref<128xi32, #tpu.memory_space<vmem>>
    %dma_start3A_25 = arith.constant 0 : i32
    %dma_start3A_26 = arith.constant 0 : i32
    %dma_start3A_27 = tpu.memref_slice %arg2[%dma_start3A_25, %dma_start3A_26] : memref<10000x64xf32, #tpu.memory_space<hbm>> -> memref<10000x64xf32, #tpu.memory_space<hbm>>
    tpu.enqueue_indirect_dma source(%dma_start3A_27 : memref<10000x64xf32, #tpu.memory_space<hbm>>) target(%arg10 : memref<128x64xf32, #tpu.memory_space<vmem>>) offsets(%dma_start3A_24 : memref<128xi32, #tpu.memory_space<vmem>>) semaphore(%arg15 : memref<!tpu.dma_semaphore, #tpu.memory_space<semaphore_mem>>)
    %dma_start3A_28 = arith.constant 2 : i32
    %dma_start3A_29 = arith.constant 0 : i32
    %dma_start3A_30 = tpu.memref_slice %arg6[%dma_start3A_28, %dma_start3A_29] : memref<80x128xi32, #tpu.memory_space<vmem>> -> memref<1x128xi32, #tpu.memory_space<vmem>>
    %dma_start3A_31 = tpu.memref_squeeze %dma_start3A_30 : memref<1x128xi32, #tpu.memory_space<vmem>> -> memref<128xi32, #tpu.memory_space<vmem>>
    %dma_start3A_32 = arith.constant 0 : i32
    %dma_start3A_33 = arith.constant 0 : i32
    %dma_start3A_34 = tpu.memref_slice %arg2[%dma_start3A_32, %dma_start3A_33] : memref<10000x64xf32, #tpu.memory_space<hbm>> -> memref<10000x64xf32, #tpu.memory_space<hbm>>
    tpu.enqueue_indirect_dma source(%dma_start3A_34 : memref<10000x64xf32, #tpu.memory_space<hbm>>) target(%arg11 : memref<128x64xf32, #tpu.memory_space<vmem>>) offsets(%dma_start3A_31 : memref<128xi32, #tpu.memory_space<vmem>>) semaphore(%arg16 : memref<!tpu.dma_semaphore, #tpu.memory_space<semaphore_mem>>)
    %dma_start3A_35 = arith.constant 3 : i32
    %dma_start3A_36 = arith.constant 0 : i32
    %dma_start3A_37 = tpu.memref_slice %arg6[%dma_start3A_35, %dma_start3A_36] : memref<80x128xi32, #tpu.memory_space<vmem>> -> memref<1x128xi32, #tpu.memory_space<vmem>>
    %dma_start3A_38 = tpu.memref_squeeze %dma_start3A_37 : memref<1x128xi32, #tpu.memory_space<vmem>> -> memref<128xi32, #tpu.memory_space<vmem>>
    %dma_start3A_39 = arith.constant 0 : i32
    %dma_start3A_40 = arith.constant 0 : i32
    %dma_start3A_41 = tpu.memref_slice %arg2[%dma_start3A_39, %dma_start3A_40] : memref<10000x64xf32, #tpu.memory_space<hbm>> -> memref<10000x64xf32, #tpu.memory_space<hbm>>
    tpu.enqueue_indirect_dma source(%dma_start3A_41 : memref<10000x64xf32, #tpu.memory_space<hbm>>) target(%arg12 : memref<128x64xf32, #tpu.memory_space<vmem>>) offsets(%dma_start3A_38 : memref<128xi32, #tpu.memory_space<vmem>>) semaphore(%arg17 : memref<!tpu.dma_semaphore, #tpu.memory_space<semaphore_mem>>)
    %barrier3A = arith.constant 0 : index
    tpu.barrier barrier_id(%barrier3A)
    %scan3A_42 = arith.constant 0 : i32
    %scan3A_43 = arith.constant 20 : i32
    %scan3A_44 = arith.addi %scan3A_42, %scan3A_43 : i32
    %scan3A_45 = arith.constant 1 : i32
    scf.for %scan3A_54 = %scan3A_42 to %scan3A_44 step %scan3A_45  : i32 {
      %mul3A_55 = arith.constant 1 : i32
      %mul3A_56 = arith.muli %scan3A_54, %mul3A_55 : i32
      %add3A_57 = arith.constant 0 : i32
      %add3A_58 = arith.addi %add3A_57, %mul3A_56 : i32
      %mul3A_59 = arith.constant 4 : i32
      %mul3A_60 = arith.muli %mul3A_59, %add3A_58 : i32
      %add3A_61 = arith.constant 0 : i32
      %add3A_62 = arith.addi %mul3A_60, %add3A_61 : i32
      %dma_wait3A = arith.constant 0 : i32
      %dma_wait3A_63 = tpu.memref_slice %arg6[%add3A_62, %dma_wait3A] : memref<80x128xi32, #tpu.memory_space<vmem>> -> memref<1x128xi32, #tpu.memory_space<vmem>>
      %dma_wait3A_64 = tpu.memref_squeeze %dma_wait3A_63 : memref<1x128xi32, #tpu.memory_space<vmem>> -> memref<128xi32, #tpu.memory_space<vmem>>
      %dma_wait3A_65 = arith.constant 0 : i32
      %dma_wait3A_66 = arith.constant 0 : i32
      %dma_wait3A_67 = tpu.memref_slice %arg2[%dma_wait3A_65, %dma_wait3A_66] : memref<10000x64xf32, #tpu.memory_space<hbm>> -> memref<10000x64xf32, #tpu.memory_space<hbm>>
      tpu.wait_indirect_dma semaphore(%arg14 : memref<!tpu.dma_semaphore, #tpu.memory_space<semaphore_mem>>) src(%dma_wait3A_67 : memref<10000x64xf32, #tpu.memory_space<hbm>>) dst(%arg9 : memref<128x64xf32, #tpu.memory_space<vmem>>)
      "tpu.region"() ({
        %run_scoped3A = tpu.sem_alloc : memref<!tpu.dma_semaphore, #tpu.memory_space<semaphore_mem>>
        %dma_start3A_123 = arith.constant 0 : i32
        %dma_start3A_124 = tpu.memref_slice %arg7[%add3A_62, %dma_start3A_123] : memref<80x128xi32, #tpu.memory_space<vmem>> -> memref<1x128xi32, #tpu.memory_space<vmem>>
        %dma_start3A_125 = tpu.memref_squeeze %dma_start3A_124 : memref<1x128xi32, #tpu.memory_space<vmem>> -> memref<128xi32, #tpu.memory_space<vmem>>
        %dma_start3A_126 = arith.constant 0 : i32
        %dma_start3A_127 = arith.constant 0 : i32
        %dma_start3A_128 = tpu.memref_slice %arg13[%dma_start3A_126, %dma_start3A_127] : memref<10240x64xf32, #tpu.memory_space<vmem_shared>> -> memref<10240x64xf32, #tpu.memory_space<vmem_shared>>
        tpu.enqueue_indirect_dma source(%arg9 : memref<128x64xf32, #tpu.memory_space<vmem>>) target(%dma_start3A_128 : memref<10240x64xf32, #tpu.memory_space<vmem_shared>>) offsets(%dma_start3A_125 : memref<128xi32, #tpu.memory_space<vmem>>) semaphore(%run_scoped3A : memref<!tpu.dma_semaphore, #tpu.memory_space<semaphore_mem>>) {add = true}
        %dma_wait3A_129 = arith.constant 0 : i32
        %dma_wait3A_130 = tpu.memref_slice %arg7[%add3A_62, %dma_wait3A_129] : memref<80x128xi32, #tpu.memory_space<vmem>> -> memref<1x128xi32, #tpu.memory_space<vmem>>
        %dma_wait3A_131 = tpu.memref_squeeze %dma_wait3A_130 : memref<1x128xi32, #tpu.memory_space<vmem>> -> memref<128xi32, #tpu.memory_space<vmem>>
        %dma_wait3A_132 = arith.constant 0 : i32
        %dma_wait3A_133 = arith.constant 0 : i32
        %dma_wait3A_134 = tpu.memref_slice %arg13[%dma_wait3A_132, %dma_wait3A_133] : memref<10240x64xf32, #tpu.memory_space<vmem_shared>> -> memref<10240x64xf32, #tpu.memory_space<vmem_shared>>
        tpu.wait_indirect_dma semaphore(%run_scoped3A : memref<!tpu.dma_semaphore, #tpu.memory_space<semaphore_mem>>) src(%arg9 : memref<128x64xf32, #tpu.memory_space<vmem>>) dst(%dma_wait3A_134 : memref<10240x64xf32, #tpu.memory_space<vmem_shared>>)
        tpu.yield
      }) : () -> ()
      %add3A_68 = arith.constant 4 : i32
      %add3A_69 = arith.addi %add3A_62, %add3A_68 : i32
      %lt3A = arith.constant 80 : i32
      %lt3A_70 = arith.cmpi slt, %add3A_69, %lt3A : i32
      %convert_element_type3A = arith.extui %lt3A_70 : i1 to i32
      %cond3A = arith.constant 0 : i32
      %cond3A_71 = arith.cmpi ne, %convert_element_type3A, %cond3A : i32
      scf.if %cond3A_71 {
        %add3A_123 = arith.constant 4 : i32
        %add3A_124 = arith.addi %add3A_62, %add3A_123 : i32
        %dma_start3A_125 = arith.constant 0 : i32
        %dma_start3A_126 = tpu.memref_slice %arg6[%add3A_124, %dma_start3A_125] : memref<80x128xi32, #tpu.memory_space<vmem>> -> memref<1x128xi32, #tpu.memory_space<vmem>>
        %dma_start3A_127 = tpu.memref_squeeze %dma_start3A_126 : memref<1x128xi32, #tpu.memory_space<vmem>> -> memref<128xi32, #tpu.memory_space<vmem>>
        %dma_start3A_128 = arith.constant 0 : i32
        %dma_start3A_129 = arith.constant 0 : i32
        %dma_start3A_130 = tpu.memref_slice %arg2[%dma_start3A_128, %dma_start3A_129] : memref<10000x64xf32, #tpu.memory_space<hbm>> -> memref<10000x64xf32, #tpu.memory_space<hbm>>
        tpu.enqueue_indirect_dma source(%dma_start3A_130 : memref<10000x64xf32, #tpu.memory_space<hbm>>) target(%arg9 : memref<128x64xf32, #tpu.memory_space<vmem>>) offsets(%dma_start3A_127 : memref<128xi32, #tpu.memory_space<vmem>>) semaphore(%arg14 : memref<!tpu.dma_semaphore, #tpu.memory_space<semaphore_mem>>)
      } else {
      }
      %mul3A_72 = arith.constant 4 : i32
      %mul3A_73 = arith.muli %mul3A_72, %add3A_58 : i32
      %add3A_74 = arith.constant 1 : i32
      %add3A_75 = arith.addi %mul3A_73, %add3A_74 : i32
      %dma_wait3A_76 = arith.constant 0 : i32
      %dma_wait3A_77 = tpu.memref_slice %arg6[%add3A_75, %dma_wait3A_76] : memref<80x128xi32, #tpu.memory_space<vmem>> -> memref<1x128xi32, #tpu.memory_space<vmem>>
      %dma_wait3A_78 = tpu.memref_squeeze %dma_wait3A_77 : memref<1x128xi32, #tpu.memory_space<vmem>> -> memref<128xi32, #tpu.memory_space<vmem>>
      %dma_wait3A_79 = arith.constant 0 : i32
      %dma_wait3A_80 = arith.constant 0 : i32
      %dma_wait3A_81 = tpu.memref_slice %arg2[%dma_wait3A_79, %dma_wait3A_80] : memref<10000x64xf32, #tpu.memory_space<hbm>> -> memref<10000x64xf32, #tpu.memory_space<hbm>>
      tpu.wait_indirect_dma semaphore(%arg15 : memref<!tpu.dma_semaphore, #tpu.memory_space<semaphore_mem>>) src(%dma_wait3A_81 : memref<10000x64xf32, #tpu.memory_space<hbm>>) dst(%arg10 : memref<128x64xf32, #tpu.memory_space<vmem>>)
      "tpu.region"() ({
        %run_scoped3A = tpu.sem_alloc : memref<!tpu.dma_semaphore, #tpu.memory_space<semaphore_mem>>
        %dma_start3A_123 = arith.constant 0 : i32
        %dma_start3A_124 = tpu.memref_slice %arg7[%add3A_75, %dma_start3A_123] : memref<80x128xi32, #tpu.memory_space<vmem>> -> memref<1x128xi32, #tpu.memory_space<vmem>>
        %dma_start3A_125 = tpu.memref_squeeze %dma_start3A_124 : memref<1x128xi32, #tpu.memory_space<vmem>> -> memref<128xi32, #tpu.memory_space<vmem>>
        %dma_start3A_126 = arith.constant 0 : i32
        %dma_start3A_127 = arith.constant 0 : i32
        %dma_start3A_128 = tpu.memref_slice %arg13[%dma_start3A_126, %dma_start3A_127] : memref<10240x64xf32, #tpu.memory_space<vmem_shared>> -> memref<10240x64xf32, #tpu.memory_space<vmem_shared>>
        tpu.enqueue_indirect_dma source(%arg10 : memref<128x64xf32, #tpu.memory_space<vmem>>) target(%dma_start3A_128 : memref<10240x64xf32, #tpu.memory_space<vmem_shared>>) offsets(%dma_start3A_125 : memref<128xi32, #tpu.memory_space<vmem>>) semaphore(%run_scoped3A : memref<!tpu.dma_semaphore, #tpu.memory_space<semaphore_mem>>) {add = true}
        %dma_wait3A_129 = arith.constant 0 : i32
        %dma_wait3A_130 = tpu.memref_slice %arg7[%add3A_75, %dma_wait3A_129] : memref<80x128xi32, #tpu.memory_space<vmem>> -> memref<1x128xi32, #tpu.memory_space<vmem>>
        %dma_wait3A_131 = tpu.memref_squeeze %dma_wait3A_130 : memref<1x128xi32, #tpu.memory_space<vmem>> -> memref<128xi32, #tpu.memory_space<vmem>>
        %dma_wait3A_132 = arith.constant 0 : i32
        %dma_wait3A_133 = arith.constant 0 : i32
        %dma_wait3A_134 = tpu.memref_slice %arg13[%dma_wait3A_132, %dma_wait3A_133] : memref<10240x64xf32, #tpu.memory_space<vmem_shared>> -> memref<10240x64xf32, #tpu.memory_space<vmem_shared>>
        tpu.wait_indirect_dma semaphore(%run_scoped3A : memref<!tpu.dma_semaphore, #tpu.memory_space<semaphore_mem>>) src(%arg10 : memref<128x64xf32, #tpu.memory_space<vmem>>) dst(%dma_wait3A_134 : memref<10240x64xf32, #tpu.memory_space<vmem_shared>>)
        tpu.yield
      }) : () -> ()
      %add3A_82 = arith.constant 4 : i32
      %add3A_83 = arith.addi %add3A_75, %add3A_82 : i32
      %lt3A_84 = arith.constant 80 : i32
      %lt3A_85 = arith.cmpi slt, %add3A_83, %lt3A_84 : i32
      %convert_element_type3A_86 = arith.extui %lt3A_85 : i1 to i32
      %cond3A_87 = arith.constant 0 : i32
      %cond3A_88 = arith.cmpi ne, %convert_element_type3A_86, %cond3A_87 : i32
      scf.if %cond3A_88 {
        %add3A_123 = arith.constant 4 : i32
        %add3A_124 = arith.addi %add3A_75, %add3A_123 : i32
        %dma_start3A_125 = arith.constant 0 : i32
        %dma_start3A_126 = tpu.memref_slice %arg6[%add3A_124, %dma_start3A_125] : memref<80x128xi32, #tpu.memory_space<vmem>> -> memref<1x128xi32, #tpu.memory_space<vmem>>
        %dma_start3A_127 = tpu.memref_squeeze %dma_start3A_126 : memref<1x128xi32, #tpu.memory_space<vmem>> -> memref<128xi32, #tpu.memory_space<vmem>>
        %dma_start3A_128 = arith.constant 0 : i32
        %dma_start3A_129 = arith.constant 0 : i32
        %dma_start3A_130 = tpu.memref_slice %arg2[%dma_start3A_128, %dma_start3A_129] : memref<10000x64xf32, #tpu.memory_space<hbm>> -> memref<10000x64xf32, #tpu.memory_space<hbm>>
        tpu.enqueue_indirect_dma source(%dma_start3A_130 : memref<10000x64xf32, #tpu.memory_space<hbm>>) target(%arg10 : memref<128x64xf32, #tpu.memory_space<vmem>>) offsets(%dma_start3A_127 : memref<128xi32, #tpu.memory_space<vmem>>) semaphore(%arg15 : memref<!tpu.dma_semaphore, #tpu.memory_space<semaphore_mem>>)
      } else {
      }
      %mul3A_89 = arith.constant 4 : i32
      %mul3A_90 = arith.muli %mul3A_89, %add3A_58 : i32
      %add3A_91 = arith.constant 2 : i32
      %add3A_92 = arith.addi %mul3A_90, %add3A_91 : i32
      %dma_wait3A_93 = arith.constant 0 : i32
      %dma_wait3A_94 = tpu.memref_slice %arg6[%add3A_92, %dma_wait3A_93] : memref<80x128xi32, #tpu.memory_space<vmem>> -> memref<1x128xi32, #tpu.memory_space<vmem>>
      %dma_wait3A_95 = tpu.memref_squeeze %dma_wait3A_94 : memref<1x128xi32, #tpu.memory_space<vmem>> -> memref<128xi32, #tpu.memory_space<vmem>>
      %dma_wait3A_96 = arith.constant 0 : i32
      %dma_wait3A_97 = arith.constant 0 : i32
      %dma_wait3A_98 = tpu.memref_slice %arg2[%dma_wait3A_96, %dma_wait3A_97] : memref<10000x64xf32, #tpu.memory_space<hbm>> -> memref<10000x64xf32, #tpu.memory_space<hbm>>
      tpu.wait_indirect_dma semaphore(%arg16 : memref<!tpu.dma_semaphore, #tpu.memory_space<semaphore_mem>>) src(%dma_wait3A_98 : memref<10000x64xf32, #tpu.memory_space<hbm>>) dst(%arg11 : memref<128x64xf32, #tpu.memory_space<vmem>>)
      "tpu.region"() ({
        %run_scoped3A = tpu.sem_alloc : memref<!tpu.dma_semaphore, #tpu.memory_space<semaphore_mem>>
        %dma_start3A_123 = arith.constant 0 : i32
        %dma_start3A_124 = tpu.memref_slice %arg7[%add3A_92, %dma_start3A_123] : memref<80x128xi32, #tpu.memory_space<vmem>> -> memref<1x128xi32, #tpu.memory_space<vmem>>
        %dma_start3A_125 = tpu.memref_squeeze %dma_start3A_124 : memref<1x128xi32, #tpu.memory_space<vmem>> -> memref<128xi32, #tpu.memory_space<vmem>>
        %dma_start3A_126 = arith.constant 0 : i32
        %dma_start3A_127 = arith.constant 0 : i32
        %dma_start3A_128 = tpu.memref_slice %arg13[%dma_start3A_126, %dma_start3A_127] : memref<10240x64xf32, #tpu.memory_space<vmem_shared>> -> memref<10240x64xf32, #tpu.memory_space<vmem_shared>>
        tpu.enqueue_indirect_dma source(%arg11 : memref<128x64xf32, #tpu.memory_space<vmem>>) target(%dma_start3A_128 : memref<10240x64xf32, #tpu.memory_space<vmem_shared>>) offsets(%dma_start3A_125 : memref<128xi32, #tpu.memory_space<vmem>>) semaphore(%run_scoped3A : memref<!tpu.dma_semaphore, #tpu.memory_space<semaphore_mem>>) {add = true}
        %dma_wait3A_129 = arith.constant 0 : i32
        %dma_wait3A_130 = tpu.memref_slice %arg7[%add3A_92, %dma_wait3A_129] : memref<80x128xi32, #tpu.memory_space<vmem>> -> memref<1x128xi32, #tpu.memory_space<vmem>>
        %dma_wait3A_131 = tpu.memref_squeeze %dma_wait3A_130 : memref<1x128xi32, #tpu.memory_space<vmem>> -> memref<128xi32, #tpu.memory_space<vmem>>
        %dma_wait3A_132 = arith.constant 0 : i32
        %dma_wait3A_133 = arith.constant 0 : i32
        %dma_wait3A_134 = tpu.memref_slice %arg13[%dma_wait3A_132, %dma_wait3A_133] : memref<10240x64xf32, #tpu.memory_space<vmem_shared>> -> memref<10240x64xf32, #tpu.memory_space<vmem_shared>>
        tpu.wait_indirect_dma semaphore(%run_scoped3A : memref<!tpu.dma_semaphore, #tpu.memory_space<semaphore_mem>>) src(%arg11 : memref<128x64xf32, #tpu.memory_space<vmem>>) dst(%dma_wait3A_134 : memref<10240x64xf32, #tpu.memory_space<vmem_shared>>)
        tpu.yield
      }) : () -> ()
      %add3A_99 = arith.constant 4 : i32
      %add3A_100 = arith.addi %add3A_92, %add3A_99 : i32
      %lt3A_101 = arith.constant 80 : i32
      %lt3A_102 = arith.cmpi slt, %add3A_100, %lt3A_101 : i32
      %convert_element_type3A_103 = arith.extui %lt3A_102 : i1 to i32
      %cond3A_104 = arith.constant 0 : i32
      %cond3A_105 = arith.cmpi ne, %convert_element_type3A_103, %cond3A_104 : i32
      scf.if %cond3A_105 {
        %add3A_123 = arith.constant 4 : i32
        %add3A_124 = arith.addi %add3A_92, %add3A_123 : i32
        %dma_start3A_125 = arith.constant 0 : i32
        %dma_start3A_126 = tpu.memref_slice %arg6[%add3A_124, %dma_start3A_125] : memref<80x128xi32, #tpu.memory_space<vmem>> -> memref<1x128xi32, #tpu.memory_space<vmem>>
        %dma_start3A_127 = tpu.memref_squeeze %dma_start3A_126 : memref<1x128xi32, #tpu.memory_space<vmem>> -> memref<128xi32, #tpu.memory_space<vmem>>
        %dma_start3A_128 = arith.constant 0 : i32
        %dma_start3A_129 = arith.constant 0 : i32
        %dma_start3A_130 = tpu.memref_slice %arg2[%dma_start3A_128, %dma_start3A_129] : memref<10000x64xf32, #tpu.memory_space<hbm>> -> memref<10000x64xf32, #tpu.memory_space<hbm>>
        tpu.enqueue_indirect_dma source(%dma_start3A_130 : memref<10000x64xf32, #tpu.memory_space<hbm>>) target(%arg11 : memref<128x64xf32, #tpu.memory_space<vmem>>) offsets(%dma_start3A_127 : memref<128xi32, #tpu.memory_space<vmem>>) semaphore(%arg16 : memref<!tpu.dma_semaphore, #tpu.memory_space<semaphore_mem>>)
      } else {
      }
      %mul3A_106 = arith.constant 4 : i32
      %mul3A_107 = arith.muli %mul3A_106, %add3A_58 : i32
      %add3A_108 = arith.constant 3 : i32
      %add3A_109 = arith.addi %mul3A_107, %add3A_108 : i32
      %dma_wait3A_110 = arith.constant 0 : i32
      %dma_wait3A_111 = tpu.memref_slice %arg6[%add3A_109, %dma_wait3A_110] : memref<80x128xi32, #tpu.memory_space<vmem>> -> memref<1x128xi32, #tpu.memory_space<vmem>>
      %dma_wait3A_112 = tpu.memref_squeeze %dma_wait3A_111 : memref<1x128xi32, #tpu.memory_space<vmem>> -> memref<128xi32, #tpu.memory_space<vmem>>
      %dma_wait3A_113 = arith.constant 0 : i32
      %dma_wait3A_114 = arith.constant 0 : i32
      %dma_wait3A_115 = tpu.memref_slice %arg2[%dma_wait3A_113, %dma_wait3A_114] : memref<10000x64xf32, #tpu.memory_space<hbm>> -> memref<10000x64xf32, #tpu.memory_space<hbm>>
      tpu.wait_indirect_dma semaphore(%arg17 : memref<!tpu.dma_semaphore, #tpu.memory_space<semaphore_mem>>) src(%dma_wait3A_115 : memref<10000x64xf32, #tpu.memory_space<hbm>>) dst(%arg12 : memref<128x64xf32, #tpu.memory_space<vmem>>)
      "tpu.region"() ({
        %run_scoped3A = tpu.sem_alloc : memref<!tpu.dma_semaphore, #tpu.memory_space<semaphore_mem>>
        %dma_start3A_123 = arith.constant 0 : i32
        %dma_start3A_124 = tpu.memref_slice %arg7[%add3A_109, %dma_start3A_123] : memref<80x128xi32, #tpu.memory_space<vmem>> -> memref<1x128xi32, #tpu.memory_space<vmem>>
        %dma_start3A_125 = tpu.memref_squeeze %dma_start3A_124 : memref<1x128xi32, #tpu.memory_space<vmem>> -> memref<128xi32, #tpu.memory_space<vmem>>
        %dma_start3A_126 = arith.constant 0 : i32
        %dma_start3A_127 = arith.constant 0 : i32
        %dma_start3A_128 = tpu.memref_slice %arg13[%dma_start3A_126, %dma_start3A_127] : memref<10240x64xf32, #tpu.memory_space<vmem_shared>> -> memref<10240x64xf32, #tpu.memory_space<vmem_shared>>
        tpu.enqueue_indirect_dma source(%arg12 : memref<128x64xf32, #tpu.memory_space<vmem>>) target(%dma_start3A_128 : memref<10240x64xf32, #tpu.memory_space<vmem_shared>>) offsets(%dma_start3A_125 : memref<128xi32, #tpu.memory_space<vmem>>) semaphore(%run_scoped3A : memref<!tpu.dma_semaphore, #tpu.memory_space<semaphore_mem>>) {add = true}
        %dma_wait3A_129 = arith.constant 0 : i32
        %dma_wait3A_130 = tpu.memref_slice %arg7[%add3A_109, %dma_wait3A_129] : memref<80x128xi32, #tpu.memory_space<vmem>> -> memref<1x128xi32, #tpu.memory_space<vmem>>
        %dma_wait3A_131 = tpu.memref_squeeze %dma_wait3A_130 : memref<1x128xi32, #tpu.memory_space<vmem>> -> memref<128xi32, #tpu.memory_space<vmem>>
        %dma_wait3A_132 = arith.constant 0 : i32
        %dma_wait3A_133 = arith.constant 0 : i32
        %dma_wait3A_134 = tpu.memref_slice %arg13[%dma_wait3A_132, %dma_wait3A_133] : memref<10240x64xf32, #tpu.memory_space<vmem_shared>> -> memref<10240x64xf32, #tpu.memory_space<vmem_shared>>
        tpu.wait_indirect_dma semaphore(%run_scoped3A : memref<!tpu.dma_semaphore, #tpu.memory_space<semaphore_mem>>) src(%arg12 : memref<128x64xf32, #tpu.memory_space<vmem>>) dst(%dma_wait3A_134 : memref<10240x64xf32, #tpu.memory_space<vmem_shared>>)
        tpu.yield
      }) : () -> ()
      %add3A_116 = arith.constant 4 : i32
      %add3A_117 = arith.addi %add3A_109, %add3A_116 : i32
      %lt3A_118 = arith.constant 80 : i32
      %lt3A_119 = arith.cmpi slt, %add3A_117, %lt3A_118 : i32
      %convert_element_type3A_120 = arith.extui %lt3A_119 : i1 to i32
      %cond3A_121 = arith.constant 0 : i32
      %cond3A_122 = arith.cmpi ne, %convert_element_type3A_120, %cond3A_121 : i32
      scf.if %cond3A_122 {
        %add3A_123 = arith.constant 4 : i32
        %add3A_124 = arith.addi %add3A_109, %add3A_123 : i32
        %dma_start3A_125 = arith.constant 0 : i32
        %dma_start3A_126 = tpu.memref_slice %arg6[%add3A_124, %dma_start3A_125] : memref<80x128xi32, #tpu.memory_space<vmem>> -> memref<1x128xi32, #tpu.memory_space<vmem>>
        %dma_start3A_127 = tpu.memref_squeeze %dma_start3A_126 : memref<1x128xi32, #tpu.memory_space<vmem>> -> memref<128xi32, #tpu.memory_space<vmem>>
        %dma_start3A_128 = arith.constant 0 : i32
        %dma_start3A_129 = arith.constant 0 : i32
        %dma_start3A_130 = tpu.memref_slice %arg2[%dma_start3A_128, %dma_start3A_129] : memref<10000x64xf32, #tpu.memory_space<hbm>> -> memref<10000x64xf32, #tpu.memory_space<hbm>>
        tpu.enqueue_indirect_dma source(%dma_start3A_130 : memref<10000x64xf32, #tpu.memory_space<hbm>>) target(%arg12 : memref<128x64xf32, #tpu.memory_space<vmem>>) offsets(%dma_start3A_127 : memref<128xi32, #tpu.memory_space<vmem>>) semaphore(%arg17 : memref<!tpu.dma_semaphore, #tpu.memory_space<semaphore_mem>>)
      } else {
      }
    }
    %scan3A_46 = arith.constant 20 : i32
    %barrier3A_47 = arith.constant 0 : index
    tpu.barrier barrier_id(%barrier3A_47)
    %mul3A_48 = arith.constant 625 : i32
    %mul3A_49 = arith.muli %arg1, %mul3A_48 : i32
    %mul3A_50 = arith.constant 625 : i32
    %mul3A_51 = arith.muli %arg1, %mul3A_50 : i32
    %mul3A_52 = arith.constant 64 : i32
    %mul3A_53 = arith.muli %arg0, %mul3A_52 : i32
    "tpu.region"() ({
      %run_scoped3A = tpu.sem_alloc : memref<!tpu.dma_semaphore, #tpu.memory_space<semaphore_mem>>
      %dma_start3A_54 = tpu.memref_slice %arg5[%mul3A_51, %mul3A_53] : memref<10000x128xf32, #tpu.memory_space<hbm>> -> memref<625x64xf32, #tpu.memory_space<hbm>>
      %dma_start3A_55 = arith.constant 0 : i32
      %dma_start3A_56 = tpu.memref_slice %arg13[%mul3A_49, %dma_start3A_55] : memref<10240x64xf32, #tpu.memory_space<vmem_shared>> -> memref<625x64xf32, #tpu.memory_space<vmem_shared>>
      tpu.enqueue_dma source(%dma_start3A_56 : memref<625x64xf32, #tpu.memory_space<vmem_shared>>) target(%dma_start3A_54 : memref<625x64xf32, #tpu.memory_space<hbm>>) target_semaphore(%run_scoped3A : memref<!tpu.dma_semaphore, #tpu.memory_space<semaphore_mem>>)
      %dma_wait3A = tpu.memref_slice %arg5[%mul3A_51, %mul3A_53] : memref<10000x128xf32, #tpu.memory_space<hbm>> -> memref<625x64xf32, #tpu.memory_space<hbm>>
      %dma_wait3A_57 = arith.constant 0 : i32
      %dma_wait3A_58 = tpu.memref_slice %arg13[%mul3A_49, %dma_wait3A_57] : memref<10240x64xf32, #tpu.memory_space<vmem_shared>> -> memref<625x64xf32, #tpu.memory_space<vmem_shared>>
      tpu.wait_dma2 semaphore(%run_scoped3A : memref<!tpu.dma_semaphore, #tpu.memory_space<semaphore_mem>>) src(%dma_wait3A_58 : memref<625x64xf32, #tpu.memory_space<vmem_shared>>) dst(%dma_wait3A : memref<625x64xf32, #tpu.memory_space<hbm>>)
      tpu.yield
    }) : () -> ()
    return
  }
}

#map = affine_map<(d0, d1) -> (0, 0)>
module attributes {stable_mosaic.version = 14 : i64} {
  func.func @body(%arg0: i32, %arg1: i32, %arg2: memref<10000x64xf32, #tpu.memory_space<hbm>>, %arg3: memref<2560x128xi32, #tpu.memory_space<hbm>>, %arg4: memref<2560x128xi32, #tpu.memory_space<hbm>>, %arg5: memref<10000x128xf32, #tpu.memory_space<hbm>>, %arg6: memref<80x128xi32, #tpu.memory_space<vmem>>, %arg7: memref<80x128xi32, #tpu.memory_space<vmem>>, %arg8: memref<128x64xf32, #tpu.memory_space<vmem>>, %arg9: memref<128x64xf32, #tpu.memory_space<vmem>>, %arg10: memref<128x64xf32, #tpu.memory_space<vmem>>, %arg11: memref<128x64xf32, #tpu.memory_space<vmem>>, %arg12: memref<128x64xf32, #tpu.memory_space<vmem>>, %arg13: memref<10240x64xf32, #tpu.memory_space<vmem_shared>>, %arg14: memref<!tpu.dma_semaphore, #tpu.memory_space<semaphore_mem>>, %arg15: memref<!tpu.dma_semaphore, #tpu.memory_space<semaphore_mem>>, %arg16: memref<!tpu.dma_semaphore, #tpu.memory_space<semaphore_mem>>, %arg17: memref<!tpu.dma_semaphore, #tpu.memory_space<semaphore_mem>>) attributes {dimension_semantics = [#tpu.dimension_semantics<core_parallel>, #tpu.dimension_semantics<subcore_parallel>], iteration_bounds = array<i64: 2, 16>, scalar_prefetch = 0 : i64, scratch_operands = 12 : i64, tpu.core_type = #tpu.core_type<sc_vector_subcore>, window_params = [{transform_indices = #map}, {transform_indices = #map}, {transform_indices = #map}, {transform_indices = #map}]} {
    %mul3A = arith.constant 16 : i32
    %mul3A_0 = arith.muli %arg0, %mul3A : i32
    %add3A = arith.addi %mul3A_0, %arg1 : i32
    %broadcast_in_dim3A = arith.constant 0.000000e+00 : f32
    %broadcast_in_dim3A_1 = vector.broadcast %broadcast_in_dim3A : f32 to vector<16xf32>
    %scan3A = arith.constant 0 : i32
    %scan3A_2 = arith.constant 128 : i32
    %scan3A_3 = arith.addi %scan3A, %scan3A_2 : i32
    %scan3A_4 = arith.constant 1 : i32
    scf.for %scan3A_54 = %scan3A to %scan3A_3 step %scan3A_4  : i32 {
      %mul3A_55 = arith.constant 1 : i32
      %mul3A_56 = arith.muli %scan3A_54, %mul3A_55 : i32
      %add3A_57 = arith.constant 0 : i32
      %add3A_58 = arith.addi %add3A_57, %mul3A_56 : i32
      %scan3A_59 = arith.constant 0 : i32
      %scan3A_60 = arith.constant 4 : i32
      %scan3A_61 = arith.addi %scan3A_59, %scan3A_60 : i32
      %scan3A_62 = arith.constant 1 : i32
      scf.for %scan3A_64 = %scan3A_59 to %scan3A_61 step %scan3A_62  : i32 {
        %mul3A_65 = arith.constant 16 : i32
        %mul3A_66 = arith.muli %scan3A_64, %mul3A_65 : i32
        %add3A_67 = arith.constant 0 : i32
        %add3A_68 = arith.addi %add3A_67, %mul3A_66 : i32
        %swap3A = arith.index_cast %add3A_58 : i32 to index
        %swap3A_69 = arith.index_cast %add3A_68 : i32 to index
        %swap3A_70 = tpu.vector_load %arg8[%swap3A, %swap3A_69] {strides = array<i32>} : memref<128x64xf32, #tpu.memory_space<vmem>>, vector<1x16xf32>,
        %swap3A_71 = vector.shape_cast %swap3A_70 : vector<1x16xf32> to vector<16xf32>
        %swap3A_72 = vector.shape_cast %broadcast_in_dim3A_1 : vector<16xf32> to vector<1x16xf32>
        tpu.vector_store %arg8[%swap3A, %swap3A_69], %swap3A_72 {strides = array<i32>} : memref<128x64xf32, #tpu.memory_space<vmem>>, vector<1x16xf32>,
      }
      %scan3A_63 = arith.constant 4 : i32
    }
    %scan3A_5 = arith.constant 128 : i32
    %scan3A_6 = arith.constant 0 : i32
    %scan3A_7 = arith.constant 5 : i32
    %scan3A_8 = arith.addi %scan3A_6, %scan3A_7 : i32
    %scan3A_9 = arith.constant 1 : i32
    scf.for %scan3A_54 = %scan3A_6 to %scan3A_8 step %scan3A_9  : i32 {
      %mul3A_55 = arith.constant 128 : i32
      %mul3A_56 = arith.muli %scan3A_54, %mul3A_55 : i32
      %add3A_57 = arith.constant 0 : i32
      %add3A_58 = arith.addi %add3A_57, %mul3A_56 : i32
      %mul3A_59 = arith.constant 640 : i32
      %mul3A_60 = arith.muli %arg1, %mul3A_59 : i32
      %add3A_61 = arith.addi %mul3A_60, %add3A_58 : i32
      "tpu.region"() ({
        %run_scoped3A = tpu.sem_alloc : memref<!tpu.dma_semaphore, #tpu.memory_space<semaphore_mem>>
        %dma_start3A_62 = arith.constant 0 : i32
        %dma_start3A_63 = tpu.memref_slice %arg13[%add3A_61, %dma_start3A_62] : memref<10240x64xf32, #tpu.memory_space<vmem_shared>> -> memref<128x64xf32, #tpu.memory_space<vmem_shared>>
        %dma_start3A_64 = arith.constant 0 : i32
        %dma_start3A_65 = tpu.memref_slice %arg13[%add3A_61, %dma_start3A_64] : memref<10240x64xf32, #tpu.memory_space<vmem_shared>> -> memref<128x64xf32, #tpu.memory_space<vmem_shared>>
        tpu.enqueue_dma source(%arg8 : memref<128x64xf32, #tpu.memory_space<vmem>>) target(%dma_start3A_65 : memref<128x64xf32, #tpu.memory_space<vmem_shared>>) target_semaphore(%run_scoped3A : memref<!tpu.dma_semaphore, #tpu.memory_space<semaphore_mem>>)
        %dma_wait3A = arith.constant 0 : i32
        %dma_wait3A_66 = tpu.memref_slice %arg13[%add3A_61, %dma_wait3A] : memref<10240x64xf32, #tpu.memory_space<vmem_shared>> -> memref<128x64xf32, #tpu.memory_space<vmem_shared>>
        %dma_wait3A_67 = arith.constant 0 : i32
        %dma_wait3A_68 = tpu.memref_slice %arg13[%add3A_61, %dma_wait3A_67] : memref<10240x64xf32, #tpu.memory_space<vmem_shared>> -> memref<128x64xf32, #tpu.memory_space<vmem_shared>>
        tpu.wait_dma2 semaphore(%run_scoped3A : memref<!tpu.dma_semaphore, #tpu.memory_space<semaphore_mem>>) src(%arg8 : memref<128x64xf32, #tpu.memory_space<vmem>>) dst(%dma_wait3A_68 : memref<128x64xf32, #tpu.memory_space<vmem_shared>>)
        tpu.yield
      }) : () -> ()
    }
    %scan3A_10 = arith.constant 5 : i32
    %mul3A_11 = arith.constant 80 : i32
    %mul3A_12 = arith.muli %add3A, %mul3A_11 : i32
    "tpu.region"() ({
      %run_scoped3A = tpu.sem_alloc : memref<!tpu.dma_semaphore, #tpu.memory_space<semaphore_mem>>
      %dma_start3A_54 = arith.constant 0 : i32
      %dma_start3A_55 = tpu.memref_slice %arg3[%mul3A_12, %dma_start3A_54] : memref<2560x128xi32, #tpu.memory_space<hbm>> -> memref<80x128xi32, #tpu.memory_space<hbm>>
      %dma_start3A_56 = arith.constant 0 : i32
      %dma_start3A_57 = tpu.memref_slice %arg3[%mul3A_12, %dma_start3A_56] : memref<2560x128xi32, #tpu.memory_space<hbm>> -> memref<80x128xi32, #tpu.memory_space<hbm>>
      tpu.enqueue_dma source(%dma_start3A_57 : memref<80x128xi32, #tpu.memory_space<hbm>>) target(%arg6 : memref<80x128xi32, #tpu.memory_space<vmem>>) target_semaphore(%run_scoped3A : memref<!tpu.dma_semaphore, #tpu.memory_space<semaphore_mem>>)
      %dma_wait3A = arith.constant 0 : i32
      %dma_wait3A_58 = tpu.memref_slice %arg3[%mul3A_12, %dma_wait3A] : memref<2560x128xi32, #tpu.memory_space<hbm>> -> memref<80x128xi32, #tpu.memory_space<hbm>>
      %dma_wait3A_59 = arith.constant 0 : i32
      %dma_wait3A_60 = tpu.memref_slice %arg3[%mul3A_12, %dma_wait3A_59] : memref<2560x128xi32, #tpu.memory_space<hbm>> -> memref<80x128xi32, #tpu.memory_space<hbm>>
      tpu.wait_dma2 semaphore(%run_scoped3A : memref<!tpu.dma_semaphore, #tpu.memory_space<semaphore_mem>>) src(%dma_wait3A_60 : memref<80x128xi32, #tpu.memory_space<hbm>>) dst(%arg6 : memref<80x128xi32, #tpu.memory_space<vmem>>)
      tpu.yield
    }) : () -> ()
    %mul3A_13 = arith.constant 80 : i32
    %mul3A_14 = arith.muli %add3A, %mul3A_13 : i32
    "tpu.region"() ({
      %run_scoped3A = tpu.sem_alloc : memref<!tpu.dma_semaphore, #tpu.memory_space<semaphore_mem>>
      %dma_start3A_54 = arith.constant 0 : i32
      %dma_start3A_55 = tpu.memref_slice %arg4[%mul3A_14, %dma_start3A_54] : memref<2560x128xi32, #tpu.memory_space<hbm>> -> memref<80x128xi32, #tpu.memory_space<hbm>>
      %dma_start3A_56 = arith.constant 0 : i32
      %dma_start3A_57 = tpu.memref_slice %arg4[%mul3A_14, %dma_start3A_56] : memref<2560x128xi32, #tpu.memory_space<hbm>> -> memref<80x128xi32, #tpu.memory_space<hbm>>
      tpu.enqueue_dma source(%dma_start3A_57 : memref<80x128xi32, #tpu.memory_space<hbm>>) target(%arg7 : memref<80x128xi32, #tpu.memory_space<vmem>>) target_semaphore(%run_scoped3A : memref<!tpu.dma_semaphore, #tpu.memory_space<semaphore_mem>>)
      %dma_wait3A = arith.constant 0 : i32
      %dma_wait3A_58 = tpu.memref_slice %arg4[%mul3A_14, %dma_wait3A] : memref<2560x128xi32, #tpu.memory_space<hbm>> -> memref<80x128xi32, #tpu.memory_space<hbm>>
      %dma_wait3A_59 = arith.constant 0 : i32
      %dma_wait3A_60 = tpu.memref_slice %arg4[%mul3A_14, %dma_wait3A_59] : memref<2560x128xi32, #tpu.memory_space<hbm>> -> memref<80x128xi32, #tpu.memory_space<hbm>>
      tpu.wait_dma2 semaphore(%run_scoped3A : memref<!tpu.dma_semaphore, #tpu.memory_space<semaphore_mem>>) src(%dma_wait3A_60 : memref<80x128xi32, #tpu.memory_space<hbm>>) dst(%arg7 : memref<80x128xi32, #tpu.memory_space<vmem>>)
      tpu.yield
    }) : () -> ()
    %dma_start3A = arith.constant 0 : i32
    %dma_start3A_15 = arith.constant 0 : i32
    %dma_start3A_16 = tpu.memref_slice %arg6[%dma_start3A, %dma_start3A_15] : memref<80x128xi32, #tpu.memory_space<vmem>> -> memref<1x128xi32, #tpu.memory_space<vmem>>
    %dma_start3A_17 = tpu.memref_squeeze %dma_start3A_16 : memref<1x128xi32, #tpu.memory_space<vmem>> -> memref<128xi32, #tpu.memory_space<vmem>>
    %dma_start3A_18 = arith.constant 0 : i32
    %dma_start3A_19 = arith.constant 0 : i32
    %dma_start3A_20 = tpu.memref_slice %arg2[%dma_start3A_18, %dma_start3A_19] : memref<10000x64xf32, #tpu.memory_space<hbm>> -> memref<10000x64xf32, #tpu.memory_space<hbm>>
    tpu.enqueue_indirect_dma source(%dma_start3A_20 : memref<10000x64xf32, #tpu.memory_space<hbm>>) target(%arg9 : memref<128x64xf32, #tpu.memory_space<vmem>>) offsets(%dma_start3A_17 : memref<128xi32, #tpu.memory_space<vmem>>) semaphore(%arg14 : memref<!tpu.dma_semaphore, #tpu.memory_space<semaphore_mem>>)
    %dma_start3A_21 = arith.constant 1 : i32
    %dma_start3A_22 = arith.constant 0 : i32
    %dma_start3A_23 = tpu.memref_slice %arg6[%dma_start3A_21, %dma_start3A_22] : memref<80x128xi32, #tpu.memory_space<vmem>> -> memref<1x128xi32, #tpu.memory_space<vmem>>
    %dma_start3A_24 = tpu.memref_squeeze %dma_start3A_23 : memref<1x128xi32, #tpu.memory_space<vmem>> -> memref<128xi32, #tpu.memory_space<vmem>>
    %dma_start3A_25 = arith.constant 0 : i32
    %dma_start3A_26 = arith.constant 0 : i32
    %dma_start3A_27 = tpu.memref_slice %arg2[%dma_start3A_25, %dma_start3A_26] : memref<10000x64xf32, #tpu.memory_space<hbm>> -> memref<10000x64xf32, #tpu.memory_space<hbm>>
    tpu.enqueue_indirect_dma source(%dma_start3A_27 : memref<10000x64xf32, #tpu.memory_space<hbm>>) target(%arg10 : memref<128x64xf32, #tpu.memory_space<vmem>>) offsets(%dma_start3A_24 : memref<128xi32, #tpu.memory_space<vmem>>) semaphore(%arg15 : memref<!tpu.dma_semaphore, #tpu.memory_space<semaphore_mem>>)
    %dma_start3A_28 = arith.constant 2 : i32
    %dma_start3A_29 = arith.constant 0 : i32
    %dma_start3A_30 = tpu.memref_slice %arg6[%dma_start3A_28, %dma_start3A_29] : memref<80x128xi32, #tpu.memory_space<vmem>> -> memref<1x128xi32, #tpu.memory_space<vmem>>
    %dma_start3A_31 = tpu.memref_squeeze %dma_start3A_30 : memref<1x128xi32, #tpu.memory_space<vmem>> -> memref<128xi32, #tpu.memory_space<vmem>>
    %dma_start3A_32 = arith.constant 0 : i32
    %dma_start3A_33 = arith.constant 0 : i32
    %dma_start3A_34 = tpu.memref_slice %arg2[%dma_start3A_32, %dma_start3A_33] : memref<10000x64xf32, #tpu.memory_space<hbm>> -> memref<10000x64xf32, #tpu.memory_space<hbm>>
    tpu.enqueue_indirect_dma source(%dma_start3A_34 : memref<10000x64xf32, #tpu.memory_space<hbm>>) target(%arg11 : memref<128x64xf32, #tpu.memory_space<vmem>>) offsets(%dma_start3A_31 : memref<128xi32, #tpu.memory_space<vmem>>) semaphore(%arg16 : memref<!tpu.dma_semaphore, #tpu.memory_space<semaphore_mem>>)
    %dma_start3A_35 = arith.constant 3 : i32
    %dma_start3A_36 = arith.constant 0 : i32
    %dma_start3A_37 = tpu.memref_slice %arg6[%dma_start3A_35, %dma_start3A_36] : memref<80x128xi32, #tpu.memory_space<vmem>> -> memref<1x128xi32, #tpu.memory_space<vmem>>
    %dma_start3A_38 = tpu.memref_squeeze %dma_start3A_37 : memref<1x128xi32, #tpu.memory_space<vmem>> -> memref<128xi32, #tpu.memory_space<vmem>>
    %dma_start3A_39 = arith.constant 0 : i32
    %dma_start3A_40 = arith.constant 0 : i32
    %dma_start3A_41 = tpu.memref_slice %arg2[%dma_start3A_39, %dma_start3A_40] : memref<10000x64xf32, #tpu.memory_space<hbm>> -> memref<10000x64xf32, #tpu.memory_space<hbm>>
    tpu.enqueue_indirect_dma source(%dma_start3A_41 : memref<10000x64xf32, #tpu.memory_space<hbm>>) target(%arg12 : memref<128x64xf32, #tpu.memory_space<vmem>>) offsets(%dma_start3A_38 : memref<128xi32, #tpu.memory_space<vmem>>) semaphore(%arg17 : memref<!tpu.dma_semaphore, #tpu.memory_space<semaphore_mem>>)
    %barrier3A = arith.constant 0 : index
    tpu.barrier barrier_id(%barrier3A)
    %scan3A_42 = arith.constant 0 : i32
    %scan3A_43 = arith.constant 20 : i32
    %scan3A_44 = arith.addi %scan3A_42, %scan3A_43 : i32
    %scan3A_45 = arith.constant 1 : i32
    scf.for %scan3A_54 = %scan3A_42 to %scan3A_44 step %scan3A_45  : i32 {
      %mul3A_55 = arith.constant 1 : i32
      %mul3A_56 = arith.muli %scan3A_54, %mul3A_55 : i32
      %add3A_57 = arith.constant 0 : i32
      %add3A_58 = arith.addi %add3A_57, %mul3A_56 : i32
      %mul3A_59 = arith.constant 4 : i32
      %mul3A_60 = arith.muli %mul3A_59, %add3A_58 : i32
      %add3A_61 = arith.constant 0 : i32
      %add3A_62 = arith.addi %mul3A_60, %add3A_61 : i32
      %dma_wait3A = arith.constant 0 : i32
      %dma_wait3A_63 = tpu.memref_slice %arg6[%add3A_62, %dma_wait3A] : memref<80x128xi32, #tpu.memory_space<vmem>> -> memref<1x128xi32, #tpu.memory_space<vmem>>
      %dma_wait3A_64 = tpu.memref_squeeze %dma_wait3A_63 : memref<1x128xi32, #tpu.memory_space<vmem>> -> memref<128xi32, #tpu.memory_space<vmem>>
      %dma_wait3A_65 = arith.constant 0 : i32
      %dma_wait3A_66 = arith.constant 0 : i32
      %dma_wait3A_67 = tpu.memref_slice %arg2[%dma_wait3A_65, %dma_wait3A_66] : memref<10000x64xf32, #tpu.memory_space<hbm>> -> memref<10000x64xf32, #tpu.memory_space<hbm>>
      tpu.wait_indirect_dma semaphore(%arg14 : memref<!tpu.dma_semaphore, #tpu.memory_space<semaphore_mem>>) src(%dma_wait3A_67 : memref<10000x64xf32, #tpu.memory_space<hbm>>) dst(%arg9 : memref<128x64xf32, #tpu.memory_space<vmem>>)
      "tpu.region"() ({
        %run_scoped3A = tpu.sem_alloc : memref<!tpu.dma_semaphore, #tpu.memory_space<semaphore_mem>>
        %dma_start3A_123 = arith.constant 0 : i32
        %dma_start3A_124 = tpu.memref_slice %arg7[%add3A_62, %dma_start3A_123] : memref<80x128xi32, #tpu.memory_space<vmem>> -> memref<1x128xi32, #tpu.memory_space<vmem>>
        %dma_start3A_125 = tpu.memref_squeeze %dma_start3A_124 : memref<1x128xi32, #tpu.memory_space<vmem>> -> memref<128xi32, #tpu.memory_space<vmem>>
        %dma_start3A_126 = arith.constant 0 : i32
        %dma_start3A_127 = arith.constant 0 : i32
        %dma_start3A_128 = tpu.memref_slice %arg13[%dma_start3A_126, %dma_start3A_127] : memref<10240x64xf32, #tpu.memory_space<vmem_shared>> -> memref<10240x64xf32, #tpu.memory_space<vmem_shared>>
        tpu.enqueue_indirect_dma source(%arg9 : memref<128x64xf32, #tpu.memory_space<vmem>>) target(%dma_start3A_128 : memref<10240x64xf32, #tpu.memory_space<vmem_shared>>) offsets(%dma_start3A_125 : memref<128xi32, #tpu.memory_space<vmem>>) semaphore(%run_scoped3A : memref<!tpu.dma_semaphore, #tpu.memory_space<semaphore_mem>>) {add = true}
        %dma_wait3A_129 = arith.constant 0 : i32
        %dma_wait3A_130 = tpu.memref_slice %arg7[%add3A_62, %dma_wait3A_129] : memref<80x128xi32, #tpu.memory_space<vmem>> -> memref<1x128xi32, #tpu.memory_space<vmem>>
        %dma_wait3A_131 = tpu.memref_squeeze %dma_wait3A_130 : memref<1x128xi32, #tpu.memory_space<vmem>> -> memref<128xi32, #tpu.memory_space<vmem>>
        %dma_wait3A_132 = arith.constant 0 : i32
        %dma_wait3A_133 = arith.constant 0 : i32
        %dma_wait3A_134 = tpu.memref_slice %arg13[%dma_wait3A_132, %dma_wait3A_133] : memref<10240x64xf32, #tpu.memory_space<vmem_shared>> -> memref<10240x64xf32, #tpu.memory_space<vmem_shared>>
        tpu.wait_indirect_dma semaphore(%run_scoped3A : memref<!tpu.dma_semaphore, #tpu.memory_space<semaphore_mem>>) src(%arg9 : memref<128x64xf32, #tpu.memory_space<vmem>>) dst(%dma_wait3A_134 : memref<10240x64xf32, #tpu.memory_space<vmem_shared>>)
        tpu.yield
      }) : () -> ()
      %add3A_68 = arith.constant 4 : i32
      %add3A_69 = arith.addi %add3A_62, %add3A_68 : i32
      %lt3A = arith.constant 80 : i32
      %lt3A_70 = arith.cmpi slt, %add3A_69, %lt3A : i32
      %convert_element_type3A = arith.extui %lt3A_70 : i1 to i32
      %cond3A = arith.constant 0 : i32
      %cond3A_71 = arith.cmpi ne, %convert_element_type3A, %cond3A : i32
      scf.if %cond3A_71 {
        %add3A_123 = arith.constant 4 : i32
        %add3A_124 = arith.addi %add3A_62, %add3A_123 : i32
        %dma_start3A_125 = arith.constant 0 : i32
        %dma_start3A_126 = tpu.memref_slice %arg6[%add3A_124, %dma_start3A_125] : memref<80x128xi32, #tpu.memory_space<vmem>> -> memref<1x128xi32, #tpu.memory_space<vmem>>
        %dma_start3A_127 = tpu.memref_squeeze %dma_start3A_126 : memref<1x128xi32, #tpu.memory_space<vmem>> -> memref<128xi32, #tpu.memory_space<vmem>>
        %dma_start3A_128 = arith.constant 0 : i32
        %dma_start3A_129 = arith.constant 0 : i32
        %dma_start3A_130 = tpu.memref_slice %arg2[%dma_start3A_128, %dma_start3A_129] : memref<10000x64xf32, #tpu.memory_space<hbm>> -> memref<10000x64xf32, #tpu.memory_space<hbm>>
        tpu.enqueue_indirect_dma source(%dma_start3A_130 : memref<10000x64xf32, #tpu.memory_space<hbm>>) target(%arg9 : memref<128x64xf32, #tpu.memory_space<vmem>>) offsets(%dma_start3A_127 : memref<128xi32, #tpu.memory_space<vmem>>) semaphore(%arg14 : memref<!tpu.dma_semaphore, #tpu.memory_space<semaphore_mem>>)
      } else {
      }
      %mul3A_72 = arith.constant 4 : i32
      %mul3A_73 = arith.muli %mul3A_72, %add3A_58 : i32
      %add3A_74 = arith.constant 1 : i32
      %add3A_75 = arith.addi %mul3A_73, %add3A_74 : i32
      %dma_wait3A_76 = arith.constant 0 : i32
      %dma_wait3A_77 = tpu.memref_slice %arg6[%add3A_75, %dma_wait3A_76] : memref<80x128xi32, #tpu.memory_space<vmem>> -> memref<1x128xi32, #tpu.memory_space<vmem>>
      %dma_wait3A_78 = tpu.memref_squeeze %dma_wait3A_77 : memref<1x128xi32, #tpu.memory_space<vmem>> -> memref<128xi32, #tpu.memory_space<vmem>>
      %dma_wait3A_79 = arith.constant 0 : i32
      %dma_wait3A_80 = arith.constant 0 : i32
      %dma_wait3A_81 = tpu.memref_slice %arg2[%dma_wait3A_79, %dma_wait3A_80] : memref<10000x64xf32, #tpu.memory_space<hbm>> -> memref<10000x64xf32, #tpu.memory_space<hbm>>
      tpu.wait_indirect_dma semaphore(%arg15 : memref<!tpu.dma_semaphore, #tpu.memory_space<semaphore_mem>>) src(%dma_wait3A_81 : memref<10000x64xf32, #tpu.memory_space<hbm>>) dst(%arg10 : memref<128x64xf32, #tpu.memory_space<vmem>>)
      "tpu.region"() ({
        %run_scoped3A = tpu.sem_alloc : memref<!tpu.dma_semaphore, #tpu.memory_space<semaphore_mem>>
        %dma_start3A_123 = arith.constant 0 : i32
        %dma_start3A_124 = tpu.memref_slice %arg7[%add3A_75, %dma_start3A_123] : memref<80x128xi32, #tpu.memory_space<vmem>> -> memref<1x128xi32, #tpu.memory_space<vmem>>
        %dma_start3A_125 = tpu.memref_squeeze %dma_start3A_124 : memref<1x128xi32, #tpu.memory_space<vmem>> -> memref<128xi32, #tpu.memory_space<vmem>>
        %dma_start3A_126 = arith.constant 0 : i32
        %dma_start3A_127 = arith.constant 0 : i32
        %dma_start3A_128 = tpu.memref_slice %arg13[%dma_start3A_126, %dma_start3A_127] : memref<10240x64xf32, #tpu.memory_space<vmem_shared>> -> memref<10240x64xf32, #tpu.memory_space<vmem_shared>>
        tpu.enqueue_indirect_dma source(%arg10 : memref<128x64xf32, #tpu.memory_space<vmem>>) target(%dma_start3A_128 : memref<10240x64xf32, #tpu.memory_space<vmem_shared>>) offsets(%dma_start3A_125 : memref<128xi32, #tpu.memory_space<vmem>>) semaphore(%run_scoped3A : memref<!tpu.dma_semaphore, #tpu.memory_space<semaphore_mem>>) {add = true}
        %dma_wait3A_129 = arith.constant 0 : i32
        %dma_wait3A_130 = tpu.memref_slice %arg7[%add3A_75, %dma_wait3A_129] : memref<80x128xi32, #tpu.memory_space<vmem>> -> memref<1x128xi32, #tpu.memory_space<vmem>>
        %dma_wait3A_131 = tpu.memref_squeeze %dma_wait3A_130 : memref<1x128xi32, #tpu.memory_space<vmem>> -> memref<128xi32, #tpu.memory_space<vmem>>
        %dma_wait3A_132 = arith.constant 0 : i32
        %dma_wait3A_133 = arith.constant 0 : i32
        %dma_wait3A_134 = tpu.memref_slice %arg13[%dma_wait3A_132, %dma_wait3A_133] : memref<10240x64xf32, #tpu.memory_space<vmem_shared>> -> memref<10240x64xf32, #tpu.memory_space<vmem_shared>>
        tpu.wait_indirect_dma semaphore(%run_scoped3A : memref<!tpu.dma_semaphore, #tpu.memory_space<semaphore_mem>>) src(%arg10 : memref<128x64xf32, #tpu.memory_space<vmem>>) dst(%dma_wait3A_134 : memref<10240x64xf32, #tpu.memory_space<vmem_shared>>)
        tpu.yield
      }) : () -> ()
      %add3A_82 = arith.constant 4 : i32
      %add3A_83 = arith.addi %add3A_75, %add3A_82 : i32
      %lt3A_84 = arith.constant 80 : i32
      %lt3A_85 = arith.cmpi slt, %add3A_83, %lt3A_84 : i32
      %convert_element_type3A_86 = arith.extui %lt3A_85 : i1 to i32
      %cond3A_87 = arith.constant 0 : i32
      %cond3A_88 = arith.cmpi ne, %convert_element_type3A_86, %cond3A_87 : i32
      scf.if %cond3A_88 {
        %add3A_123 = arith.constant 4 : i32
        %add3A_124 = arith.addi %add3A_75, %add3A_123 : i32
        %dma_start3A_125 = arith.constant 0 : i32
        %dma_start3A_126 = tpu.memref_slice %arg6[%add3A_124, %dma_start3A_125] : memref<80x128xi32, #tpu.memory_space<vmem>> -> memref<1x128xi32, #tpu.memory_space<vmem>>
        %dma_start3A_127 = tpu.memref_squeeze %dma_start3A_126 : memref<1x128xi32, #tpu.memory_space<vmem>> -> memref<128xi32, #tpu.memory_space<vmem>>
        %dma_start3A_128 = arith.constant 0 : i32
        %dma_start3A_129 = arith.constant 0 : i32
        %dma_start3A_130 = tpu.memref_slice %arg2[%dma_start3A_128, %dma_start3A_129] : memref<10000x64xf32, #tpu.memory_space<hbm>> -> memref<10000x64xf32, #tpu.memory_space<hbm>>
        tpu.enqueue_indirect_dma source(%dma_start3A_130 : memref<10000x64xf32, #tpu.memory_space<hbm>>) target(%arg10 : memref<128x64xf32, #tpu.memory_space<vmem>>) offsets(%dma_start3A_127 : memref<128xi32, #tpu.memory_space<vmem>>) semaphore(%arg15 : memref<!tpu.dma_semaphore, #tpu.memory_space<semaphore_mem>>)
      } else {
      }
      %mul3A_89 = arith.constant 4 : i32
      %mul3A_90 = arith.muli %mul3A_89, %add3A_58 : i32
      %add3A_91 = arith.constant 2 : i32
      %add3A_92 = arith.addi %mul3A_90, %add3A_91 : i32
      %dma_wait3A_93 = arith.constant 0 : i32
      %dma_wait3A_94 = tpu.memref_slice %arg6[%add3A_92, %dma_wait3A_93] : memref<80x128xi32, #tpu.memory_space<vmem>> -> memref<1x128xi32, #tpu.memory_space<vmem>>
      %dma_wait3A_95 = tpu.memref_squeeze %dma_wait3A_94 : memref<1x128xi32, #tpu.memory_space<vmem>> -> memref<128xi32, #tpu.memory_space<vmem>>
      %dma_wait3A_96 = arith.constant 0 : i32
      %dma_wait3A_97 = arith.constant 0 : i32
      %dma_wait3A_98 = tpu.memref_slice %arg2[%dma_wait3A_96, %dma_wait3A_97] : memref<10000x64xf32, #tpu.memory_space<hbm>> -> memref<10000x64xf32, #tpu.memory_space<hbm>>
      tpu.wait_indirect_dma semaphore(%arg16 : memref<!tpu.dma_semaphore, #tpu.memory_space<semaphore_mem>>) src(%dma_wait3A_98 : memref<10000x64xf32, #tpu.memory_space<hbm>>) dst(%arg11 : memref<128x64xf32, #tpu.memory_space<vmem>>)
      "tpu.region"() ({
        %run_scoped3A = tpu.sem_alloc : memref<!tpu.dma_semaphore, #tpu.memory_space<semaphore_mem>>
        %dma_start3A_123 = arith.constant 0 : i32
        %dma_start3A_124 = tpu.memref_slice %arg7[%add3A_92, %dma_start3A_123] : memref<80x128xi32, #tpu.memory_space<vmem>> -> memref<1x128xi32, #tpu.memory_space<vmem>>
        %dma_start3A_125 = tpu.memref_squeeze %dma_start3A_124 : memref<1x128xi32, #tpu.memory_space<vmem>> -> memref<128xi32, #tpu.memory_space<vmem>>
        %dma_start3A_126 = arith.constant 0 : i32
        %dma_start3A_127 = arith.constant 0 : i32
        %dma_start3A_128 = tpu.memref_slice %arg13[%dma_start3A_126, %dma_start3A_127] : memref<10240x64xf32, #tpu.memory_space<vmem_shared>> -> memref<10240x64xf32, #tpu.memory_space<vmem_shared>>
        tpu.enqueue_indirect_dma source(%arg11 : memref<128x64xf32, #tpu.memory_space<vmem>>) target(%dma_start3A_128 : memref<10240x64xf32, #tpu.memory_space<vmem_shared>>) offsets(%dma_start3A_125 : memref<128xi32, #tpu.memory_space<vmem>>) semaphore(%run_scoped3A : memref<!tpu.dma_semaphore, #tpu.memory_space<semaphore_mem>>) {add = true}
        %dma_wait3A_129 = arith.constant 0 : i32
        %dma_wait3A_130 = tpu.memref_slice %arg7[%add3A_92, %dma_wait3A_129] : memref<80x128xi32, #tpu.memory_space<vmem>> -> memref<1x128xi32, #tpu.memory_space<vmem>>
        %dma_wait3A_131 = tpu.memref_squeeze %dma_wait3A_130 : memref<1x128xi32, #tpu.memory_space<vmem>> -> memref<128xi32, #tpu.memory_space<vmem>>
        %dma_wait3A_132 = arith.constant 0 : i32
        %dma_wait3A_133 = arith.constant 0 : i32
        %dma_wait3A_134 = tpu.memref_slice %arg13[%dma_wait3A_132, %dma_wait3A_133] : memref<10240x64xf32, #tpu.memory_space<vmem_shared>> -> memref<10240x64xf32, #tpu.memory_space<vmem_shared>>
        tpu.wait_indirect_dma semaphore(%run_scoped3A : memref<!tpu.dma_semaphore, #tpu.memory_space<semaphore_mem>>) src(%arg11 : memref<128x64xf32, #tpu.memory_space<vmem>>) dst(%dma_wait3A_134 : memref<10240x64xf32, #tpu.memory_space<vmem_shared>>)
        tpu.yield
      }) : () -> ()
      %add3A_99 = arith.constant 4 : i32
      %add3A_100 = arith.addi %add3A_92, %add3A_99 : i32
      %lt3A_101 = arith.constant 80 : i32
      %lt3A_102 = arith.cmpi slt, %add3A_100, %lt3A_101 : i32
      %convert_element_type3A_103 = arith.extui %lt3A_102 : i1 to i32
      %cond3A_104 = arith.constant 0 : i32
      %cond3A_105 = arith.cmpi ne, %convert_element_type3A_103, %cond3A_104 : i32
      scf.if %cond3A_105 {
        %add3A_123 = arith.constant 4 : i32
        %add3A_124 = arith.addi %add3A_92, %add3A_123 : i32
        %dma_start3A_125 = arith.constant 0 : i32
        %dma_start3A_126 = tpu.memref_slice %arg6[%add3A_124, %dma_start3A_125] : memref<80x128xi32, #tpu.memory_space<vmem>> -> memref<1x128xi32, #tpu.memory_space<vmem>>
        %dma_start3A_127 = tpu.memref_squeeze %dma_start3A_126 : memref<1x128xi32, #tpu.memory_space<vmem>> -> memref<128xi32, #tpu.memory_space<vmem>>
        %dma_start3A_128 = arith.constant 0 : i32
        %dma_start3A_129 = arith.constant 0 : i32
        %dma_start3A_130 = tpu.memref_slice %arg2[%dma_start3A_128, %dma_start3A_129] : memref<10000x64xf32, #tpu.memory_space<hbm>> -> memref<10000x64xf32, #tpu.memory_space<hbm>>
        tpu.enqueue_indirect_dma source(%dma_start3A_130 : memref<10000x64xf32, #tpu.memory_space<hbm>>) target(%arg11 : memref<128x64xf32, #tpu.memory_space<vmem>>) offsets(%dma_start3A_127 : memref<128xi32, #tpu.memory_space<vmem>>) semaphore(%arg16 : memref<!tpu.dma_semaphore, #tpu.memory_space<semaphore_mem>>)
      } else {
      }
      %mul3A_106 = arith.constant 4 : i32
      %mul3A_107 = arith.muli %mul3A_106, %add3A_58 : i32
      %add3A_108 = arith.constant 3 : i32
      %add3A_109 = arith.addi %mul3A_107, %add3A_108 : i32
      %dma_wait3A_110 = arith.constant 0 : i32
      %dma_wait3A_111 = tpu.memref_slice %arg6[%add3A_109, %dma_wait3A_110] : memref<80x128xi32, #tpu.memory_space<vmem>> -> memref<1x128xi32, #tpu.memory_space<vmem>>
      %dma_wait3A_112 = tpu.memref_squeeze %dma_wait3A_111 : memref<1x128xi32, #tpu.memory_space<vmem>> -> memref<128xi32, #tpu.memory_space<vmem>>
      %dma_wait3A_113 = arith.constant 0 : i32
      %dma_wait3A_114 = arith.constant 0 : i32
      %dma_wait3A_115 = tpu.memref_slice %arg2[%dma_wait3A_113, %dma_wait3A_114] : memref<10000x64xf32, #tpu.memory_space<hbm>> -> memref<10000x64xf32, #tpu.memory_space<hbm>>
      tpu.wait_indirect_dma semaphore(%arg17 : memref<!tpu.dma_semaphore, #tpu.memory_space<semaphore_mem>>) src(%dma_wait3A_115 : memref<10000x64xf32, #tpu.memory_space<hbm>>) dst(%arg12 : memref<128x64xf32, #tpu.memory_space<vmem>>)
      "tpu.region"() ({
        %run_scoped3A = tpu.sem_alloc : memref<!tpu.dma_semaphore, #tpu.memory_space<semaphore_mem>>
        %dma_start3A_123 = arith.constant 0 : i32
        %dma_start3A_124 = tpu.memref_slice %arg7[%add3A_109, %dma_start3A_123] : memref<80x128xi32, #tpu.memory_space<vmem>> -> memref<1x128xi32, #tpu.memory_space<vmem>>
        %dma_start3A_125 = tpu.memref_squeeze %dma_start3A_124 : memref<1x128xi32, #tpu.memory_space<vmem>> -> memref<128xi32, #tpu.memory_space<vmem>>
        %dma_start3A_126 = arith.constant 0 : i32
        %dma_start3A_127 = arith.constant 0 : i32
        %dma_start3A_128 = tpu.memref_slice %arg13[%dma_start3A_126, %dma_start3A_127] : memref<10240x64xf32, #tpu.memory_space<vmem_shared>> -> memref<10240x64xf32, #tpu.memory_space<vmem_shared>>
        tpu.enqueue_indirect_dma source(%arg12 : memref<128x64xf32, #tpu.memory_space<vmem>>) target(%dma_start3A_128 : memref<10240x64xf32, #tpu.memory_space<vmem_shared>>) offsets(%dma_start3A_125 : memref<128xi32, #tpu.memory_space<vmem>>) semaphore(%run_scoped3A : memref<!tpu.dma_semaphore, #tpu.memory_space<semaphore_mem>>) {add = true}
        %dma_wait3A_129 = arith.constant 0 : i32
        %dma_wait3A_130 = tpu.memref_slice %arg7[%add3A_109, %dma_wait3A_129] : memref<80x128xi32, #tpu.memory_space<vmem>> -> memref<1x128xi32, #tpu.memory_space<vmem>>
        %dma_wait3A_131 = tpu.memref_squeeze %dma_wait3A_130 : memref<1x128xi32, #tpu.memory_space<vmem>> -> memref<128xi32, #tpu.memory_space<vmem>>
        %dma_wait3A_132 = arith.constant 0 : i32
        %dma_wait3A_133 = arith.constant 0 : i32
        %dma_wait3A_134 = tpu.memref_slice %arg13[%dma_wait3A_132, %dma_wait3A_133] : memref<10240x64xf32, #tpu.memory_space<vmem_shared>> -> memref<10240x64xf32, #tpu.memory_space<vmem_shared>>
        tpu.wait_indirect_dma semaphore(%run_scoped3A : memref<!tpu.dma_semaphore, #tpu.memory_space<semaphore_mem>>) src(%arg12 : memref<128x64xf32, #tpu.memory_space<vmem>>) dst(%dma_wait3A_134 : memref<10240x64xf32, #tpu.memory_space<vmem_shared>>)
        tpu.yield
      }) : () -> ()
      %add3A_116 = arith.constant 4 : i32
      %add3A_117 = arith.addi %add3A_109, %add3A_116 : i32
      %lt3A_118 = arith.constant 80 : i32
      %lt3A_119 = arith.cmpi slt, %add3A_117, %lt3A_118 : i32
      %convert_element_type3A_120 = arith.extui %lt3A_119 : i1 to i32
      %cond3A_121 = arith.constant 0 : i32
      %cond3A_122 = arith.cmpi ne, %convert_element_type3A_120, %cond3A_121 : i32
      scf.if %cond3A_122 {
        %add3A_123 = arith.constant 4 : i32
        %add3A_124 = arith.addi %add3A_109, %add3A_123 : i32
        %dma_start3A_125 = arith.constant 0 : i32
        %dma_start3A_126 = tpu.memref_slice %arg6[%add3A_124, %dma_start3A_125] : memref<80x128xi32, #tpu.memory_space<vmem>> -> memref<1x128xi32, #tpu.memory_space<vmem>>
        %dma_start3A_127 = tpu.memref_squeeze %dma_start3A_126 : memref<1x128xi32, #tpu.memory_space<vmem>> -> memref<128xi32, #tpu.memory_space<vmem>>
        %dma_start3A_128 = arith.constant 0 : i32
        %dma_start3A_129 = arith.constant 0 : i32
        %dma_start3A_130 = tpu.memref_slice %arg2[%dma_start3A_128, %dma_start3A_129] : memref<10000x64xf32, #tpu.memory_space<hbm>> -> memref<10000x64xf32, #tpu.memory_space<hbm>>
        tpu.enqueue_indirect_dma source(%dma_start3A_130 : memref<10000x64xf32, #tpu.memory_space<hbm>>) target(%arg12 : memref<128x64xf32, #tpu.memory_space<vmem>>) offsets(%dma_start3A_127 : memref<128xi32, #tpu.memory_space<vmem>>) semaphore(%arg17 : memref<!tpu.dma_semaphore, #tpu.memory_space<semaphore_mem>>)
      } else {
      }
    }
    %scan3A_46 = arith.constant 20 : i32
    %barrier3A_47 = arith.constant 0 : index
    tpu.barrier barrier_id(%barrier3A_47)
    %mul3A_48 = arith.constant 625 : i32
    %mul3A_49 = arith.muli %arg1, %mul3A_48 : i32
    %mul3A_50 = arith.constant 625 : i32
    %mul3A_51 = arith.muli %arg1, %mul3A_50 : i32
    %mul3A_52 = arith.constant 64 : i32
    %mul3A_53 = arith.muli %arg0, %mul3A_52 : i32
    "tpu.region"() ({
      %run_scoped3A = tpu.sem_alloc : memref<!tpu.dma_semaphore, #tpu.memory_space<semaphore_mem>>
      %dma_start3A_54 = tpu.memref_slice %arg5[%mul3A_51, %mul3A_53] : memref<10000x128xf32, #tpu.memory_space<hbm>> -> memref<625x64xf32, #tpu.memory_space<hbm>>
      %dma_start3A_55 = arith.constant 0 : i32
      %dma_start3A_56 = tpu.memref_slice %arg13[%mul3A_49, %dma_start3A_55] : memref<10240x64xf32, #tpu.memory_space<vmem_shared>> -> memref<625x64xf32, #tpu.memory_space<vmem_shared>>
      tpu.enqueue_dma source(%dma_start3A_56 : memref<625x64xf32, #tpu.memory_space<vmem_shared>>) target(%dma_start3A_54 : memref<625x64xf32, #tpu.memory_space<hbm>>) target_semaphore(%run_scoped3A : memref<!tpu.dma_semaphore, #tpu.memory_space<semaphore_mem>>)
      %dma_wait3A = tpu.memref_slice %arg5[%mul3A_51, %mul3A_53] : memref<10000x128xf32, #tpu.memory_space<hbm>> -> memref<625x64xf32, #tpu.memory_space<hbm>>
      %dma_wait3A_57 = arith.constant 0 : i32
      %dma_wait3A_58 = tpu.memref_slice %arg13[%mul3A_49, %dma_wait3A_57] : memref<10240x64xf32, #tpu.memory_space<vmem_shared>> -> memref<625x64xf32, #tpu.memory_space<vmem_shared>>
      tpu.wait_dma2 semaphore(%run_scoped3A : memref<!tpu.dma_semaphore, #tpu.memory_space<semaphore_mem>>) src(%dma_wait3A_58 : memref<625x64xf32, #tpu.memory_space<vmem_shared>>) dst(%dma_wait3A : memref<625x64xf32, #tpu.memory_space<hbm>>)
      tpu.yield
    }) : () -> ()
    return
  }
}

#map = affine_map<(d0, d1) -> (0, 0)>
module attributes {stable_mosaic.version = 14 : i64} {
  func.func @body(%arg0: i32, %arg1: i32, %arg2: memref<10000x64xf32, #tpu.memory_space<hbm>>, %arg3: memref<2560x128xi32, #tpu.memory_space<hbm>>, %arg4: memref<2560x128xi32, #tpu.memory_space<hbm>>, %arg5: memref<10000x128xf32, #tpu.memory_space<hbm>>, %arg6: memref<80x128xi32, #tpu.memory_space<vmem>>, %arg7: memref<80x128xi32, #tpu.memory_space<vmem>>, %arg8: memref<128x64xf32, #tpu.memory_space<vmem>>, %arg9: memref<128x64xf32, #tpu.memory_space<vmem>>, %arg10: memref<128x64xf32, #tpu.memory_space<vmem>>, %arg11: memref<128x64xf32, #tpu.memory_space<vmem>>, %arg12: memref<128x64xf32, #tpu.memory_space<vmem>>, %arg13: memref<10240x64xf32, #tpu.memory_space<vmem_shared>>, %arg14: memref<!tpu.dma_semaphore, #tpu.memory_space<semaphore_mem>>, %arg15: memref<!tpu.dma_semaphore, #tpu.memory_space<semaphore_mem>>, %arg16: memref<!tpu.dma_semaphore, #tpu.memory_space<semaphore_mem>>, %arg17: memref<!tpu.dma_semaphore, #tpu.memory_space<semaphore_mem>>) attributes {dimension_semantics = [#tpu.dimension_semantics<core_parallel>, #tpu.dimension_semantics<subcore_parallel>], iteration_bounds = array<i64: 2, 16>, scalar_prefetch = 0 : i64, scratch_operands = 12 : i64, tpu.core_type = #tpu.core_type<sc_vector_subcore>, window_params = [{transform_indices = #map}, {transform_indices = #map}, {transform_indices = #map}, {transform_indices = #map}]} {
    %mul3A = arith.constant 16 : i32
    %mul3A_0 = arith.muli %arg0, %mul3A : i32
    %add3A = arith.addi %mul3A_0, %arg1 : i32
    %broadcast_in_dim3A = arith.constant 0.000000e+00 : f32
    %broadcast_in_dim3A_1 = vector.broadcast %broadcast_in_dim3A : f32 to vector<16xf32>
    %scan3A = arith.constant 0 : i32
    %scan3A_2 = arith.constant 128 : i32
    %scan3A_3 = arith.addi %scan3A, %scan3A_2 : i32
    %scan3A_4 = arith.constant 1 : i32
    scf.for %scan3A_54 = %scan3A to %scan3A_3 step %scan3A_4  : i32 {
      %mul3A_55 = arith.constant 1 : i32
      %mul3A_56 = arith.muli %scan3A_54, %mul3A_55 : i32
      %add3A_57 = arith.constant 0 : i32
      %add3A_58 = arith.addi %add3A_57, %mul3A_56 : i32
      %scan3A_59 = arith.constant 0 : i32
      %scan3A_60 = arith.constant 4 : i32
      %scan3A_61 = arith.addi %scan3A_59, %scan3A_60 : i32
      %scan3A_62 = arith.constant 1 : i32
      scf.for %scan3A_64 = %scan3A_59 to %scan3A_61 step %scan3A_62  : i32 {
        %mul3A_65 = arith.constant 16 : i32
        %mul3A_66 = arith.muli %scan3A_64, %mul3A_65 : i32
        %add3A_67 = arith.constant 0 : i32
        %add3A_68 = arith.addi %add3A_67, %mul3A_66 : i32
        %swap3A = arith.index_cast %add3A_58 : i32 to index
        %swap3A_69 = arith.index_cast %add3A_68 : i32 to index
        %swap3A_70 = tpu.vector_load %arg8[%swap3A, %swap3A_69] {strides = array<i32>} : memref<128x64xf32, #tpu.memory_space<vmem>>, vector<1x16xf32>,
        %swap3A_71 = vector.shape_cast %swap3A_70 : vector<1x16xf32> to vector<16xf32>
        %swap3A_72 = vector.shape_cast %broadcast_in_dim3A_1 : vector<16xf32> to vector<1x16xf32>
        tpu.vector_store %arg8[%swap3A, %swap3A_69], %swap3A_72 {strides = array<i32>} : memref<128x64xf32, #tpu.memory_space<vmem>>, vector<1x16xf32>,
      }
      %scan3A_63 = arith.constant 4 : i32
    }
    %scan3A_5 = arith.constant 128 : i32
    %scan3A_6 = arith.constant 0 : i32
    %scan3A_7 = arith.constant 5 : i32
    %scan3A_8 = arith.addi %scan3A_6, %scan3A_7 : i32
    %scan3A_9 = arith.constant 1 : i32
    scf.for %scan3A_54 = %scan3A_6 to %scan3A_8 step %scan3A_9  : i32 {
      %mul3A_55 = arith.constant 128 : i32
      %mul3A_56 = arith.muli %scan3A_54, %mul3A_55 : i32
      %add3A_57 = arith.constant 0 : i32
      %add3A_58 = arith.addi %add3A_57, %mul3A_56 : i32
      %mul3A_59 = arith.constant 640 : i32
      %mul3A_60 = arith.muli %arg1, %mul3A_59 : i32
      %add3A_61 = arith.addi %mul3A_60, %add3A_58 : i32
      "tpu.region"() ({
        %run_scoped3A = tpu.sem_alloc : memref<!tpu.dma_semaphore, #tpu.memory_space<semaphore_mem>>
        %dma_start3A_62 = arith.constant 0 : i32
        %dma_start3A_63 = tpu.memref_slice %arg13[%add3A_61, %dma_start3A_62] : memref<10240x64xf32, #tpu.memory_space<vmem_shared>> -> memref<128x64xf32, #tpu.memory_space<vmem_shared>>
        %dma_start3A_64 = arith.constant 0 : i32
        %dma_start3A_65 = tpu.memref_slice %arg13[%add3A_61, %dma_start3A_64] : memref<10240x64xf32, #tpu.memory_space<vmem_shared>> -> memref<128x64xf32, #tpu.memory_space<vmem_shared>>
        tpu.enqueue_dma source(%arg8 : memref<128x64xf32, #tpu.memory_space<vmem>>) target(%dma_start3A_65 : memref<128x64xf32, #tpu.memory_space<vmem_shared>>) target_semaphore(%run_scoped3A : memref<!tpu.dma_semaphore, #tpu.memory_space<semaphore_mem>>)
        %dma_wait3A = arith.constant 0 : i32
        %dma_wait3A_66 = tpu.memref_slice %arg13[%add3A_61, %dma_wait3A] : memref<10240x64xf32, #tpu.memory_space<vmem_shared>> -> memref<128x64xf32, #tpu.memory_space<vmem_shared>>
        %dma_wait3A_67 = arith.constant 0 : i32
        %dma_wait3A_68 = tpu.memref_slice %arg13[%add3A_61, %dma_wait3A_67] : memref<10240x64xf32, #tpu.memory_space<vmem_shared>> -> memref<128x64xf32, #tpu.memory_space<vmem_shared>>
        tpu.wait_dma2 semaphore(%run_scoped3A : memref<!tpu.dma_semaphore, #tpu.memory_space<semaphore_mem>>) src(%arg8 : memref<128x64xf32, #tpu.memory_space<vmem>>) dst(%dma_wait3A_68 : memref<128x64xf32, #tpu.memory_space<vmem_shared>>)
        tpu.yield
      }) : () -> ()
    }
    %scan3A_10 = arith.constant 5 : i32
    %mul3A_11 = arith.constant 80 : i32
    %mul3A_12 = arith.muli %add3A, %mul3A_11 : i32
    "tpu.region"() ({
      %run_scoped3A = tpu.sem_alloc : memref<!tpu.dma_semaphore, #tpu.memory_space<semaphore_mem>>
      %dma_start3A_54 = arith.constant 0 : i32
      %dma_start3A_55 = tpu.memref_slice %arg3[%mul3A_12, %dma_start3A_54] : memref<2560x128xi32, #tpu.memory_space<hbm>> -> memref<80x128xi32, #tpu.memory_space<hbm>>
      %dma_start3A_56 = arith.constant 0 : i32
      %dma_start3A_57 = tpu.memref_slice %arg3[%mul3A_12, %dma_start3A_56] : memref<2560x128xi32, #tpu.memory_space<hbm>> -> memref<80x128xi32, #tpu.memory_space<hbm>>
      tpu.enqueue_dma source(%dma_start3A_57 : memref<80x128xi32, #tpu.memory_space<hbm>>) target(%arg6 : memref<80x128xi32, #tpu.memory_space<vmem>>) target_semaphore(%run_scoped3A : memref<!tpu.dma_semaphore, #tpu.memory_space<semaphore_mem>>)
      %dma_wait3A = arith.constant 0 : i32
      %dma_wait3A_58 = tpu.memref_slice %arg3[%mul3A_12, %dma_wait3A] : memref<2560x128xi32, #tpu.memory_space<hbm>> -> memref<80x128xi32, #tpu.memory_space<hbm>>
      %dma_wait3A_59 = arith.constant 0 : i32
      %dma_wait3A_60 = tpu.memref_slice %arg3[%mul3A_12, %dma_wait3A_59] : memref<2560x128xi32, #tpu.memory_space<hbm>> -> memref<80x128xi32, #tpu.memory_space<hbm>>
      tpu.wait_dma2 semaphore(%run_scoped3A : memref<!tpu.dma_semaphore, #tpu.memory_space<semaphore_mem>>) src(%dma_wait3A_60 : memref<80x128xi32, #tpu.memory_space<hbm>>) dst(%arg6 : memref<80x128xi32, #tpu.memory_space<vmem>>)
      tpu.yield
    }) : () -> ()
    %mul3A_13 = arith.constant 80 : i32
    %mul3A_14 = arith.muli %add3A, %mul3A_13 : i32
    "tpu.region"() ({
      %run_scoped3A = tpu.sem_alloc : memref<!tpu.dma_semaphore, #tpu.memory_space<semaphore_mem>>
      %dma_start3A_54 = arith.constant 0 : i32
      %dma_start3A_55 = tpu.memref_slice %arg4[%mul3A_14, %dma_start3A_54] : memref<2560x128xi32, #tpu.memory_space<hbm>> -> memref<80x128xi32, #tpu.memory_space<hbm>>
      %dma_start3A_56 = arith.constant 0 : i32
      %dma_start3A_57 = tpu.memref_slice %arg4[%mul3A_14, %dma_start3A_56] : memref<2560x128xi32, #tpu.memory_space<hbm>> -> memref<80x128xi32, #tpu.memory_space<hbm>>
      tpu.enqueue_dma source(%dma_start3A_57 : memref<80x128xi32, #tpu.memory_space<hbm>>) target(%arg7 : memref<80x128xi32, #tpu.memory_space<vmem>>) target_semaphore(%run_scoped3A : memref<!tpu.dma_semaphore, #tpu.memory_space<semaphore_mem>>)
      %dma_wait3A = arith.constant 0 : i32
      %dma_wait3A_58 = tpu.memref_slice %arg4[%mul3A_14, %dma_wait3A] : memref<2560x128xi32, #tpu.memory_space<hbm>> -> memref<80x128xi32, #tpu.memory_space<hbm>>
      %dma_wait3A_59 = arith.constant 0 : i32
      %dma_wait3A_60 = tpu.memref_slice %arg4[%mul3A_14, %dma_wait3A_59] : memref<2560x128xi32, #tpu.memory_space<hbm>> -> memref<80x128xi32, #tpu.memory_space<hbm>>
      tpu.wait_dma2 semaphore(%run_scoped3A : memref<!tpu.dma_semaphore, #tpu.memory_space<semaphore_mem>>) src(%dma_wait3A_60 : memref<80x128xi32, #tpu.memory_space<hbm>>) dst(%arg7 : memref<80x128xi32, #tpu.memory_space<vmem>>)
      tpu.yield
    }) : () -> ()
    %dma_start3A = arith.constant 0 : i32
    %dma_start3A_15 = arith.constant 0 : i32
    %dma_start3A_16 = tpu.memref_slice %arg6[%dma_start3A, %dma_start3A_15] : memref<80x128xi32, #tpu.memory_space<vmem>> -> memref<1x128xi32, #tpu.memory_space<vmem>>
    %dma_start3A_17 = tpu.memref_squeeze %dma_start3A_16 : memref<1x128xi32, #tpu.memory_space<vmem>> -> memref<128xi32, #tpu.memory_space<vmem>>
    %dma_start3A_18 = arith.constant 0 : i32
    %dma_start3A_19 = arith.constant 0 : i32
    %dma_start3A_20 = tpu.memref_slice %arg2[%dma_start3A_18, %dma_start3A_19] : memref<10000x64xf32, #tpu.memory_space<hbm>> -> memref<10000x64xf32, #tpu.memory_space<hbm>>
    tpu.enqueue_indirect_dma source(%dma_start3A_20 : memref<10000x64xf32, #tpu.memory_space<hbm>>) target(%arg9 : memref<128x64xf32, #tpu.memory_space<vmem>>) offsets(%dma_start3A_17 : memref<128xi32, #tpu.memory_space<vmem>>) semaphore(%arg14 : memref<!tpu.dma_semaphore, #tpu.memory_space<semaphore_mem>>)
    %dma_start3A_21 = arith.constant 1 : i32
    %dma_start3A_22 = arith.constant 0 : i32
    %dma_start3A_23 = tpu.memref_slice %arg6[%dma_start3A_21, %dma_start3A_22] : memref<80x128xi32, #tpu.memory_space<vmem>> -> memref<1x128xi32, #tpu.memory_space<vmem>>
    %dma_start3A_24 = tpu.memref_squeeze %dma_start3A_23 : memref<1x128xi32, #tpu.memory_space<vmem>> -> memref<128xi32, #tpu.memory_space<vmem>>
    %dma_start3A_25 = arith.constant 0 : i32
    %dma_start3A_26 = arith.constant 0 : i32
    %dma_start3A_27 = tpu.memref_slice %arg2[%dma_start3A_25, %dma_start3A_26] : memref<10000x64xf32, #tpu.memory_space<hbm>> -> memref<10000x64xf32, #tpu.memory_space<hbm>>
    tpu.enqueue_indirect_dma source(%dma_start3A_27 : memref<10000x64xf32, #tpu.memory_space<hbm>>) target(%arg10 : memref<128x64xf32, #tpu.memory_space<vmem>>) offsets(%dma_start3A_24 : memref<128xi32, #tpu.memory_space<vmem>>) semaphore(%arg15 : memref<!tpu.dma_semaphore, #tpu.memory_space<semaphore_mem>>)
    %dma_start3A_28 = arith.constant 2 : i32
    %dma_start3A_29 = arith.constant 0 : i32
    %dma_start3A_30 = tpu.memref_slice %arg6[%dma_start3A_28, %dma_start3A_29] : memref<80x128xi32, #tpu.memory_space<vmem>> -> memref<1x128xi32, #tpu.memory_space<vmem>>
    %dma_start3A_31 = tpu.memref_squeeze %dma_start3A_30 : memref<1x128xi32, #tpu.memory_space<vmem>> -> memref<128xi32, #tpu.memory_space<vmem>>
    %dma_start3A_32 = arith.constant 0 : i32
    %dma_start3A_33 = arith.constant 0 : i32
    %dma_start3A_34 = tpu.memref_slice %arg2[%dma_start3A_32, %dma_start3A_33] : memref<10000x64xf32, #tpu.memory_space<hbm>> -> memref<10000x64xf32, #tpu.memory_space<hbm>>
    tpu.enqueue_indirect_dma source(%dma_start3A_34 : memref<10000x64xf32, #tpu.memory_space<hbm>>) target(%arg11 : memref<128x64xf32, #tpu.memory_space<vmem>>) offsets(%dma_start3A_31 : memref<128xi32, #tpu.memory_space<vmem>>) semaphore(%arg16 : memref<!tpu.dma_semaphore, #tpu.memory_space<semaphore_mem>>)
    %dma_start3A_35 = arith.constant 3 : i32
    %dma_start3A_36 = arith.constant 0 : i32
    %dma_start3A_37 = tpu.memref_slice %arg6[%dma_start3A_35, %dma_start3A_36] : memref<80x128xi32, #tpu.memory_space<vmem>> -> memref<1x128xi32, #tpu.memory_space<vmem>>
    %dma_start3A_38 = tpu.memref_squeeze %dma_start3A_37 : memref<1x128xi32, #tpu.memory_space<vmem>> -> memref<128xi32, #tpu.memory_space<vmem>>
    %dma_start3A_39 = arith.constant 0 : i32
    %dma_start3A_40 = arith.constant 0 : i32
    %dma_start3A_41 = tpu.memref_slice %arg2[%dma_start3A_39, %dma_start3A_40] : memref<10000x64xf32, #tpu.memory_space<hbm>> -> memref<10000x64xf32, #tpu.memory_space<hbm>>
    tpu.enqueue_indirect_dma source(%dma_start3A_41 : memref<10000x64xf32, #tpu.memory_space<hbm>>) target(%arg12 : memref<128x64xf32, #tpu.memory_space<vmem>>) offsets(%dma_start3A_38 : memref<128xi32, #tpu.memory_space<vmem>>) semaphore(%arg17 : memref<!tpu.dma_semaphore, #tpu.memory_space<semaphore_mem>>)
    %barrier3A = arith.constant 0 : index
    tpu.barrier barrier_id(%barrier3A)
    %scan3A_42 = arith.constant 0 : i32
    %scan3A_43 = arith.constant 20 : i32
    %scan3A_44 = arith.addi %scan3A_42, %scan3A_43 : i32
    %scan3A_45 = arith.constant 1 : i32
    scf.for %scan3A_54 = %scan3A_42 to %scan3A_44 step %scan3A_45  : i32 {
      %mul3A_55 = arith.constant 1 : i32
      %mul3A_56 = arith.muli %scan3A_54, %mul3A_55 : i32
      %add3A_57 = arith.constant 0 : i32
      %add3A_58 = arith.addi %add3A_57, %mul3A_56 : i32
      %mul3A_59 = arith.constant 4 : i32
      %mul3A_60 = arith.muli %mul3A_59, %add3A_58 : i32
      %add3A_61 = arith.constant 0 : i32
      %add3A_62 = arith.addi %mul3A_60, %add3A_61 : i32
      %dma_wait3A = arith.constant 0 : i32
      %dma_wait3A_63 = tpu.memref_slice %arg6[%add3A_62, %dma_wait3A] : memref<80x128xi32, #tpu.memory_space<vmem>> -> memref<1x128xi32, #tpu.memory_space<vmem>>
      %dma_wait3A_64 = tpu.memref_squeeze %dma_wait3A_63 : memref<1x128xi32, #tpu.memory_space<vmem>> -> memref<128xi32, #tpu.memory_space<vmem>>
      %dma_wait3A_65 = arith.constant 0 : i32
      %dma_wait3A_66 = arith.constant 0 : i32
      %dma_wait3A_67 = tpu.memref_slice %arg2[%dma_wait3A_65, %dma_wait3A_66] : memref<10000x64xf32, #tpu.memory_space<hbm>> -> memref<10000x64xf32, #tpu.memory_space<hbm>>
      tpu.wait_indirect_dma semaphore(%arg14 : memref<!tpu.dma_semaphore, #tpu.memory_space<semaphore_mem>>) src(%dma_wait3A_67 : memref<10000x64xf32, #tpu.memory_space<hbm>>) dst(%arg9 : memref<128x64xf32, #tpu.memory_space<vmem>>)
      "tpu.region"() ({
        %run_scoped3A = tpu.sem_alloc : memref<!tpu.dma_semaphore, #tpu.memory_space<semaphore_mem>>
        %dma_start3A_123 = arith.constant 0 : i32
        %dma_start3A_124 = tpu.memref_slice %arg7[%add3A_62, %dma_start3A_123] : memref<80x128xi32, #tpu.memory_space<vmem>> -> memref<1x128xi32, #tpu.memory_space<vmem>>
        %dma_start3A_125 = tpu.memref_squeeze %dma_start3A_124 : memref<1x128xi32, #tpu.memory_space<vmem>> -> memref<128xi32, #tpu.memory_space<vmem>>
        %dma_start3A_126 = arith.constant 0 : i32
        %dma_start3A_127 = arith.constant 0 : i32
        %dma_start3A_128 = tpu.memref_slice %arg13[%dma_start3A_126, %dma_start3A_127] : memref<10240x64xf32, #tpu.memory_space<vmem_shared>> -> memref<10240x64xf32, #tpu.memory_space<vmem_shared>>
        tpu.enqueue_indirect_dma source(%arg9 : memref<128x64xf32, #tpu.memory_space<vmem>>) target(%dma_start3A_128 : memref<10240x64xf32, #tpu.memory_space<vmem_shared>>) offsets(%dma_start3A_125 : memref<128xi32, #tpu.memory_space<vmem>>) semaphore(%run_scoped3A : memref<!tpu.dma_semaphore, #tpu.memory_space<semaphore_mem>>) {add = true}
        %dma_wait3A_129 = arith.constant 0 : i32
        %dma_wait3A_130 = tpu.memref_slice %arg7[%add3A_62, %dma_wait3A_129] : memref<80x128xi32, #tpu.memory_space<vmem>> -> memref<1x128xi32, #tpu.memory_space<vmem>>
        %dma_wait3A_131 = tpu.memref_squeeze %dma_wait3A_130 : memref<1x128xi32, #tpu.memory_space<vmem>> -> memref<128xi32, #tpu.memory_space<vmem>>
        %dma_wait3A_132 = arith.constant 0 : i32
        %dma_wait3A_133 = arith.constant 0 : i32
        %dma_wait3A_134 = tpu.memref_slice %arg13[%dma_wait3A_132, %dma_wait3A_133] : memref<10240x64xf32, #tpu.memory_space<vmem_shared>> -> memref<10240x64xf32, #tpu.memory_space<vmem_shared>>
        tpu.wait_indirect_dma semaphore(%run_scoped3A : memref<!tpu.dma_semaphore, #tpu.memory_space<semaphore_mem>>) src(%arg9 : memref<128x64xf32, #tpu.memory_space<vmem>>) dst(%dma_wait3A_134 : memref<10240x64xf32, #tpu.memory_space<vmem_shared>>)
        tpu.yield
      }) : () -> ()
      %add3A_68 = arith.constant 4 : i32
      %add3A_69 = arith.addi %add3A_62, %add3A_68 : i32
      %lt3A = arith.constant 80 : i32
      %lt3A_70 = arith.cmpi slt, %add3A_69, %lt3A : i32
      %convert_element_type3A = arith.extui %lt3A_70 : i1 to i32
      %cond3A = arith.constant 0 : i32
      %cond3A_71 = arith.cmpi ne, %convert_element_type3A, %cond3A : i32
      scf.if %cond3A_71 {
        %add3A_123 = arith.constant 4 : i32
        %add3A_124 = arith.addi %add3A_62, %add3A_123 : i32
        %dma_start3A_125 = arith.constant 0 : i32
        %dma_start3A_126 = tpu.memref_slice %arg6[%add3A_124, %dma_start3A_125] : memref<80x128xi32, #tpu.memory_space<vmem>> -> memref<1x128xi32, #tpu.memory_space<vmem>>
        %dma_start3A_127 = tpu.memref_squeeze %dma_start3A_126 : memref<1x128xi32, #tpu.memory_space<vmem>> -> memref<128xi32, #tpu.memory_space<vmem>>
        %dma_start3A_128 = arith.constant 0 : i32
        %dma_start3A_129 = arith.constant 0 : i32
        %dma_start3A_130 = tpu.memref_slice %arg2[%dma_start3A_128, %dma_start3A_129] : memref<10000x64xf32, #tpu.memory_space<hbm>> -> memref<10000x64xf32, #tpu.memory_space<hbm>>
        tpu.enqueue_indirect_dma source(%dma_start3A_130 : memref<10000x64xf32, #tpu.memory_space<hbm>>) target(%arg9 : memref<128x64xf32, #tpu.memory_space<vmem>>) offsets(%dma_start3A_127 : memref<128xi32, #tpu.memory_space<vmem>>) semaphore(%arg14 : memref<!tpu.dma_semaphore, #tpu.memory_space<semaphore_mem>>)
      } else {
      }
      %mul3A_72 = arith.constant 4 : i32
      %mul3A_73 = arith.muli %mul3A_72, %add3A_58 : i32
      %add3A_74 = arith.constant 1 : i32
      %add3A_75 = arith.addi %mul3A_73, %add3A_74 : i32
      %dma_wait3A_76 = arith.constant 0 : i32
      %dma_wait3A_77 = tpu.memref_slice %arg6[%add3A_75, %dma_wait3A_76] : memref<80x128xi32, #tpu.memory_space<vmem>> -> memref<1x128xi32, #tpu.memory_space<vmem>>
      %dma_wait3A_78 = tpu.memref_squeeze %dma_wait3A_77 : memref<1x128xi32, #tpu.memory_space<vmem>> -> memref<128xi32, #tpu.memory_space<vmem>>
      %dma_wait3A_79 = arith.constant 0 : i32
      %dma_wait3A_80 = arith.constant 0 : i32
      %dma_wait3A_81 = tpu.memref_slice %arg2[%dma_wait3A_79, %dma_wait3A_80] : memref<10000x64xf32, #tpu.memory_space<hbm>> -> memref<10000x64xf32, #tpu.memory_space<hbm>>
      tpu.wait_indirect_dma semaphore(%arg15 : memref<!tpu.dma_semaphore, #tpu.memory_space<semaphore_mem>>) src(%dma_wait3A_81 : memref<10000x64xf32, #tpu.memory_space<hbm>>) dst(%arg10 : memref<128x64xf32, #tpu.memory_space<vmem>>)
      "tpu.region"() ({
        %run_scoped3A = tpu.sem_alloc : memref<!tpu.dma_semaphore, #tpu.memory_space<semaphore_mem>>
        %dma_start3A_123 = arith.constant 0 : i32
        %dma_start3A_124 = tpu.memref_slice %arg7[%add3A_75, %dma_start3A_123] : memref<80x128xi32, #tpu.memory_space<vmem>> -> memref<1x128xi32, #tpu.memory_space<vmem>>
        %dma_start3A_125 = tpu.memref_squeeze %dma_start3A_124 : memref<1x128xi32, #tpu.memory_space<vmem>> -> memref<128xi32, #tpu.memory_space<vmem>>
        %dma_start3A_126 = arith.constant 0 : i32
        %dma_start3A_127 = arith.constant 0 : i32
        %dma_start3A_128 = tpu.memref_slice %arg13[%dma_start3A_126, %dma_start3A_127] : memref<10240x64xf32, #tpu.memory_space<vmem_shared>> -> memref<10240x64xf32, #tpu.memory_space<vmem_shared>>
        tpu.enqueue_indirect_dma source(%arg10 : memref<128x64xf32, #tpu.memory_space<vmem>>) target(%dma_start3A_128 : memref<10240x64xf32, #tpu.memory_space<vmem_shared>>) offsets(%dma_start3A_125 : memref<128xi32, #tpu.memory_space<vmem>>) semaphore(%run_scoped3A : memref<!tpu.dma_semaphore, #tpu.memory_space<semaphore_mem>>) {add = true}
        %dma_wait3A_129 = arith.constant 0 : i32
        %dma_wait3A_130 = tpu.memref_slice %arg7[%add3A_75, %dma_wait3A_129] : memref<80x128xi32, #tpu.memory_space<vmem>> -> memref<1x128xi32, #tpu.memory_space<vmem>>
        %dma_wait3A_131 = tpu.memref_squeeze %dma_wait3A_130 : memref<1x128xi32, #tpu.memory_space<vmem>> -> memref<128xi32, #tpu.memory_space<vmem>>
        %dma_wait3A_132 = arith.constant 0 : i32
        %dma_wait3A_133 = arith.constant 0 : i32
        %dma_wait3A_134 = tpu.memref_slice %arg13[%dma_wait3A_132, %dma_wait3A_133] : memref<10240x64xf32, #tpu.memory_space<vmem_shared>> -> memref<10240x64xf32, #tpu.memory_space<vmem_shared>>
        tpu.wait_indirect_dma semaphore(%run_scoped3A : memref<!tpu.dma_semaphore, #tpu.memory_space<semaphore_mem>>) src(%arg10 : memref<128x64xf32, #tpu.memory_space<vmem>>) dst(%dma_wait3A_134 : memref<10240x64xf32, #tpu.memory_space<vmem_shared>>)
        tpu.yield
      }) : () -> ()
      %add3A_82 = arith.constant 4 : i32
      %add3A_83 = arith.addi %add3A_75, %add3A_82 : i32
      %lt3A_84 = arith.constant 80 : i32
      %lt3A_85 = arith.cmpi slt, %add3A_83, %lt3A_84 : i32
      %convert_element_type3A_86 = arith.extui %lt3A_85 : i1 to i32
      %cond3A_87 = arith.constant 0 : i32
      %cond3A_88 = arith.cmpi ne, %convert_element_type3A_86, %cond3A_87 : i32
      scf.if %cond3A_88 {
        %add3A_123 = arith.constant 4 : i32
        %add3A_124 = arith.addi %add3A_75, %add3A_123 : i32
        %dma_start3A_125 = arith.constant 0 : i32
        %dma_start3A_126 = tpu.memref_slice %arg6[%add3A_124, %dma_start3A_125] : memref<80x128xi32, #tpu.memory_space<vmem>> -> memref<1x128xi32, #tpu.memory_space<vmem>>
        %dma_start3A_127 = tpu.memref_squeeze %dma_start3A_126 : memref<1x128xi32, #tpu.memory_space<vmem>> -> memref<128xi32, #tpu.memory_space<vmem>>
        %dma_start3A_128 = arith.constant 0 : i32
        %dma_start3A_129 = arith.constant 0 : i32
        %dma_start3A_130 = tpu.memref_slice %arg2[%dma_start3A_128, %dma_start3A_129] : memref<10000x64xf32, #tpu.memory_space<hbm>> -> memref<10000x64xf32, #tpu.memory_space<hbm>>
        tpu.enqueue_indirect_dma source(%dma_start3A_130 : memref<10000x64xf32, #tpu.memory_space<hbm>>) target(%arg10 : memref<128x64xf32, #tpu.memory_space<vmem>>) offsets(%dma_start3A_127 : memref<128xi32, #tpu.memory_space<vmem>>) semaphore(%arg15 : memref<!tpu.dma_semaphore, #tpu.memory_space<semaphore_mem>>)
      } else {
      }
      %mul3A_89 = arith.constant 4 : i32
      %mul3A_90 = arith.muli %mul3A_89, %add3A_58 : i32
      %add3A_91 = arith.constant 2 : i32
      %add3A_92 = arith.addi %mul3A_90, %add3A_91 : i32
      %dma_wait3A_93 = arith.constant 0 : i32
      %dma_wait3A_94 = tpu.memref_slice %arg6[%add3A_92, %dma_wait3A_93] : memref<80x128xi32, #tpu.memory_space<vmem>> -> memref<1x128xi32, #tpu.memory_space<vmem>>
      %dma_wait3A_95 = tpu.memref_squeeze %dma_wait3A_94 : memref<1x128xi32, #tpu.memory_space<vmem>> -> memref<128xi32, #tpu.memory_space<vmem>>
      %dma_wait3A_96 = arith.constant 0 : i32
      %dma_wait3A_97 = arith.constant 0 : i32
      %dma_wait3A_98 = tpu.memref_slice %arg2[%dma_wait3A_96, %dma_wait3A_97] : memref<10000x64xf32, #tpu.memory_space<hbm>> -> memref<10000x64xf32, #tpu.memory_space<hbm>>
      tpu.wait_indirect_dma semaphore(%arg16 : memref<!tpu.dma_semaphore, #tpu.memory_space<semaphore_mem>>) src(%dma_wait3A_98 : memref<10000x64xf32, #tpu.memory_space<hbm>>) dst(%arg11 : memref<128x64xf32, #tpu.memory_space<vmem>>)
      "tpu.region"() ({
        %run_scoped3A = tpu.sem_alloc : memref<!tpu.dma_semaphore, #tpu.memory_space<semaphore_mem>>
        %dma_start3A_123 = arith.constant 0 : i32
        %dma_start3A_124 = tpu.memref_slice %arg7[%add3A_92, %dma_start3A_123] : memref<80x128xi32, #tpu.memory_space<vmem>> -> memref<1x128xi32, #tpu.memory_space<vmem>>
        %dma_start3A_125 = tpu.memref_squeeze %dma_start3A_124 : memref<1x128xi32, #tpu.memory_space<vmem>> -> memref<128xi32, #tpu.memory_space<vmem>>
        %dma_start3A_126 = arith.constant 0 : i32
        %dma_start3A_127 = arith.constant 0 : i32
        %dma_start3A_128 = tpu.memref_slice %arg13[%dma_start3A_126, %dma_start3A_127] : memref<10240x64xf32, #tpu.memory_space<vmem_shared>> -> memref<10240x64xf32, #tpu.memory_space<vmem_shared>>
        tpu.enqueue_indirect_dma source(%arg11 : memref<128x64xf32, #tpu.memory_space<vmem>>) target(%dma_start3A_128 : memref<10240x64xf32, #tpu.memory_space<vmem_shared>>) offsets(%dma_start3A_125 : memref<128xi32, #tpu.memory_space<vmem>>) semaphore(%run_scoped3A : memref<!tpu.dma_semaphore, #tpu.memory_space<semaphore_mem>>) {add = true}
        %dma_wait3A_129 = arith.constant 0 : i32
        %dma_wait3A_130 = tpu.memref_slice %arg7[%add3A_92, %dma_wait3A_129] : memref<80x128xi32, #tpu.memory_space<vmem>> -> memref<1x128xi32, #tpu.memory_space<vmem>>
        %dma_wait3A_131 = tpu.memref_squeeze %dma_wait3A_130 : memref<1x128xi32, #tpu.memory_space<vmem>> -> memref<128xi32, #tpu.memory_space<vmem>>
        %dma_wait3A_132 = arith.constant 0 : i32
        %dma_wait3A_133 = arith.constant 0 : i32
        %dma_wait3A_134 = tpu.memref_slice %arg13[%dma_wait3A_132, %dma_wait3A_133] : memref<10240x64xf32, #tpu.memory_space<vmem_shared>> -> memref<10240x64xf32, #tpu.memory_space<vmem_shared>>
        tpu.wait_indirect_dma semaphore(%run_scoped3A : memref<!tpu.dma_semaphore, #tpu.memory_space<semaphore_mem>>) src(%arg11 : memref<128x64xf32, #tpu.memory_space<vmem>>) dst(%dma_wait3A_134 : memref<10240x64xf32, #tpu.memory_space<vmem_shared>>)
        tpu.yield
      }) : () -> ()
      %add3A_99 = arith.constant 4 : i32
      %add3A_100 = arith.addi %add3A_92, %add3A_99 : i32
      %lt3A_101 = arith.constant 80 : i32
      %lt3A_102 = arith.cmpi slt, %add3A_100, %lt3A_101 : i32
      %convert_element_type3A_103 = arith.extui %lt3A_102 : i1 to i32
      %cond3A_104 = arith.constant 0 : i32
      %cond3A_105 = arith.cmpi ne, %convert_element_type3A_103, %cond3A_104 : i32
      scf.if %cond3A_105 {
        %add3A_123 = arith.constant 4 : i32
        %add3A_124 = arith.addi %add3A_92, %add3A_123 : i32
        %dma_start3A_125 = arith.constant 0 : i32
        %dma_start3A_126 = tpu.memref_slice %arg6[%add3A_124, %dma_start3A_125] : memref<80x128xi32, #tpu.memory_space<vmem>> -> memref<1x128xi32, #tpu.memory_space<vmem>>
        %dma_start3A_127 = tpu.memref_squeeze %dma_start3A_126 : memref<1x128xi32, #tpu.memory_space<vmem>> -> memref<128xi32, #tpu.memory_space<vmem>>
        %dma_start3A_128 = arith.constant 0 : i32
        %dma_start3A_129 = arith.constant 0 : i32
        %dma_start3A_130 = tpu.memref_slice %arg2[%dma_start3A_128, %dma_start3A_129] : memref<10000x64xf32, #tpu.memory_space<hbm>> -> memref<10000x64xf32, #tpu.memory_space<hbm>>
        tpu.enqueue_indirect_dma source(%dma_start3A_130 : memref<10000x64xf32, #tpu.memory_space<hbm>>) target(%arg11 : memref<128x64xf32, #tpu.memory_space<vmem>>) offsets(%dma_start3A_127 : memref<128xi32, #tpu.memory_space<vmem>>) semaphore(%arg16 : memref<!tpu.dma_semaphore, #tpu.memory_space<semaphore_mem>>)
      } else {
      }
      %mul3A_106 = arith.constant 4 : i32
      %mul3A_107 = arith.muli %mul3A_106, %add3A_58 : i32
      %add3A_108 = arith.constant 3 : i32
      %add3A_109 = arith.addi %mul3A_107, %add3A_108 : i32
      %dma_wait3A_110 = arith.constant 0 : i32
      %dma_wait3A_111 = tpu.memref_slice %arg6[%add3A_109, %dma_wait3A_110] : memref<80x128xi32, #tpu.memory_space<vmem>> -> memref<1x128xi32, #tpu.memory_space<vmem>>
      %dma_wait3A_112 = tpu.memref_squeeze %dma_wait3A_111 : memref<1x128xi32, #tpu.memory_space<vmem>> -> memref<128xi32, #tpu.memory_space<vmem>>
      %dma_wait3A_113 = arith.constant 0 : i32
      %dma_wait3A_114 = arith.constant 0 : i32
      %dma_wait3A_115 = tpu.memref_slice %arg2[%dma_wait3A_113, %dma_wait3A_114] : memref<10000x64xf32, #tpu.memory_space<hbm>> -> memref<10000x64xf32, #tpu.memory_space<hbm>>
      tpu.wait_indirect_dma semaphore(%arg17 : memref<!tpu.dma_semaphore, #tpu.memory_space<semaphore_mem>>) src(%dma_wait3A_115 : memref<10000x64xf32, #tpu.memory_space<hbm>>) dst(%arg12 : memref<128x64xf32, #tpu.memory_space<vmem>>)
      "tpu.region"() ({
        %run_scoped3A = tpu.sem_alloc : memref<!tpu.dma_semaphore, #tpu.memory_space<semaphore_mem>>
        %dma_start3A_123 = arith.constant 0 : i32
        %dma_start3A_124 = tpu.memref_slice %arg7[%add3A_109, %dma_start3A_123] : memref<80x128xi32, #tpu.memory_space<vmem>> -> memref<1x128xi32, #tpu.memory_space<vmem>>
        %dma_start3A_125 = tpu.memref_squeeze %dma_start3A_124 : memref<1x128xi32, #tpu.memory_space<vmem>> -> memref<128xi32, #tpu.memory_space<vmem>>
        %dma_start3A_126 = arith.constant 0 : i32
        %dma_start3A_127 = arith.constant 0 : i32
        %dma_start3A_128 = tpu.memref_slice %arg13[%dma_start3A_126, %dma_start3A_127] : memref<10240x64xf32, #tpu.memory_space<vmem_shared>> -> memref<10240x64xf32, #tpu.memory_space<vmem_shared>>
        tpu.enqueue_indirect_dma source(%arg12 : memref<128x64xf32, #tpu.memory_space<vmem>>) target(%dma_start3A_128 : memref<10240x64xf32, #tpu.memory_space<vmem_shared>>) offsets(%dma_start3A_125 : memref<128xi32, #tpu.memory_space<vmem>>) semaphore(%run_scoped3A : memref<!tpu.dma_semaphore, #tpu.memory_space<semaphore_mem>>) {add = true}
        %dma_wait3A_129 = arith.constant 0 : i32
        %dma_wait3A_130 = tpu.memref_slice %arg7[%add3A_109, %dma_wait3A_129] : memref<80x128xi32, #tpu.memory_space<vmem>> -> memref<1x128xi32, #tpu.memory_space<vmem>>
        %dma_wait3A_131 = tpu.memref_squeeze %dma_wait3A_130 : memref<1x128xi32, #tpu.memory_space<vmem>> -> memref<128xi32, #tpu.memory_space<vmem>>
        %dma_wait3A_132 = arith.constant 0 : i32
        %dma_wait3A_133 = arith.constant 0 : i32
        %dma_wait3A_134 = tpu.memref_slice %arg13[%dma_wait3A_132, %dma_wait3A_133] : memref<10240x64xf32, #tpu.memory_space<vmem_shared>> -> memref<10240x64xf32, #tpu.memory_space<vmem_shared>>
        tpu.wait_indirect_dma semaphore(%run_scoped3A : memref<!tpu.dma_semaphore, #tpu.memory_space<semaphore_mem>>) src(%arg12 : memref<128x64xf32, #tpu.memory_space<vmem>>) dst(%dma_wait3A_134 : memref<10240x64xf32, #tpu.memory_space<vmem_shared>>)
        tpu.yield
      }) : () -> ()
      %add3A_116 = arith.constant 4 : i32
      %add3A_117 = arith.addi %add3A_109, %add3A_116 : i32
      %lt3A_118 = arith.constant 80 : i32
      %lt3A_119 = arith.cmpi slt, %add3A_117, %lt3A_118 : i32
      %convert_element_type3A_120 = arith.extui %lt3A_119 : i1 to i32
      %cond3A_121 = arith.constant 0 : i32
      %cond3A_122 = arith.cmpi ne, %convert_element_type3A_120, %cond3A_121 : i32
      scf.if %cond3A_122 {
        %add3A_123 = arith.constant 4 : i32
        %add3A_124 = arith.addi %add3A_109, %add3A_123 : i32
        %dma_start3A_125 = arith.constant 0 : i32
        %dma_start3A_126 = tpu.memref_slice %arg6[%add3A_124, %dma_start3A_125] : memref<80x128xi32, #tpu.memory_space<vmem>> -> memref<1x128xi32, #tpu.memory_space<vmem>>
        %dma_start3A_127 = tpu.memref_squeeze %dma_start3A_126 : memref<1x128xi32, #tpu.memory_space<vmem>> -> memref<128xi32, #tpu.memory_space<vmem>>
        %dma_start3A_128 = arith.constant 0 : i32
        %dma_start3A_129 = arith.constant 0 : i32
        %dma_start3A_130 = tpu.memref_slice %arg2[%dma_start3A_128, %dma_start3A_129] : memref<10000x64xf32, #tpu.memory_space<hbm>> -> memref<10000x64xf32, #tpu.memory_space<hbm>>
        tpu.enqueue_indirect_dma source(%dma_start3A_130 : memref<10000x64xf32, #tpu.memory_space<hbm>>) target(%arg12 : memref<128x64xf32, #tpu.memory_space<vmem>>) offsets(%dma_start3A_127 : memref<128xi32, #tpu.memory_space<vmem>>) semaphore(%arg17 : memref<!tpu.dma_semaphore, #tpu.memory_space<semaphore_mem>>)
      } else {
      }
    }
    %scan3A_46 = arith.constant 20 : i32
    %barrier3A_47 = arith.constant 0 : index
    tpu.barrier barrier_id(%barrier3A_47)
    %mul3A_48 = arith.constant 625 : i32
    %mul3A_49 = arith.muli %arg1, %mul3A_48 : i32
    %mul3A_50 = arith.constant 625 : i32
    %mul3A_51 = arith.muli %arg1, %mul3A_50 : i32
    %mul3A_52 = arith.constant 64 : i32
    %mul3A_53 = arith.muli %arg0, %mul3A_52 : i32
    "tpu.region"() ({
      %run_scoped3A = tpu.sem_alloc : memref<!tpu.dma_semaphore, #tpu.memory_space<semaphore_mem>>
      %dma_start3A_54 = tpu.memref_slice %arg5[%mul3A_51, %mul3A_53] : memref<10000x128xf32, #tpu.memory_space<hbm>> -> memref<625x64xf32, #tpu.memory_space<hbm>>
      %dma_start3A_55 = arith.constant 0 : i32
      %dma_start3A_56 = tpu.memref_slice %arg13[%mul3A_49, %dma_start3A_55] : memref<10240x64xf32, #tpu.memory_space<vmem_shared>> -> memref<625x64xf32, #tpu.memory_space<vmem_shared>>
      tpu.enqueue_dma source(%dma_start3A_56 : memref<625x64xf32, #tpu.memory_space<vmem_shared>>) target(%dma_start3A_54 : memref<625x64xf32, #tpu.memory_space<hbm>>) target_semaphore(%run_scoped3A : memref<!tpu.dma_semaphore, #tpu.memory_space<semaphore_mem>>)
      %dma_wait3A = tpu.memref_slice %arg5[%mul3A_51, %mul3A_53] : memref<10000x128xf32, #tpu.memory_space<hbm>> -> memref<625x64xf32, #tpu.memory_space<hbm>>
      %dma_wait3A_57 = arith.constant 0 : i32
      %dma_wait3A_58 = tpu.memref_slice %arg13[%mul3A_49, %dma_wait3A_57] : memref<10240x64xf32, #tpu.memory_space<vmem_shared>> -> memref<625x64xf32, #tpu.memory_space<vmem_shared>>
      tpu.wait_dma2 semaphore(%run_scoped3A : memref<!tpu.dma_semaphore, #tpu.memory_space<semaphore_mem>>) src(%dma_wait3A_58 : memref<625x64xf32, #tpu.memory_space<vmem_shared>>) dst(%dma_wait3A : memref<625x64xf32, #tpu.memory_space<hbm>>)
      tpu.yield
    }) : () -> ()
    return
  }
}

#map = affine_map<(d0, d1) -> (0, 0)>
module attributes {stable_mosaic.version = 14 : i64} {
  func.func @body(%arg0: i32, %arg1: i32, %arg2: memref<10000x64xf32, #tpu.memory_space<hbm>>, %arg3: memref<2560x128xi32, #tpu.memory_space<hbm>>, %arg4: memref<2560x128xi32, #tpu.memory_space<hbm>>, %arg5: memref<10000x128xf32, #tpu.memory_space<hbm>>, %arg6: memref<80x128xi32, #tpu.memory_space<vmem>>, %arg7: memref<80x128xi32, #tpu.memory_space<vmem>>, %arg8: memref<128x64xf32, #tpu.memory_space<vmem>>, %arg9: memref<128x64xf32, #tpu.memory_space<vmem>>, %arg10: memref<128x64xf32, #tpu.memory_space<vmem>>, %arg11: memref<128x64xf32, #tpu.memory_space<vmem>>, %arg12: memref<128x64xf32, #tpu.memory_space<vmem>>, %arg13: memref<10240x64xf32, #tpu.memory_space<vmem_shared>>, %arg14: memref<!tpu.dma_semaphore, #tpu.memory_space<semaphore_mem>>, %arg15: memref<!tpu.dma_semaphore, #tpu.memory_space<semaphore_mem>>, %arg16: memref<!tpu.dma_semaphore, #tpu.memory_space<semaphore_mem>>, %arg17: memref<!tpu.dma_semaphore, #tpu.memory_space<semaphore_mem>>) attributes {dimension_semantics = [#tpu.dimension_semantics<core_parallel>, #tpu.dimension_semantics<subcore_parallel>], iteration_bounds = array<i64: 2, 16>, scalar_prefetch = 0 : i64, scratch_operands = 12 : i64, tpu.core_type = #tpu.core_type<sc_vector_subcore>, window_params = [{transform_indices = #map}, {transform_indices = #map}, {transform_indices = #map}, {transform_indices = #map}]} {
    %mul3A = arith.constant 16 : i32
    %mul3A_0 = arith.muli %arg0, %mul3A : i32
    %add3A = arith.addi %mul3A_0, %arg1 : i32
    %broadcast_in_dim3A = arith.constant 0.000000e+00 : f32
    %broadcast_in_dim3A_1 = vector.broadcast %broadcast_in_dim3A : f32 to vector<16xf32>
    %scan3A = arith.constant 0 : i32
    %scan3A_2 = arith.constant 128 : i32
    %scan3A_3 = arith.addi %scan3A, %scan3A_2 : i32
    %scan3A_4 = arith.constant 1 : i32
    scf.for %scan3A_54 = %scan3A to %scan3A_3 step %scan3A_4  : i32 {
      %mul3A_55 = arith.constant 1 : i32
      %mul3A_56 = arith.muli %scan3A_54, %mul3A_55 : i32
      %add3A_57 = arith.constant 0 : i32
      %add3A_58 = arith.addi %add3A_57, %mul3A_56 : i32
      %scan3A_59 = arith.constant 0 : i32
      %scan3A_60 = arith.constant 4 : i32
      %scan3A_61 = arith.addi %scan3A_59, %scan3A_60 : i32
      %scan3A_62 = arith.constant 1 : i32
      scf.for %scan3A_64 = %scan3A_59 to %scan3A_61 step %scan3A_62  : i32 {
        %mul3A_65 = arith.constant 16 : i32
        %mul3A_66 = arith.muli %scan3A_64, %mul3A_65 : i32
        %add3A_67 = arith.constant 0 : i32
        %add3A_68 = arith.addi %add3A_67, %mul3A_66 : i32
        %swap3A = arith.index_cast %add3A_58 : i32 to index
        %swap3A_69 = arith.index_cast %add3A_68 : i32 to index
        %swap3A_70 = tpu.vector_load %arg8[%swap3A, %swap3A_69] {strides = array<i32>} : memref<128x64xf32, #tpu.memory_space<vmem>>, vector<1x16xf32>,
        %swap3A_71 = vector.shape_cast %swap3A_70 : vector<1x16xf32> to vector<16xf32>
        %swap3A_72 = vector.shape_cast %broadcast_in_dim3A_1 : vector<16xf32> to vector<1x16xf32>
        tpu.vector_store %arg8[%swap3A, %swap3A_69], %swap3A_72 {strides = array<i32>} : memref<128x64xf32, #tpu.memory_space<vmem>>, vector<1x16xf32>,
      }
      %scan3A_63 = arith.constant 4 : i32
    }
    %scan3A_5 = arith.constant 128 : i32
    %scan3A_6 = arith.constant 0 : i32
    %scan3A_7 = arith.constant 5 : i32
    %scan3A_8 = arith.addi %scan3A_6, %scan3A_7 : i32
    %scan3A_9 = arith.constant 1 : i32
    scf.for %scan3A_54 = %scan3A_6 to %scan3A_8 step %scan3A_9  : i32 {
      %mul3A_55 = arith.constant 128 : i32
      %mul3A_56 = arith.muli %scan3A_54, %mul3A_55 : i32
      %add3A_57 = arith.constant 0 : i32
      %add3A_58 = arith.addi %add3A_57, %mul3A_56 : i32
      %mul3A_59 = arith.constant 640 : i32
      %mul3A_60 = arith.muli %arg1, %mul3A_59 : i32
      %add3A_61 = arith.addi %mul3A_60, %add3A_58 : i32
      "tpu.region"() ({
        %run_scoped3A = tpu.sem_alloc : memref<!tpu.dma_semaphore, #tpu.memory_space<semaphore_mem>>
        %dma_start3A_62 = arith.constant 0 : i32
        %dma_start3A_63 = tpu.memref_slice %arg13[%add3A_61, %dma_start3A_62] : memref<10240x64xf32, #tpu.memory_space<vmem_shared>> -> memref<128x64xf32, #tpu.memory_space<vmem_shared>>
        %dma_start3A_64 = arith.constant 0 : i32
        %dma_start3A_65 = tpu.memref_slice %arg13[%add3A_61, %dma_start3A_64] : memref<10240x64xf32, #tpu.memory_space<vmem_shared>> -> memref<128x64xf32, #tpu.memory_space<vmem_shared>>
        tpu.enqueue_dma source(%arg8 : memref<128x64xf32, #tpu.memory_space<vmem>>) target(%dma_start3A_65 : memref<128x64xf32, #tpu.memory_space<vmem_shared>>) target_semaphore(%run_scoped3A : memref<!tpu.dma_semaphore, #tpu.memory_space<semaphore_mem>>)
        %dma_wait3A = arith.constant 0 : i32
        %dma_wait3A_66 = tpu.memref_slice %arg13[%add3A_61, %dma_wait3A] : memref<10240x64xf32, #tpu.memory_space<vmem_shared>> -> memref<128x64xf32, #tpu.memory_space<vmem_shared>>
        %dma_wait3A_67 = arith.constant 0 : i32
        %dma_wait3A_68 = tpu.memref_slice %arg13[%add3A_61, %dma_wait3A_67] : memref<10240x64xf32, #tpu.memory_space<vmem_shared>> -> memref<128x64xf32, #tpu.memory_space<vmem_shared>>
        tpu.wait_dma2 semaphore(%run_scoped3A : memref<!tpu.dma_semaphore, #tpu.memory_space<semaphore_mem>>) src(%arg8 : memref<128x64xf32, #tpu.memory_space<vmem>>) dst(%dma_wait3A_68 : memref<128x64xf32, #tpu.memory_space<vmem_shared>>)
        tpu.yield
      }) : () -> ()
    }
    %scan3A_10 = arith.constant 5 : i32
    %mul3A_11 = arith.constant 80 : i32
    %mul3A_12 = arith.muli %add3A, %mul3A_11 : i32
    "tpu.region"() ({
      %run_scoped3A = tpu.sem_alloc : memref<!tpu.dma_semaphore, #tpu.memory_space<semaphore_mem>>
      %dma_start3A_54 = arith.constant 0 : i32
      %dma_start3A_55 = tpu.memref_slice %arg3[%mul3A_12, %dma_start3A_54] : memref<2560x128xi32, #tpu.memory_space<hbm>> -> memref<80x128xi32, #tpu.memory_space<hbm>>
      %dma_start3A_56 = arith.constant 0 : i32
      %dma_start3A_57 = tpu.memref_slice %arg3[%mul3A_12, %dma_start3A_56] : memref<2560x128xi32, #tpu.memory_space<hbm>> -> memref<80x128xi32, #tpu.memory_space<hbm>>
      tpu.enqueue_dma source(%dma_start3A_57 : memref<80x128xi32, #tpu.memory_space<hbm>>) target(%arg6 : memref<80x128xi32, #tpu.memory_space<vmem>>) target_semaphore(%run_scoped3A : memref<!tpu.dma_semaphore, #tpu.memory_space<semaphore_mem>>)
      %dma_wait3A = arith.constant 0 : i32
      %dma_wait3A_58 = tpu.memref_slice %arg3[%mul3A_12, %dma_wait3A] : memref<2560x128xi32, #tpu.memory_space<hbm>> -> memref<80x128xi32, #tpu.memory_space<hbm>>
      %dma_wait3A_59 = arith.constant 0 : i32
      %dma_wait3A_60 = tpu.memref_slice %arg3[%mul3A_12, %dma_wait3A_59] : memref<2560x128xi32, #tpu.memory_space<hbm>> -> memref<80x128xi32, #tpu.memory_space<hbm>>
      tpu.wait_dma2 semaphore(%run_scoped3A : memref<!tpu.dma_semaphore, #tpu.memory_space<semaphore_mem>>) src(%dma_wait3A_60 : memref<80x128xi32, #tpu.memory_space<hbm>>) dst(%arg6 : memref<80x128xi32, #tpu.memory_space<vmem>>)
      tpu.yield
    }) : () -> ()
    %mul3A_13 = arith.constant 80 : i32
    %mul3A_14 = arith.muli %add3A, %mul3A_13 : i32
    "tpu.region"() ({
      %run_scoped3A = tpu.sem_alloc : memref<!tpu.dma_semaphore, #tpu.memory_space<semaphore_mem>>
      %dma_start3A_54 = arith.constant 0 : i32
      %dma_start3A_55 = tpu.memref_slice %arg4[%mul3A_14, %dma_start3A_54] : memref<2560x128xi32, #tpu.memory_space<hbm>> -> memref<80x128xi32, #tpu.memory_space<hbm>>
      %dma_start3A_56 = arith.constant 0 : i32
      %dma_start3A_57 = tpu.memref_slice %arg4[%mul3A_14, %dma_start3A_56] : memref<2560x128xi32, #tpu.memory_space<hbm>> -> memref<80x128xi32, #tpu.memory_space<hbm>>
      tpu.enqueue_dma source(%dma_start3A_57 : memref<80x128xi32, #tpu.memory_space<hbm>>) target(%arg7 : memref<80x128xi32, #tpu.memory_space<vmem>>) target_semaphore(%run_scoped3A : memref<!tpu.dma_semaphore, #tpu.memory_space<semaphore_mem>>)
      %dma_wait3A = arith.constant 0 : i32
      %dma_wait3A_58 = tpu.memref_slice %arg4[%mul3A_14, %dma_wait3A] : memref<2560x128xi32, #tpu.memory_space<hbm>> -> memref<80x128xi32, #tpu.memory_space<hbm>>
      %dma_wait3A_59 = arith.constant 0 : i32
      %dma_wait3A_60 = tpu.memref_slice %arg4[%mul3A_14, %dma_wait3A_59] : memref<2560x128xi32, #tpu.memory_space<hbm>> -> memref<80x128xi32, #tpu.memory_space<hbm>>
      tpu.wait_dma2 semaphore(%run_scoped3A : memref<!tpu.dma_semaphore, #tpu.memory_space<semaphore_mem>>) src(%dma_wait3A_60 : memref<80x128xi32, #tpu.memory_space<hbm>>) dst(%arg7 : memref<80x128xi32, #tpu.memory_space<vmem>>)
      tpu.yield
    }) : () -> ()
    %dma_start3A = arith.constant 0 : i32
    %dma_start3A_15 = arith.constant 0 : i32
    %dma_start3A_16 = tpu.memref_slice %arg6[%dma_start3A, %dma_start3A_15] : memref<80x128xi32, #tpu.memory_space<vmem>> -> memref<1x128xi32, #tpu.memory_space<vmem>>
    %dma_start3A_17 = tpu.memref_squeeze %dma_start3A_16 : memref<1x128xi32, #tpu.memory_space<vmem>> -> memref<128xi32, #tpu.memory_space<vmem>>
    %dma_start3A_18 = arith.constant 0 : i32
    %dma_start3A_19 = arith.constant 0 : i32
    %dma_start3A_20 = tpu.memref_slice %arg2[%dma_start3A_18, %dma_start3A_19] : memref<10000x64xf32, #tpu.memory_space<hbm>> -> memref<10000x64xf32, #tpu.memory_space<hbm>>
    tpu.enqueue_indirect_dma source(%dma_start3A_20 : memref<10000x64xf32, #tpu.memory_space<hbm>>) target(%arg9 : memref<128x64xf32, #tpu.memory_space<vmem>>) offsets(%dma_start3A_17 : memref<128xi32, #tpu.memory_space<vmem>>) semaphore(%arg14 : memref<!tpu.dma_semaphore, #tpu.memory_space<semaphore_mem>>)
    %dma_start3A_21 = arith.constant 1 : i32
    %dma_start3A_22 = arith.constant 0 : i32
    %dma_start3A_23 = tpu.memref_slice %arg6[%dma_start3A_21, %dma_start3A_22] : memref<80x128xi32, #tpu.memory_space<vmem>> -> memref<1x128xi32, #tpu.memory_space<vmem>>
    %dma_start3A_24 = tpu.memref_squeeze %dma_start3A_23 : memref<1x128xi32, #tpu.memory_space<vmem>> -> memref<128xi32, #tpu.memory_space<vmem>>
    %dma_start3A_25 = arith.constant 0 : i32
    %dma_start3A_26 = arith.constant 0 : i32
    %dma_start3A_27 = tpu.memref_slice %arg2[%dma_start3A_25, %dma_start3A_26] : memref<10000x64xf32, #tpu.memory_space<hbm>> -> memref<10000x64xf32, #tpu.memory_space<hbm>>
    tpu.enqueue_indirect_dma source(%dma_start3A_27 : memref<10000x64xf32, #tpu.memory_space<hbm>>) target(%arg10 : memref<128x64xf32, #tpu.memory_space<vmem>>) offsets(%dma_start3A_24 : memref<128xi32, #tpu.memory_space<vmem>>) semaphore(%arg15 : memref<!tpu.dma_semaphore, #tpu.memory_space<semaphore_mem>>)
    %dma_start3A_28 = arith.constant 2 : i32
    %dma_start3A_29 = arith.constant 0 : i32
    %dma_start3A_30 = tpu.memref_slice %arg6[%dma_start3A_28, %dma_start3A_29] : memref<80x128xi32, #tpu.memory_space<vmem>> -> memref<1x128xi32, #tpu.memory_space<vmem>>
    %dma_start3A_31 = tpu.memref_squeeze %dma_start3A_30 : memref<1x128xi32, #tpu.memory_space<vmem>> -> memref<128xi32, #tpu.memory_space<vmem>>
    %dma_start3A_32 = arith.constant 0 : i32
    %dma_start3A_33 = arith.constant 0 : i32
    %dma_start3A_34 = tpu.memref_slice %arg2[%dma_start3A_32, %dma_start3A_33] : memref<10000x64xf32, #tpu.memory_space<hbm>> -> memref<10000x64xf32, #tpu.memory_space<hbm>>
    tpu.enqueue_indirect_dma source(%dma_start3A_34 : memref<10000x64xf32, #tpu.memory_space<hbm>>) target(%arg11 : memref<128x64xf32, #tpu.memory_space<vmem>>) offsets(%dma_start3A_31 : memref<128xi32, #tpu.memory_space<vmem>>) semaphore(%arg16 : memref<!tpu.dma_semaphore, #tpu.memory_space<semaphore_mem>>)
    %dma_start3A_35 = arith.constant 3 : i32
    %dma_start3A_36 = arith.constant 0 : i32
    %dma_start3A_37 = tpu.memref_slice %arg6[%dma_start3A_35, %dma_start3A_36] : memref<80x128xi32, #tpu.memory_space<vmem>> -> memref<1x128xi32, #tpu.memory_space<vmem>>
    %dma_start3A_38 = tpu.memref_squeeze %dma_start3A_37 : memref<1x128xi32, #tpu.memory_space<vmem>> -> memref<128xi32, #tpu.memory_space<vmem>>
    %dma_start3A_39 = arith.constant 0 : i32
    %dma_start3A_40 = arith.constant 0 : i32
    %dma_start3A_41 = tpu.memref_slice %arg2[%dma_start3A_39, %dma_start3A_40] : memref<10000x64xf32, #tpu.memory_space<hbm>> -> memref<10000x64xf32, #tpu.memory_space<hbm>>
    tpu.enqueue_indirect_dma source(%dma_start3A_41 : memref<10000x64xf32, #tpu.memory_space<hbm>>) target(%arg12 : memref<128x64xf32, #tpu.memory_space<vmem>>) offsets(%dma_start3A_38 : memref<128xi32, #tpu.memory_space<vmem>>) semaphore(%arg17 : memref<!tpu.dma_semaphore, #tpu.memory_space<semaphore_mem>>)
    %barrier3A = arith.constant 0 : index
    tpu.barrier barrier_id(%barrier3A)
    %scan3A_42 = arith.constant 0 : i32
    %scan3A_43 = arith.constant 20 : i32
    %scan3A_44 = arith.addi %scan3A_42, %scan3A_43 : i32
    %scan3A_45 = arith.constant 1 : i32
    scf.for %scan3A_54 = %scan3A_42 to %scan3A_44 step %scan3A_45  : i32 {
      %mul3A_55 = arith.constant 1 : i32
      %mul3A_56 = arith.muli %scan3A_54, %mul3A_55 : i32
      %add3A_57 = arith.constant 0 : i32
      %add3A_58 = arith.addi %add3A_57, %mul3A_56 : i32
      %mul3A_59 = arith.constant 4 : i32
      %mul3A_60 = arith.muli %mul3A_59, %add3A_58 : i32
      %add3A_61 = arith.constant 0 : i32
      %add3A_62 = arith.addi %mul3A_60, %add3A_61 : i32
      %dma_wait3A = arith.constant 0 : i32
      %dma_wait3A_63 = tpu.memref_slice %arg6[%add3A_62, %dma_wait3A] : memref<80x128xi32, #tpu.memory_space<vmem>> -> memref<1x128xi32, #tpu.memory_space<vmem>>
      %dma_wait3A_64 = tpu.memref_squeeze %dma_wait3A_63 : memref<1x128xi32, #tpu.memory_space<vmem>> -> memref<128xi32, #tpu.memory_space<vmem>>
      %dma_wait3A_65 = arith.constant 0 : i32
      %dma_wait3A_66 = arith.constant 0 : i32
      %dma_wait3A_67 = tpu.memref_slice %arg2[%dma_wait3A_65, %dma_wait3A_66] : memref<10000x64xf32, #tpu.memory_space<hbm>> -> memref<10000x64xf32, #tpu.memory_space<hbm>>
      tpu.wait_indirect_dma semaphore(%arg14 : memref<!tpu.dma_semaphore, #tpu.memory_space<semaphore_mem>>) src(%dma_wait3A_67 : memref<10000x64xf32, #tpu.memory_space<hbm>>) dst(%arg9 : memref<128x64xf32, #tpu.memory_space<vmem>>)
      "tpu.region"() ({
        %run_scoped3A = tpu.sem_alloc : memref<!tpu.dma_semaphore, #tpu.memory_space<semaphore_mem>>
        %dma_start3A_123 = arith.constant 0 : i32
        %dma_start3A_124 = tpu.memref_slice %arg7[%add3A_62, %dma_start3A_123] : memref<80x128xi32, #tpu.memory_space<vmem>> -> memref<1x128xi32, #tpu.memory_space<vmem>>
        %dma_start3A_125 = tpu.memref_squeeze %dma_start3A_124 : memref<1x128xi32, #tpu.memory_space<vmem>> -> memref<128xi32, #tpu.memory_space<vmem>>
        %dma_start3A_126 = arith.constant 0 : i32
        %dma_start3A_127 = arith.constant 0 : i32
        %dma_start3A_128 = tpu.memref_slice %arg13[%dma_start3A_126, %dma_start3A_127] : memref<10240x64xf32, #tpu.memory_space<vmem_shared>> -> memref<10240x64xf32, #tpu.memory_space<vmem_shared>>
        tpu.enqueue_indirect_dma source(%arg9 : memref<128x64xf32, #tpu.memory_space<vmem>>) target(%dma_start3A_128 : memref<10240x64xf32, #tpu.memory_space<vmem_shared>>) offsets(%dma_start3A_125 : memref<128xi32, #tpu.memory_space<vmem>>) semaphore(%run_scoped3A : memref<!tpu.dma_semaphore, #tpu.memory_space<semaphore_mem>>) {add = true}
        %dma_wait3A_129 = arith.constant 0 : i32
        %dma_wait3A_130 = tpu.memref_slice %arg7[%add3A_62, %dma_wait3A_129] : memref<80x128xi32, #tpu.memory_space<vmem>> -> memref<1x128xi32, #tpu.memory_space<vmem>>
        %dma_wait3A_131 = tpu.memref_squeeze %dma_wait3A_130 : memref<1x128xi32, #tpu.memory_space<vmem>> -> memref<128xi32, #tpu.memory_space<vmem>>
        %dma_wait3A_132 = arith.constant 0 : i32
        %dma_wait3A_133 = arith.constant 0 : i32
        %dma_wait3A_134 = tpu.memref_slice %arg13[%dma_wait3A_132, %dma_wait3A_133] : memref<10240x64xf32, #tpu.memory_space<vmem_shared>> -> memref<10240x64xf32, #tpu.memory_space<vmem_shared>>
        tpu.wait_indirect_dma semaphore(%run_scoped3A : memref<!tpu.dma_semaphore, #tpu.memory_space<semaphore_mem>>) src(%arg9 : memref<128x64xf32, #tpu.memory_space<vmem>>) dst(%dma_wait3A_134 : memref<10240x64xf32, #tpu.memory_space<vmem_shared>>)
        tpu.yield
      }) : () -> ()
      %add3A_68 = arith.constant 4 : i32
      %add3A_69 = arith.addi %add3A_62, %add3A_68 : i32
      %lt3A = arith.constant 80 : i32
      %lt3A_70 = arith.cmpi slt, %add3A_69, %lt3A : i32
      %convert_element_type3A = arith.extui %lt3A_70 : i1 to i32
      %cond3A = arith.constant 0 : i32
      %cond3A_71 = arith.cmpi ne, %convert_element_type3A, %cond3A : i32
      scf.if %cond3A_71 {
        %add3A_123 = arith.constant 4 : i32
        %add3A_124 = arith.addi %add3A_62, %add3A_123 : i32
        %dma_start3A_125 = arith.constant 0 : i32
        %dma_start3A_126 = tpu.memref_slice %arg6[%add3A_124, %dma_start3A_125] : memref<80x128xi32, #tpu.memory_space<vmem>> -> memref<1x128xi32, #tpu.memory_space<vmem>>
        %dma_start3A_127 = tpu.memref_squeeze %dma_start3A_126 : memref<1x128xi32, #tpu.memory_space<vmem>> -> memref<128xi32, #tpu.memory_space<vmem>>
        %dma_start3A_128 = arith.constant 0 : i32
        %dma_start3A_129 = arith.constant 0 : i32
        %dma_start3A_130 = tpu.memref_slice %arg2[%dma_start3A_128, %dma_start3A_129] : memref<10000x64xf32, #tpu.memory_space<hbm>> -> memref<10000x64xf32, #tpu.memory_space<hbm>>
        tpu.enqueue_indirect_dma source(%dma_start3A_130 : memref<10000x64xf32, #tpu.memory_space<hbm>>) target(%arg9 : memref<128x64xf32, #tpu.memory_space<vmem>>) offsets(%dma_start3A_127 : memref<128xi32, #tpu.memory_space<vmem>>) semaphore(%arg14 : memref<!tpu.dma_semaphore, #tpu.memory_space<semaphore_mem>>)
      } else {
      }
      %mul3A_72 = arith.constant 4 : i32
      %mul3A_73 = arith.muli %mul3A_72, %add3A_58 : i32
      %add3A_74 = arith.constant 1 : i32
      %add3A_75 = arith.addi %mul3A_73, %add3A_74 : i32
      %dma_wait3A_76 = arith.constant 0 : i32
      %dma_wait3A_77 = tpu.memref_slice %arg6[%add3A_75, %dma_wait3A_76] : memref<80x128xi32, #tpu.memory_space<vmem>> -> memref<1x128xi32, #tpu.memory_space<vmem>>
      %dma_wait3A_78 = tpu.memref_squeeze %dma_wait3A_77 : memref<1x128xi32, #tpu.memory_space<vmem>> -> memref<128xi32, #tpu.memory_space<vmem>>
      %dma_wait3A_79 = arith.constant 0 : i32
      %dma_wait3A_80 = arith.constant 0 : i32
      %dma_wait3A_81 = tpu.memref_slice %arg2[%dma_wait3A_79, %dma_wait3A_80] : memref<10000x64xf32, #tpu.memory_space<hbm>> -> memref<10000x64xf32, #tpu.memory_space<hbm>>
      tpu.wait_indirect_dma semaphore(%arg15 : memref<!tpu.dma_semaphore, #tpu.memory_space<semaphore_mem>>) src(%dma_wait3A_81 : memref<10000x64xf32, #tpu.memory_space<hbm>>) dst(%arg10 : memref<128x64xf32, #tpu.memory_space<vmem>>)
      "tpu.region"() ({
        %run_scoped3A = tpu.sem_alloc : memref<!tpu.dma_semaphore, #tpu.memory_space<semaphore_mem>>
        %dma_start3A_123 = arith.constant 0 : i32
        %dma_start3A_124 = tpu.memref_slice %arg7[%add3A_75, %dma_start3A_123] : memref<80x128xi32, #tpu.memory_space<vmem>> -> memref<1x128xi32, #tpu.memory_space<vmem>>
        %dma_start3A_125 = tpu.memref_squeeze %dma_start3A_124 : memref<1x128xi32, #tpu.memory_space<vmem>> -> memref<128xi32, #tpu.memory_space<vmem>>
        %dma_start3A_126 = arith.constant 0 : i32
        %dma_start3A_127 = arith.constant 0 : i32
        %dma_start3A_128 = tpu.memref_slice %arg13[%dma_start3A_126, %dma_start3A_127] : memref<10240x64xf32, #tpu.memory_space<vmem_shared>> -> memref<10240x64xf32, #tpu.memory_space<vmem_shared>>
        tpu.enqueue_indirect_dma source(%arg10 : memref<128x64xf32, #tpu.memory_space<vmem>>) target(%dma_start3A_128 : memref<10240x64xf32, #tpu.memory_space<vmem_shared>>) offsets(%dma_start3A_125 : memref<128xi32, #tpu.memory_space<vmem>>) semaphore(%run_scoped3A : memref<!tpu.dma_semaphore, #tpu.memory_space<semaphore_mem>>) {add = true}
        %dma_wait3A_129 = arith.constant 0 : i32
        %dma_wait3A_130 = tpu.memref_slice %arg7[%add3A_75, %dma_wait3A_129] : memref<80x128xi32, #tpu.memory_space<vmem>> -> memref<1x128xi32, #tpu.memory_space<vmem>>
        %dma_wait3A_131 = tpu.memref_squeeze %dma_wait3A_130 : memref<1x128xi32, #tpu.memory_space<vmem>> -> memref<128xi32, #tpu.memory_space<vmem>>
        %dma_wait3A_132 = arith.constant 0 : i32
        %dma_wait3A_133 = arith.constant 0 : i32
        %dma_wait3A_134 = tpu.memref_slice %arg13[%dma_wait3A_132, %dma_wait3A_133] : memref<10240x64xf32, #tpu.memory_space<vmem_shared>> -> memref<10240x64xf32, #tpu.memory_space<vmem_shared>>
        tpu.wait_indirect_dma semaphore(%run_scoped3A : memref<!tpu.dma_semaphore, #tpu.memory_space<semaphore_mem>>) src(%arg10 : memref<128x64xf32, #tpu.memory_space<vmem>>) dst(%dma_wait3A_134 : memref<10240x64xf32, #tpu.memory_space<vmem_shared>>)
        tpu.yield
      }) : () -> ()
      %add3A_82 = arith.constant 4 : i32
      %add3A_83 = arith.addi %add3A_75, %add3A_82 : i32
      %lt3A_84 = arith.constant 80 : i32
      %lt3A_85 = arith.cmpi slt, %add3A_83, %lt3A_84 : i32
      %convert_element_type3A_86 = arith.extui %lt3A_85 : i1 to i32
      %cond3A_87 = arith.constant 0 : i32
      %cond3A_88 = arith.cmpi ne, %convert_element_type3A_86, %cond3A_87 : i32
      scf.if %cond3A_88 {
        %add3A_123 = arith.constant 4 : i32
        %add3A_124 = arith.addi %add3A_75, %add3A_123 : i32
        %dma_start3A_125 = arith.constant 0 : i32
        %dma_start3A_126 = tpu.memref_slice %arg6[%add3A_124, %dma_start3A_125] : memref<80x128xi32, #tpu.memory_space<vmem>> -> memref<1x128xi32, #tpu.memory_space<vmem>>
        %dma_start3A_127 = tpu.memref_squeeze %dma_start3A_126 : memref<1x128xi32, #tpu.memory_space<vmem>> -> memref<128xi32, #tpu.memory_space<vmem>>
        %dma_start3A_128 = arith.constant 0 : i32
        %dma_start3A_129 = arith.constant 0 : i32
        %dma_start3A_130 = tpu.memref_slice %arg2[%dma_start3A_128, %dma_start3A_129] : memref<10000x64xf32, #tpu.memory_space<hbm>> -> memref<10000x64xf32, #tpu.memory_space<hbm>>
        tpu.enqueue_indirect_dma source(%dma_start3A_130 : memref<10000x64xf32, #tpu.memory_space<hbm>>) target(%arg10 : memref<128x64xf32, #tpu.memory_space<vmem>>) offsets(%dma_start3A_127 : memref<128xi32, #tpu.memory_space<vmem>>) semaphore(%arg15 : memref<!tpu.dma_semaphore, #tpu.memory_space<semaphore_mem>>)
      } else {
      }
      %mul3A_89 = arith.constant 4 : i32
      %mul3A_90 = arith.muli %mul3A_89, %add3A_58 : i32
      %add3A_91 = arith.constant 2 : i32
      %add3A_92 = arith.addi %mul3A_90, %add3A_91 : i32
      %dma_wait3A_93 = arith.constant 0 : i32
      %dma_wait3A_94 = tpu.memref_slice %arg6[%add3A_92, %dma_wait3A_93] : memref<80x128xi32, #tpu.memory_space<vmem>> -> memref<1x128xi32, #tpu.memory_space<vmem>>
      %dma_wait3A_95 = tpu.memref_squeeze %dma_wait3A_94 : memref<1x128xi32, #tpu.memory_space<vmem>> -> memref<128xi32, #tpu.memory_space<vmem>>
      %dma_wait3A_96 = arith.constant 0 : i32
      %dma_wait3A_97 = arith.constant 0 : i32
      %dma_wait3A_98 = tpu.memref_slice %arg2[%dma_wait3A_96, %dma_wait3A_97] : memref<10000x64xf32, #tpu.memory_space<hbm>> -> memref<10000x64xf32, #tpu.memory_space<hbm>>
      tpu.wait_indirect_dma semaphore(%arg16 : memref<!tpu.dma_semaphore, #tpu.memory_space<semaphore_mem>>) src(%dma_wait3A_98 : memref<10000x64xf32, #tpu.memory_space<hbm>>) dst(%arg11 : memref<128x64xf32, #tpu.memory_space<vmem>>)
      "tpu.region"() ({
        %run_scoped3A = tpu.sem_alloc : memref<!tpu.dma_semaphore, #tpu.memory_space<semaphore_mem>>
        %dma_start3A_123 = arith.constant 0 : i32
        %dma_start3A_124 = tpu.memref_slice %arg7[%add3A_92, %dma_start3A_123] : memref<80x128xi32, #tpu.memory_space<vmem>> -> memref<1x128xi32, #tpu.memory_space<vmem>>
        %dma_start3A_125 = tpu.memref_squeeze %dma_start3A_124 : memref<1x128xi32, #tpu.memory_space<vmem>> -> memref<128xi32, #tpu.memory_space<vmem>>
        %dma_start3A_126 = arith.constant 0 : i32
        %dma_start3A_127 = arith.constant 0 : i32
        %dma_start3A_128 = tpu.memref_slice %arg13[%dma_start3A_126, %dma_start3A_127] : memref<10240x64xf32, #tpu.memory_space<vmem_shared>> -> memref<10240x64xf32, #tpu.memory_space<vmem_shared>>
        tpu.enqueue_indirect_dma source(%arg11 : memref<128x64xf32, #tpu.memory_space<vmem>>) target(%dma_start3A_128 : memref<10240x64xf32, #tpu.memory_space<vmem_shared>>) offsets(%dma_start3A_125 : memref<128xi32, #tpu.memory_space<vmem>>) semaphore(%run_scoped3A : memref<!tpu.dma_semaphore, #tpu.memory_space<semaphore_mem>>) {add = true}
        %dma_wait3A_129 = arith.constant 0 : i32
        %dma_wait3A_130 = tpu.memref_slice %arg7[%add3A_92, %dma_wait3A_129] : memref<80x128xi32, #tpu.memory_space<vmem>> -> memref<1x128xi32, #tpu.memory_space<vmem>>
        %dma_wait3A_131 = tpu.memref_squeeze %dma_wait3A_130 : memref<1x128xi32, #tpu.memory_space<vmem>> -> memref<128xi32, #tpu.memory_space<vmem>>
        %dma_wait3A_132 = arith.constant 0 : i32
        %dma_wait3A_133 = arith.constant 0 : i32
        %dma_wait3A_134 = tpu.memref_slice %arg13[%dma_wait3A_132, %dma_wait3A_133] : memref<10240x64xf32, #tpu.memory_space<vmem_shared>> -> memref<10240x64xf32, #tpu.memory_space<vmem_shared>>
        tpu.wait_indirect_dma semaphore(%run_scoped3A : memref<!tpu.dma_semaphore, #tpu.memory_space<semaphore_mem>>) src(%arg11 : memref<128x64xf32, #tpu.memory_space<vmem>>) dst(%dma_wait3A_134 : memref<10240x64xf32, #tpu.memory_space<vmem_shared>>)
        tpu.yield
      }) : () -> ()
      %add3A_99 = arith.constant 4 : i32
      %add3A_100 = arith.addi %add3A_92, %add3A_99 : i32
      %lt3A_101 = arith.constant 80 : i32
      %lt3A_102 = arith.cmpi slt, %add3A_100, %lt3A_101 : i32
      %convert_element_type3A_103 = arith.extui %lt3A_102 : i1 to i32
      %cond3A_104 = arith.constant 0 : i32
      %cond3A_105 = arith.cmpi ne, %convert_element_type3A_103, %cond3A_104 : i32
      scf.if %cond3A_105 {
        %add3A_123 = arith.constant 4 : i32
        %add3A_124 = arith.addi %add3A_92, %add3A_123 : i32
        %dma_start3A_125 = arith.constant 0 : i32
        %dma_start3A_126 = tpu.memref_slice %arg6[%add3A_124, %dma_start3A_125] : memref<80x128xi32, #tpu.memory_space<vmem>> -> memref<1x128xi32, #tpu.memory_space<vmem>>
        %dma_start3A_127 = tpu.memref_squeeze %dma_start3A_126 : memref<1x128xi32, #tpu.memory_space<vmem>> -> memref<128xi32, #tpu.memory_space<vmem>>
        %dma_start3A_128 = arith.constant 0 : i32
        %dma_start3A_129 = arith.constant 0 : i32
        %dma_start3A_130 = tpu.memref_slice %arg2[%dma_start3A_128, %dma_start3A_129] : memref<10000x64xf32, #tpu.memory_space<hbm>> -> memref<10000x64xf32, #tpu.memory_space<hbm>>
        tpu.enqueue_indirect_dma source(%dma_start3A_130 : memref<10000x64xf32, #tpu.memory_space<hbm>>) target(%arg11 : memref<128x64xf32, #tpu.memory_space<vmem>>) offsets(%dma_start3A_127 : memref<128xi32, #tpu.memory_space<vmem>>) semaphore(%arg16 : memref<!tpu.dma_semaphore, #tpu.memory_space<semaphore_mem>>)
      } else {
      }
      %mul3A_106 = arith.constant 4 : i32
      %mul3A_107 = arith.muli %mul3A_106, %add3A_58 : i32
      %add3A_108 = arith.constant 3 : i32
      %add3A_109 = arith.addi %mul3A_107, %add3A_108 : i32
      %dma_wait3A_110 = arith.constant 0 : i32
      %dma_wait3A_111 = tpu.memref_slice %arg6[%add3A_109, %dma_wait3A_110] : memref<80x128xi32, #tpu.memory_space<vmem>> -> memref<1x128xi32, #tpu.memory_space<vmem>>
      %dma_wait3A_112 = tpu.memref_squeeze %dma_wait3A_111 : memref<1x128xi32, #tpu.memory_space<vmem>> -> memref<128xi32, #tpu.memory_space<vmem>>
      %dma_wait3A_113 = arith.constant 0 : i32
      %dma_wait3A_114 = arith.constant 0 : i32
      %dma_wait3A_115 = tpu.memref_slice %arg2[%dma_wait3A_113, %dma_wait3A_114] : memref<10000x64xf32, #tpu.memory_space<hbm>> -> memref<10000x64xf32, #tpu.memory_space<hbm>>
      tpu.wait_indirect_dma semaphore(%arg17 : memref<!tpu.dma_semaphore, #tpu.memory_space<semaphore_mem>>) src(%dma_wait3A_115 : memref<10000x64xf32, #tpu.memory_space<hbm>>) dst(%arg12 : memref<128x64xf32, #tpu.memory_space<vmem>>)
      "tpu.region"() ({
        %run_scoped3A = tpu.sem_alloc : memref<!tpu.dma_semaphore, #tpu.memory_space<semaphore_mem>>
        %dma_start3A_123 = arith.constant 0 : i32
        %dma_start3A_124 = tpu.memref_slice %arg7[%add3A_109, %dma_start3A_123] : memref<80x128xi32, #tpu.memory_space<vmem>> -> memref<1x128xi32, #tpu.memory_space<vmem>>
        %dma_start3A_125 = tpu.memref_squeeze %dma_start3A_124 : memref<1x128xi32, #tpu.memory_space<vmem>> -> memref<128xi32, #tpu.memory_space<vmem>>
        %dma_start3A_126 = arith.constant 0 : i32
        %dma_start3A_127 = arith.constant 0 : i32
        %dma_start3A_128 = tpu.memref_slice %arg13[%dma_start3A_126, %dma_start3A_127] : memref<10240x64xf32, #tpu.memory_space<vmem_shared>> -> memref<10240x64xf32, #tpu.memory_space<vmem_shared>>
        tpu.enqueue_indirect_dma source(%arg12 : memref<128x64xf32, #tpu.memory_space<vmem>>) target(%dma_start3A_128 : memref<10240x64xf32, #tpu.memory_space<vmem_shared>>) offsets(%dma_start3A_125 : memref<128xi32, #tpu.memory_space<vmem>>) semaphore(%run_scoped3A : memref<!tpu.dma_semaphore, #tpu.memory_space<semaphore_mem>>) {add = true}
        %dma_wait3A_129 = arith.constant 0 : i32
        %dma_wait3A_130 = tpu.memref_slice %arg7[%add3A_109, %dma_wait3A_129] : memref<80x128xi32, #tpu.memory_space<vmem>> -> memref<1x128xi32, #tpu.memory_space<vmem>>
        %dma_wait3A_131 = tpu.memref_squeeze %dma_wait3A_130 : memref<1x128xi32, #tpu.memory_space<vmem>> -> memref<128xi32, #tpu.memory_space<vmem>>
        %dma_wait3A_132 = arith.constant 0 : i32
        %dma_wait3A_133 = arith.constant 0 : i32
        %dma_wait3A_134 = tpu.memref_slice %arg13[%dma_wait3A_132, %dma_wait3A_133] : memref<10240x64xf32, #tpu.memory_space<vmem_shared>> -> memref<10240x64xf32, #tpu.memory_space<vmem_shared>>
        tpu.wait_indirect_dma semaphore(%run_scoped3A : memref<!tpu.dma_semaphore, #tpu.memory_space<semaphore_mem>>) src(%arg12 : memref<128x64xf32, #tpu.memory_space<vmem>>) dst(%dma_wait3A_134 : memref<10240x64xf32, #tpu.memory_space<vmem_shared>>)
        tpu.yield
      }) : () -> ()
      %add3A_116 = arith.constant 4 : i32
      %add3A_117 = arith.addi %add3A_109, %add3A_116 : i32
      %lt3A_118 = arith.constant 80 : i32
      %lt3A_119 = arith.cmpi slt, %add3A_117, %lt3A_118 : i32
      %convert_element_type3A_120 = arith.extui %lt3A_119 : i1 to i32
      %cond3A_121 = arith.constant 0 : i32
      %cond3A_122 = arith.cmpi ne, %convert_element_type3A_120, %cond3A_121 : i32
      scf.if %cond3A_122 {
        %add3A_123 = arith.constant 4 : i32
        %add3A_124 = arith.addi %add3A_109, %add3A_123 : i32
        %dma_start3A_125 = arith.constant 0 : i32
        %dma_start3A_126 = tpu.memref_slice %arg6[%add3A_124, %dma_start3A_125] : memref<80x128xi32, #tpu.memory_space<vmem>> -> memref<1x128xi32, #tpu.memory_space<vmem>>
        %dma_start3A_127 = tpu.memref_squeeze %dma_start3A_126 : memref<1x128xi32, #tpu.memory_space<vmem>> -> memref<128xi32, #tpu.memory_space<vmem>>
        %dma_start3A_128 = arith.constant 0 : i32
        %dma_start3A_129 = arith.constant 0 : i32
        %dma_start3A_130 = tpu.memref_slice %arg2[%dma_start3A_128, %dma_start3A_129] : memref<10000x64xf32, #tpu.memory_space<hbm>> -> memref<10000x64xf32, #tpu.memory_space<hbm>>
        tpu.enqueue_indirect_dma source(%dma_start3A_130 : memref<10000x64xf32, #tpu.memory_space<hbm>>) target(%arg12 : memref<128x64xf32, #tpu.memory_space<vmem>>) offsets(%dma_start3A_127 : memref<128xi32, #tpu.memory_space<vmem>>) semaphore(%arg17 : memref<!tpu.dma_semaphore, #tpu.memory_space<semaphore_mem>>)
      } else {
      }
    }
    %scan3A_46 = arith.constant 20 : i32
    %barrier3A_47 = arith.constant 0 : index
    tpu.barrier barrier_id(%barrier3A_47)
    %mul3A_48 = arith.constant 625 : i32
    %mul3A_49 = arith.muli %arg1, %mul3A_48 : i32
    %mul3A_50 = arith.constant 625 : i32
    %mul3A_51 = arith.muli %arg1, %mul3A_50 : i32
    %mul3A_52 = arith.constant 64 : i32
    %mul3A_53 = arith.muli %arg0, %mul3A_52 : i32
    "tpu.region"() ({
      %run_scoped3A = tpu.sem_alloc : memref<!tpu.dma_semaphore, #tpu.memory_space<semaphore_mem>>
      %dma_start3A_54 = tpu.memref_slice %arg5[%mul3A_51, %mul3A_53] : memref<10000x128xf32, #tpu.memory_space<hbm>> -> memref<625x64xf32, #tpu.memory_space<hbm>>
      %dma_start3A_55 = arith.constant 0 : i32
      %dma_start3A_56 = tpu.memref_slice %arg13[%mul3A_49, %dma_start3A_55] : memref<10240x64xf32, #tpu.memory_space<vmem_shared>> -> memref<625x64xf32, #tpu.memory_space<vmem_shared>>
      tpu.enqueue_dma source(%dma_start3A_56 : memref<625x64xf32, #tpu.memory_space<vmem_shared>>) target(%dma_start3A_54 : memref<625x64xf32, #tpu.memory_space<hbm>>) target_semaphore(%run_scoped3A : memref<!tpu.dma_semaphore, #tpu.memory_space<semaphore_mem>>)
      %dma_wait3A = tpu.memref_slice %arg5[%mul3A_51, %mul3A_53] : memref<10000x128xf32, #tpu.memory_space<hbm>> -> memref<625x64xf32, #tpu.memory_space<hbm>>
      %dma_wait3A_57 = arith.constant 0 : i32
      %dma_wait3A_58 = tpu.memref_slice %arg13[%mul3A_49, %dma_wait3A_57] : memref<10240x64xf32, #tpu.memory_space<vmem_shared>> -> memref<625x64xf32, #tpu.memory_space<vmem_shared>>
      tpu.wait_dma2 semaphore(%run_scoped3A : memref<!tpu.dma_semaphore, #tpu.memory_space<semaphore_mem>>) src(%dma_wait3A_58 : memref<625x64xf32, #tpu.memory_space<vmem_shared>>) dst(%dma_wait3A : memref<625x64xf32, #tpu.memory_space<hbm>>)
      tpu.yield
    }) : () -> ()
    return
  }
}

module attributes {stable_mosaic.version = 14 : i64} {
  func.func @_tc_layer0_body(%arg0: memref<10000x128xf32, #tpu.memory_space<vmem>>, %arg1: memref<10000x128xf32, #tpu.memory_space<vmem>>, %arg2: memref<2x10000x16xf32, #tpu.memory_space<vmem>>, %arg3: memref<10000x128xf32, #tpu.memory_space<vmem>>, %arg4: memref<128x64xf32, #tpu.memory_space<vmem>>, %arg5: memref<128x64xf32, #tpu.memory_space<vmem>>, %arg6: memref<1x64xf32, #tpu.memory_space<vmem>>, %arg7: memref<10000x64xf32, #tpu.memory_space<vmem>>, %arg8: memref<10000x1xf32, #tpu.memory_space<vmem>>) attributes {dimension_semantics = [], scalar_prefetch = 0 : i64, scratch_operands = 0 : i64, tpu.core_type = #tpu.core_type<tc>} {
    %get3A = arith.constant 0 : index
    %get3A_0 = arith.constant 0 : index
    %get3A_1 = arith.constant 0 : index
    %get3A_2 = vector.load %arg2[%get3A, %get3A_0, %get3A_1] : memref<2x10000x16xf32, #tpu.memory_space<vmem>>, vector<1x10000x1xf32>
    %get3A_3 = vector.shape_cast %get3A_2 : vector<1x10000x1xf32> to vector<10000x1xf32>
    %get3A_4 = arith.constant 1 : index
    %get3A_5 = arith.constant 0 : index
    %get3A_6 = arith.constant 0 : index
    %get3A_7 = vector.load %arg2[%get3A_4, %get3A_5, %get3A_6] : memref<2x10000x16xf32, #tpu.memory_space<vmem>>, vector<1x10000x1xf32>
    %get3A_8 = vector.shape_cast %get3A_7 : vector<1x10000x1xf32> to vector<10000x1xf32>
    %add3A = arith.addf %get3A_3, %get3A_8 : vector<10000x1xf32>
    %max3A = arith.constant 1.000000e+00 : f32
    %max3A_9 = vector.broadcast %max3A : f32 to vector<10000x1xf32>
    %max3A_10 = arith.maximumf %add3A, %max3A_9 : vector<10000x1xf32>
    %swap3A = arith.constant 0 : index
    %swap3A_11 = arith.constant 0 : index
    %swap3A_12 = vector.load %arg8[%swap3A, %swap3A_11] : memref<10000x1xf32, #tpu.memory_space<vmem>>, vector<10000x1xf32>
    tpu.vector_store %arg8[%swap3A, %swap3A_11], %max3A_10 {strides = array<i32>} : memref<10000x1xf32, #tpu.memory_space<vmem>>, vector<10000x1xf32>,
    %get3A_13 = arith.constant 0 : index
    %get3A_14 = arith.constant 0 : index
    %get3A_15 = vector.load %arg0[%get3A_13, %get3A_14] : memref<10000x128xf32, #tpu.memory_space<vmem>>, vector<10000x64xf32>
    %get3A_16 = arith.constant 0 : index
    %get3A_17 = arith.constant 64 : index
    %get3A_18 = vector.load %arg0[%get3A_16, %get3A_17] : memref<10000x128xf32, #tpu.memory_space<vmem>>, vector<10000x64xf32>
    %add3A_19 = arith.addf %get3A_15, %get3A_18 : vector<10000x64xf32>
    %get3A_20 = arith.constant 0 : index
    %get3A_21 = arith.constant 0 : index
    %get3A_22 = vector.load %arg1[%get3A_20, %get3A_21] : memref<10000x128xf32, #tpu.memory_space<vmem>>, vector<10000x64xf32>
    %get3A_23 = arith.constant 0 : index
    %get3A_24 = arith.constant 64 : index
    %get3A_25 = vector.load %arg1[%get3A_23, %get3A_24] : memref<10000x128xf32, #tpu.memory_space<vmem>>, vector<10000x64xf32>
    %add3A_26 = arith.addf %get3A_22, %get3A_25 : vector<10000x64xf32>
    %concatenate3A = tpu.concatenate %add3A_19, %add3A_26 in 1 : vector<10000x64xf32>, vector<10000x64xf32> -> vector<10000x128xf32>
    %div3A = vector.broadcast %max3A_10 : vector<10000x1xf32> to vector<10000x128xf32>
    %div3A_27 = arith.divf %concatenate3A, %div3A : vector<10000x128xf32>
    %get3A_28 = arith.constant 0 : index
    %get3A_29 = arith.constant 0 : index
    %get3A_30 = vector.load %arg4[%get3A_28, %get3A_29] : memref<128x64xf32, #tpu.memory_space<vmem>>, vector<128x64xf32>
    %convert_element_type3A = arith.truncf %div3A_27 : vector<10000x128xf32> to vector<10000x128xbf16>
    %convert_element_type3A_31 = arith.truncf %get3A_30 : vector<128x64xf32> to vector<128x64xbf16>
    %dot_general3A = arith.constant dense<0.000000e+00> : vector<10000x64xf32>
    %dot_general3A_32 = tpu.matmul %convert_element_type3A, %convert_element_type3A_31, %dot_general3A {dimension_numbers = #tpu.dot_dimension_numbers<[1], [0], [0], [1], [0, 0, 1, 1], [], []>, transpose_lhs_hint = false} : vector<10000x128xbf16>, vector<128x64xbf16>, vector<10000x64xf32> -> vector<10000x64xf32>
    %get3A_33 = arith.constant 0 : index
    %get3A_34 = arith.constant 0 : index
    %get3A_35 = vector.load %arg6[%get3A_33, %get3A_34] : memref<1x64xf32, #tpu.memory_space<vmem>>, vector<1x64xf32>
    %add3A_36 = vector.broadcast %get3A_35 : vector<1x64xf32> to vector<10000x64xf32>
    %add3A_37 = arith.addf %dot_general3A_32, %add3A_36 : vector<10000x64xf32>
    %get3A_38 = arith.constant 0 : index
    %get3A_39 = arith.constant 0 : index
    %get3A_40 = vector.load %arg3[%get3A_38, %get3A_39] : memref<10000x128xf32, #tpu.memory_space<vmem>>, vector<10000x128xf32>
    %get3A_41 = arith.constant 0 : index
    %get3A_42 = arith.constant 0 : index
    %get3A_43 = vector.load %arg5[%get3A_41, %get3A_42] : memref<128x64xf32, #tpu.memory_space<vmem>>, vector<128x64xf32>
    %convert_element_type3A_44 = arith.truncf %get3A_40 : vector<10000x128xf32> to vector<10000x128xbf16>
    %convert_element_type3A_45 = arith.truncf %get3A_43 : vector<128x64xf32> to vector<128x64xbf16>
    %dot_general3A_46 = arith.constant dense<0.000000e+00> : vector<10000x64xf32>
    %dot_general3A_47 = tpu.matmul %convert_element_type3A_44, %convert_element_type3A_45, %dot_general3A_46 {dimension_numbers = #tpu.dot_dimension_numbers<[1], [0], [0], [1], [0, 0, 1, 1], [], []>, transpose_lhs_hint = false} : vector<10000x128xbf16>, vector<128x64xbf16>, vector<10000x64xf32> -> vector<10000x64xf32>
    %add3A_48 = arith.addf %add3A_37, %dot_general3A_47 : vector<10000x64xf32>
    %max3A_49 = arith.constant 0.000000e+00 : f32
    %max3A_50 = vector.broadcast %max3A_49 : f32 to vector<10000x64xf32>
    %max3A_51 = arith.maximumf %add3A_48, %max3A_50 : vector<10000x64xf32>
    %swap3A_52 = arith.constant 0 : index
    %swap3A_53 = arith.constant 0 : index
    %swap3A_54 = vector.load %arg7[%swap3A_52, %swap3A_53] : memref<10000x64xf32, #tpu.memory_space<vmem>>, vector<10000x64xf32>
    tpu.vector_store %arg7[%swap3A_52, %swap3A_53], %max3A_51 {strides = array<i32>} : memref<10000x64xf32, #tpu.memory_space<vmem>>, vector<10000x64xf32>,
    return
  }
}

module attributes {stable_mosaic.version = 14 : i64} {
  func.func @_tc_layer_body(%arg0: memref<10000x128xf32, #tpu.memory_space<vmem>>, %arg1: memref<10000x1xf32, #tpu.memory_space<vmem>>, %arg2: memref<10000x64xf32, #tpu.memory_space<vmem>>, %arg3: memref<64x64xf32, #tpu.memory_space<vmem>>, %arg4: memref<64x64xf32, #tpu.memory_space<vmem>>, %arg5: memref<1x64xf32, #tpu.memory_space<vmem>>, %arg6: memref<10000x64xf32, #tpu.memory_space<vmem>>) attributes {dimension_semantics = [], scalar_prefetch = 0 : i64, scratch_operands = 0 : i64, tpu.core_type = #tpu.core_type<tc>} {
    %get3A = arith.constant 0 : index
    %get3A_0 = arith.constant 0 : index
    %get3A_1 = vector.load %arg0[%get3A, %get3A_0] : memref<10000x128xf32, #tpu.memory_space<vmem>>, vector<10000x64xf32>
    %get3A_2 = arith.constant 0 : index
    %get3A_3 = arith.constant 64 : index
    %get3A_4 = vector.load %arg0[%get3A_2, %get3A_3] : memref<10000x128xf32, #tpu.memory_space<vmem>>, vector<10000x64xf32>
    %add3A = arith.addf %get3A_1, %get3A_4 : vector<10000x64xf32>
    %get3A_5 = arith.constant 0 : index
    %get3A_6 = arith.constant 0 : index
    %get3A_7 = vector.load %arg1[%get3A_5, %get3A_6] : memref<10000x1xf32, #tpu.memory_space<vmem>>, vector<10000x1xf32>
    %div3A = vector.broadcast %get3A_7 : vector<10000x1xf32> to vector<10000x64xf32>
    %div3A_8 = arith.divf %add3A, %div3A : vector<10000x64xf32>
    %get3A_9 = arith.constant 0 : index
    %get3A_10 = arith.constant 0 : index
    %get3A_11 = vector.load %arg3[%get3A_9, %get3A_10] : memref<64x64xf32, #tpu.memory_space<vmem>>, vector<64x64xf32>
    %convert_element_type3A = arith.truncf %div3A_8 : vector<10000x64xf32> to vector<10000x64xbf16>
    %convert_element_type3A_12 = arith.truncf %get3A_11 : vector<64x64xf32> to vector<64x64xbf16>
    %dot_general3A = arith.constant dense<0.000000e+00> : vector<10000x64xf32>
    %dot_general3A_13 = tpu.matmul %convert_element_type3A, %convert_element_type3A_12, %dot_general3A {dimension_numbers = #tpu.dot_dimension_numbers<[1], [0], [0], [1], [0, 0, 1, 1], [], []>, transpose_lhs_hint = false} : vector<10000x64xbf16>, vector<64x64xbf16>, vector<10000x64xf32> -> vector<10000x64xf32>
    %get3A_14 = arith.constant 0 : index
    %get3A_15 = arith.constant 0 : index
    %get3A_16 = vector.load %arg5[%get3A_14, %get3A_15] : memref<1x64xf32, #tpu.memory_space<vmem>>, vector<1x64xf32>
    %add3A_17 = vector.broadcast %get3A_16 : vector<1x64xf32> to vector<10000x64xf32>
    %add3A_18 = arith.addf %dot_general3A_13, %add3A_17 : vector<10000x64xf32>
    %get3A_19 = arith.constant 0 : index
    %get3A_20 = arith.constant 0 : index
    %get3A_21 = vector.load %arg2[%get3A_19, %get3A_20] : memref<10000x64xf32, #tpu.memory_space<vmem>>, vector<10000x64xf32>
    %get3A_22 = arith.constant 0 : index
    %get3A_23 = arith.constant 0 : index
    %get3A_24 = vector.load %arg4[%get3A_22, %get3A_23] : memref<64x64xf32, #tpu.memory_space<vmem>>, vector<64x64xf32>
    %convert_element_type3A_25 = arith.truncf %get3A_21 : vector<10000x64xf32> to vector<10000x64xbf16>
    %convert_element_type3A_26 = arith.truncf %get3A_24 : vector<64x64xf32> to vector<64x64xbf16>
    %dot_general3A_27 = arith.constant dense<0.000000e+00> : vector<10000x64xf32>
    %dot_general3A_28 = tpu.matmul %convert_element_type3A_25, %convert_element_type3A_26, %dot_general3A_27 {dimension_numbers = #tpu.dot_dimension_numbers<[1], [0], [0], [1], [0, 0, 1, 1], [], []>, transpose_lhs_hint = false} : vector<10000x64xbf16>, vector<64x64xbf16>, vector<10000x64xf32> -> vector<10000x64xf32>
    %add3A_29 = arith.addf %add3A_18, %dot_general3A_28 : vector<10000x64xf32>
    %max3A = arith.constant 0.000000e+00 : f32
    %max3A_30 = vector.broadcast %max3A : f32 to vector<10000x64xf32>
    %max3A_31 = arith.maximumf %add3A_29, %max3A_30 : vector<10000x64xf32>
    %swap3A = arith.constant 0 : index
    %swap3A_32 = arith.constant 0 : index
    %swap3A_33 = vector.load %arg6[%swap3A, %swap3A_32] : memref<10000x64xf32, #tpu.memory_space<vmem>>, vector<10000x64xf32>
    tpu.vector_store %arg6[%swap3A, %swap3A_32], %max3A_31 {strides = array<i32>} : memref<10000x64xf32, #tpu.memory_space<vmem>>, vector<10000x64xf32>,
    return
  }
}

module attributes {stable_mosaic.version = 14 : i64} {
  func.func @_tc_final_body(%arg0: memref<10000x128xf32, #tpu.memory_space<vmem>>, %arg1: memref<10000x1xf32, #tpu.memory_space<vmem>>, %arg2: memref<10000x64xf32, #tpu.memory_space<vmem>>, %arg3: memref<64x1xf32, #tpu.memory_space<vmem>>, %arg4: memref<64x3xf32, #tpu.memory_space<vmem>>, %arg5: memref<1x3xf32, #tpu.memory_space<vmem>>, %arg6: memref<10000x3xf32, #tpu.memory_space<vmem>>) attributes {dimension_semantics = [], scalar_prefetch = 0 : i64, scratch_operands = 0 : i64, tpu.core_type = #tpu.core_type<tc>} {
    %get3A = arith.constant 0 : index
    %get3A_0 = arith.constant 0 : index
    %get3A_1 = vector.load %arg0[%get3A, %get3A_0] : memref<10000x128xf32, #tpu.memory_space<vmem>>, vector<10000x64xf32>
    %get3A_2 = arith.constant 0 : index
    %get3A_3 = arith.constant 64 : index
    %get3A_4 = vector.load %arg0[%get3A_2, %get3A_3] : memref<10000x128xf32, #tpu.memory_space<vmem>>, vector<10000x64xf32>
    %add3A = arith.addf %get3A_1, %get3A_4 : vector<10000x64xf32>
    %get3A_5 = arith.constant 0 : index
    %get3A_6 = arith.constant 0 : index
    %get3A_7 = vector.load %arg1[%get3A_5, %get3A_6] : memref<10000x1xf32, #tpu.memory_space<vmem>>, vector<10000x1xf32>
    %div3A = vector.broadcast %get3A_7 : vector<10000x1xf32> to vector<10000x64xf32>
    %div3A_8 = arith.divf %add3A, %div3A : vector<10000x64xf32>
    %get3A_9 = arith.constant 0 : index
    %get3A_10 = arith.constant 0 : index
    %get3A_11 = vector.load %arg2[%get3A_9, %get3A_10] : memref<10000x64xf32, #tpu.memory_space<vmem>>, vector<10000x64xf32>
    %get3A_12 = arith.constant 0 : index
    %get3A_13 = arith.constant 0 : index
    %get3A_14 = vector.load %arg4[%get3A_12, %get3A_13] : memref<64x3xf32, #tpu.memory_space<vmem>>, vector<64x3xf32>
    %convert_element_type3A = arith.truncf %get3A_11 : vector<10000x64xf32> to vector<10000x64xbf16>
    %convert_element_type3A_15 = arith.truncf %get3A_14 : vector<64x3xf32> to vector<64x3xbf16>
    %dot_general3A = arith.constant dense<0.000000e+00> : vector<10000x3xf32>
    %dot_general3A_16 = tpu.matmul %convert_element_type3A, %convert_element_type3A_15, %dot_general3A {dimension_numbers = #tpu.dot_dimension_numbers<[1], [0], [0], [1], [0, 0, 1, 1], [], []>, transpose_lhs_hint = false} : vector<10000x64xbf16>, vector<64x3xbf16>, vector<10000x3xf32> -> vector<10000x3xf32>
    %get3A_17 = arith.constant 0 : index
    %get3A_18 = arith.constant 0 : index
    %get3A_19 = vector.load %arg5[%get3A_17, %get3A_18] : memref<1x3xf32, #tpu.memory_space<vmem>>, vector<1x3xf32>
    %add3A_20 = vector.broadcast %get3A_19 : vector<1x3xf32> to vector<10000x3xf32>
    %add3A_21 = arith.addf %dot_general3A_16, %add3A_20 : vector<10000x3xf32>
    %get3A_22 = arith.constant 0 : index
    %get3A_23 = arith.constant 0 : index
    %get3A_24 = vector.load %arg3[%get3A_22, %get3A_23] : memref<64x1xf32, #tpu.memory_space<vmem>>, vector<64x1xf32>
    %convert_element_type3A_25 = arith.truncf %div3A_8 : vector<10000x64xf32> to vector<10000x64xbf16>
    %convert_element_type3A_26 = arith.truncf %get3A_24 : vector<64x1xf32> to vector<64x1xbf16>
    %dot_general3A_27 = arith.constant dense<0.000000e+00> : vector<10000x1xf32>
    %dot_general3A_28 = tpu.matmul %convert_element_type3A_25, %convert_element_type3A_26, %dot_general3A_27 {dimension_numbers = #tpu.dot_dimension_numbers<[1], [0], [0], [1], [0, 0, 1, 1], [], []>, transpose_lhs_hint = false} : vector<10000x64xbf16>, vector<64x1xbf16>, vector<10000x1xf32> -> vector<10000x1xf32>
    %slice3A = vector.extract_strided_slice %add3A_21 {offsets = [0, 0], sizes = [10000, 1], strides = [1, 1]} : vector<10000x3xf32> to vector<10000x1xf32>
    %add3A_29 = arith.addf %dot_general3A_28, %slice3A : vector<10000x1xf32>
    %slice3A_30 = vector.extract_strided_slice %add3A_21 {offsets = [0, 1], sizes = [10000, 2], strides = [1, 1]} : vector<10000x3xf32> to vector<10000x2xf32>
    %concatenate3A = tpu.concatenate %add3A_29, %slice3A_30 in 1 : vector<10000x1xf32>, vector<10000x2xf32> -> vector<10000x3xf32>
    %swap3A = arith.constant 0 : index
    %swap3A_31 = arith.constant 0 : index
    %swap3A_32 = vector.load %arg6[%swap3A, %swap3A_31] : memref<10000x3xf32, #tpu.memory_space<vmem>>, vector<10000x3xf32>
    tpu.vector_store %arg6[%swap3A, %swap3A_31], %concatenate3A {strides = array<i32>} : memref<10000x3xf32, #tpu.memory_space<vmem>>, vector<10000x3xf32>,
    return
  }
}

</mosaic_0001>

<sc_bundles>
// kernel: kernel.13.cloned.1.call-start
scs
__scs_entry_jumppad:
0x0: {  	(pc) =	sbr.rel $0x88, $3  }
0x1: {  	(tag) =	ssettag $0x0;
	lr =	simm.s32 $0x1  }
0x2: {  	[smem:$0x3F8C] =	sst lr;
	_ =	strace $0xD0000000  }
0x3: {  	_ = 	snop  }
0x4: {  	_ = 	snop  }
0x5: {  	_ = 	snop  }
0x6: {  	_ = 	snop  }
0x7: {  	_ = 	snop  }
__scs_overlays_trampoline_lowered:
0x8: {  	[smem:$0x3F9B] =	sst s0  }
0x9: {  	[smem:$0x3F9C] =	sst s1  }
0xa: {  	[smem:$0x3F9D] =	sst s2  }
0xb: {  	[smem:$0x3F9E] =	sst s3  }
0xc: {  	[smem:$0x3F9F] =	sst s4  }
0xd: {  	[smem:$0x3FA0] =	sst s5  }
0xe: {  	[smem:$0x3FA1] =	sst s6  }
0xf: {  	[smem:$0x3FA2] =	sst s7  }
0x10: {  	[smem:$0x3FA3] =	sst s8  }
0x11: {  	[smem:$0x3FA4] =	sst s9;
	s0 =	simm.s32 @!p0 $0x0  }
0x12: {  	s1 =	sld [smem:$0x3F8A];
	s0 =	simm.s32 @p0 $0x1  }
0x13: {  	[smem:$0x3FA5] =	sst s0;
	s0 =	simm.s32 @!p1 $0x0  }
0x14: {  	s2 =	sld [smem:$0x3F89];
	s0 =	simm.s32 @p1 $0x1  }
0x15: {  	[smem:$0x3FA6] =	sst s0;
	s0 =	simm.s32 @!p2 $0x0  }
0x16: {  	s3 =	sld [smem:$0x3FDB];
	s0 =	simm.s32 @p2 $0x1  }
0x17: {  	s4 =	simm.s32 $0x1BF5;
	[smem:$0x3FA8] =	sst s0  }
0x18: {  	s0 =	sld [smem:$0x3F8B];
	_ =	swait.ge [sflag:s4], $0x0  }
0x19: {  	s7 =	sld [smem:$0x3F8C]  }
0x1a: {  	s8 =	sadd.s32 $0xFFFFE003, lr  }
0x1b: {  	s9 =	sadd.s32 $0xFFFFFEF7, lr;
	s5 =	simm.s32 $0xFFFFFFFF;
	p2 =	slt.u32 s8, $0xFFFFF086  }
0x1c: {  	p1 =	slt.u32 s9, $0xF7A;
	s5 =	simm.s32 @!p2 $0x0  }
0x1d: {  	s5 =	simm.s32 @p1 $0x1;
	p0 =	seq.s32 s7, s2  }
0x1e: {  	s7 =	smul.u32 @!p0 $0xF7A, s2;
	p2 =	seq.s32 @!p0 s5, $0x0  }
0x1f: {  	s9 =	smul.u32 $0xF7A, s1;
	s8 =	simm.s32 @!p0 $0x1BF5;
	p2 =	por !p2, p0  }
0x20: {  	[sflag:s8] =	ssyncset.s32 @!p0 $0xFFFFF086;
	s6 =	sadd.s32 @!p0 s3, s7;
	s7 =	simm.s32 @!p0 $0x108  }
0x21: {  	s3 =	sadd.s32 s3, s9;
	s6 =	sadd.s32 @!p0 $0x88, s6;
	s7 =	simm.s32 @p2 $0x1082  }
0x22: {  	[simem:s7], [sflag:s8] =	dma.local @!p0 [hbm:s6], $0xF7A  }
0x23: {  	s9 =	sor.u32 $0xD0000000, s2;
	s6 =	simm.s32 $0x108;
	_ =	swait.ge @!p0 [sflag:s8], $0x0  }
0x24: {  	s3 =	sadd.s32 $0x88, s3;
	s6 =	simm.s32 @!p1 $0x1082;
	[sflag:s4] =	ssyncset.s32 $0xFFFFF086  }
0x25: {  	[simem:s6], [sflag:s4] =	dma.local [hbm:s3], $0xF7A  }
0x26: {  	[smem:$0x3F8C] =	sst s1;
	(tag) =	ssettag s2;
	_ =	strace s9  }
0x27: {  	s1 =	sld [smem:$0x3F9C]  }
0x28: {  	s2 =	sld [smem:$0x3F9D]  }
0x29: {  	s4 =	sld [smem:$0x3F9F]  }
0x2a: {  	p0 =	seq.s32 s5, $0x0;
	s5 =	sld [smem:$0x3FA0]  }
0x2b: {  	s6 =	sld [smem:$0x3FA1]  }
0x2c: {  	s7 =	sld [smem:$0x3FA2]  }
0x2d: {  	s3 =	simm.s32 $0x108;
	s8 =	sld [smem:$0x3FA3]  }
0x2e: {  	s3 =	simm.s32 @!p0 $0x1082;
	s9 =	sld [smem:$0x3FA4]  }
0x2f: {  	lr =	sadd.s32 s0, s3;
	s0 =	sld [smem:$0x3F9B]  }
0x30: {  	s3 =	sld [smem:$0x3F9E]  }
0x31: {  	[smem:$0x3FA7] =	sst s10  }
0x32: {  	s10 =	sld [smem:$0x3FA5];
	_ =	sdelay $0x3  }
0x33: {  	p0 =	seq.s32 s10, $0x1;
	s10 =	sld [smem:$0x3FA7];
	_ =	sdelay $0x3  }
0x34: {  	[smem:$0x3FA7] =	sst s10  }
0x35: {  	s10 =	sld [smem:$0x3FA6];
	_ =	sdelay $0x3  }
0x36: {  	p1 =	seq.s32 s10, $0x1;
	s10 =	sld [smem:$0x3FA7];
	_ =	sdelay $0x3  }
0x37: {  	[smem:$0x3FA7] =	sst s10  }
0x38: {  	s10 =	sld [smem:$0x3FA8]  }
0x39: {  	_ = 	snop;
	(pc) =	sbr.ind lr, $3  }
0x3a: {  	_ = 	snop  }
0x3b: {  	_ = 	snop  }
0x3c: {  	p2 =	seq.s32 s10, $0x1;
	s10 =	sld [smem:$0x3FA7]  }
0x3d: {  	_ =	shalt  }
0x3e: {  	_ =	shalt  }
0x3f: {  	_ =	shalt  }
0x40: {  	_ =	shalt  }
0x41: {  	_ =	shalt  }
0x42: {  	_ =	shalt  }
0x43: {  	_ =	shalt  }
0x44: {  	_ =	shalt  }
0x45: {  	_ =	shalt  }
0x46: {  	_ =	shalt  }
0x47: {  	_ =	shalt  }
0x48: {  	_ =	shalt  }
0x49: {  	_ =	shalt  }
0x4a: {  	_ =	shalt  }
0x4b: {  	_ =	shalt  }
0x4c: {  	_ =	shalt  }
0x4d: {  	_ =	shalt  }
0x4e: {  	_ =	shalt  }
0x4f: {  	_ =	shalt  }
0x50: {  	_ =	shalt  }
0x51: {  	_ =	shalt  }
0x52: {  	_ =	shalt  }
0x53: {  	_ =	shalt  }
0x54: {  	_ =	shalt  }
0x55: {  	_ =	shalt  }
0x56: {  	_ =	shalt  }
0x57: {  	_ =	shalt  }
0x58: {  	_ =	shalt  }
0x59: {  	_ =	shalt  }
0x5a: {  	_ =	shalt  }
0x5b: {  	_ =	shalt  }
0x5c: {  	_ =	shalt  }
0x5d: {  	_ =	shalt  }
0x5e: {  	_ =	shalt  }
0x5f: {  	_ =	shalt  }
0x60: {  	_ =	shalt  }
0x61: {  	_ =	shalt  }
0x62: {  	_ =	shalt  }
0x63: {  	_ =	shalt  }
0x64: {  	_ =	shalt  }
0x65: {  	_ =	shalt  }
0x66: {  	_ =	shalt  }
0x67: {  	_ =	shalt  }
0x68: {  	_ =	shalt  }
0x69: {  	_ =	shalt  }
0x6a: {  	_ =	shalt  }
0x6b: {  	_ =	shalt  }
0x6c: {  	_ =	shalt  }
0x6d: {  	_ =	shalt  }
0x6e: {  	_ =	shalt  }
0x6f: {  	_ =	shalt  }
0x70: {  	_ =	shalt  }
0x71: {  	_ =	shalt  }
0x72: {  	_ =	shalt  }
0x73: {  	_ =	shalt  }
0x74: {  	_ =	shalt  }
0x75: {  	_ =	shalt  }
0x76: {  	_ =	shalt  }
0x77: {  	_ =	shalt  }
0x78: {  	_ =	shalt  }
0x79: {  	_ =	shalt  }
0x7a: {  	_ =	shalt  }
0x7b: {  	_ =	shalt  }
0x7c: {  	_ =	shalt  }
0x7d: {  	_ =	shalt  }
0x7e: {  	_ =	shalt  }
0x7f: {  	_ =	shalt  }
0x80: {  	_ =	shalt  }
0x81: {  	_ =	shalt  }
0x82: {  	_ =	shalt  }
0x83: {  	_ =	shalt  }
0x84: {  	_ =	shalt  }
0x85: {  	_ =	shalt  }
0x86: {  	_ =	shalt  }
0x87: {  	_ =	shalt  }
.Lfunc_end0:
.L_simem_size_0:
called_computation_lowered:
.L_overlay_start_0:
0x88: {  	s2 =	sld [smem:$0x3FD9]  }
0x89: {  	s3 =	sld [smem:$0x3FFE];
	_ =	sdelay $0x1  }
0x8a: {  	s1 =	srdreg.scid  }
0x8b: {  	s0 =	sand.u32 $0x1, s1  }
0x8c: {  	s17 =	sshll.u32 s0, $0xA;
	s2 =	sadd.s32 s3, s2  }
0x8d: {  	s2 =	sadd.s32 s2, s17  }
0x8e: {  	[smem:$0x3FB3] =	sst s2  }
0x8f: {  	_ = 	snop  }
0x90: {  	s2 =	sld [smem:$0x3FC9];
	(tm) =	ssettm $0x1  }
0x91: {  	s18 =	sld [smem:$0x3FFB];
	_ =	sdelay $0x3  }
0x92: {  	_ =	strace s18  }
0x93: {  	s3 =	sld [smem:$0x3FFC];
	_ =	sdelay $0x3  }
0x94: {  	_ =	strace s3  }
0x95: {  	s3 =	sld [smem:$0x3FFD];
	_ =	sdelay $0x3  }
0x96: {  	_ =	strace s3  }
0x97: {  	_ =	strace $0x8FFFFFFF  }
0x98: {  	s19 =	sld [smem:$0x3FDB];
	_ =	sdelay $0x1  }
0x99: {  	s4 =	simm.s32 $_scs_section_size  }
0x9a: {  	s5 =	simm.s32 $_size__tile_overlayer_lowered;
	s6 =	simm.s32 $_tile_overlayer_lowered  }
0x9b: {  	s22 =	simm.s32 $0x1BFF;
	s21 =	sshll.u32 s6, $0x1;
	s3 =	sadd.s32 s4, s19  }
0x9c: {  	s7 =	simm.s32 $0x0;
	s20 =	sshll.u32 s5, $0x1;
	s5 =	sadd.s32 s21, s3  }
0x9d: {  	[timem:s7], [sflag:s22] =	dma.local [hbm:s5], s20  }
0x9e: {  	_ =	swait.ge [sflag:s22], s20  }
0x9f: {  	s4 =	ssub.s32 $0x0, s20;
	[sflag:s22] =	ssyncset.done $0x0  }
0xa0: {  	[sflag:s22] =	ssyncadd.s32 s4;
	_ =	sdelay $0x1  }
0xa1: {  	s23 =	simm.s32 $0x1B8B  }
0xa2: {  	_ =	swait.ge [sflag:s23], $0x1  }
0xa3: {  	[sflag:s23] =	ssyncset.done $0x0  }
0xa4: {  	s25 =	simm.s32 $0x1B8E;
	s24 =	sld [smem:$0x3FFE];
	[sflag:s23] =	ssyncadd.s32 $0xFFFFFFFF  }
0xa5: {  	s26 =	simm.s32 $execute0_lowered;
	[smem:$0x3FD2] =	sst s25  }
0xa6: {  	s5 =	sshll.u32 s26, $0x1;
	_ =	strace $0x80000046;
	[dreg:$0x1] =	wrdreg $0xFFFFFFFF  }
0xa7: {  	s28 =	simm.s32 $_size_execute0_lowered;
	s3 =	sadd.s32 s3, s5;
	[dreg:$0x0] =	wrdreg $0x0  }
0xa8: {  	s5 =	sshll.u32 s28, $0x1;
	[dreg:$0x2] =	wrdreg s3  }
0xa9: {  	[dreg:$0x3] =	wrdreg s5  }
0xaa: {  	[dreg:$0x4] =	wrdreg $0xC0  }
0xab: {  	_ =	task [dreg:s7], $0x5FFFF  }
0xac: {  	[dreg:$0x1] =	wrdreg $0xFFFFFFFF  }
0xad: {  	[dreg:$0x0] =	wrdreg $0x60  }
0xae: {  	[dreg:$0x2] =	wrdreg s2  }
0xaf: {  	[dreg:$0x3] =	wrdreg s24  }
0xb0: {  	[dreg:$0x4] =	wrdreg $0xF0000  }
0xb1: {  	[dreg:$0x5] =	wrdreg $0x1A0000  }
0xb2: {  	[dreg:$0x6] =	wrdreg $0x9  }
0xb3: {  	_ =	task.clear_ibuf [dreg:s7], $0x7FFFF;
	_ =	strace $0x90000046  }
0xb4: {  	s29 =	simm.s32 $0x9;
	_ =	strace $0x80000048  }
0xb5: {  	_ =	swait.ge [sflag:s29], $0x1  }
0xb6: {  	[sflag:s29] =	ssyncadd.s32 $0xFFFFFFFF  }
0xb7: {  	_ =	strace $0x90000048  }
0xb8: {  	_ =	sfence  }
0xb9: {  	s30 =	sld [smem:$0x0];
	_ =	sdelay $0x2  }
0xba: {  	s31 =	sshll.u32 s1, $0xD;
	s1 =	sshrl.u32 s1, $0x2  }
0xbb: {  	s3 =	sand.u32 $0x4000, s31;
	s1 =	sadd.s32 s1, s30  }
0xbc: {  	s0 =	sor.u32 s3, s0;
	s1 =	sshll.u32 s1, $0x11  }
0xbd: {  	s0 =	sor.u32 s1, s0  }
0xbe: {  	s0 =	sadd.s32 $0x8F2B, s0  }
0xbf: {  	[sflag:s0] =	ssyncadd.remote.s32 $0x1  }
0xc0: {  	_ =	sfence.sel $0xFFFF  }
0xc1: {  	[dreg:$0x0] =	wrdreg $0xFFFFFFFF;
	(pc) =	sbr.abs _section_cstart, $3  }
0xc2: {  	[dreg:$0x1] =	wrdreg $0xFFFFFFFF  }
0xc3: {  	_ =	task.clear_ibuf [dreg:s7], $0x2FFFF;
	_ =	strace $0x9FFFFFFF  }
0xc4: {  	(tm) =	ssettm $0x7FFFFFFF  }
0xc5: {  	_ =	shalt  }
tec
execute0_lowered:
.L_overlay_start_1:
0x0: {  	(tag) =	ssettag $0x1  }
0x1: {  	s1 =	rddreg [dreg:$0x0]  }
0x2: {  	s5 =	rddreg [dreg:$0x1]  }
0x3: {  	s0 =	srdreg.scid;
	s3 =	rddreg [dreg:$0x2]  }
0x4: {  	s11 =	stileid.u32;
	s4 =	rddreg [dreg:$0x3];
	s8 =	simm.s32 $0x0  }
0x5: {  	s28 =	simm.s32 $0x80;
	s29 =	simm.s32 $0x7000;
	s6 =	smul.u32 $0x13880, s11  }
0x6: {  	s30 =	simm.s32 $0x9000;
	s31 =	simm.s32 $0xD000;
	s9 =	smul.u32 $0x2710, s11  }
0x7: {  	s0 =	sand.u32 $0x1, s0;
	[smem:$0x7FF] =	sst s8;
	s26 =	smul.u32 $0x28000, s11  }
0x8: {  	s10 =	smul.u32 $0xA000, s11;
	s8 =	simm.s32 $0x3;
	s2 =	sshll.u32 s0, $0x4  }
0x9: {  	s7 =	smul.u32 $0x27100, s0;
	s23 =	sshll.u32 s0, $0x6;
	_ =	strace $0x80000047  }
0xa: {  	s0 =	ssub.s32 $0x2, s0;
	s2 =	sor.u32 s11, s2;
	s6 =	sor.u32 s23, s6  }
0xb: {  	s12 =	sshrl.u32 s0, $0x1;
	s11 =	smul.u32 $0x27100, s11;
	s13 =	sshrl.u32 s10, $0x2  }
0xc: {  	s18 =	sadd.s32 s9, s4;
	s10 =	simm.s32 $0x4E00;
	s2 =	smul.u32 $0x500, s2  }
0xd: {  	s6 =	sshrl.u32 s6, $0x3;
	s7 =	sadd.s32 s9, s7;
	s0 =	ssub.s32 s0, s12  }
0xe: {  	s9 =	simm.s32 $0x4;
	s12 =	simm.s32 $0x4F00;
	s24 =	sadd.s32 s6, s5  }
0xf: {  	s25 =	sshrl.u32 s7, $0x3;
	s7 =	sshrl.u32 s26, $0x2;
	s0 =	smax.u32 s0, $0x1  }
0x10: {  	s2 =	sadd.s32 s2, s5;
	s16 =	sadd.s32 $0x22200, s24;
	[dreg:$0x9] =	wrdreg s0  }
0x11: {  	s15 =	sshrl.u32 s11, $0x2;
	s14 =	sadd.s32 $0x4400, s2;
	[dreg:$0x7] =	wrdreg s16  }
0x12: {  	s5 =	sadd.s32 s25, s5;
	s2 =	sadd.s32 $0xE400, s2;
	[dreg:$0x5] =	wrdreg s14  }
0x13: {  	s6 =	sadd.s32 s7, s3;
	s5 =	sadd.s32 $0x18400, s5;
	[dreg:$0x6] =	wrdreg s2  }
0x14: {  	s11 =	simm.s32 $0x4E80;
	s21 =	sadd.s32 $0x2000, s6;
	[dreg:$0x8] =	wrdreg s5  }
0x15: {  	s7 =	sadd.s32 s13, s4;
	s22 =	sadd.s32 $0x4000, s6;
	[dreg:$0xa] =	wrdreg s21  }
0x16: {  	s17 =	sadd.s32 s15, s3;
	s23 =	sadd.s32 $0x6000, s6;
	[dreg:$0xb] =	wrdreg s22  }
0x17: {  	s0 =	simm.s32 $0x19800;
	s24 =	sadd.s32 $0x8000, s6;
	[dreg:$0xc] =	wrdreg s23  }
0x18: {  	s13 =	simm.s32 $0x4F80;
	s25 =	sadd.s32 $0x800, s7;
	[dreg:$0xd] =	wrdreg s24  }
0x19: {  	s26 =	sadd.s32 $0x1000, s7;
	s19 =	sadd.s32 $0x1800, s7;
	[dreg:$0xe] =	wrdreg s25  }
0x1a: {  	s20 =	sadd.s32 $0x2000, s7;
	[dreg:$0xf] =	wrdreg s26;
	s21 =	simm.s32 $0x5000  }
0x1b: {  	s22 =	simm.s32 $0x5;
	s23 =	simm.s32 $0x19000;
	s24 =	sshrl.u32 s17, $0x3  }
0x1c: {  	s25 =	sshrl.u32 s18, $0x3;
	s2 =	simm.s32 $0xB000;
	s26 =	simm.s32 $0x1  }
0x1d: {  	v0 =	vimm.f32 $0.0e+00;
	v1 =	vimm.f32 $1.000000000e+00;
	s5 =	simm.s32 $0x2;
	s14 =	simm.s32 $0x0;
	s18 =	simm.s32 $0x8  }
.LBB2_1:
0x1e: {  	s16 =	simm.s32 $0x100;
	s15 =	simm.s32 $0x0  }
.LBB2_2:
0x1f: {  	p0 =	sne.s32 s16, $0x7F00;
	[tilespmem:s15+$0x5030] =	vst v0;
	s17 =	smov.u32 s16;
	s16 =	sadd.s32 $0x100, s16  }
.Ltmp0:
0x20: {  	[tilespmem:s15+$0x5020] =	vst v0;
	(pc) =	sbr.rel @p0 .LBB2_2-.Ltmp0, $3  }
0x21: {  	[tilespmem:s15+$0x5000] =	vst v0  }
0x22: {  	[tilespmem:s15+$0x5010] =	vst v0;
	_ =	sdelay $0x1  }
0x23: {  	s15 =	sshra.s32 s17, $0x2  }
0x24: {  	[tilespmem:s15+$0x5030] =	vst v0  }
0x25: {  	[tilespmem:s15+$0x5020] =	vst v0  }
0x26: {  	[tilespmem:s15+$0x5000] =	vst v0  }
0x27: {  	[tilespmem:s15+$0x5010] =	vst v0  }
0x28: {  	[spmem:s6] =	stream.linear.scatter [tilespmem:s21], [sflag:$0x5], $0x2000, $0x38;
	[tilespmem:$0x1C800] =	vst v63  }
0x29: {  	_ =	swait.ge [sflag:s22], $0x2000  }
0x2a: {  	[sflag:s22] =	ssyncset.done $0x0  }
0x2b: {  	s16 =	rddreg [dreg:$0xa];
	[sflag:s22] =	ssyncadd.s32 $0xFFFFE000  }
0x2c: {  	[spmem:s16] =	stream.linear.scatter [tilespmem:s21], [sflag:$0x5], $0x2000, $0x38;
	[tilespmem:$0x1C800] =	vst v63  }
0x2d: {  	_ =	swait.ge [sflag:s22], $0x2000  }
0x2e: {  	[sflag:s22] =	ssyncset.done $0x0  }
0x2f: {  	s17 =	rddreg [dreg:$0xb];
	[sflag:s22] =	ssyncadd.s32 $0xFFFFE000  }
0x30: {  	[spmem:s17] =	stream.linear.scatter [tilespmem:s21], [sflag:$0x5], $0x2000, $0x38;
	[tilespmem:$0x1C800] =	vst v63  }
0x31: {  	_ =	swait.ge [sflag:s22], $0x2000  }
0x32: {  	[sflag:s22] =	ssyncset.done $0x0  }
0x33: {  	s16 =	rddreg [dreg:$0xc];
	[sflag:s22] =	ssyncadd.s32 $0xFFFFE000  }
0x34: {  	[spmem:s16] =	stream.linear.scatter [tilespmem:s21], [sflag:$0x5], $0x2000, $0x38;
	[tilespmem:$0x1C800] =	vst v63  }
0x35: {  	_ =	swait.ge [sflag:s22], $0x2000  }
0x36: {  	[sflag:s22] =	ssyncset.done $0x0  }
0x37: {  	s17 =	rddreg [dreg:$0xd];
	[sflag:s22] =	ssyncadd.s32 $0xFFFFE000  }
0x38: {  	[spmem:s17] =	stream.linear.scatter [tilespmem:s21], [sflag:$0x5], $0x2000, $0x38;
	[tilespmem:$0x1C800] =	vst v63  }
0x39: {  	_ =	swait.ge [sflag:s22], $0x2000  }
0x3a: {  	[sflag:s22] =	ssyncset.done $0x0  }
0x3b: {  	s15 =	simm.s32 $0x40;
	s16 =	simm.s32 $0x0;
	[sflag:s22] =	ssyncadd.s32 $0xFFFFE000  }
.LBB2_4:
0x3c: {  	p0 =	seq.s32 s15, $0x1FC0;
	[tilespmem:s16+$0x19000] =	vst v0;
	s16 =	smov.u32 s15;
	s15 =	sadd.s32 $0x40, s15  }
.Ltmp1:
0x3d: {  	(pc) =	sbr.rel @!p0 .LBB2_4-.Ltmp1, $2  }
0x3e: {  	_ =	sdelay $0x2  }
0x3f: {  	s16 =	sshra.s32 s16, $0x2  }
0x40: {  	[tilespmem:s16+$0x19000] =	vst v0;
	s15 =	simm.s32 $0x40;
	s16 =	simm.s32 $0x0  }
.LBB2_6:
0x41: {  	p0 =	seq.s32 s15, $0x1FC0;
	[tilespmem:s16+$0x19800] =	vst v1;
	s16 =	smov.u32 s15;
	s15 =	sadd.s32 $0x40, s15  }
.Ltmp2:
0x42: {  	(pc) =	sbr.rel @!p0 .LBB2_6-.Ltmp2, $2  }
0x43: {  	_ =	sdelay $0x2  }
0x44: {  	s16 =	sshra.s32 s16, $0x2  }
0x45: {  	[tilespmem:s16+$0x19800] =	vst v1  }
0x46: {  	[spmem:s7] =	stream.linear.scatter [tilespmem:s23], [sflag:$0x5], $0x800, $0x38;
	[tilespmem:$0x1C800] =	vst v63  }
0x47: {  	_ =	swait.ge [sflag:s22], $0x800  }
0x48: {  	[sflag:s22] =	ssyncset.done $0x0  }
0x49: {  	s15 =	rddreg [dreg:$0xe];
	[sflag:s22] =	ssyncadd.s32 $0xFFFFF800  }
0x4a: {  	[spmem:s15] =	stream.linear.scatter [tilespmem:s23], [sflag:$0x5], $0x800, $0x38;
	[tilespmem:$0x1C800] =	vst v63  }
0x4b: {  	_ =	swait.ge [sflag:s22], $0x800  }
0x4c: {  	[sflag:s22] =	ssyncset.done $0x0  }
0x4d: {  	s16 =	rddreg [dreg:$0xf];
	[sflag:s22] =	ssyncadd.s32 $0xFFFFF800  }
0x4e: {  	[spmem:s16] =	stream.linear.scatter [tilespmem:s23], [sflag:$0x5], $0x800, $0x38;
	[tilespmem:$0x1C800] =	vst v63  }
0x4f: {  	_ =	swait.ge [sflag:s22], $0x800  }
0x50: {  	[sflag:s22] =	ssyncset.done $0x0  }
0x51: {  	[sflag:s22] =	ssyncadd.s32 $0xFFFFF800  }
0x52: {  	[spmem:s19] =	stream.linear.scatter [tilespmem:s23], [sflag:$0x5], $0x800, $0x38;
	[tilespmem:$0x1C800] =	vst v63  }
0x53: {  	_ =	swait.ge [sflag:s22], $0x800  }
0x54: {  	[sflag:s22] =	ssyncset.done $0x0  }
0x55: {  	[sflag:s22] =	ssyncadd.s32 $0xFFFFF800  }
0x56: {  	[spmem:s20] =	stream.linear.scatter [tilespmem:s23], [sflag:$0x5], $0x800, $0x38;
	[tilespmem:$0x1C800] =	vst v63  }
0x57: {  	_ =	swait.ge [sflag:s22], $0x800  }
0x58: {  	[sflag:s22] =	ssyncset.done $0x0  }
0x59: {  	s15 =	simm.s32 $0x0;
	s17 =	rddreg [dreg:$0x5];
	[sflag:s22] =	ssyncadd.s32 $0xFFFFF800  }
0x5a: {  	[tilespmem:s15], [sflag:$0x5] =	stream.linear.gather [hbm4b:s17+s15], $0x2800, $0x38;
	[tilespmem:$0x1C800] =	vst v63  }
0x5b: {  	_ =	swait.ge [sflag:s22], $0x2800  }
0x5c: {  	[sflag:s22] =	ssyncset.done $0x0  }
0x5d: {  	s17 =	simm.s32 $0x2800;
	s16 =	rddreg [dreg:$0x6];
	[sflag:s22] =	ssyncadd.s32 $0xFFFFD800  }
0x5e: {  	[tilespmem:s17], [sflag:$0x5] =	stream.linear.gather [hbm4b:s16+s15], $0x2800, $0x38;
	[tilespmem:$0x1C800] =	vst v63  }
0x5f: {  	_ =	swait.ge [sflag:s22], $0x2800  }
0x60: {  	[sflag:s22] =	ssyncset.done $0x0  }
0x61: {  	s15 =	simm.s32 $0x70;
	[sflag:s22] =	ssyncadd.s32 $0xFFFFD800  }
0x62: {  	v4 =	vld [tilespmem:s15+$0xFFFFFF90]  }
0x63: {  	v6 =	vld [tilespmem:s15+$0xFFFFFFA0]  }
0x64: {  	v5 =	vld [tilespmem:s15+$0xFFFFFFB0]  }
0x65: {  	v3 =	vld [tilespmem:s15+$0xFFFFFFC0]  }
0x66: {  	v2 =	vld [tilespmem:s15+$0xFFFFFFD0]  }
0x67: {  	s16 =	simm.s32 $0x3C0;
	v7 =	vshll.u32 v4, $0x1;
	v4 =	vld [tilespmem:s15+$0xFFFFFFE0]  }
.LBB2_8:
0x68: {  	p0 =	sne.s32 s16, $0x9FC0;
	[tilespmem:s15+$0xFFFFFF90] =	vst v7;
	v6 =	vshll.u32 v6, $0x1;
	v7 =	vld [tilespmem:s15+$0x0]  }
0x69: {  	s17 =	sshra.s32 s16, $0x2;
	[tilespmem:s15+$0xFFFFFFA0] =	vst v6;
	v5 =	vshll.u32 v5, $0x1;
	v8 =	vld [tilespmem:s15+$0xFFFFFFF0]  }
0x6a: {  	v9 =	vld [tilespmem:s17+$0xFFFFFF90];
	[tilespmem:s15+$0xFFFFFFB0] =	vst v5;
	v3 =	vshll.u32 v3, $0x1  }
.Ltmp3:
0x6b: {  	v6 =	vld [tilespmem:s17+$0xFFFFFFA0];
	[tilespmem:s15+$0xFFFFFFC0] =	vst v3;
	v2 =	vshll.u32 v2, $0x1;
	(pc) =	sbr.rel @p0 .LBB2_8-.Ltmp3, $4  }
0x6c: {  	v5 =	vld [tilespmem:s17+$0xFFFFFFB0];
	[tilespmem:s15+$0xFFFFFFD0] =	vst v2;
	v2 =	vshll.u32 v4, $0x1  }
0x6d: {  	v3 =	vld [tilespmem:s17+$0xFFFFFFC0];
	[tilespmem:s15+$0xFFFFFFE0] =	vst v2;
	v4 =	vshll.u32 v7, $0x1  }
0x6e: {  	v2 =	vld [tilespmem:s17+$0xFFFFFFD0];
	v8 =	vshll.u32 v8, $0x1;
	[tilespmem:s15+$0x0] =	vst v4  }
0x6f: {  	s16 =	sadd.s32 $0x200, s16;
	v7 =	vshll.u32 v9, $0x1;
	v4 =	vld [tilespmem:s17+$0xFFFFFFE0];
	[tilespmem:s15+$0xFFFFFFF0] =	vst v8;
	s15 =	smov.u32 s17  }
0x70: {  	[tilespmem:s15+$0xFFFFFF90] =	vst v7;
	v6 =	vshll.u32 v6, $0x1;
	v62 =	vld [tilespmem:s15+$0x0]  }
0x71: {  	v63 =	vld [tilespmem:s15+$0xFFFFFFF0];
	[tilespmem:s15+$0xFFFFFFA0] =	vst v6;
	v5 =	vshll.u32 v5, $0x1  }
0x72: {  	[tilespmem:s15+$0xFFFFFFB0] =	vst v5;
	v3 =	vshll.u32 v3, $0x1  }
0x73: {  	[tilespmem:s15+$0xFFFFFFC0] =	vst v3;
	v2 =	vshll.u32 v2, $0x1  }
0x74: {  	[tilespmem:s15+$0xFFFFFFD0] =	vst v2;
	v2 =	vshll.u32 v4, $0x1  }
0x75: {  	[tilespmem:s15+$0xFFFFFFE0] =	vst v2;
	v2 =	vshll.u32 v62, $0x1  }
0x76: {  	v3 =	vshll.u32 v63, $0x1;
	[tilespmem:s15+$0x0] =	vst v2  }
0x77: {  	s16 =	simm.s32 $0x0;
	[tilespmem:s15+$0xFFFFFFF0] =	vst v3  }
0x78: {  	[tilespmem:s29], [sflag:$0x1] =	stream.indirect.gather [hbm4b:s1+s28], $0x40, s16, s28, $0xb8;
	[tilespmem:$0x1C800] =	vst v63  }
0x79: {  	_ = 	snop  }
0x7a: {  	[tilespmem:s30], [sflag:$0x2] =	stream.indirect.gather [hbm4b:s1+s28], $0x40, s28, s28, $0xb8;
	[tilespmem:$0x1C800] =	vst v63  }
0x7b: {  	s17 =	simm.s32 $0x100  }
0x7c: {  	[tilespmem:s2], [sflag:$0x3] =	stream.indirect.gather [hbm4b:s1+s28], $0x40, s17, s28, $0xb8;
	[tilespmem:$0x1C800] =	vst v63  }
0x7d: {  	s16 =	simm.s32 $0x180  }
0x7e: {  	[tilespmem:s31], [sflag:$0x4] =	stream.indirect.gather [hbm4b:s1+s28], $0x40, s16, s28, $0xb8;
	[tilespmem:$0x1C800] =	vst v63  }
0x7f: {  	[bflag:$0x0] =	sbarrier.arrive $0xFFFF  }
0x80: {  	_ =	swait.ge [sflag:s26], $0x2000  }
0x81: {  	[sflag:s26] =	ssyncset.done $0x0  }
0x82: {  	s17 =	simm.s32 $0x2800;
	[sflag:s26] =	ssyncadd.s32 $0xFFFFE000  }
0x83: {  	[spmem:s3] =	stream.indirect.scatter.add.f32 [tilespmem:s29], [sflag:$0x5], $0x40, s17, s28, $0xb8;
	[tilespmem:$0x1C800] =	vst v63  }
0x84: {  	_ =	swait.ge [sflag:s22], $0x2000  }
0x85: {  	[sflag:s22] =	ssyncset.done $0x0  }
0x86: {  	[sflag:s22] =	ssyncadd.s32 $0xFFFFE000  }
0x87: {  	[spmem:s4] =	stream.indirect.scatter.add.f32 [tilespmem:s0], [sflag:$0x5], $0x10, s17, s28, $0xb8;
	[tilespmem:$0x1C800] =	vst v63  }
0x88: {  	_ =	swait.ge [sflag:s22], $0x800  }
0x89: {  	[sflag:s22] =	ssyncset.done $0x0  }
0x8a: {  	s16 =	simm.s32 $0x200;
	[sflag:s22] =	ssyncadd.s32 $0xFFFFF800  }
0x8b: {  	[tilespmem:s29], [sflag:$0x1] =	stream.indirect.gather [hbm4b:s1+s28], $0x40, s16, s28, $0xb8;
	[tilespmem:$0x1C800] =	vst v63  }
0x8c: {  	_ =	swait.ge [sflag:s5], $0x2000  }
0x8d: {  	[sflag:s5] =	ssyncset.done $0x0  }
0x8e: {  	s17 =	simm.s32 $0x2880;
	[sflag:s5] =	ssyncadd.s32 $0xFFFFE000  }
0x8f: {  	[spmem:s3] =	stream.indirect.scatter.add.f32 [tilespmem:s30], [sflag:$0x5], $0x40, s17, s28, $0xb8;
	[tilespmem:$0x1C800] =	vst v63  }
0x90: {  	_ =	swait.ge [sflag:s22], $0x2000  }
0x91: {  	[sflag:s22] =	ssyncset.done $0x0  }
0x92: {  	[sflag:s22] =	ssyncadd.s32 $0xFFFFE000  }
0x93: {  	[spmem:s4] =	stream.indirect.scatter.add.f32 [tilespmem:s0], [sflag:$0x5], $0x10, s17, s28, $0xb8;
	[tilespmem:$0x1C800] =	vst v63  }
0x94: {  	_ =	swait.ge [sflag:s22], $0x800  }
0x95: {  	[sflag:s22] =	ssyncset.done $0x0  }
0x96: {  	s16 =	simm.s32 $0x280;
	[sflag:s22] =	ssyncadd.s32 $0xFFFFF800  }
0x97: {  	[tilespmem:s30], [sflag:$0x2] =	stream.indirect.gather [hbm4b:s1+s28], $0x40, s16, s28, $0xb8;
	[tilespmem:$0x1C800] =	vst v63  }
0x98: {  	_ =	swait.ge [sflag:s8], $0x2000  }
0x99: {  	[sflag:s8] =	ssyncset.done $0x0  }
0x9a: {  	s17 =	simm.s32 $0x2900;
	[sflag:s8] =	ssyncadd.s32 $0xFFFFE000  }
0x9b: {  	[spmem:s3] =	stream.indirect.scatter.add.f32 [tilespmem:s2], [sflag:$0x5], $0x40, s17, s28, $0xb8;
	[tilespmem:$0x1C800] =	vst v63  }
0x9c: {  	_ =	swait.ge [sflag:s22], $0x2000  }
0x9d: {  	[sflag:s22] =	ssyncset.done $0x0  }
0x9e: {  	[sflag:s22] =	ssyncadd.s32 $0xFFFFE000  }
0x9f: {  	[spmem:s4] =	stream.indirect.scatter.add.f32 [tilespmem:s0], [sflag:$0x5], $0x10, s17, s28, $0xb8;
	[tilespmem:$0x1C800] =	vst v63  }
0xa0: {  	_ =	swait.ge [sflag:s22], $0x800  }
0xa1: {  	[sflag:s22] =	ssyncset.done $0x0  }
0xa2: {  	s16 =	simm.s32 $0x300;
	[sflag:s22] =	ssyncadd.s32 $0xFFFFF800  }
0xa3: {  	[tilespmem:s2], [sflag:$0x3] =	stream.indirect.gather [hbm4b:s1+s28], $0x40, s16, s28, $0xb8;
	[tilespmem:$0x1C800] =	vst v63  }
0xa4: {  	_ =	swait.ge [sflag:s9], $0x2000  }
0xa5: {  	[sflag:s9] =	ssyncset.done $0x0  }
0xa6: {  	s17 =	simm.s32 $0x2980;
	[sflag:s9] =	ssyncadd.s32 $0xFFFFE000  }
0xa7: {  	[spmem:s3] =	stream.indirect.scatter.add.f32 [tilespmem:s31], [sflag:$0x5], $0x40, s17, s28, $0xb8;
	[tilespmem:$0x1C800] =	vst v63  }
0xa8: {  	_ =	swait.ge [sflag:s22], $0x2000  }
0xa9: {  	[sflag:s22] =	ssyncset.done $0x0  }
0xaa: {  	[sflag:s22] =	ssyncadd.s32 $0xFFFFE000  }
0xab: {  	[spmem:s4] =	stream.indirect.scatter.add.f32 [tilespmem:s0], [sflag:$0x5], $0x10, s17, s28, $0xb8;
	[tilespmem:$0x1C800] =	vst v63  }
0xac: {  	_ =	swait.ge [sflag:s22], $0x800  }
0xad: {  	[sflag:s22] =	ssyncset.done $0x0  }
0xae: {  	s15 =	simm.s32 $0x800;
	s16 =	simm.s32 $0x380;
	[sflag:s22] =	ssyncadd.s32 $0xFFFFF800  }
.LBB2_10:
0xaf: {  	[tilespmem:s31], [sflag:$0x4] =	stream.indirect.gather [hbm4b:s1+s28], $0x40, s16, s28, $0xb8;
	[tilespmem:$0x1C800] =	vst v63  }
0xb0: {  	s16 =	smov.u32 s15  }
0xb1: {  	p0 =	sne.s32 s15, $0x9000;
	s15 =	sadd.s32 $0x800, s15;
	_ =	swait.ge [sflag:s26], $0x2000  }
0xb2: {  	s16 =	sshra.s32 s16, $0x2;
	[sflag:s26] =	ssyncset.done $0x0  }
0xb3: {  	s17 =	sadd.s32 $0x2800, s16;
	[sflag:s26] =	ssyncadd.s32 $0xFFFFE000  }
0xb4: {  	[spmem:s3] =	stream.indirect.scatter.add.f32 [tilespmem:s29], [sflag:$0x5], $0x40, s17, s28, $0xb8;
	[tilespmem:$0x1C800] =	vst v63  }
0xb5: {  	_ =	swait.ge [sflag:s22], $0x2000  }
0xb6: {  	[sflag:s22] =	ssyncset.done $0x0  }
0xb7: {  	[sflag:s22] =	ssyncadd.s32 $0xFFFFE000  }
0xb8: {  	[spmem:s4] =	stream.indirect.scatter.add.f32 [tilespmem:s0], [sflag:$0x5], $0x10, s17, s28, $0xb8;
	[tilespmem:$0x1C800] =	vst v63  }
0xb9: {  	_ =	swait.ge [sflag:s22], $0x800  }
0xba: {  	[sflag:s22] =	ssyncset.done $0x0  }
0xbb: {  	s17 =	sadd.s32 $0x200, s16;
	[sflag:s22] =	ssyncadd.s32 $0xFFFFF800  }
0xbc: {  	[tilespmem:s29], [sflag:$0x1] =	stream.indirect.gather [hbm4b:s1+s28], $0x40, s17, s28, $0xb8;
	[tilespmem:$0x1C800] =	vst v63  }
0xbd: {  	_ =	swait.ge [sflag:s5], $0x2000  }
0xbe: {  	[sflag:s5] =	ssyncset.done $0x0  }
0xbf: {  	s17 =	sadd.s32 $0x2880, s16;
	[sflag:s5] =	ssyncadd.s32 $0xFFFFE000  }
0xc0: {  	[spmem:s3] =	stream.indirect.scatter.add.f32 [tilespmem:s30], [sflag:$0x5], $0x40, s17, s28, $0xb8;
	[tilespmem:$0x1C800] =	vst v63  }
0xc1: {  	_ =	swait.ge [sflag:s22], $0x2000  }
0xc2: {  	[sflag:s22] =	ssyncset.done $0x0  }
0xc3: {  	[sflag:s22] =	ssyncadd.s32 $0xFFFFE000  }
0xc4: {  	[spmem:s4] =	stream.indirect.scatter.add.f32 [tilespmem:s0], [sflag:$0x5], $0x10, s17, s28, $0xb8;
	[tilespmem:$0x1C800] =	vst v63  }
0xc5: {  	_ =	swait.ge [sflag:s22], $0x800  }
0xc6: {  	[sflag:s22] =	ssyncset.done $0x0  }
0xc7: {  	s17 =	sadd.s32 $0x280, s16;
	[sflag:s22] =	ssyncadd.s32 $0xFFFFF800  }
0xc8: {  	[tilespmem:s30], [sflag:$0x2] =	stream.indirect.gather [hbm4b:s1+s28], $0x40, s17, s28, $0xb8;
	[tilespmem:$0x1C800] =	vst v63  }
0xc9: {  	_ =	swait.ge [sflag:s8], $0x2000  }
0xca: {  	[sflag:s8] =	ssyncset.done $0x0  }
0xcb: {  	s17 =	sadd.s32 $0x2900, s16;
	[sflag:s8] =	ssyncadd.s32 $0xFFFFE000  }
0xcc: {  	[spmem:s3] =	stream.indirect.scatter.add.f32 [tilespmem:s2], [sflag:$0x5], $0x40, s17, s28, $0xb8;
	[tilespmem:$0x1C800] =	vst v63  }
0xcd: {  	_ =	swait.ge [sflag:s22], $0x2000  }
0xce: {  	[sflag:s22] =	ssyncset.done $0x0  }
0xcf: {  	[sflag:s22] =	ssyncadd.s32 $0xFFFFE000  }
0xd0: {  	[spmem:s4] =	stream.indirect.scatter.add.f32 [tilespmem:s0], [sflag:$0x5], $0x10, s17, s28, $0xb8;
	[tilespmem:$0x1C800] =	vst v63  }
0xd1: {  	_ =	swait.ge [sflag:s22], $0x800  }
0xd2: {  	[sflag:s22] =	ssyncset.done $0x0  }
0xd3: {  	s17 =	sadd.s32 $0x300, s16;
	[sflag:s22] =	ssyncadd.s32 $0xFFFFF800  }
0xd4: {  	[tilespmem:s2], [sflag:$0x3] =	stream.indirect.gather [hbm4b:s1+s28], $0x40, s17, s28, $0xb8;
	[tilespmem:$0x1C800] =	vst v63  }
0xd5: {  	_ =	swait.ge [sflag:s9], $0x2000  }
0xd6: {  	[sflag:s9] =	ssyncset.done $0x0  }
0xd7: {  	s17 =	sadd.s32 $0x2980, s16;
	[sflag:s9] =	ssyncadd.s32 $0xFFFFE000  }
0xd8: {  	[spmem:s3] =	stream.indirect.scatter.add.f32 [tilespmem:s31], [sflag:$0x5], $0x40, s17, s28, $0xb8;
	[tilespmem:$0x1C800] =	vst v63  }
0xd9: {  	_ =	swait.ge [sflag:s22], $0x2000  }
0xda: {  	[sflag:s22] =	ssyncset.done $0x0  }
.Ltmp4:
0xdb: {  	[sflag:s22] =	ssyncadd.s32 $0xFFFFE000;
	(pc) =	sbr.rel @p0 .LBB2_10-.Ltmp4, $4  }
0xdc: {  	[spmem:s4] =	stream.indirect.scatter.add.f32 [tilespmem:s0], [sflag:$0x5], $0x10, s17, s28, $0xb8;
	[tilespmem:$0x1C800] =	vst v63  }
0xdd: {  	_ =	swait.ge [sflag:s22], $0x800  }
0xde: {  	[sflag:s22] =	ssyncset.done $0x0  }
0xdf: {  	s16 =	sadd.s32 $0x380, s16;
	[sflag:s22] =	ssyncadd.s32 $0xFFFFF800  }
0xe0: {  	[tilespmem:s31], [sflag:$0x4] =	stream.indirect.gather [hbm4b:s1+s28], $0x40, s16, s28, $0xb8;
	[tilespmem:$0x1C800] =	vst v63  }
0xe1: {  	_ =	swait.ge [sflag:s26], $0x2000  }
0xe2: {  	[sflag:s26] =	ssyncset.done $0x0  }
0xe3: {  	[sflag:s26] =	ssyncadd.s32 $0xFFFFE000  }
0xe4: {  	[spmem:s3] =	stream.indirect.scatter.add.f32 [tilespmem:s29], [sflag:$0x5], $0x40, s10, s28, $0xb8;
	[tilespmem:$0x1C800] =	vst v63  }
0xe5: {  	_ =	swait.ge [sflag:s22], $0x2000  }
0xe6: {  	[sflag:s22] =	ssyncset.done $0x0  }
0xe7: {  	[sflag:s22] =	ssyncadd.s32 $0xFFFFE000  }
0xe8: {  	[spmem:s4] =	stream.indirect.scatter.add.f32 [tilespmem:s0], [sflag:$0x5], $0x10, s10, s28, $0xb8;
	[tilespmem:$0x1C800] =	vst v63  }
0xe9: {  	_ =	swait.ge [sflag:s22], $0x800  }
0xea: {  	[sflag:s22] =	ssyncset.done $0x0  }
0xeb: {  	[sflag:s22] =	ssyncadd.s32 $0xFFFFF800  }
0xec: {  	_ =	swait.ge [sflag:s5], $0x2000  }
0xed: {  	[sflag:s5] =	ssyncset.done $0x0  }
0xee: {  	[sflag:s5] =	ssyncadd.s32 $0xFFFFE000  }
0xef: {  	[spmem:s3] =	stream.indirect.scatter.add.f32 [tilespmem:s30], [sflag:$0x5], $0x40, s11, s28, $0xb8;
	[tilespmem:$0x1C800] =	vst v63  }
0xf0: {  	_ =	swait.ge [sflag:s22], $0x2000  }
0xf1: {  	[sflag:s22] =	ssyncset.done $0x0  }
0xf2: {  	[sflag:s22] =	ssyncadd.s32 $0xFFFFE000  }
0xf3: {  	[spmem:s4] =	stream.indirect.scatter.add.f32 [tilespmem:s0], [sflag:$0x5], $0x10, s11, s28, $0xb8;
	[tilespmem:$0x1C800] =	vst v63  }
0xf4: {  	_ =	swait.ge [sflag:s22], $0x800  }
0xf5: {  	[sflag:s22] =	ssyncset.done $0x0  }
0xf6: {  	[sflag:s22] =	ssyncadd.s32 $0xFFFFF800  }
0xf7: {  	_ =	swait.ge [sflag:s8], $0x2000  }
0xf8: {  	[sflag:s8] =	ssyncset.done $0x0  }
0xf9: {  	[sflag:s8] =	ssyncadd.s32 $0xFFFFE000  }
0xfa: {  	[spmem:s3] =	stream.indirect.scatter.add.f32 [tilespmem:s2], [sflag:$0x5], $0x40, s12, s28, $0xb8;
	[tilespmem:$0x1C800] =	vst v63  }
0xfb: {  	_ =	swait.ge [sflag:s22], $0x2000  }
0xfc: {  	[sflag:s22] =	ssyncset.done $0x0  }
0xfd: {  	[sflag:s22] =	ssyncadd.s32 $0xFFFFE000  }
0xfe: {  	[spmem:s4] =	stream.indirect.scatter.add.f32 [tilespmem:s0], [sflag:$0x5], $0x10, s12, s28, $0xb8;
	[tilespmem:$0x1C800] =	vst v63  }
0xff: {  	_ =	swait.ge [sflag:s22], $0x800  }
0x100: {  	[sflag:s22] =	ssyncset.done $0x0  }
0x101: {  	[sflag:s22] =	ssyncadd.s32 $0xFFFFF800  }
0x102: {  	_ =	swait.ge [sflag:s9], $0x2000  }
0x103: {  	[sflag:s9] =	ssyncset.done $0x0  }
0x104: {  	[sflag:s9] =	ssyncadd.s32 $0xFFFFE000  }
0x105: {  	[spmem:s3] =	stream.indirect.scatter.add.f32 [tilespmem:s31], [sflag:$0x5], $0x40, s13, s28, $0xb8;
	[tilespmem:$0x1C800] =	vst v63  }
0x106: {  	_ =	swait.ge [sflag:s22], $0x2000  }
0x107: {  	[sflag:s22] =	ssyncset.done $0x0  }
0x108: {  	[sflag:s22] =	ssyncadd.s32 $0xFFFFE000  }
0x109: {  	[spmem:s4] =	stream.indirect.scatter.add.f32 [tilespmem:s0], [sflag:$0x5], $0x10, s13, s28, $0xb8;
	[tilespmem:$0x1C800] =	vst v63  }
0x10a: {  	_ =	swait.ge [sflag:s22], $0x800  }
0x10b: {  	[sflag:s22] =	ssyncset.done $0x0  }
0x10c: {  	s15 =	stileid.u32;
	[sflag:s22] =	ssyncadd.s32 $0xFFFFF800  }
0x10d: {  	s15 =	sshll.u32 s15, $0x6;
	[bflag:$0x0] =	sbarrier.arrive $0xFFFF  }
0x10e: {  	s17 =	simm.s32 $0x10;
	s15 =	sor.u32 $0x1C05, s15;
	s16 =	rddreg [dreg:$0x7]  }
0x10f: {  	[hbm:s16@s17], [sflag:s15] =	dma.strided [spmem:s24@s18], $0x1388, s26, $0x8   }
0x110: {  	_ =	swait.ge [sflag:s22], $0x1388  }
0x111: {  	[sflag:s22] =	ssyncset.done $0x0  }
0x112: {  	s17 =	rddreg [dreg:$0x8];
	[sflag:s22] =	ssyncadd.s32 $0xFFFFEC78  }
0x113: {  	[hbm:s17], [sflag:s15] =	dma.local [spmem:s25], $0x4E2  }
0x114: {  	_ =	swait.ge [sflag:s22], $0x4E2  }
0x115: {  	s14 =	sadd.s32 $0x1, s14;
	s17 =	rddreg [dreg:$0x9]  }
0x116: {  	p0 =	sne.s32 s14, s17  }
.Ltmp5:
0x117: {  	_ = 	snop;
	(pc) =	sbr.rel @p0 .LBB2_1-.Ltmp5, $3  }
0x118: {  	_ =	sdelay $0x1  }
0x119: {  	[sflag:s22] =	ssyncset.done $0x0  }
0x11a: {  	[sflag:s22] =	ssyncadd.s32 $0xFFFFFB1E  }
0x11b: {  	_ =	sfence.sel $0x180000  }
0x11c: {  	[bflag:$0x0] =	sbarrier.arrive $0xFFFF  }
0x11d: {  	_ =	strace $0x90000047  }
0x11e: {  	s0 =	stileid.u32;
	[bflag:$0x2] =	sbarrier.arrive $0xFFFF  }
0x11f: {  	p0 =	sne.s32 s0, $0x0;
	s0 =	rddreg [dreg:$0x4]  }
0x120: {  	s0 =	sadd.s32 @!p0 $0x100000, s0  }
0x121: {  	[sflag:s0] =	ssyncadd.tile.s32 @!p0 $0x1;
	_ =	shalt  }
.Lfunc_end2:
_tile_overlayer_lowered:
.L_overlay_start_2:
0x122: {  	(tag) =	ssettag $0x2  }
0x123: {  	s0 =	rddreg [dreg:$0x0];
	s2 =	stileid.u32  }
0x124: {  	s1 =	rddreg [dreg:$0x1];
	p0 =	sne.s32 s2, $0x0  }
0x125: {  	s3 =	rddreg [dreg:$0x2];
	[bflag:$0x3] =	sbarrier.arrive $0xFFFF;
	s2 =	simm.s32 @!p0 $0x1C05  }
0x126: {  	[timem:s3], [sflag:s2] =	dma.local @!p0 [hbm:s0], s1  }
0x127: {  	s0 =	simm.s32 @!p0 $0x5  }
0x128: {  	_ =	swait.ge @!p0 [sflag:s0], s1  }
0x129: {  	s1 =	ssub.s32 @!p0 $0x0, s1;
	[sflag:s0] =	ssyncset.done @!p0 $0x0  }
0x12a: {  	[sflag:s0] =	ssyncadd.s32 @!p0 s1  }
0x12b: {  	[bflag:$0x3] =	sbarrier.arrive $0xFFFF  }
0x12c: {  	_ =	shalt  }

// kernel: kernel.16.cloned.1.call-start
scs
__scs_entry_jumppad:
0x0: {  	(pc) =	sbr.rel $0x88, $3  }
0x1: {  	(tag) =	ssettag $0x0;
	lr =	simm.s32 $0x1  }
0x2: {  	[smem:$0x3F8C] =	sst lr;
	_ =	strace $0xD0000000  }
0x3: {  	_ = 	snop  }
0x4: {  	_ = 	snop  }
0x5: {  	_ = 	snop  }
0x6: {  	_ = 	snop  }
0x7: {  	_ = 	snop  }
__scs_overlays_trampoline_lowered:
0x8: {  	[smem:$0x3F9B] =	sst s0  }
0x9: {  	[smem:$0x3F9C] =	sst s1  }
0xa: {  	[smem:$0x3F9D] =	sst s2  }
0xb: {  	[smem:$0x3F9E] =	sst s3  }
0xc: {  	[smem:$0x3F9F] =	sst s4  }
0xd: {  	[smem:$0x3FA0] =	sst s5  }
0xe: {  	[smem:$0x3FA1] =	sst s6  }
0xf: {  	[smem:$0x3FA2] =	sst s7  }
0x10: {  	[smem:$0x3FA3] =	sst s8  }
0x11: {  	[smem:$0x3FA4] =	sst s9;
	s0 =	simm.s32 @!p0 $0x0  }
0x12: {  	s1 =	sld [smem:$0x3F8A];
	s0 =	simm.s32 @p0 $0x1  }
0x13: {  	[smem:$0x3FA5] =	sst s0;
	s0 =	simm.s32 @!p1 $0x0  }
0x14: {  	s2 =	sld [smem:$0x3F89];
	s0 =	simm.s32 @p1 $0x1  }
0x15: {  	[smem:$0x3FA6] =	sst s0;
	s0 =	simm.s32 @!p2 $0x0  }
0x16: {  	s3 =	sld [smem:$0x3FDB];
	s0 =	simm.s32 @p2 $0x1  }
0x17: {  	s4 =	simm.s32 $0x1BF5;
	[smem:$0x3FA8] =	sst s0  }
0x18: {  	s0 =	sld [smem:$0x3F8B];
	_ =	swait.ge [sflag:s4], $0x0  }
0x19: {  	s7 =	sld [smem:$0x3F8C]  }
0x1a: {  	s8 =	sadd.s32 $0xFFFFE003, lr  }
0x1b: {  	s9 =	sadd.s32 $0xFFFFFEF7, lr;
	s5 =	simm.s32 $0xFFFFFFFF;
	p2 =	slt.u32 s8, $0xFFFFF086  }
0x1c: {  	p1 =	slt.u32 s9, $0xF7A;
	s5 =	simm.s32 @!p2 $0x0  }
0x1d: {  	s5 =	simm.s32 @p1 $0x1;
	p0 =	seq.s32 s7, s2  }
0x1e: {  	s7 =	smul.u32 @!p0 $0xF7A, s2;
	p2 =	seq.s32 @!p0 s5, $0x0  }
0x1f: {  	s9 =	smul.u32 $0xF7A, s1;
	s8 =	simm.s32 @!p0 $0x1BF5;
	p2 =	por !p2, p0  }
0x20: {  	[sflag:s8] =	ssyncset.s32 @!p0 $0xFFFFF086;
	s6 =	sadd.s32 @!p0 s3, s7;
	s7 =	simm.s32 @!p0 $0x108  }
0x21: {  	s3 =	sadd.s32 s3, s9;
	s6 =	sadd.s32 @!p0 $0x88, s6;
	s7 =	simm.s32 @p2 $0x1082  }
0x22: {  	[simem:s7], [sflag:s8] =	dma.local @!p0 [hbm:s6], $0xF7A  }
0x23: {  	s9 =	sor.u32 $0xD0000000, s2;
	s6 =	simm.s32 $0x108;
	_ =	swait.ge @!p0 [sflag:s8], $0x0  }
0x24: {  	s3 =	sadd.s32 $0x88, s3;
	s6 =	simm.s32 @!p1 $0x1082;
	[sflag:s4] =	ssyncset.s32 $0xFFFFF086  }
0x25: {  	[simem:s6], [sflag:s4] =	dma.local [hbm:s3], $0xF7A  }
0x26: {  	[smem:$0x3F8C] =	sst s1;
	(tag) =	ssettag s2;
	_ =	strace s9  }
0x27: {  	s1 =	sld [smem:$0x3F9C]  }
0x28: {  	s2 =	sld [smem:$0x3F9D]  }
0x29: {  	s4 =	sld [smem:$0x3F9F]  }
0x2a: {  	p0 =	seq.s32 s5, $0x0;
	s5 =	sld [smem:$0x3FA0]  }
0x2b: {  	s6 =	sld [smem:$0x3FA1]  }
0x2c: {  	s7 =	sld [smem:$0x3FA2]  }
0x2d: {  	s3 =	simm.s32 $0x108;
	s8 =	sld [smem:$0x3FA3]  }
0x2e: {  	s3 =	simm.s32 @!p0 $0x1082;
	s9 =	sld [smem:$0x3FA4]  }
0x2f: {  	lr =	sadd.s32 s0, s3;
	s0 =	sld [smem:$0x3F9B]  }
0x30: {  	s3 =	sld [smem:$0x3F9E]  }
0x31: {  	[smem:$0x3FA7] =	sst s10  }
0x32: {  	s10 =	sld [smem:$0x3FA5];
	_ =	sdelay $0x3  }
0x33: {  	p0 =	seq.s32 s10, $0x1;
	s10 =	sld [smem:$0x3FA7];
	_ =	sdelay $0x3  }
0x34: {  	[smem:$0x3FA7] =	sst s10  }
0x35: {  	s10 =	sld [smem:$0x3FA6];
	_ =	sdelay $0x3  }
0x36: {  	p1 =	seq.s32 s10, $0x1;
	s10 =	sld [smem:$0x3FA7];
	_ =	sdelay $0x3  }
0x37: {  	[smem:$0x3FA7] =	sst s10  }
0x38: {  	s10 =	sld [smem:$0x3FA8]  }
0x39: {  	_ = 	snop;
	(pc) =	sbr.ind lr, $3  }
0x3a: {  	_ = 	snop  }
0x3b: {  	_ = 	snop  }
0x3c: {  	p2 =	seq.s32 s10, $0x1;
	s10 =	sld [smem:$0x3FA7]  }
0x3d: {  	_ =	shalt  }
0x3e: {  	_ =	shalt  }
0x3f: {  	_ =	shalt  }
0x40: {  	_ =	shalt  }
0x41: {  	_ =	shalt  }
0x42: {  	_ =	shalt  }
0x43: {  	_ =	shalt  }
0x44: {  	_ =	shalt  }
0x45: {  	_ =	shalt  }
0x46: {  	_ =	shalt  }
0x47: {  	_ =	shalt  }
0x48: {  	_ =	shalt  }
0x49: {  	_ =	shalt  }
0x4a: {  	_ =	shalt  }
0x4b: {  	_ =	shalt  }
0x4c: {  	_ =	shalt  }
0x4d: {  	_ =	shalt  }
0x4e: {  	_ =	shalt  }
0x4f: {  	_ =	shalt  }
0x50: {  	_ =	shalt  }
0x51: {  	_ =	shalt  }
0x52: {  	_ =	shalt  }
0x53: {  	_ =	shalt  }
0x54: {  	_ =	shalt  }
0x55: {  	_ =	shalt  }
0x56: {  	_ =	shalt  }
0x57: {  	_ =	shalt  }
0x58: {  	_ =	shalt  }
0x59: {  	_ =	shalt  }
0x5a: {  	_ =	shalt  }
0x5b: {  	_ =	shalt  }
0x5c: {  	_ =	shalt  }
0x5d: {  	_ =	shalt  }
0x5e: {  	_ =	shalt  }
0x5f: {  	_ =	shalt  }
0x60: {  	_ =	shalt  }
0x61: {  	_ =	shalt  }
0x62: {  	_ =	shalt  }
0x63: {  	_ =	shalt  }
0x64: {  	_ =	shalt  }
0x65: {  	_ =	shalt  }
0x66: {  	_ =	shalt  }
0x67: {  	_ =	shalt  }
0x68: {  	_ =	shalt  }
0x69: {  	_ =	shalt  }
0x6a: {  	_ =	shalt  }
0x6b: {  	_ =	shalt  }
0x6c: {  	_ =	shalt  }
0x6d: {  	_ =	shalt  }
0x6e: {  	_ =	shalt  }
0x6f: {  	_ =	shalt  }
0x70: {  	_ =	shalt  }
0x71: {  	_ =	shalt  }
0x72: {  	_ =	shalt  }
0x73: {  	_ =	shalt  }
0x74: {  	_ =	shalt  }
0x75: {  	_ =	shalt  }
0x76: {  	_ =	shalt  }
0x77: {  	_ =	shalt  }
0x78: {  	_ =	shalt  }
0x79: {  	_ =	shalt  }
0x7a: {  	_ =	shalt  }
0x7b: {  	_ =	shalt  }
0x7c: {  	_ =	shalt  }
0x7d: {  	_ =	shalt  }
0x7e: {  	_ =	shalt  }
0x7f: {  	_ =	shalt  }
0x80: {  	_ =	shalt  }
0x81: {  	_ =	shalt  }
0x82: {  	_ =	shalt  }
0x83: {  	_ =	shalt  }
0x84: {  	_ =	shalt  }
0x85: {  	_ =	shalt  }
0x86: {  	_ =	shalt  }
0x87: {  	_ =	shalt  }
.Lfunc_end0:
.L_simem_size_0:
called_computation.1_lowered:
.L_overlay_start_0:
0x88: {  	s2 =	sld [smem:$0x3FD9]  }
0x89: {  	s3 =	sld [smem:$0x3FFE];
	_ =	sdelay $0x1  }
0x8a: {  	s1 =	srdreg.scid  }
0x8b: {  	s0 =	sand.u32 $0x1, s1  }
0x8c: {  	s17 =	sshll.u32 s0, $0xA;
	s2 =	sadd.s32 s3, s2  }
0x8d: {  	s2 =	sadd.s32 s2, s17  }
0x8e: {  	[smem:$0x3FB3] =	sst s2  }
0x8f: {  	_ = 	snop  }
0x90: {  	s18 =	sld [smem:$0x3FC9];
	(tm) =	ssettm $0x1  }
0x91: {  	s19 =	sld [smem:$0x3FFB];
	_ =	sdelay $0x3  }
0x92: {  	_ =	strace s19  }
0x93: {  	s2 =	sld [smem:$0x3FFC];
	_ =	sdelay $0x3  }
0x94: {  	_ =	strace s2  }
0x95: {  	s2 =	sld [smem:$0x3FFD];
	_ =	sdelay $0x3  }
0x96: {  	_ =	strace s2  }
0x97: {  	_ =	strace $0x8FFFFFFF  }
0x98: {  	s20 =	sld [smem:$0x3FDB];
	_ =	sdelay $0x1  }
0x99: {  	s4 =	simm.s32 $_scs_section_size  }
0x9a: {  	s5 =	simm.s32 $_size__tile_overlayer_lowered;
	s6 =	simm.s32 $_tile_overlayer_lowered  }
0x9b: {  	s7 =	simm.s32 $0x1BFF;
	s21 =	sshll.u32 s6, $0x1;
	s4 =	sadd.s32 s4, s20  }
0x9c: {  	s22 =	simm.s32 $0x0;
	s5 =	sshll.u32 s5, $0x1;
	s6 =	sadd.s32 s21, s4  }
0x9d: {  	[timem:s22], [sflag:s7] =	dma.local [hbm:s6], s5  }
0x9e: {  	_ =	swait.ge [sflag:s7], s5  }
0x9f: {  	s5 =	ssub.s32 $0x0, s5;
	[sflag:s7] =	ssyncset.done $0x0  }
0xa0: {  	[sflag:s7] =	ssyncadd.s32 s5;
	_ =	sdelay $0x1  }
0xa1: {  	s23 =	simm.s32 $0x1B8B  }
0xa2: {  	_ =	swait.ge [sflag:s23], $0x1  }
0xa3: {  	[sflag:s23] =	ssyncset.done $0x0  }
0xa4: {  	[sflag:s23] =	ssyncadd.s32 $0xFFFFFFFF  }
0xa5: {  	s5 =	sld [smem:$0x0]  }
0xa6: {  	s6 =	sand.u32 $0xFFFFFFFE, s1  }
0xa7: {  	p0 =	sne.s32 s1, s6  }
0xa8: {  	s6 =	sshll.u32 @p0 s6, $0xE  }
0xa9: {  	s6 =	sadd.s32 @p0 $0x11B8D, s6;
	s7 =	sshll.u32 @p0 s5, $0x11  }
0xaa: {  	s6 =	sor.u32 @p0 s7, s6  }
0xab: {  	[sflag:s6] =	ssyncadd.remote.s32 @p0 $0x1;
	_ =	sdelay $0x1  }
0xac: {  	s6 =	simm.s32 @p0 $0x1B8D  }
0xad: {  	_ =	swait.eq @p0 [sflag:s6], $0x1  }
0xae: {  	[sflag:s6] =	ssyncadd.s32 @p0 $0xFFFFFFFF  }
0xaf: {  	s7 =	sshll.u32 @!p0 s1, $0xE  }
0xb0: {  	s7 =	sor.u32 @!p0 $0x4000, s7;
	s6 =	simm.s32 @!p0 $0x1B8D  }
0xb1: {  	s5 =	sshll.u32 @!p0 s5, $0x11;
	s7 =	sadd.s32 @!p0 $0x11B8D, s7;
	_ =	swait.eq @!p0 [sflag:s6], $0x1  }
0xb2: {  	s5 =	sor.u32 @!p0 s5, s7;
	[sflag:s6] =	ssyncadd.s32 @!p0 $0xFFFFFFFF  }
0xb3: {  	s25 =	simm.s32 $0x1B8E;
	s24 =	sld [smem:$0x3FFE];
	[sflag:s5] =	ssyncadd.remote.s32 @!p0 $0x1  }
0xb4: {  	s26 =	simm.s32 $execute0_lowered;
	[smem:$0x3FD2] =	sst s25  }
0xb5: {  	s6 =	sshll.u32 s26, $0x1;
	_ =	strace $0x80000049;
	[dreg:$0x1] =	wrdreg $0xFFFFFFFF  }
0xb6: {  	s28 =	simm.s32 $_size_execute0_lowered;
	s4 =	sadd.s32 s4, s6;
	[dreg:$0x0] =	wrdreg $0x0  }
0xb7: {  	s6 =	sshll.u32 s28, $0x1;
	[dreg:$0x2] =	wrdreg s4  }
0xb8: {  	[dreg:$0x3] =	wrdreg s6  }
0xb9: {  	[dreg:$0x4] =	wrdreg $0xC0  }
0xba: {  	_ =	task [dreg:s22], $0x5FFFF  }
0xbb: {  	[dreg:$0x1] =	wrdreg $0xFFFFFFFF  }
0xbc: {  	[dreg:$0x0] =	wrdreg $0x60  }
0xbd: {  	[dreg:$0x2] =	wrdreg s18  }
0xbe: {  	[dreg:$0x3] =	wrdreg s24  }
0xbf: {  	[dreg:$0x4] =	wrdreg $0xF0000  }
0xc0: {  	[dreg:$0x5] =	wrdreg $0xA  }
0xc1: {  	_ =	task.clear_ibuf [dreg:s22], $0x6FFFF;
	_ =	strace $0x90000049  }
0xc2: {  	s29 =	simm.s32 $0xA;
	_ =	strace $0x8000004B  }
0xc3: {  	_ =	swait.ge [sflag:s29], $0x1  }
0xc4: {  	[sflag:s29] =	ssyncadd.s32 $0xFFFFFFFF  }
0xc5: {  	_ =	strace $0x9000004B  }
0xc6: {  	_ =	sfence  }
0xc7: {  	s30 =	sld [smem:$0x0];
	_ =	sdelay $0x2  }
0xc8: {  	s31 =	sshll.u32 s1, $0xD;
	s1 =	sshrl.u32 s1, $0x2  }
0xc9: {  	s4 =	sand.u32 $0x4000, s31;
	s1 =	sadd.s32 s1, s30  }
0xca: {  	s0 =	sor.u32 s4, s0;
	s1 =	sshll.u32 s1, $0x11  }
0xcb: {  	s0 =	sor.u32 s1, s0  }
0xcc: {  	s0 =	sadd.s32 $0x8F2B, s0  }
0xcd: {  	[sflag:s0] =	ssyncadd.remote.s32 $0x1  }
0xce: {  	_ =	sfence.sel $0xFFFF  }
0xcf: {  	[dreg:$0x0] =	wrdreg $0xFFFFFFFF;
	(pc) =	sbr.abs _section_cstart, $3  }
0xd0: {  	[dreg:$0x1] =	wrdreg $0xFFFFFFFF  }
0xd1: {  	_ =	task.clear_ibuf [dreg:s22], $0x2FFFF;
	_ =	strace $0x9FFFFFFF  }
0xd2: {  	(tm) =	ssettm $0x7FFFFFFF  }
0xd3: {  	_ =	shalt  }
tec
execute0_lowered:
.L_overlay_start_1:
0x0: {  	(tag) =	ssettag $0x1  }
0x1: {  	s1 =	rddreg [dreg:$0x0]  }
0x2: {  	s5 =	rddreg [dreg:$0x1]  }
0x3: {  	s0 =	srdreg.scid;
	s3 =	rddreg [dreg:$0x2];
	s14 =	simm.s32 $0x5000  }
0x4: {  	s15 =	simm.s32 $0x5;
	s17 =	simm.s32 $0x80;
	s18 =	simm.s32 $0x7000  }
0x5: {  	s19 =	simm.s32 $0x9000;
	s21 =	simm.s32 $0xB000;
	s23 =	simm.s32 $0xD000  }
0x6: {  	s28 =	simm.s32 $0x3;
	s29 =	simm.s32 $0x4;
	s20 =	simm.s32 $0x10  }
0x7: {  	s22 =	simm.s32 $0x8;
	s2 =	sand.u32 $0x1, s0;
	s0 =	stileid.u32  }
0x8: {  	s30 =	simm.s32 $0x0;
	s4 =	sshll.u32 s2, $0x4;
	s7 =	smul.u32 $0x13880, s0  }
0x9: {  	s24 =	sshll.u32 s2, $0x6;
	s2 =	ssub.s32 $0x2, s2;
	s25 =	smul.u32 $0x28000, s0  }
0xa: {  	s10 =	smul.u32 $0x27100, s0;
	s6 =	sor.u32 s0, s4;
	s4 =	simm.s32 $0x0  }
0xb: {  	s9 =	sshrl.u32 s2, $0x1;
	s6 =	smul.u32 $0x500, s6;
	[smem:$0x7FF] =	sst s4  }
0xc: {  	s2 =	ssub.s32 s2, s9;
	s26 =	sshrl.u32 s25, $0x2;
	s31 =	sshrl.u32 s10, $0x2  }
0xd: {  	_ =	strace $0x8000004A;
	s16 =	sadd.s32 s31, s3;
	s9 =	smax.u32 s2, $0x1  }
0xe: {  	s8 =	sadd.s32 s6, s5;
	s6 =	sor.u32 s24, s7;
	s24 =	simm.s32 $0x1  }
0xf: {  	s25 =	sshrl.u32 s16, $0x3;
	s6 =	sshrl.u32 s6, $0x3;
	s7 =	sadd.s32 $0xE400, s8  }
0x10: {  	s11 =	sadd.s32 s6, s5;
	s5 =	sadd.s32 s26, s3;
	s6 =	sadd.s32 $0x4400, s8  }
0x11: {  	s26 =	simm.s32 $0x2;
	s8 =	sadd.s32 $0x49400, s11;
	s10 =	sadd.s32 $0x2000, s5  }
0x12: {  	v0 =	vimm.f32 $0.0e+00;
	s11 =	sadd.s32 $0x4000, s5;
	s12 =	sadd.s32 $0x6000, s5;
	s13 =	sadd.s32 $0x8000, s5  }
.LBB2_1:
0x13: {  	s16 =	simm.s32 $0x100;
	s2 =	simm.s32 $0x0  }
.LBB2_2:
0x14: {  	p0 =	sne.s32 s16, $0x7F00;
	[tilespmem:s2+$0x5030] =	vst v0;
	s31 =	smov.u32 s16;
	s16 =	sadd.s32 $0x100, s16  }
.Ltmp0:
0x15: {  	[tilespmem:s2+$0x5020] =	vst v0;
	(pc) =	sbr.rel @p0 .LBB2_2-.Ltmp0, $3  }
0x16: {  	[tilespmem:s2+$0x5000] =	vst v0  }
0x17: {  	[tilespmem:s2+$0x5010] =	vst v0;
	_ =	sdelay $0x1  }
0x18: {  	s2 =	sshra.s32 s31, $0x2  }
0x19: {  	[tilespmem:s2+$0x5030] =	vst v0  }
0x1a: {  	[tilespmem:s2+$0x5020] =	vst v0  }
0x1b: {  	[tilespmem:s2+$0x5000] =	vst v0  }
0x1c: {  	[tilespmem:s2+$0x5010] =	vst v0  }
0x1d: {  	[spmem:s5] =	stream.linear.scatter [tilespmem:s14], [sflag:$0x5], $0x2000, $0x38;
	[tilespmem:$0x19000] =	vst v63  }
0x1e: {  	_ =	swait.ge [sflag:s15], $0x2000  }
0x1f: {  	[sflag:s15] =	ssyncset.done $0x0  }
0x20: {  	[sflag:s15] =	ssyncadd.s32 $0xFFFFE000  }
0x21: {  	[spmem:s10] =	stream.linear.scatter [tilespmem:s14], [sflag:$0x5], $0x2000, $0x38;
	[tilespmem:$0x19000] =	vst v63  }
0x22: {  	_ =	swait.ge [sflag:s15], $0x2000  }
0x23: {  	[sflag:s15] =	ssyncset.done $0x0  }
0x24: {  	[sflag:s15] =	ssyncadd.s32 $0xFFFFE000  }
0x25: {  	[spmem:s11] =	stream.linear.scatter [tilespmem:s14], [sflag:$0x5], $0x2000, $0x38;
	[tilespmem:$0x19000] =	vst v63  }
0x26: {  	_ =	swait.ge [sflag:s15], $0x2000  }
0x27: {  	[sflag:s15] =	ssyncset.done $0x0  }
0x28: {  	[sflag:s15] =	ssyncadd.s32 $0xFFFFE000  }
0x29: {  	[spmem:s12] =	stream.linear.scatter [tilespmem:s14], [sflag:$0x5], $0x2000, $0x38;
	[tilespmem:$0x19000] =	vst v63  }
0x2a: {  	_ =	swait.ge [sflag:s15], $0x2000  }
0x2b: {  	[sflag:s15] =	ssyncset.done $0x0  }
0x2c: {  	[sflag:s15] =	ssyncadd.s32 $0xFFFFE000  }
0x2d: {  	[spmem:s13] =	stream.linear.scatter [tilespmem:s14], [sflag:$0x5], $0x2000, $0x38;
	[tilespmem:$0x19000] =	vst v63  }
0x2e: {  	_ =	swait.ge [sflag:s15], $0x2000  }
0x2f: {  	[sflag:s15] =	ssyncset.done $0x0  }
0x30: {  	[sflag:s15] =	ssyncadd.s32 $0xFFFFE000  }
0x31: {  	[tilespmem:s4], [sflag:$0x5] =	stream.linear.gather [hbm4b:s6+s4], $0x2800, $0x38;
	[tilespmem:$0x19000] =	vst v63  }
0x32: {  	_ =	swait.ge [sflag:s15], $0x2800  }
0x33: {  	[sflag:s15] =	ssyncset.done $0x0  }
0x34: {  	s16 =	simm.s32 $0x2800;
	[sflag:s15] =	ssyncadd.s32 $0xFFFFD800  }
0x35: {  	[tilespmem:s16], [sflag:$0x5] =	stream.linear.gather [hbm4b:s7+s4], $0x2800, $0x38;
	[tilespmem:$0x19000] =	vst v63  }
0x36: {  	_ =	swait.ge [sflag:s15], $0x2800  }
0x37: {  	[sflag:s15] =	ssyncset.done $0x0  }
0x38: {  	s2 =	simm.s32 $0x70;
	[sflag:s15] =	ssyncadd.s32 $0xFFFFD800  }
0x39: {  	v1 =	vld [tilespmem:s2+$0xFFFFFF90];
	_ =	sdelay $0x1  }
0x3a: {  	v2 =	vld [tilespmem:s2+$0xFFFFFFA0]  }
0x3b: {  	v3 =	vld [tilespmem:s2+$0xFFFFFFB0]  }
0x3c: {  	v5 =	vld [tilespmem:s2+$0xFFFFFFC0]  }
0x3d: {  	v6 =	vld [tilespmem:s2+$0xFFFFFFD0];
	v1 =	vshll.u32 v1, $0x1  }
0x3e: {  	v7 =	vld [tilespmem:s2+$0xFFFFFFE0];
	v1 =	vor.u32 $0x1, v1  }
0x3f: {  	v8 =	vld [tilespmem:s2+$0x0];
	[tilespmem:s2+$0xFFFFFF90] =	vst v1;
	v1 =	vshll.u32 v2, $0x1  }
0x40: {  	s31 =	simm.s32 $0xF0;
	v9 =	vld [tilespmem:s2+$0xFFFFFFF0];
	v2 =	vshll.u32 v3, $0x1;
	v1 =	vor.u32 $0x1, v1  }
0x41: {  	v10 =	vld [tilespmem:s31+$0xFFFFFF90];
	[tilespmem:s2+$0xFFFFFFA0] =	vst v1;
	v1 =	vor.u32 $0x1, v2;
	v2 =	vshll.u32 v5, $0x1  }
0x42: {  	v3 =	vshll.u32 v6, $0x1;
	v4 =	vld [tilespmem:s31+$0xFFFFFFA0];
	[tilespmem:s2+$0xFFFFFFB0] =	vst v1;
	v1 =	vor.u32 $0x1, v2  }
0x43: {  	v3 =	vor.u32 $0x1, v3;
	v5 =	vshll.u32 v7, $0x1;
	v2 =	vld [tilespmem:s31+$0xFFFFFFB0];
	[tilespmem:s2+$0xFFFFFFC0] =	vst v1  }
0x44: {  	v6 =	vshll.u32 v8, $0x1;
	v5 =	vor.u32 $0x1, v5;
	v1 =	vld [tilespmem:s31+$0xFFFFFFC0];
	[tilespmem:s2+$0xFFFFFFD0] =	vst v3  }
0x45: {  	v8 =	vor.u32 $0x1, v6;
	v7 =	vshll.u32 v9, $0x1;
	v3 =	vld [tilespmem:s31+$0xFFFFFFD0];
	[tilespmem:s2+$0xFFFFFFE0] =	vst v5  }
0x46: {  	s16 =	simm.s32 $0x5C0;
	v7 =	vor.u32 $0x1, v7;
	v6 =	vshll.u32 v10, $0x1;
	v5 =	vld [tilespmem:s31+$0xFFFFFFE0];
	[tilespmem:s2+$0x0] =	vst v8  }
.LBB2_4:
0x47: {  	p0 =	sne.s32 s16, $0x9FC0;
	v6 =	vor.u32 $0x1, v6;
	v4 =	vshll.u32 v4, $0x1;
	v8 =	vld [tilespmem:s31+$0x0];
	[tilespmem:s2+$0xFFFFFFF0] =	vst v7;
	s2 =	smov.u32 s31  }
0x48: {  	s31 =	sshra.s32 s16, $0x2;
	[tilespmem:s2+$0xFFFFFF90] =	vst v6;
	v4 =	vor.u32 $0x1, v4;
	v2 =	vshll.u32 v2, $0x1;
	v6 =	vld [tilespmem:s2+$0xFFFFFFF0]  }
0x49: {  	v7 =	vld [tilespmem:s31+$0xFFFFFF90];
	[tilespmem:s2+$0xFFFFFFA0] =	vst v4;
	v2 =	vor.u32 $0x1, v2;
	v1 =	vshll.u32 v1, $0x1  }
.Ltmp1:
0x4a: {  	v4 =	vld [tilespmem:s31+$0xFFFFFFA0];
	[tilespmem:s2+$0xFFFFFFB0] =	vst v2;
	v1 =	vor.u32 $0x1, v1;
	v3 =	vshll.u32 v3, $0x1;
	(pc) =	sbr.rel @p0 .LBB2_4-.Ltmp1, $4  }
0x4b: {  	v2 =	vld [tilespmem:s31+$0xFFFFFFB0];
	[tilespmem:s2+$0xFFFFFFC0] =	vst v1;
	v3 =	vor.u32 $0x1, v3;
	v5 =	vshll.u32 v5, $0x1  }
0x4c: {  	v1 =	vld [tilespmem:s31+$0xFFFFFFC0];
	[tilespmem:s2+$0xFFFFFFD0] =	vst v3;
	v5 =	vor.u32 $0x1, v5;
	v8 =	vshll.u32 v8, $0x1  }
0x4d: {  	v3 =	vld [tilespmem:s31+$0xFFFFFFD0];
	[tilespmem:s2+$0xFFFFFFE0] =	vst v5;
	v9 =	vshll.u32 v6, $0x1;
	v8 =	vor.u32 $0x1, v8  }
0x4e: {  	s16 =	sadd.s32 $0x200, s16;
	v6 =	vshll.u32 v7, $0x1;
	v5 =	vld [tilespmem:s31+$0xFFFFFFE0];
	v7 =	vor.u32 $0x1, v9;
	[tilespmem:s2+$0x0] =	vst v8  }
0x4f: {  	v8 =	vld [tilespmem:s31+$0x0];
	v6 =	vor.u32 $0x1, v6;
	[tilespmem:s2+$0xFFFFFFF0] =	vst v7;
	v4 =	vshll.u32 v4, $0x1  }
0x50: {  	[tilespmem:s31+$0xFFFFFF90] =	vst v6;
	v4 =	vor.u32 $0x1, v4;
	v2 =	vshll.u32 v2, $0x1;
	v63 =	vld [tilespmem:s31+$0xFFFFFFF0]  }
0x51: {  	[tilespmem:s31+$0xFFFFFFA0] =	vst v4;
	v2 =	vor.u32 $0x1, v2;
	v1 =	vshll.u32 v1, $0x1  }
0x52: {  	[tilespmem:s31+$0xFFFFFFB0] =	vst v2;
	v1 =	vor.u32 $0x1, v1;
	v2 =	vshll.u32 v3, $0x1  }
0x53: {  	[tilespmem:s31+$0xFFFFFFC0] =	vst v1;
	v1 =	vor.u32 $0x1, v2;
	v2 =	vshll.u32 v5, $0x1  }
0x54: {  	[tilespmem:s31+$0xFFFFFFD0] =	vst v1;
	v1 =	vor.u32 $0x1, v2;
	v2 =	vshll.u32 v8, $0x1  }
0x55: {  	[tilespmem:s31+$0xFFFFFFE0] =	vst v1;
	v1 =	vshll.u32 v63, $0x1;
	v2 =	vor.u32 $0x1, v2  }
0x56: {  	v1 =	vor.u32 $0x1, v1;
	[tilespmem:s31+$0x0] =	vst v2  }
0x57: {  	s16 =	simm.s32 $0x0;
	[tilespmem:s31+$0xFFFFFFF0] =	vst v1  }
0x58: {  	[tilespmem:s18], [sflag:$0x1] =	stream.indirect.gather [hbm4b:s1+s17], $0x40, s16, s17, $0xb8;
	[tilespmem:$0x19000] =	vst v63  }
0x59: {  	_ = 	snop  }
0x5a: {  	[tilespmem:s19], [sflag:$0x2] =	stream.indirect.gather [hbm4b:s1+s17], $0x40, s17, s17, $0xb8;
	[tilespmem:$0x19000] =	vst v63  }
0x5b: {  	s31 =	simm.s32 $0x100  }
0x5c: {  	[tilespmem:s21], [sflag:$0x3] =	stream.indirect.gather [hbm4b:s1+s17], $0x40, s31, s17, $0xb8;
	[tilespmem:$0x19000] =	vst v63  }
0x5d: {  	s16 =	simm.s32 $0x180  }
0x5e: {  	[tilespmem:s23], [sflag:$0x4] =	stream.indirect.gather [hbm4b:s1+s17], $0x40, s16, s17, $0xb8;
	[tilespmem:$0x19000] =	vst v63  }
0x5f: {  	[bflag:$0x0] =	sbarrier.arrive $0xFFFF  }
0x60: {  	_ =	swait.ge [sflag:s24], $0x2000  }
0x61: {  	[sflag:s24] =	ssyncset.done $0x0  }
0x62: {  	s31 =	simm.s32 $0x2800;
	[sflag:s24] =	ssyncadd.s32 $0xFFFFE000  }
0x63: {  	[spmem:s3] =	stream.indirect.scatter.add.f32 [tilespmem:s18], [sflag:$0x5], $0x40, s31, s17, $0xb8;
	[tilespmem:$0x19000] =	vst v63  }
0x64: {  	_ =	swait.ge [sflag:s15], $0x2000  }
0x65: {  	[sflag:s15] =	ssyncset.done $0x0  }
0x66: {  	s16 =	simm.s32 $0x200;
	[sflag:s15] =	ssyncadd.s32 $0xFFFFE000  }
0x67: {  	[tilespmem:s18], [sflag:$0x1] =	stream.indirect.gather [hbm4b:s1+s17], $0x40, s16, s17, $0xb8;
	[tilespmem:$0x19000] =	vst v63  }
0x68: {  	_ =	swait.ge [sflag:s26], $0x2000  }
0x69: {  	[sflag:s26] =	ssyncset.done $0x0  }
0x6a: {  	s31 =	simm.s32 $0x2880;
	[sflag:s26] =	ssyncadd.s32 $0xFFFFE000  }
0x6b: {  	[spmem:s3] =	stream.indirect.scatter.add.f32 [tilespmem:s19], [sflag:$0x5], $0x40, s31, s17, $0xb8;
	[tilespmem:$0x19000] =	vst v63  }
0x6c: {  	_ =	swait.ge [sflag:s15], $0x2000  }
0x6d: {  	[sflag:s15] =	ssyncset.done $0x0  }
0x6e: {  	s16 =	simm.s32 $0x280;
	[sflag:s15] =	ssyncadd.s32 $0xFFFFE000  }
0x6f: {  	[tilespmem:s19], [sflag:$0x2] =	stream.indirect.gather [hbm4b:s1+s17], $0x40, s16, s17, $0xb8;
	[tilespmem:$0x19000] =	vst v63  }
0x70: {  	_ =	swait.ge [sflag:s28], $0x2000  }
0x71: {  	[sflag:s28] =	ssyncset.done $0x0  }
0x72: {  	s31 =	simm.s32 $0x2900;
	[sflag:s28] =	ssyncadd.s32 $0xFFFFE000  }
0x73: {  	[spmem:s3] =	stream.indirect.scatter.add.f32 [tilespmem:s21], [sflag:$0x5], $0x40, s31, s17, $0xb8;
	[tilespmem:$0x19000] =	vst v63  }
0x74: {  	_ =	swait.ge [sflag:s15], $0x2000  }
0x75: {  	[sflag:s15] =	ssyncset.done $0x0  }
0x76: {  	s16 =	simm.s32 $0x300;
	[sflag:s15] =	ssyncadd.s32 $0xFFFFE000  }
0x77: {  	[tilespmem:s21], [sflag:$0x3] =	stream.indirect.gather [hbm4b:s1+s17], $0x40, s16, s17, $0xb8;
	[tilespmem:$0x19000] =	vst v63  }
0x78: {  	_ =	swait.ge [sflag:s29], $0x2000  }
0x79: {  	[sflag:s29] =	ssyncset.done $0x0  }
0x7a: {  	s31 =	simm.s32 $0x2980;
	[sflag:s29] =	ssyncadd.s32 $0xFFFFE000  }
0x7b: {  	[spmem:s3] =	stream.indirect.scatter.add.f32 [tilespmem:s23], [sflag:$0x5], $0x40, s31, s17, $0xb8;
	[tilespmem:$0x19000] =	vst v63  }
0x7c: {  	_ =	swait.ge [sflag:s15], $0x2000  }
0x7d: {  	[sflag:s15] =	ssyncset.done $0x0  }
0x7e: {  	s2 =	simm.s32 $0x800;
	s16 =	simm.s32 $0x380;
	[sflag:s15] =	ssyncadd.s32 $0xFFFFE000  }
.LBB2_6:
0x7f: {  	[tilespmem:s23], [sflag:$0x4] =	stream.indirect.gather [hbm4b:s1+s17], $0x40, s16, s17, $0xb8;
	[tilespmem:$0x19000] =	vst v63  }
0x80: {  	s16 =	smov.u32 s2  }
0x81: {  	p0 =	sne.s32 s2, $0x9000;
	s2 =	sadd.s32 $0x800, s2;
	_ =	swait.ge [sflag:s24], $0x2000  }
0x82: {  	s31 =	sshra.s32 s16, $0x2;
	[sflag:s24] =	ssyncset.done $0x0  }
0x83: {  	s16 =	sadd.s32 $0x2800, s31;
	[sflag:s24] =	ssyncadd.s32 $0xFFFFE000  }
0x84: {  	[spmem:s3] =	stream.indirect.scatter.add.f32 [tilespmem:s18], [sflag:$0x5], $0x40, s16, s17, $0xb8;
	[tilespmem:$0x19000] =	vst v63  }
0x85: {  	_ =	swait.ge [sflag:s15], $0x2000  }
0x86: {  	[sflag:s15] =	ssyncset.done $0x0  }
0x87: {  	s16 =	sadd.s32 $0x200, s31;
	[sflag:s15] =	ssyncadd.s32 $0xFFFFE000  }
0x88: {  	[tilespmem:s18], [sflag:$0x1] =	stream.indirect.gather [hbm4b:s1+s17], $0x40, s16, s17, $0xb8;
	[tilespmem:$0x19000] =	vst v63  }
0x89: {  	_ =	swait.ge [sflag:s26], $0x2000  }
0x8a: {  	[sflag:s26] =	ssyncset.done $0x0  }
0x8b: {  	s16 =	sadd.s32 $0x2880, s31;
	[sflag:s26] =	ssyncadd.s32 $0xFFFFE000  }
0x8c: {  	[spmem:s3] =	stream.indirect.scatter.add.f32 [tilespmem:s19], [sflag:$0x5], $0x40, s16, s17, $0xb8;
	[tilespmem:$0x19000] =	vst v63  }
0x8d: {  	_ =	swait.ge [sflag:s15], $0x2000  }
0x8e: {  	[sflag:s15] =	ssyncset.done $0x0  }
0x8f: {  	s16 =	sadd.s32 $0x280, s31;
	[sflag:s15] =	ssyncadd.s32 $0xFFFFE000  }
0x90: {  	[tilespmem:s19], [sflag:$0x2] =	stream.indirect.gather [hbm4b:s1+s17], $0x40, s16, s17, $0xb8;
	[tilespmem:$0x19000] =	vst v63  }
0x91: {  	_ =	swait.ge [sflag:s28], $0x2000  }
0x92: {  	[sflag:s28] =	ssyncset.done $0x0  }
0x93: {  	s16 =	sadd.s32 $0x2900, s31;
	[sflag:s28] =	ssyncadd.s32 $0xFFFFE000  }
0x94: {  	[spmem:s3] =	stream.indirect.scatter.add.f32 [tilespmem:s21], [sflag:$0x5], $0x40, s16, s17, $0xb8;
	[tilespmem:$0x19000] =	vst v63  }
0x95: {  	_ =	swait.ge [sflag:s15], $0x2000  }
0x96: {  	[sflag:s15] =	ssyncset.done $0x0  }
0x97: {  	s16 =	sadd.s32 $0x300, s31;
	[sflag:s15] =	ssyncadd.s32 $0xFFFFE000  }
0x98: {  	[tilespmem:s21], [sflag:$0x3] =	stream.indirect.gather [hbm4b:s1+s17], $0x40, s16, s17, $0xb8;
	[tilespmem:$0x19000] =	vst v63  }
0x99: {  	_ =	swait.ge [sflag:s29], $0x2000  }
0x9a: {  	[sflag:s29] =	ssyncset.done $0x0  }
.Ltmp2:
0x9b: {  	s16 =	sadd.s32 $0x2980, s31;
	[sflag:s29] =	ssyncadd.s32 $0xFFFFE000;
	(pc) =	sbr.rel @p0 .LBB2_6-.Ltmp2, $4  }
0x9c: {  	[spmem:s3] =	stream.indirect.scatter.add.f32 [tilespmem:s23], [sflag:$0x5], $0x40, s16, s17, $0xb8;
	[tilespmem:$0x19000] =	vst v63  }
0x9d: {  	_ =	swait.ge [sflag:s15], $0x2000  }
0x9e: {  	[sflag:s15] =	ssyncset.done $0x0  }
0x9f: {  	s16 =	sadd.s32 $0x380, s31;
	[sflag:s15] =	ssyncadd.s32 $0xFFFFE000  }
0xa0: {  	[tilespmem:s23], [sflag:$0x4] =	stream.indirect.gather [hbm4b:s1+s17], $0x40, s16, s17, $0xb8;
	[tilespmem:$0x19000] =	vst v63  }
0xa1: {  	_ =	swait.ge [sflag:s24], $0x2000  }
0xa2: {  	[sflag:s24] =	ssyncset.done $0x0  }
0xa3: {  	s2 =	simm.s32 $0x4E00;
	[sflag:s24] =	ssyncadd.s32 $0xFFFFE000  }
0xa4: {  	[spmem:s3] =	stream.indirect.scatter.add.f32 [tilespmem:s18], [sflag:$0x5], $0x40, s2, s17, $0xb8;
	[tilespmem:$0x19000] =	vst v63  }
0xa5: {  	_ =	swait.ge [sflag:s15], $0x2000  }
0xa6: {  	[sflag:s15] =	ssyncset.done $0x0  }
0xa7: {  	[sflag:s15] =	ssyncadd.s32 $0xFFFFE000  }
0xa8: {  	_ =	swait.ge [sflag:s26], $0x2000  }
0xa9: {  	[sflag:s26] =	ssyncset.done $0x0  }
0xaa: {  	s16 =	simm.s32 $0x4E80;
	[sflag:s26] =	ssyncadd.s32 $0xFFFFE000  }
0xab: {  	[spmem:s3] =	stream.indirect.scatter.add.f32 [tilespmem:s19], [sflag:$0x5], $0x40, s16, s17, $0xb8;
	[tilespmem:$0x19000] =	vst v63  }
0xac: {  	_ =	swait.ge [sflag:s15], $0x2000  }
0xad: {  	[sflag:s15] =	ssyncset.done $0x0  }
0xae: {  	[sflag:s15] =	ssyncadd.s32 $0xFFFFE000  }
0xaf: {  	_ =	swait.ge [sflag:s28], $0x2000  }
0xb0: {  	[sflag:s28] =	ssyncset.done $0x0  }
0xb1: {  	s31 =	simm.s32 $0x4F00;
	[sflag:s28] =	ssyncadd.s32 $0xFFFFE000  }
0xb2: {  	[spmem:s3] =	stream.indirect.scatter.add.f32 [tilespmem:s21], [sflag:$0x5], $0x40, s31, s17, $0xb8;
	[tilespmem:$0x19000] =	vst v63  }
0xb3: {  	_ =	swait.ge [sflag:s15], $0x2000  }
0xb4: {  	[sflag:s15] =	ssyncset.done $0x0  }
0xb5: {  	[sflag:s15] =	ssyncadd.s32 $0xFFFFE000  }
0xb6: {  	_ =	swait.ge [sflag:s29], $0x2000  }
0xb7: {  	[sflag:s29] =	ssyncset.done $0x0  }
0xb8: {  	s16 =	simm.s32 $0x4F80;
	[sflag:s29] =	ssyncadd.s32 $0xFFFFE000  }
0xb9: {  	[spmem:s3] =	stream.indirect.scatter.add.f32 [tilespmem:s23], [sflag:$0x5], $0x40, s16, s17, $0xb8;
	[tilespmem:$0x19000] =	vst v63  }
0xba: {  	_ =	swait.ge [sflag:s15], $0x2000  }
0xbb: {  	s30 =	sadd.s32 $0x1, s30;
	[sflag:s15] =	ssyncset.done $0x0  }
0xbc: {  	p0 =	sne.s32 s30, s9;
	s31 =	sshll.u32 s0, $0x6;
	[sflag:s15] =	ssyncadd.s32 $0xFFFFE000  }
.Ltmp3:
0xbd: {  	s2 =	sor.u32 $0x1C05, s31;
	[bflag:$0x0] =	sbarrier.arrive $0xFFFF;
	(pc) =	sbr.rel @p0 .LBB2_1-.Ltmp3, $4  }
0xbe: {  	[hbm:s8@s20], [sflag:s2] =	dma.strided [spmem:s25@s22], $0x1388, s24, $0x8   }
0xbf: {  	_ =	swait.ge [sflag:s15], $0x1388  }
0xc0: {  	[sflag:s15] =	ssyncset.done $0x0  }
0xc1: {  	[sflag:s15] =	ssyncadd.s32 $0xFFFFEC78  }
0xc2: {  	_ =	sfence.sel $0x180000  }
0xc3: {  	[bflag:$0x0] =	sbarrier.arrive $0xFFFF  }
0xc4: {  	_ =	strace $0x9000004A  }
0xc5: {  	[bflag:$0x2] =	sbarrier.arrive $0xFFFF  }
0xc6: {  	p0 =	sne.s32 s0, $0x0;
	s0 =	rddreg [dreg:$0x3]  }
0xc7: {  	s0 =	sadd.s32 @!p0 $0x100000, s0  }
0xc8: {  	[sflag:s0] =	ssyncadd.tile.s32 @!p0 $0x1;
	_ =	shalt  }
.Lfunc_end2:
_tile_overlayer_lowered:
.L_overlay_start_2:
0xc9: {  	(tag) =	ssettag $0x2  }
0xca: {  	s0 =	rddreg [dreg:$0x0];
	s2 =	stileid.u32  }
0xcb: {  	s1 =	rddreg [dreg:$0x1];
	p0 =	sne.s32 s2, $0x0  }
0xcc: {  	s3 =	rddreg [dreg:$0x2];
	[bflag:$0x3] =	sbarrier.arrive $0xFFFF;
	s2 =	simm.s32 @!p0 $0x1C05  }
0xcd: {  	[timem:s3], [sflag:s2] =	dma.local @!p0 [hbm:s0], s1  }
0xce: {  	s0 =	simm.s32 @!p0 $0x5  }
0xcf: {  	_ =	swait.ge @!p0 [sflag:s0], s1  }
0xd0: {  	s1 =	ssub.s32 @!p0 $0x0, s1;
	[sflag:s0] =	ssyncset.done @!p0 $0x0  }
0xd1: {  	[sflag:s0] =	ssyncadd.s32 @!p0 s1  }
0xd2: {  	[bflag:$0x3] =	sbarrier.arrive $0xFFFF  }
0xd3: {  	_ =	shalt  }

// kernel: kernel.19.cloned.1.call-start
scs
__scs_entry_jumppad:
0x0: {  	(pc) =	sbr.rel $0x88, $3  }
0x1: {  	(tag) =	ssettag $0x0;
	lr =	simm.s32 $0x1  }
0x2: {  	[smem:$0x3F8C] =	sst lr;
	_ =	strace $0xD0000000  }
0x3: {  	_ = 	snop  }
0x4: {  	_ = 	snop  }
0x5: {  	_ = 	snop  }
0x6: {  	_ = 	snop  }
0x7: {  	_ = 	snop  }
__scs_overlays_trampoline_lowered:
0x8: {  	[smem:$0x3F9B] =	sst s0  }
0x9: {  	[smem:$0x3F9C] =	sst s1  }
0xa: {  	[smem:$0x3F9D] =	sst s2  }
0xb: {  	[smem:$0x3F9E] =	sst s3  }
0xc: {  	[smem:$0x3F9F] =	sst s4  }
0xd: {  	[smem:$0x3FA0] =	sst s5  }
0xe: {  	[smem:$0x3FA1] =	sst s6  }
0xf: {  	[smem:$0x3FA2] =	sst s7  }
0x10: {  	[smem:$0x3FA3] =	sst s8  }
0x11: {  	[smem:$0x3FA4] =	sst s9;
	s0 =	simm.s32 @!p0 $0x0  }
0x12: {  	s1 =	sld [smem:$0x3F8A];
	s0 =	simm.s32 @p0 $0x1  }
0x13: {  	[smem:$0x3FA5] =	sst s0;
	s0 =	simm.s32 @!p1 $0x0  }
0x14: {  	s2 =	sld [smem:$0x3F89];
	s0 =	simm.s32 @p1 $0x1  }
0x15: {  	[smem:$0x3FA6] =	sst s0;
	s0 =	simm.s32 @!p2 $0x0  }
0x16: {  	s3 =	sld [smem:$0x3FDB];
	s0 =	simm.s32 @p2 $0x1  }
0x17: {  	s4 =	simm.s32 $0x1BF5;
	[smem:$0x3FA8] =	sst s0  }
0x18: {  	s0 =	sld [smem:$0x3F8B];
	_ =	swait.ge [sflag:s4], $0x0  }
0x19: {  	s7 =	sld [smem:$0x3F8C]  }
0x1a: {  	s8 =	sadd.s32 $0xFFFFE003, lr  }
0x1b: {  	s9 =	sadd.s32 $0xFFFFFEF7, lr;
	s5 =	simm.s32 $0xFFFFFFFF;
	p2 =	slt.u32 s8, $0xFFFFF086  }
0x1c: {  	p1 =	slt.u32 s9, $0xF7A;
	s5 =	simm.s32 @!p2 $0x0  }
0x1d: {  	s5 =	simm.s32 @p1 $0x1;
	p0 =	seq.s32 s7, s2  }
0x1e: {  	s7 =	smul.u32 @!p0 $0xF7A, s2;
	p2 =	seq.s32 @!p0 s5, $0x0  }
0x1f: {  	s9 =	smul.u32 $0xF7A, s1;
	s8 =	simm.s32 @!p0 $0x1BF5;
	p2 =	por !p2, p0  }
0x20: {  	[sflag:s8] =	ssyncset.s32 @!p0 $0xFFFFF086;
	s6 =	sadd.s32 @!p0 s3, s7;
	s7 =	simm.s32 @!p0 $0x108  }
0x21: {  	s3 =	sadd.s32 s3, s9;
	s6 =	sadd.s32 @!p0 $0x88, s6;
	s7 =	simm.s32 @p2 $0x1082  }
0x22: {  	[simem:s7], [sflag:s8] =	dma.local @!p0 [hbm:s6], $0xF7A  }
0x23: {  	s9 =	sor.u32 $0xD0000000, s2;
	s6 =	simm.s32 $0x108;
	_ =	swait.ge @!p0 [sflag:s8], $0x0  }
0x24: {  	s3 =	sadd.s32 $0x88, s3;
	s6 =	simm.s32 @!p1 $0x1082;
	[sflag:s4] =	ssyncset.s32 $0xFFFFF086  }
0x25: {  	[simem:s6], [sflag:s4] =	dma.local [hbm:s3], $0xF7A  }
0x26: {  	[smem:$0x3F8C] =	sst s1;
	(tag) =	ssettag s2;
	_ =	strace s9  }
0x27: {  	s1 =	sld [smem:$0x3F9C]  }
0x28: {  	s2 =	sld [smem:$0x3F9D]  }
0x29: {  	s4 =	sld [smem:$0x3F9F]  }
0x2a: {  	p0 =	seq.s32 s5, $0x0;
	s5 =	sld [smem:$0x3FA0]  }
0x2b: {  	s6 =	sld [smem:$0x3FA1]  }
0x2c: {  	s7 =	sld [smem:$0x3FA2]  }
0x2d: {  	s3 =	simm.s32 $0x108;
	s8 =	sld [smem:$0x3FA3]  }
0x2e: {  	s3 =	simm.s32 @!p0 $0x1082;
	s9 =	sld [smem:$0x3FA4]  }
0x2f: {  	lr =	sadd.s32 s0, s3;
	s0 =	sld [smem:$0x3F9B]  }
0x30: {  	s3 =	sld [smem:$0x3F9E]  }
0x31: {  	[smem:$0x3FA7] =	sst s10  }
0x32: {  	s10 =	sld [smem:$0x3FA5];
	_ =	sdelay $0x3  }
0x33: {  	p0 =	seq.s32 s10, $0x1;
	s10 =	sld [smem:$0x3FA7];
	_ =	sdelay $0x3  }
0x34: {  	[smem:$0x3FA7] =	sst s10  }
0x35: {  	s10 =	sld [smem:$0x3FA6];
	_ =	sdelay $0x3  }
0x36: {  	p1 =	seq.s32 s10, $0x1;
	s10 =	sld [smem:$0x3FA7];
	_ =	sdelay $0x3  }
0x37: {  	[smem:$0x3FA7] =	sst s10  }
0x38: {  	s10 =	sld [smem:$0x3FA8]  }
0x39: {  	_ = 	snop;
	(pc) =	sbr.ind lr, $3  }
0x3a: {  	_ = 	snop  }
0x3b: {  	_ = 	snop  }
0x3c: {  	p2 =	seq.s32 s10, $0x1;
	s10 =	sld [smem:$0x3FA7]  }
0x3d: {  	_ =	shalt  }
0x3e: {  	_ =	shalt  }
0x3f: {  	_ =	shalt  }
0x40: {  	_ =	shalt  }
0x41: {  	_ =	shalt  }
0x42: {  	_ =	shalt  }
0x43: {  	_ =	shalt  }
0x44: {  	_ =	shalt  }
0x45: {  	_ =	shalt  }
0x46: {  	_ =	shalt  }
0x47: {  	_ =	shalt  }
0x48: {  	_ =	shalt  }
0x49: {  	_ =	shalt  }
0x4a: {  	_ =	shalt  }
0x4b: {  	_ =	shalt  }
0x4c: {  	_ =	shalt  }
0x4d: {  	_ =	shalt  }
0x4e: {  	_ =	shalt  }
0x4f: {  	_ =	shalt  }
0x50: {  	_ =	shalt  }
0x51: {  	_ =	shalt  }
0x52: {  	_ =	shalt  }
0x53: {  	_ =	shalt  }
0x54: {  	_ =	shalt  }
0x55: {  	_ =	shalt  }
0x56: {  	_ =	shalt  }
0x57: {  	_ =	shalt  }
0x58: {  	_ =	shalt  }
0x59: {  	_ =	shalt  }
0x5a: {  	_ =	shalt  }
0x5b: {  	_ =	shalt  }
0x5c: {  	_ =	shalt  }
0x5d: {  	_ =	shalt  }
0x5e: {  	_ =	shalt  }
0x5f: {  	_ =	shalt  }
0x60: {  	_ =	shalt  }
0x61: {  	_ =	shalt  }
0x62: {  	_ =	shalt  }
0x63: {  	_ =	shalt  }
0x64: {  	_ =	shalt  }
0x65: {  	_ =	shalt  }
0x66: {  	_ =	shalt  }
0x67: {  	_ =	shalt  }
0x68: {  	_ =	shalt  }
0x69: {  	_ =	shalt  }
0x6a: {  	_ =	shalt  }
0x6b: {  	_ =	shalt  }
0x6c: {  	_ =	shalt  }
0x6d: {  	_ =	shalt  }
0x6e: {  	_ =	shalt  }
0x6f: {  	_ =	shalt  }
0x70: {  	_ =	shalt  }
0x71: {  	_ =	shalt  }
0x72: {  	_ =	shalt  }
0x73: {  	_ =	shalt  }
0x74: {  	_ =	shalt  }
0x75: {  	_ =	shalt  }
0x76: {  	_ =	shalt  }
0x77: {  	_ =	shalt  }
0x78: {  	_ =	shalt  }
0x79: {  	_ =	shalt  }
0x7a: {  	_ =	shalt  }
0x7b: {  	_ =	shalt  }
0x7c: {  	_ =	shalt  }
0x7d: {  	_ =	shalt  }
0x7e: {  	_ =	shalt  }
0x7f: {  	_ =	shalt  }
0x80: {  	_ =	shalt  }
0x81: {  	_ =	shalt  }
0x82: {  	_ =	shalt  }
0x83: {  	_ =	shalt  }
0x84: {  	_ =	shalt  }
0x85: {  	_ =	shalt  }
0x86: {  	_ =	shalt  }
0x87: {  	_ =	shalt  }
.Lfunc_end0:
.L_simem_size_0:
called_computation.2_lowered:
.L_overlay_start_0:
0x88: {  	s2 =	sld [smem:$0x3FD9]  }
0x89: {  	s3 =	sld [smem:$0x3FFE];
	_ =	sdelay $0x1  }
0x8a: {  	s1 =	srdreg.scid  }
0x8b: {  	s0 =	sand.u32 $0x1, s1  }
0x8c: {  	s16 =	sshll.u32 s0, $0xA;
	s2 =	sadd.s32 s3, s2  }
0x8d: {  	s2 =	sadd.s32 s2, s16  }
0x8e: {  	[smem:$0x3FB3] =	sst s2  }
0x8f: {  	_ = 	snop  }
0x90: {  	(tm) =	ssettm $0x1  }
0x91: {  	s17 =	sld [smem:$0x3FFB];
	_ =	sdelay $0x3  }
0x92: {  	_ =	strace s17  }
0x93: {  	s2 =	sld [smem:$0x3FFC];
	_ =	sdelay $0x3  }
0x94: {  	_ =	strace s2  }
0x95: {  	s2 =	sld [smem:$0x3FFD];
	_ =	sdelay $0x3  }
0x96: {  	_ =	strace s2  }
0x97: {  	_ =	strace $0x8FFFFFFF  }
0x98: {  	s18 =	sld [smem:$0x3FDB];
	_ =	sdelay $0x1  }
0x99: {  	s19 =	simm.s32 $_scs_section_size  }
0x9a: {  	s4 =	simm.s32 $_size__tile_overlayer_lowered;
	s5 =	simm.s32 $_tile_overlayer_lowered  }
0x9b: {  	s22 =	simm.s32 $0x1BFF;
	s21 =	sshll.u32 s5, $0x1;
	s2 =	sadd.s32 s19, s18  }
0x9c: {  	s6 =	simm.s32 $0x0;
	s20 =	sshll.u32 s4, $0x1;
	s4 =	sadd.s32 s21, s2  }
0x9d: {  	[timem:s6], [sflag:s22] =	dma.local [hbm:s4], s20  }
0x9e: {  	_ =	swait.ge [sflag:s22], s20  }
0x9f: {  	s3 =	ssub.s32 $0x0, s20;
	[sflag:s22] =	ssyncset.done $0x0  }
0xa0: {  	[sflag:s22] =	ssyncadd.s32 s3;
	_ =	sdelay $0x1  }
0xa1: {  	s23 =	simm.s32 $0x1B8B  }
0xa2: {  	_ =	swait.ge [sflag:s23], $0x1  }
0xa3: {  	[sflag:s23] =	ssyncset.done $0x0  }
0xa4: {  	s25 =	simm.s32 $0x1B8E;
	s24 =	sld [smem:$0x3FFE];
	[sflag:s23] =	ssyncadd.s32 $0xFFFFFFFF  }
0xa5: {  	s26 =	simm.s32 $execute0_lowered;
	[smem:$0x3FD2] =	sst s25  }
0xa6: {  	s4 =	sshll.u32 s26, $0x1;
	_ =	strace $0x8000004C;
	[dreg:$0x1] =	wrdreg $0xFFFFFFFF  }
0xa7: {  	s28 =	simm.s32 $_size_execute0_lowered;
	s2 =	sadd.s32 s2, s4;
	[dreg:$0x0] =	wrdreg $0x0  }
0xa8: {  	s4 =	sshll.u32 s28, $0x1;
	[dreg:$0x2] =	wrdreg s2  }
0xa9: {  	[dreg:$0x3] =	wrdreg s4  }
0xaa: {  	[dreg:$0x4] =	wrdreg $0xC0  }
0xab: {  	_ =	task [dreg:s6], $0x5FFFF  }
0xac: {  	[dreg:$0x1] =	wrdreg $0xFFFFFFFF  }
0xad: {  	[dreg:$0x0] =	wrdreg $0x60  }
0xae: {  	[dreg:$0x2] =	wrdreg s24  }
0xaf: {  	[dreg:$0x3] =	wrdreg $0xF0000  }
0xb0: {  	[dreg:$0x4] =	wrdreg $0x9  }
0xb1: {  	_ =	task.clear_ibuf [dreg:s6], $0x5FFFF;
	_ =	strace $0x9000004C  }
0xb2: {  	s29 =	simm.s32 $0x9;
	_ =	strace $0x8000004E  }
0xb3: {  	_ =	swait.ge [sflag:s29], $0x1  }
0xb4: {  	[sflag:s29] =	ssyncadd.s32 $0xFFFFFFFF  }
0xb5: {  	_ =	strace $0x9000004E  }
0xb6: {  	_ =	sfence  }
0xb7: {  	s30 =	sld [smem:$0x0];
	_ =	sdelay $0x2  }
0xb8: {  	s31 =	sshll.u32 s1, $0xD;
	s1 =	sshrl.u32 s1, $0x2  }
0xb9: {  	s3 =	sand.u32 $0x4000, s31;
	s1 =	sadd.s32 s1, s30  }
0xba: {  	s0 =	sor.u32 s3, s0;
	s1 =	sshll.u32 s1, $0x11  }
0xbb: {  	s0 =	sor.u32 s1, s0  }
0xbc: {  	s0 =	sadd.s32 $0x8F2B, s0  }
0xbd: {  	[sflag:s0] =	ssyncadd.remote.s32 $0x1  }
0xbe: {  	_ =	sfence.sel $0xFFFF  }
0xbf: {  	[dreg:$0x0] =	wrdreg $0xFFFFFFFF;
	(pc) =	sbr.abs _section_cstart, $3  }
0xc0: {  	[dreg:$0x1] =	wrdreg $0xFFFFFFFF  }
0xc1: {  	_ =	task.clear_ibuf [dreg:s6], $0x2FFFF;
	_ =	strace $0x9FFFFFFF  }
0xc2: {  	(tm) =	ssettm $0x7FFFFFFF  }
0xc3: {  	_ =	shalt  }
tec
execute0_lowered:
.L_overlay_start_1:
0x0: {  	(tag) =	ssettag $0x1  }
0x1: {  	s0 =	rddreg [dreg:$0x0]  }
0x2: {  	s2 =	rddreg [dreg:$0x1];
	s1 =	srdreg.scid  }
0x3: {  	s8 =	stileid.u32;
	s3 =	simm.s32 $0x0;
	s14 =	simm.s32 $0x5000  }
0x4: {  	s15 =	simm.s32 $0x5;
	s17 =	simm.s32 $0x80;
	s18 =	simm.s32 $0x7000  }
0x5: {  	s19 =	simm.s32 $0x9000;
	s21 =	simm.s32 $0xB000;
	s23 =	simm.s32 $0xD000  }
0x6: {  	s24 =	simm.s32 $0x1;
	s28 =	simm.s32 $0x3;
	s29 =	simm.s32 $0x4  }
0x7: {  	s16 =	simm.s32 $0x4F80;
	s20 =	simm.s32 $0x8;
	s5 =	smul.u32 $0x13880, s8  }
0x8: {  	s1 =	sand.u32 $0x1, s1;
	[smem:$0x7FF] =	sst s3;
	s26 =	smul.u32 $0x28000, s8  }
0x9: {  	s9 =	smul.u32 $0x27100, s8;
	s4 =	sshll.u32 s1, $0x4;
	s6 =	sshll.u32 s1, $0x6  }
0xa: {  	_ =	strace $0x8000004D;
	s1 =	ssub.s32 $0x2, s1;
	s4 =	sor.u32 s8, s4  }
0xb: {  	s5 =	sor.u32 s6, s5;
	s30 =	sshrl.u32 s1, $0x1;
	s6 =	sshrl.u32 s26, $0x2  }
0xc: {  	s31 =	sshrl.u32 s9, $0x2;
	s26 =	simm.s32 $0x2;
	s7 =	smul.u32 $0x500, s4  }
0xd: {  	s4 =	sadd.s32 $0x18400, s0;
	s5 =	sshrl.u32 s5, $0x3;
	s1 =	ssub.s32 s1, s30  }
0xe: {  	s9 =	smax.u32 s1, $0x1;
	s1 =	simm.s32 $0x10;
	s7 =	sadd.s32 s7, s0  }
0xf: {  	s0 =	sadd.s32 s5, s0;
	s5 =	sadd.s32 s6, s2;
	s6 =	sadd.s32 $0x4400, s7  }
0x10: {  	s7 =	sadd.s32 $0xE400, s7;
	s8 =	sadd.s32 $0x2BE00, s0;
	s0 =	sadd.s32 s31, s2  }
0x11: {  	s10 =	sadd.s32 $0x2000, s5;
	s11 =	sadd.s32 $0x4000, s5;
	s12 =	sadd.s32 $0x6000, s5  }
0x12: {  	v0 =	vimm.f32 $0.0e+00;
	s13 =	sadd.s32 $0x8000, s5;
	s25 =	sshrl.u32 s0, $0x3;
	s0 =	simm.s32 $0x4F00  }
.LBB2_1:
0x13: {  	s30 =	simm.s32 $0x100;
	s22 =	simm.s32 $0x0  }
.LBB2_2:
0x14: {  	p0 =	sne.s32 s30, $0x7F00;
	[tilespmem:s22+$0x5030] =	vst v0;
	s31 =	smov.u32 s30;
	s30 =	sadd.s32 $0x100, s30  }
.Ltmp0:
0x15: {  	[tilespmem:s22+$0x5020] =	vst v0;
	(pc) =	sbr.rel @p0 .LBB2_2-.Ltmp0, $3  }
0x16: {  	[tilespmem:s22+$0x5000] =	vst v0  }
0x17: {  	[tilespmem:s22+$0x5010] =	vst v0;
	_ =	sdelay $0x1  }
0x18: {  	s22 =	sshra.s32 s31, $0x2  }
0x19: {  	[tilespmem:s22+$0x5030] =	vst v0  }
0x1a: {  	[tilespmem:s22+$0x5020] =	vst v0  }
0x1b: {  	[tilespmem:s22+$0x5000] =	vst v0  }
0x1c: {  	[tilespmem:s22+$0x5010] =	vst v0  }
0x1d: {  	[spmem:s5] =	stream.linear.scatter [tilespmem:s14], [sflag:$0x5], $0x2000, $0x38;
	[tilespmem:$0x19000] =	vst v63  }
0x1e: {  	_ =	swait.ge [sflag:s15], $0x2000  }
0x1f: {  	[sflag:s15] =	ssyncset.done $0x0  }
0x20: {  	[sflag:s15] =	ssyncadd.s32 $0xFFFFE000  }
0x21: {  	[spmem:s10] =	stream.linear.scatter [tilespmem:s14], [sflag:$0x5], $0x2000, $0x38;
	[tilespmem:$0x19000] =	vst v63  }
0x22: {  	_ =	swait.ge [sflag:s15], $0x2000  }
0x23: {  	[sflag:s15] =	ssyncset.done $0x0  }
0x24: {  	[sflag:s15] =	ssyncadd.s32 $0xFFFFE000  }
0x25: {  	[spmem:s11] =	stream.linear.scatter [tilespmem:s14], [sflag:$0x5], $0x2000, $0x38;
	[tilespmem:$0x19000] =	vst v63  }
0x26: {  	_ =	swait.ge [sflag:s15], $0x2000  }
0x27: {  	[sflag:s15] =	ssyncset.done $0x0  }
0x28: {  	[sflag:s15] =	ssyncadd.s32 $0xFFFFE000  }
0x29: {  	[spmem:s12] =	stream.linear.scatter [tilespmem:s14], [sflag:$0x5], $0x2000, $0x38;
	[tilespmem:$0x19000] =	vst v63  }
0x2a: {  	_ =	swait.ge [sflag:s15], $0x2000  }
0x2b: {  	[sflag:s15] =	ssyncset.done $0x0  }
0x2c: {  	[sflag:s15] =	ssyncadd.s32 $0xFFFFE000  }
0x2d: {  	[spmem:s13] =	stream.linear.scatter [tilespmem:s14], [sflag:$0x5], $0x2000, $0x38;
	[tilespmem:$0x19000] =	vst v63  }
0x2e: {  	_ =	swait.ge [sflag:s15], $0x2000  }
0x2f: {  	[sflag:s15] =	ssyncset.done $0x0  }
0x30: {  	s31 =	simm.s32 $0x0;
	[sflag:s15] =	ssyncadd.s32 $0xFFFFE000  }
0x31: {  	[tilespmem:s31], [sflag:$0x5] =	stream.linear.gather [hbm4b:s6+s31], $0x2800, $0x38;
	[tilespmem:$0x19000] =	vst v63  }
0x32: {  	_ =	swait.ge [sflag:s15], $0x2800  }
0x33: {  	[sflag:s15] =	ssyncset.done $0x0  }
0x34: {  	s30 =	simm.s32 $0x2800;
	[sflag:s15] =	ssyncadd.s32 $0xFFFFD800  }
0x35: {  	[tilespmem:s30], [sflag:$0x5] =	stream.linear.gather [hbm4b:s7+s31], $0x2800, $0x38;
	[tilespmem:$0x19000] =	vst v63  }
0x36: {  	_ =	swait.ge [sflag:s15], $0x2800  }
0x37: {  	[sflag:s15] =	ssyncset.done $0x0  }
0x38: {  	[sflag:s15] =	ssyncadd.s32 $0xFFFFD800  }
0x39: {  	[tilespmem:s18], [sflag:$0x1] =	stream.indirect.gather [hbm4b:s4+s17], $0x40, s31, s17, $0xb8;
	[tilespmem:$0x19000] =	vst v63  }
0x3a: {  	_ = 	snop  }
0x3b: {  	[tilespmem:s19], [sflag:$0x2] =	stream.indirect.gather [hbm4b:s4+s17], $0x40, s17, s17, $0xb8;
	[tilespmem:$0x19000] =	vst v63  }
0x3c: {  	s31 =	simm.s32 $0x100  }
0x3d: {  	[tilespmem:s21], [sflag:$0x3] =	stream.indirect.gather [hbm4b:s4+s17], $0x40, s31, s17, $0xb8;
	[tilespmem:$0x19000] =	vst v63  }
0x3e: {  	s31 =	simm.s32 $0x180  }
0x3f: {  	[tilespmem:s23], [sflag:$0x4] =	stream.indirect.gather [hbm4b:s4+s17], $0x40, s31, s17, $0xb8;
	[tilespmem:$0x19000] =	vst v63  }
0x40: {  	[bflag:$0x0] =	sbarrier.arrive $0xFFFF  }
0x41: {  	_ =	swait.ge [sflag:s24], $0x2000  }
0x42: {  	[sflag:s24] =	ssyncset.done $0x0  }
0x43: {  	s31 =	simm.s32 $0x2800;
	[sflag:s24] =	ssyncadd.s32 $0xFFFFE000  }
0x44: {  	[spmem:s2] =	stream.indirect.scatter.add.f32 [tilespmem:s18], [sflag:$0x5], $0x40, s31, s17, $0xb8;
	[tilespmem:$0x19000] =	vst v63  }
0x45: {  	_ =	swait.ge [sflag:s15], $0x2000  }
0x46: {  	[sflag:s15] =	ssyncset.done $0x0  }
0x47: {  	s31 =	simm.s32 $0x200;
	[sflag:s15] =	ssyncadd.s32 $0xFFFFE000  }
0x48: {  	[tilespmem:s18], [sflag:$0x1] =	stream.indirect.gather [hbm4b:s4+s17], $0x40, s31, s17, $0xb8;
	[tilespmem:$0x19000] =	vst v63  }
0x49: {  	_ =	swait.ge [sflag:s26], $0x2000  }
0x4a: {  	[sflag:s26] =	ssyncset.done $0x0  }
0x4b: {  	s31 =	simm.s32 $0x2880;
	[sflag:s26] =	ssyncadd.s32 $0xFFFFE000  }
0x4c: {  	[spmem:s2] =	stream.indirect.scatter.add.f32 [tilespmem:s19], [sflag:$0x5], $0x40, s31, s17, $0xb8;
	[tilespmem:$0x19000] =	vst v63  }
0x4d: {  	_ =	swait.ge [sflag:s15], $0x2000  }
0x4e: {  	[sflag:s15] =	ssyncset.done $0x0  }
0x4f: {  	s31 =	simm.s32 $0x280;
	[sflag:s15] =	ssyncadd.s32 $0xFFFFE000  }
0x50: {  	[tilespmem:s19], [sflag:$0x2] =	stream.indirect.gather [hbm4b:s4+s17], $0x40, s31, s17, $0xb8;
	[tilespmem:$0x19000] =	vst v63  }
0x51: {  	_ =	swait.ge [sflag:s28], $0x2000  }
0x52: {  	[sflag:s28] =	ssyncset.done $0x0  }
0x53: {  	s31 =	simm.s32 $0x2900;
	[sflag:s28] =	ssyncadd.s32 $0xFFFFE000  }
0x54: {  	[spmem:s2] =	stream.indirect.scatter.add.f32 [tilespmem:s21], [sflag:$0x5], $0x40, s31, s17, $0xb8;
	[tilespmem:$0x19000] =	vst v63  }
0x55: {  	_ =	swait.ge [sflag:s15], $0x2000  }
0x56: {  	[sflag:s15] =	ssyncset.done $0x0  }
0x57: {  	s31 =	simm.s32 $0x300;
	[sflag:s15] =	ssyncadd.s32 $0xFFFFE000  }
0x58: {  	[tilespmem:s21], [sflag:$0x3] =	stream.indirect.gather [hbm4b:s4+s17], $0x40, s31, s17, $0xb8;
	[tilespmem:$0x19000] =	vst v63  }
0x59: {  	_ =	swait.ge [sflag:s29], $0x2000  }
0x5a: {  	[sflag:s29] =	ssyncset.done $0x0  }
0x5b: {  	s31 =	simm.s32 $0x2980;
	[sflag:s29] =	ssyncadd.s32 $0xFFFFE000  }
0x5c: {  	[spmem:s2] =	stream.indirect.scatter.add.f32 [tilespmem:s23], [sflag:$0x5], $0x40, s31, s17, $0xb8;
	[tilespmem:$0x19000] =	vst v63  }
0x5d: {  	_ =	swait.ge [sflag:s15], $0x2000  }
0x5e: {  	[sflag:s15] =	ssyncset.done $0x0  }
0x5f: {  	s22 =	simm.s32 $0x800;
	s30 =	simm.s32 $0x380;
	[sflag:s15] =	ssyncadd.s32 $0xFFFFE000  }
.LBB2_4:
0x60: {  	[tilespmem:s23], [sflag:$0x4] =	stream.indirect.gather [hbm4b:s4+s17], $0x40, s30, s17, $0xb8;
	[tilespmem:$0x19000] =	vst v63  }
0x61: {  	s30 =	smov.u32 s22  }
0x62: {  	p0 =	sne.s32 s22, $0x9000;
	s22 =	sadd.s32 $0x800, s22;
	_ =	swait.ge [sflag:s24], $0x2000  }
0x63: {  	s30 =	sshra.s32 s30, $0x2;
	[sflag:s24] =	ssyncset.done $0x0  }
0x64: {  	s31 =	sadd.s32 $0x2800, s30;
	[sflag:s24] =	ssyncadd.s32 $0xFFFFE000  }
0x65: {  	[spmem:s2] =	stream.indirect.scatter.add.f32 [tilespmem:s18], [sflag:$0x5], $0x40, s31, s17, $0xb8;
	[tilespmem:$0x19000] =	vst v63  }
0x66: {  	_ =	swait.ge [sflag:s15], $0x2000  }
0x67: {  	[sflag:s15] =	ssyncset.done $0x0  }
0x68: {  	s31 =	sadd.s32 $0x200, s30;
	[sflag:s15] =	ssyncadd.s32 $0xFFFFE000  }
0x69: {  	[tilespmem:s18], [sflag:$0x1] =	stream.indirect.gather [hbm4b:s4+s17], $0x40, s31, s17, $0xb8;
	[tilespmem:$0x19000] =	vst v63  }
0x6a: {  	_ =	swait.ge [sflag:s26], $0x2000  }
0x6b: {  	[sflag:s26] =	ssyncset.done $0x0  }
0x6c: {  	s31 =	sadd.s32 $0x2880, s30;
	[sflag:s26] =	ssyncadd.s32 $0xFFFFE000  }
0x6d: {  	[spmem:s2] =	stream.indirect.scatter.add.f32 [tilespmem:s19], [sflag:$0x5], $0x40, s31, s17, $0xb8;
	[tilespmem:$0x19000] =	vst v63  }
0x6e: {  	_ =	swait.ge [sflag:s15], $0x2000  }
0x6f: {  	[sflag:s15] =	ssyncset.done $0x0  }
0x70: {  	s31 =	sadd.s32 $0x280, s30;
	[sflag:s15] =	ssyncadd.s32 $0xFFFFE000  }
0x71: {  	[tilespmem:s19], [sflag:$0x2] =	stream.indirect.gather [hbm4b:s4+s17], $0x40, s31, s17, $0xb8;
	[tilespmem:$0x19000] =	vst v63  }
0x72: {  	_ =	swait.ge [sflag:s28], $0x2000  }
0x73: {  	[sflag:s28] =	ssyncset.done $0x0  }
0x74: {  	s31 =	sadd.s32 $0x2900, s30;
	[sflag:s28] =	ssyncadd.s32 $0xFFFFE000  }
0x75: {  	[spmem:s2] =	stream.indirect.scatter.add.f32 [tilespmem:s21], [sflag:$0x5], $0x40, s31, s17, $0xb8;
	[tilespmem:$0x19000] =	vst v63  }
0x76: {  	_ =	swait.ge [sflag:s15], $0x2000  }
0x77: {  	[sflag:s15] =	ssyncset.done $0x0  }
0x78: {  	s31 =	sadd.s32 $0x300, s30;
	[sflag:s15] =	ssyncadd.s32 $0xFFFFE000  }
0x79: {  	[tilespmem:s21], [sflag:$0x3] =	stream.indirect.gather [hbm4b:s4+s17], $0x40, s31, s17, $0xb8;
	[tilespmem:$0x19000] =	vst v63  }
0x7a: {  	_ =	swait.ge [sflag:s29], $0x2000  }
0x7b: {  	[sflag:s29] =	ssyncset.done $0x0  }
.Ltmp1:
0x7c: {  	s31 =	sadd.s32 $0x2980, s30;
	[sflag:s29] =	ssyncadd.s32 $0xFFFFE000;
	(pc) =	sbr.rel @p0 .LBB2_4-.Ltmp1, $4  }
0x7d: {  	[spmem:s2] =	stream.indirect.scatter.add.f32 [tilespmem:s23], [sflag:$0x5], $0x40, s31, s17, $0xb8;
	[tilespmem:$0x19000] =	vst v63  }
0x7e: {  	_ =	swait.ge [sflag:s15], $0x2000  }
0x7f: {  	[sflag:s15] =	ssyncset.done $0x0  }
0x80: {  	s30 =	sadd.s32 $0x380, s30;
	[sflag:s15] =	ssyncadd.s32 $0xFFFFE000  }
0x81: {  	[tilespmem:s23], [sflag:$0x4] =	stream.indirect.gather [hbm4b:s4+s17], $0x40, s30, s17, $0xb8;
	[tilespmem:$0x19000] =	vst v63  }
0x82: {  	_ =	swait.ge [sflag:s24], $0x2000  }
0x83: {  	[sflag:s24] =	ssyncset.done $0x0  }
0x84: {  	s22 =	simm.s32 $0x4E00;
	[sflag:s24] =	ssyncadd.s32 $0xFFFFE000  }
0x85: {  	[spmem:s2] =	stream.indirect.scatter.add.f32 [tilespmem:s18], [sflag:$0x5], $0x40, s22, s17, $0xb8;
	[tilespmem:$0x19000] =	vst v63  }
0x86: {  	_ =	swait.ge [sflag:s15], $0x2000  }
0x87: {  	[sflag:s15] =	ssyncset.done $0x0  }
0x88: {  	[sflag:s15] =	ssyncadd.s32 $0xFFFFE000  }
0x89: {  	_ =	swait.ge [sflag:s26], $0x2000  }
0x8a: {  	[sflag:s26] =	ssyncset.done $0x0  }
0x8b: {  	s30 =	simm.s32 $0x4E80;
	[sflag:s26] =	ssyncadd.s32 $0xFFFFE000  }
0x8c: {  	[spmem:s2] =	stream.indirect.scatter.add.f32 [tilespmem:s19], [sflag:$0x5], $0x40, s30, s17, $0xb8;
	[tilespmem:$0x19000] =	vst v63  }
0x8d: {  	_ =	swait.ge [sflag:s15], $0x2000  }
0x8e: {  	[sflag:s15] =	ssyncset.done $0x0  }
0x8f: {  	[sflag:s15] =	ssyncadd.s32 $0xFFFFE000  }
0x90: {  	_ =	swait.ge [sflag:s28], $0x2000  }
0x91: {  	[sflag:s28] =	ssyncset.done $0x0  }
0x92: {  	[sflag:s28] =	ssyncadd.s32 $0xFFFFE000  }
0x93: {  	[spmem:s2] =	stream.indirect.scatter.add.f32 [tilespmem:s21], [sflag:$0x5], $0x40, s0, s17, $0xb8;
	[tilespmem:$0x19000] =	vst v63  }
0x94: {  	_ =	swait.ge [sflag:s15], $0x2000  }
0x95: {  	[sflag:s15] =	ssyncset.done $0x0  }
0x96: {  	[sflag:s15] =	ssyncadd.s32 $0xFFFFE000  }
0x97: {  	_ =	swait.ge [sflag:s29], $0x2000  }
0x98: {  	[sflag:s29] =	ssyncset.done $0x0  }
0x99: {  	[sflag:s29] =	ssyncadd.s32 $0xFFFFE000  }
0x9a: {  	[spmem:s2] =	stream.indirect.scatter.add.f32 [tilespmem:s23], [sflag:$0x5], $0x40, s16, s17, $0xb8;
	[tilespmem:$0x19000] =	vst v63  }
0x9b: {  	_ =	swait.ge [sflag:s15], $0x2000  }
0x9c: {  	s31 =	stileid.u32;
	s3 =	sadd.s32 $0x1, s3;
	[sflag:s15] =	ssyncset.done $0x0  }
0x9d: {  	p0 =	sne.s32 s3, s9;
	s22 =	sshll.u32 s31, $0x6;
	[sflag:s15] =	ssyncadd.s32 $0xFFFFE000  }
.Ltmp2:
0x9e: {  	s22 =	sor.u32 $0x1C05, s22;
	[bflag:$0x0] =	sbarrier.arrive $0xFFFF;
	(pc) =	sbr.rel @p0 .LBB2_1-.Ltmp2, $4  }
0x9f: {  	[hbm:s8@s1], [sflag:s22] =	dma.strided [spmem:s25@s20], $0x1388, s24, $0x8   }
0xa0: {  	_ =	swait.ge [sflag:s15], $0x1388  }
0xa1: {  	[sflag:s15] =	ssyncset.done $0x0  }
0xa2: {  	[sflag:s15] =	ssyncadd.s32 $0xFFFFEC78  }
0xa3: {  	_ =	sfence.sel $0x180000  }
0xa4: {  	[bflag:$0x0] =	sbarrier.arrive $0xFFFF  }
0xa5: {  	_ =	strace $0x9000004D  }
0xa6: {  	s0 =	stileid.u32;
	[bflag:$0x2] =	sbarrier.arrive $0xFFFF  }
0xa7: {  	p0 =	sne.s32 s0, $0x0;
	s0 =	rddreg [dreg:$0x2]  }
0xa8: {  	s0 =	sadd.s32 @!p0 $0x100000, s0  }
0xa9: {  	[sflag:s0] =	ssyncadd.tile.s32 @!p0 $0x1;
	_ =	shalt  }
.Lfunc_end2:
_tile_overlayer_lowered:
.L_overlay_start_2:
0xaa: {  	(tag) =	ssettag $0x2  }
0xab: {  	s0 =	rddreg [dreg:$0x0];
	s2 =	stileid.u32  }
0xac: {  	s1 =	rddreg [dreg:$0x1];
	p0 =	sne.s32 s2, $0x0  }
0xad: {  	s3 =	rddreg [dreg:$0x2];
	[bflag:$0x3] =	sbarrier.arrive $0xFFFF;
	s2 =	simm.s32 @!p0 $0x1C05  }
0xae: {  	[timem:s3], [sflag:s2] =	dma.local @!p0 [hbm:s0], s1  }
0xaf: {  	s0 =	simm.s32 @!p0 $0x5  }
0xb0: {  	_ =	swait.ge @!p0 [sflag:s0], s1  }
0xb1: {  	s1 =	ssub.s32 @!p0 $0x0, s1;
	[sflag:s0] =	ssyncset.done @!p0 $0x0  }
0xb2: {  	[sflag:s0] =	ssyncadd.s32 @!p0 s1  }
0xb3: {  	[bflag:$0x3] =	sbarrier.arrive $0xFFFF  }
0xb4: {  	_ =	shalt  }

// kernel: kernel.22.cloned.1.call-start
scs
__scs_entry_jumppad:
0x0: {  	(pc) =	sbr.rel $0x88, $3  }
0x1: {  	(tag) =	ssettag $0x0;
	lr =	simm.s32 $0x1  }
0x2: {  	[smem:$0x3F8C] =	sst lr;
	_ =	strace $0xD0000000  }
0x3: {  	_ = 	snop  }
0x4: {  	_ = 	snop  }
0x5: {  	_ = 	snop  }
0x6: {  	_ = 	snop  }
0x7: {  	_ = 	snop  }
__scs_overlays_trampoline_lowered:
0x8: {  	[smem:$0x3F9B] =	sst s0  }
0x9: {  	[smem:$0x3F9C] =	sst s1  }
0xa: {  	[smem:$0x3F9D] =	sst s2  }
0xb: {  	[smem:$0x3F9E] =	sst s3  }
0xc: {  	[smem:$0x3F9F] =	sst s4  }
0xd: {  	[smem:$0x3FA0] =	sst s5  }
0xe: {  	[smem:$0x3FA1] =	sst s6  }
0xf: {  	[smem:$0x3FA2] =	sst s7  }
0x10: {  	[smem:$0x3FA3] =	sst s8  }
0x11: {  	[smem:$0x3FA4] =	sst s9;
	s0 =	simm.s32 @!p0 $0x0  }
0x12: {  	s1 =	sld [smem:$0x3F8A];
	s0 =	simm.s32 @p0 $0x1  }
0x13: {  	[smem:$0x3FA5] =	sst s0;
	s0 =	simm.s32 @!p1 $0x0  }
0x14: {  	s2 =	sld [smem:$0x3F89];
	s0 =	simm.s32 @p1 $0x1  }
0x15: {  	[smem:$0x3FA6] =	sst s0;
	s0 =	simm.s32 @!p2 $0x0  }
0x16: {  	s3 =	sld [smem:$0x3FDB];
	s0 =	simm.s32 @p2 $0x1  }
0x17: {  	s4 =	simm.s32 $0x1BF5;
	[smem:$0x3FA8] =	sst s0  }
0x18: {  	s0 =	sld [smem:$0x3F8B];
	_ =	swait.ge [sflag:s4], $0x0  }
0x19: {  	s7 =	sld [smem:$0x3F8C]  }
0x1a: {  	s8 =	sadd.s32 $0xFFFFE003, lr  }
0x1b: {  	s9 =	sadd.s32 $0xFFFFFEF7, lr;
	s5 =	simm.s32 $0xFFFFFFFF;
	p2 =	slt.u32 s8, $0xFFFFF086  }
0x1c: {  	p1 =	slt.u32 s9, $0xF7A;
	s5 =	simm.s32 @!p2 $0x0  }
0x1d: {  	s5 =	simm.s32 @p1 $0x1;
	p0 =	seq.s32 s7, s2  }
0x1e: {  	s7 =	smul.u32 @!p0 $0xF7A, s2;
	p2 =	seq.s32 @!p0 s5, $0x0  }
0x1f: {  	s9 =	smul.u32 $0xF7A, s1;
	s8 =	simm.s32 @!p0 $0x1BF5;
	p2 =	por !p2, p0  }
0x20: {  	[sflag:s8] =	ssyncset.s32 @!p0 $0xFFFFF086;
	s6 =	sadd.s32 @!p0 s3, s7;
	s7 =	simm.s32 @!p0 $0x108  }
0x21: {  	s3 =	sadd.s32 s3, s9;
	s6 =	sadd.s32 @!p0 $0x88, s6;
	s7 =	simm.s32 @p2 $0x1082  }
0x22: {  	[simem:s7], [sflag:s8] =	dma.local @!p0 [hbm:s6], $0xF7A  }
0x23: {  	s9 =	sor.u32 $0xD0000000, s2;
	s6 =	simm.s32 $0x108;
	_ =	swait.ge @!p0 [sflag:s8], $0x0  }
0x24: {  	s3 =	sadd.s32 $0x88, s3;
	s6 =	simm.s32 @!p1 $0x1082;
	[sflag:s4] =	ssyncset.s32 $0xFFFFF086  }
0x25: {  	[simem:s6], [sflag:s4] =	dma.local [hbm:s3], $0xF7A  }
0x26: {  	[smem:$0x3F8C] =	sst s1;
	(tag) =	ssettag s2;
	_ =	strace s9  }
0x27: {  	s1 =	sld [smem:$0x3F9C]  }
0x28: {  	s2 =	sld [smem:$0x3F9D]  }
0x29: {  	s4 =	sld [smem:$0x3F9F]  }
0x2a: {  	p0 =	seq.s32 s5, $0x0;
	s5 =	sld [smem:$0x3FA0]  }
0x2b: {  	s6 =	sld [smem:$0x3FA1]  }
0x2c: {  	s7 =	sld [smem:$0x3FA2]  }
0x2d: {  	s3 =	simm.s32 $0x108;
	s8 =	sld [smem:$0x3FA3]  }
0x2e: {  	s3 =	simm.s32 @!p0 $0x1082;
	s9 =	sld [smem:$0x3FA4]  }
0x2f: {  	lr =	sadd.s32 s0, s3;
	s0 =	sld [smem:$0x3F9B]  }
0x30: {  	s3 =	sld [smem:$0x3F9E]  }
0x31: {  	[smem:$0x3FA7] =	sst s10  }
0x32: {  	s10 =	sld [smem:$0x3FA5];
	_ =	sdelay $0x3  }
0x33: {  	p0 =	seq.s32 s10, $0x1;
	s10 =	sld [smem:$0x3FA7];
	_ =	sdelay $0x3  }
0x34: {  	[smem:$0x3FA7] =	sst s10  }
0x35: {  	s10 =	sld [smem:$0x3FA6];
	_ =	sdelay $0x3  }
0x36: {  	p1 =	seq.s32 s10, $0x1;
	s10 =	sld [smem:$0x3FA7];
	_ =	sdelay $0x3  }
0x37: {  	[smem:$0x3FA7] =	sst s10  }
0x38: {  	s10 =	sld [smem:$0x3FA8]  }
0x39: {  	_ = 	snop;
	(pc) =	sbr.ind lr, $3  }
0x3a: {  	_ = 	snop  }
0x3b: {  	_ = 	snop  }
0x3c: {  	p2 =	seq.s32 s10, $0x1;
	s10 =	sld [smem:$0x3FA7]  }
0x3d: {  	_ =	shalt  }
0x3e: {  	_ =	shalt  }
0x3f: {  	_ =	shalt  }
0x40: {  	_ =	shalt  }
0x41: {  	_ =	shalt  }
0x42: {  	_ =	shalt  }
0x43: {  	_ =	shalt  }
0x44: {  	_ =	shalt  }
0x45: {  	_ =	shalt  }
0x46: {  	_ =	shalt  }
0x47: {  	_ =	shalt  }
0x48: {  	_ =	shalt  }
0x49: {  	_ =	shalt  }
0x4a: {  	_ =	shalt  }
0x4b: {  	_ =	shalt  }
0x4c: {  	_ =	shalt  }
0x4d: {  	_ =	shalt  }
0x4e: {  	_ =	shalt  }
0x4f: {  	_ =	shalt  }
0x50: {  	_ =	shalt  }
0x51: {  	_ =	shalt  }
0x52: {  	_ =	shalt  }
0x53: {  	_ =	shalt  }
0x54: {  	_ =	shalt  }
0x55: {  	_ =	shalt  }
0x56: {  	_ =	shalt  }
0x57: {  	_ =	shalt  }
0x58: {  	_ =	shalt  }
0x59: {  	_ =	shalt  }
0x5a: {  	_ =	shalt  }
0x5b: {  	_ =	shalt  }
0x5c: {  	_ =	shalt  }
0x5d: {  	_ =	shalt  }
0x5e: {  	_ =	shalt  }
0x5f: {  	_ =	shalt  }
0x60: {  	_ =	shalt  }
0x61: {  	_ =	shalt  }
0x62: {  	_ =	shalt  }
0x63: {  	_ =	shalt  }
0x64: {  	_ =	shalt  }
0x65: {  	_ =	shalt  }
0x66: {  	_ =	shalt  }
0x67: {  	_ =	shalt  }
0x68: {  	_ =	shalt  }
0x69: {  	_ =	shalt  }
0x6a: {  	_ =	shalt  }
0x6b: {  	_ =	shalt  }
0x6c: {  	_ =	shalt  }
0x6d: {  	_ =	shalt  }
0x6e: {  	_ =	shalt  }
0x6f: {  	_ =	shalt  }
0x70: {  	_ =	shalt  }
0x71: {  	_ =	shalt  }
0x72: {  	_ =	shalt  }
0x73: {  	_ =	shalt  }
0x74: {  	_ =	shalt  }
0x75: {  	_ =	shalt  }
0x76: {  	_ =	shalt  }
0x77: {  	_ =	shalt  }
0x78: {  	_ =	shalt  }
0x79: {  	_ =	shalt  }
0x7a: {  	_ =	shalt  }
0x7b: {  	_ =	shalt  }
0x7c: {  	_ =	shalt  }
0x7d: {  	_ =	shalt  }
0x7e: {  	_ =	shalt  }
0x7f: {  	_ =	shalt  }
0x80: {  	_ =	shalt  }
0x81: {  	_ =	shalt  }
0x82: {  	_ =	shalt  }
0x83: {  	_ =	shalt  }
0x84: {  	_ =	shalt  }
0x85: {  	_ =	shalt  }
0x86: {  	_ =	shalt  }
0x87: {  	_ =	shalt  }
.Lfunc_end0:
.L_simem_size_0:
called_computation.3_lowered:
.L_overlay_start_0:
0x88: {  	s2 =	sld [smem:$0x3FD9]  }
0x89: {  	s3 =	sld [smem:$0x3FFE];
	_ =	sdelay $0x1  }
0x8a: {  	s1 =	srdreg.scid  }
0x8b: {  	s0 =	sand.u32 $0x1, s1  }
0x8c: {  	s16 =	sshll.u32 s0, $0xA;
	s2 =	sadd.s32 s3, s2  }
0x8d: {  	s2 =	sadd.s32 s2, s16  }
0x8e: {  	[smem:$0x3FB3] =	sst s2  }
0x8f: {  	_ = 	snop  }
0x90: {  	(tm) =	ssettm $0x1  }
0x91: {  	s17 =	sld [smem:$0x3FFB];
	_ =	sdelay $0x3  }
0x92: {  	_ =	strace s17  }
0x93: {  	s2 =	sld [smem:$0x3FFC];
	_ =	sdelay $0x3  }
0x94: {  	_ =	strace s2  }
0x95: {  	s2 =	sld [smem:$0x3FFD];
	_ =	sdelay $0x3  }
0x96: {  	_ =	strace s2  }
0x97: {  	_ =	strace $0x8FFFFFFF  }
0x98: {  	s18 =	sld [smem:$0x3FDB];
	_ =	sdelay $0x1  }
0x99: {  	s19 =	simm.s32 $_scs_section_size  }
0x9a: {  	s4 =	simm.s32 $_size__tile_overlayer_lowered;
	s5 =	simm.s32 $_tile_overlayer_lowered  }
0x9b: {  	s22 =	simm.s32 $0x1BFF;
	s21 =	sshll.u32 s5, $0x1;
	s2 =	sadd.s32 s19, s18  }
0x9c: {  	s6 =	simm.s32 $0x0;
	s20 =	sshll.u32 s4, $0x1;
	s4 =	sadd.s32 s21, s2  }
0x9d: {  	[timem:s6], [sflag:s22] =	dma.local [hbm:s4], s20  }
0x9e: {  	_ =	swait.ge [sflag:s22], s20  }
0x9f: {  	s3 =	ssub.s32 $0x0, s20;
	[sflag:s22] =	ssyncset.done $0x0  }
0xa0: {  	[sflag:s22] =	ssyncadd.s32 s3;
	_ =	sdelay $0x1  }
0xa1: {  	s23 =	simm.s32 $0x1B8B  }
0xa2: {  	_ =	swait.ge [sflag:s23], $0x1  }
0xa3: {  	[sflag:s23] =	ssyncset.done $0x0  }
0xa4: {  	s25 =	simm.s32 $0x1B8E;
	s24 =	sld [smem:$0x3FFE];
	[sflag:s23] =	ssyncadd.s32 $0xFFFFFFFF  }
0xa5: {  	s26 =	simm.s32 $execute0_lowered;
	[smem:$0x3FD2] =	sst s25  }
0xa6: {  	s4 =	sshll.u32 s26, $0x1;
	_ =	strace $0x8000004F;
	[dreg:$0x1] =	wrdreg $0xFFFFFFFF  }
0xa7: {  	s28 =	simm.s32 $_size_execute0_lowered;
	s2 =	sadd.s32 s2, s4;
	[dreg:$0x0] =	wrdreg $0x0  }
0xa8: {  	s4 =	sshll.u32 s28, $0x1;
	[dreg:$0x2] =	wrdreg s2  }
0xa9: {  	[dreg:$0x3] =	wrdreg s4  }
0xaa: {  	[dreg:$0x4] =	wrdreg $0xC0  }
0xab: {  	_ =	task [dreg:s6], $0x5FFFF  }
0xac: {  	[dreg:$0x1] =	wrdreg $0xFFFFFFFF  }
0xad: {  	[dreg:$0x0] =	wrdreg $0x60  }
0xae: {  	[dreg:$0x2] =	wrdreg s24  }
0xaf: {  	[dreg:$0x3] =	wrdreg $0xF0000  }
0xb0: {  	[dreg:$0x4] =	wrdreg $0x9  }
0xb1: {  	_ =	task.clear_ibuf [dreg:s6], $0x5FFFF;
	_ =	strace $0x9000004F  }
0xb2: {  	s29 =	simm.s32 $0x9;
	_ =	strace $0x80000051  }
0xb3: {  	_ =	swait.ge [sflag:s29], $0x1  }
0xb4: {  	[sflag:s29] =	ssyncadd.s32 $0xFFFFFFFF  }
0xb5: {  	_ =	strace $0x90000051  }
0xb6: {  	_ =	sfence  }
0xb7: {  	s30 =	sld [smem:$0x0];
	_ =	sdelay $0x2  }
0xb8: {  	s31 =	sshll.u32 s1, $0xD;
	s1 =	sshrl.u32 s1, $0x2  }
0xb9: {  	s3 =	sand.u32 $0x4000, s31;
	s1 =	sadd.s32 s1, s30  }
0xba: {  	s0 =	sor.u32 s3, s0;
	s1 =	sshll.u32 s1, $0x11  }
0xbb: {  	s0 =	sor.u32 s1, s0  }
0xbc: {  	s0 =	sadd.s32 $0x8F2B, s0  }
0xbd: {  	[sflag:s0] =	ssyncadd.remote.s32 $0x1  }
0xbe: {  	_ =	sfence.sel $0xFFFF  }
0xbf: {  	[dreg:$0x0] =	wrdreg $0xFFFFFFFF;
	(pc) =	sbr.abs _section_cstart, $3  }
0xc0: {  	[dreg:$0x1] =	wrdreg $0xFFFFFFFF  }
0xc1: {  	_ =	task.clear_ibuf [dreg:s6], $0x2FFFF;
	_ =	strace $0x9FFFFFFF  }
0xc2: {  	(tm) =	ssettm $0x7FFFFFFF  }
0xc3: {  	_ =	shalt  }
tec
execute0_lowered:
.L_overlay_start_1:
0x0: {  	(tag) =	ssettag $0x1  }
0x1: {  	s0 =	rddreg [dreg:$0x0]  }
0x2: {  	s2 =	rddreg [dreg:$0x1];
	s1 =	srdreg.scid  }
0x3: {  	s8 =	stileid.u32;
	s3 =	simm.s32 $0x0;
	s14 =	simm.s32 $0x5000  }
0x4: {  	s15 =	simm.s32 $0x5;
	s17 =	simm.s32 $0x80;
	s18 =	simm.s32 $0x7000  }
0x5: {  	s19 =	simm.s32 $0x9000;
	s21 =	simm.s32 $0xB000;
	s23 =	simm.s32 $0xD000  }
0x6: {  	s24 =	simm.s32 $0x1;
	s28 =	simm.s32 $0x3;
	s29 =	simm.s32 $0x4  }
0x7: {  	s16 =	simm.s32 $0x4F80;
	s20 =	simm.s32 $0x8;
	s5 =	smul.u32 $0x13880, s8  }
0x8: {  	s1 =	sand.u32 $0x1, s1;
	[smem:$0x7FF] =	sst s3;
	s26 =	smul.u32 $0x28000, s8  }
0x9: {  	s9 =	smul.u32 $0x27100, s8;
	s4 =	sshll.u32 s1, $0x4;
	s6 =	sshll.u32 s1, $0x6  }
0xa: {  	_ =	strace $0x80000050;
	s1 =	ssub.s32 $0x2, s1;
	s4 =	sor.u32 s8, s4  }
0xb: {  	s5 =	sor.u32 s6, s5;
	s30 =	sshrl.u32 s1, $0x1;
	s6 =	sshrl.u32 s26, $0x2  }
0xc: {  	s31 =	sshrl.u32 s9, $0x2;
	s26 =	simm.s32 $0x2;
	s7 =	smul.u32 $0x500, s4  }
0xd: {  	s4 =	sadd.s32 $0x18400, s0;
	s5 =	sshrl.u32 s5, $0x3;
	s1 =	ssub.s32 s1, s30  }
0xe: {  	s9 =	smax.u32 s1, $0x1;
	s1 =	simm.s32 $0x10;
	s7 =	sadd.s32 s7, s0  }
0xf: {  	s0 =	sadd.s32 s5, s0;
	s5 =	sadd.s32 s6, s2;
	s6 =	sadd.s32 $0x4400, s7  }
0x10: {  	s7 =	sadd.s32 $0xE400, s7;
	s8 =	sadd.s32 $0x2BE00, s0;
	s0 =	sadd.s32 s31, s2  }
0x11: {  	s10 =	sadd.s32 $0x2000, s5;
	s11 =	sadd.s32 $0x4000, s5;
	s12 =	sadd.s32 $0x6000, s5  }
0x12: {  	v0 =	vimm.f32 $0.0e+00;
	s13 =	sadd.s32 $0x8000, s5;
	s25 =	sshrl.u32 s0, $0x3;
	s0 =	simm.s32 $0x4F00  }
.LBB2_1:
0x13: {  	s30 =	simm.s32 $0x100;
	s22 =	simm.s32 $0x0  }
.LBB2_2:
0x14: {  	p0 =	sne.s32 s30, $0x7F00;
	[tilespmem:s22+$0x5030] =	vst v0;
	s31 =	smov.u32 s30;
	s30 =	sadd.s32 $0x100, s30  }
.Ltmp0:
0x15: {  	[tilespmem:s22+$0x5020] =	vst v0;
	(pc) =	sbr.rel @p0 .LBB2_2-.Ltmp0, $3  }
0x16: {  	[tilespmem:s22+$0x5000] =	vst v0  }
0x17: {  	[tilespmem:s22+$0x5010] =	vst v0;
	_ =	sdelay $0x1  }
0x18: {  	s22 =	sshra.s32 s31, $0x2  }
0x19: {  	[tilespmem:s22+$0x5030] =	vst v0  }
0x1a: {  	[tilespmem:s22+$0x5020] =	vst v0  }
0x1b: {  	[tilespmem:s22+$0x5000] =	vst v0  }
0x1c: {  	[tilespmem:s22+$0x5010] =	vst v0  }
0x1d: {  	[spmem:s5] =	stream.linear.scatter [tilespmem:s14], [sflag:$0x5], $0x2000, $0x38;
	[tilespmem:$0x19000] =	vst v63  }
0x1e: {  	_ =	swait.ge [sflag:s15], $0x2000  }
0x1f: {  	[sflag:s15] =	ssyncset.done $0x0  }
0x20: {  	[sflag:s15] =	ssyncadd.s32 $0xFFFFE000  }
0x21: {  	[spmem:s10] =	stream.linear.scatter [tilespmem:s14], [sflag:$0x5], $0x2000, $0x38;
	[tilespmem:$0x19000] =	vst v63  }
0x22: {  	_ =	swait.ge [sflag:s15], $0x2000  }
0x23: {  	[sflag:s15] =	ssyncset.done $0x0  }
0x24: {  	[sflag:s15] =	ssyncadd.s32 $0xFFFFE000  }
0x25: {  	[spmem:s11] =	stream.linear.scatter [tilespmem:s14], [sflag:$0x5], $0x2000, $0x38;
	[tilespmem:$0x19000] =	vst v63  }
0x26: {  	_ =	swait.ge [sflag:s15], $0x2000  }
0x27: {  	[sflag:s15] =	ssyncset.done $0x0  }
0x28: {  	[sflag:s15] =	ssyncadd.s32 $0xFFFFE000  }
0x29: {  	[spmem:s12] =	stream.linear.scatter [tilespmem:s14], [sflag:$0x5], $0x2000, $0x38;
	[tilespmem:$0x19000] =	vst v63  }
0x2a: {  	_ =	swait.ge [sflag:s15], $0x2000  }
0x2b: {  	[sflag:s15] =	ssyncset.done $0x0  }
0x2c: {  	[sflag:s15] =	ssyncadd.s32 $0xFFFFE000  }
0x2d: {  	[spmem:s13] =	stream.linear.scatter [tilespmem:s14], [sflag:$0x5], $0x2000, $0x38;
	[tilespmem:$0x19000] =	vst v63  }
0x2e: {  	_ =	swait.ge [sflag:s15], $0x2000  }
0x2f: {  	[sflag:s15] =	ssyncset.done $0x0  }
0x30: {  	s31 =	simm.s32 $0x0;
	[sflag:s15] =	ssyncadd.s32 $0xFFFFE000  }
0x31: {  	[tilespmem:s31], [sflag:$0x5] =	stream.linear.gather [hbm4b:s6+s31], $0x2800, $0x38;
	[tilespmem:$0x19000] =	vst v63  }
0x32: {  	_ =	swait.ge [sflag:s15], $0x2800  }
0x33: {  	[sflag:s15] =	ssyncset.done $0x0  }
0x34: {  	s30 =	simm.s32 $0x2800;
	[sflag:s15] =	ssyncadd.s32 $0xFFFFD800  }
0x35: {  	[tilespmem:s30], [sflag:$0x5] =	stream.linear.gather [hbm4b:s7+s31], $0x2800, $0x38;
	[tilespmem:$0x19000] =	vst v63  }
0x36: {  	_ =	swait.ge [sflag:s15], $0x2800  }
0x37: {  	[sflag:s15] =	ssyncset.done $0x0  }
0x38: {  	[sflag:s15] =	ssyncadd.s32 $0xFFFFD800  }
0x39: {  	[tilespmem:s18], [sflag:$0x1] =	stream.indirect.gather [hbm4b:s4+s17], $0x40, s31, s17, $0xb8;
	[tilespmem:$0x19000] =	vst v63  }
0x3a: {  	_ = 	snop  }
0x3b: {  	[tilespmem:s19], [sflag:$0x2] =	stream.indirect.gather [hbm4b:s4+s17], $0x40, s17, s17, $0xb8;
	[tilespmem:$0x19000] =	vst v63  }
0x3c: {  	s31 =	simm.s32 $0x100  }
0x3d: {  	[tilespmem:s21], [sflag:$0x3] =	stream.indirect.gather [hbm4b:s4+s17], $0x40, s31, s17, $0xb8;
	[tilespmem:$0x19000] =	vst v63  }
0x3e: {  	s31 =	simm.s32 $0x180  }
0x3f: {  	[tilespmem:s23], [sflag:$0x4] =	stream.indirect.gather [hbm4b:s4+s17], $0x40, s31, s17, $0xb8;
	[tilespmem:$0x19000] =	vst v63  }
0x40: {  	[bflag:$0x0] =	sbarrier.arrive $0xFFFF  }
0x41: {  	_ =	swait.ge [sflag:s24], $0x2000  }
0x42: {  	[sflag:s24] =	ssyncset.done $0x0  }
0x43: {  	s31 =	simm.s32 $0x2800;
	[sflag:s24] =	ssyncadd.s32 $0xFFFFE000  }
0x44: {  	[spmem:s2] =	stream.indirect.scatter.add.f32 [tilespmem:s18], [sflag:$0x5], $0x40, s31, s17, $0xb8;
	[tilespmem:$0x19000] =	vst v63  }
0x45: {  	_ =	swait.ge [sflag:s15], $0x2000  }
0x46: {  	[sflag:s15] =	ssyncset.done $0x0  }
0x47: {  	s31 =	simm.s32 $0x200;
	[sflag:s15] =	ssyncadd.s32 $0xFFFFE000  }
0x48: {  	[tilespmem:s18], [sflag:$0x1] =	stream.indirect.gather [hbm4b:s4+s17], $0x40, s31, s17, $0xb8;
	[tilespmem:$0x19000] =	vst v63  }
0x49: {  	_ =	swait.ge [sflag:s26], $0x2000  }
0x4a: {  	[sflag:s26] =	ssyncset.done $0x0  }
0x4b: {  	s31 =	simm.s32 $0x2880;
	[sflag:s26] =	ssyncadd.s32 $0xFFFFE000  }
0x4c: {  	[spmem:s2] =	stream.indirect.scatter.add.f32 [tilespmem:s19], [sflag:$0x5], $0x40, s31, s17, $0xb8;
	[tilespmem:$0x19000] =	vst v63  }
0x4d: {  	_ =	swait.ge [sflag:s15], $0x2000  }
0x4e: {  	[sflag:s15] =	ssyncset.done $0x0  }
0x4f: {  	s31 =	simm.s32 $0x280;
	[sflag:s15] =	ssyncadd.s32 $0xFFFFE000  }
0x50: {  	[tilespmem:s19], [sflag:$0x2] =	stream.indirect.gather [hbm4b:s4+s17], $0x40, s31, s17, $0xb8;
	[tilespmem:$0x19000] =	vst v63  }
0x51: {  	_ =	swait.ge [sflag:s28], $0x2000  }
0x52: {  	[sflag:s28] =	ssyncset.done $0x0  }
0x53: {  	s31 =	simm.s32 $0x2900;
	[sflag:s28] =	ssyncadd.s32 $0xFFFFE000  }
0x54: {  	[spmem:s2] =	stream.indirect.scatter.add.f32 [tilespmem:s21], [sflag:$0x5], $0x40, s31, s17, $0xb8;
	[tilespmem:$0x19000] =	vst v63  }
0x55: {  	_ =	swait.ge [sflag:s15], $0x2000  }
0x56: {  	[sflag:s15] =	ssyncset.done $0x0  }
0x57: {  	s31 =	simm.s32 $0x300;
	[sflag:s15] =	ssyncadd.s32 $0xFFFFE000  }
0x58: {  	[tilespmem:s21], [sflag:$0x3] =	stream.indirect.gather [hbm4b:s4+s17], $0x40, s31, s17, $0xb8;
	[tilespmem:$0x19000] =	vst v63  }
0x59: {  	_ =	swait.ge [sflag:s29], $0x2000  }
0x5a: {  	[sflag:s29] =	ssyncset.done $0x0  }
0x5b: {  	s31 =	simm.s32 $0x2980;
	[sflag:s29] =	ssyncadd.s32 $0xFFFFE000  }
0x5c: {  	[spmem:s2] =	stream.indirect.scatter.add.f32 [tilespmem:s23], [sflag:$0x5], $0x40, s31, s17, $0xb8;
	[tilespmem:$0x19000] =	vst v63  }
0x5d: {  	_ =	swait.ge [sflag:s15], $0x2000  }
0x5e: {  	[sflag:s15] =	ssyncset.done $0x0  }
0x5f: {  	s22 =	simm.s32 $0x800;
	s30 =	simm.s32 $0x380;
	[sflag:s15] =	ssyncadd.s32 $0xFFFFE000  }
.LBB2_4:
0x60: {  	[tilespmem:s23], [sflag:$0x4] =	stream.indirect.gather [hbm4b:s4+s17], $0x40, s30, s17, $0xb8;
	[tilespmem:$0x19000] =	vst v63  }
0x61: {  	s30 =	smov.u32 s22  }
0x62: {  	p0 =	sne.s32 s22, $0x9000;
	s22 =	sadd.s32 $0x800, s22;
	_ =	swait.ge [sflag:s24], $0x2000  }
0x63: {  	s30 =	sshra.s32 s30, $0x2;
	[sflag:s24] =	ssyncset.done $0x0  }
0x64: {  	s31 =	sadd.s32 $0x2800, s30;
	[sflag:s24] =	ssyncadd.s32 $0xFFFFE000  }
0x65: {  	[spmem:s2] =	stream.indirect.scatter.add.f32 [tilespmem:s18], [sflag:$0x5], $0x40, s31, s17, $0xb8;
	[tilespmem:$0x19000] =	vst v63  }
0x66: {  	_ =	swait.ge [sflag:s15], $0x2000  }
0x67: {  	[sflag:s15] =	ssyncset.done $0x0  }
0x68: {  	s31 =	sadd.s32 $0x200, s30;
	[sflag:s15] =	ssyncadd.s32 $0xFFFFE000  }
0x69: {  	[tilespmem:s18], [sflag:$0x1] =	stream.indirect.gather [hbm4b:s4+s17], $0x40, s31, s17, $0xb8;
	[tilespmem:$0x19000] =	vst v63  }
0x6a: {  	_ =	swait.ge [sflag:s26], $0x2000  }
0x6b: {  	[sflag:s26] =	ssyncset.done $0x0  }
0x6c: {  	s31 =	sadd.s32 $0x2880, s30;
	[sflag:s26] =	ssyncadd.s32 $0xFFFFE000  }
0x6d: {  	[spmem:s2] =	stream.indirect.scatter.add.f32 [tilespmem:s19], [sflag:$0x5], $0x40, s31, s17, $0xb8;
	[tilespmem:$0x19000] =	vst v63  }
0x6e: {  	_ =	swait.ge [sflag:s15], $0x2000  }
0x6f: {  	[sflag:s15] =	ssyncset.done $0x0  }
0x70: {  	s31 =	sadd.s32 $0x280, s30;
	[sflag:s15] =	ssyncadd.s32 $0xFFFFE000  }
0x71: {  	[tilespmem:s19], [sflag:$0x2] =	stream.indirect.gather [hbm4b:s4+s17], $0x40, s31, s17, $0xb8;
	[tilespmem:$0x19000] =	vst v63  }
0x72: {  	_ =	swait.ge [sflag:s28], $0x2000  }
0x73: {  	[sflag:s28] =	ssyncset.done $0x0  }
0x74: {  	s31 =	sadd.s32 $0x2900, s30;
	[sflag:s28] =	ssyncadd.s32 $0xFFFFE000  }
0x75: {  	[spmem:s2] =	stream.indirect.scatter.add.f32 [tilespmem:s21], [sflag:$0x5], $0x40, s31, s17, $0xb8;
	[tilespmem:$0x19000] =	vst v63  }
0x76: {  	_ =	swait.ge [sflag:s15], $0x2000  }
0x77: {  	[sflag:s15] =	ssyncset.done $0x0  }
0x78: {  	s31 =	sadd.s32 $0x300, s30;
	[sflag:s15] =	ssyncadd.s32 $0xFFFFE000  }
0x79: {  	[tilespmem:s21], [sflag:$0x3] =	stream.indirect.gather [hbm4b:s4+s17], $0x40, s31, s17, $0xb8;
	[tilespmem:$0x19000] =	vst v63  }
0x7a: {  	_ =	swait.ge [sflag:s29], $0x2000  }
0x7b: {  	[sflag:s29] =	ssyncset.done $0x0  }
.Ltmp1:
0x7c: {  	s31 =	sadd.s32 $0x2980, s30;
	[sflag:s29] =	ssyncadd.s32 $0xFFFFE000;
	(pc) =	sbr.rel @p0 .LBB2_4-.Ltmp1, $4  }
0x7d: {  	[spmem:s2] =	stream.indirect.scatter.add.f32 [tilespmem:s23], [sflag:$0x5], $0x40, s31, s17, $0xb8;
	[tilespmem:$0x19000] =	vst v63  }
0x7e: {  	_ =	swait.ge [sflag:s15], $0x2000  }
0x7f: {  	[sflag:s15] =	ssyncset.done $0x0  }
0x80: {  	s30 =	sadd.s32 $0x380, s30;
	[sflag:s15] =	ssyncadd.s32 $0xFFFFE000  }
0x81: {  	[tilespmem:s23], [sflag:$0x4] =	stream.indirect.gather [hbm4b:s4+s17], $0x40, s30, s17, $0xb8;
	[tilespmem:$0x19000] =	vst v63  }
0x82: {  	_ =	swait.ge [sflag:s24], $0x2000  }
0x83: {  	[sflag:s24] =	ssyncset.done $0x0  }
0x84: {  	s22 =	simm.s32 $0x4E00;
	[sflag:s24] =	ssyncadd.s32 $0xFFFFE000  }
0x85: {  	[spmem:s2] =	stream.indirect.scatter.add.f32 [tilespmem:s18], [sflag:$0x5], $0x40, s22, s17, $0xb8;
	[tilespmem:$0x19000] =	vst v63  }
0x86: {  	_ =	swait.ge [sflag:s15], $0x2000  }
0x87: {  	[sflag:s15] =	ssyncset.done $0x0  }
0x88: {  	[sflag:s15] =	ssyncadd.s32 $0xFFFFE000  }
0x89: {  	_ =	swait.ge [sflag:s26], $0x2000  }
0x8a: {  	[sflag:s26] =	ssyncset.done $0x0  }
0x8b: {  	s30 =	simm.s32 $0x4E80;
	[sflag:s26] =	ssyncadd.s32 $0xFFFFE000  }
0x8c: {  	[spmem:s2] =	stream.indirect.scatter.add.f32 [tilespmem:s19], [sflag:$0x5], $0x40, s30, s17, $0xb8;
	[tilespmem:$0x19000] =	vst v63  }
0x8d: {  	_ =	swait.ge [sflag:s15], $0x2000  }
0x8e: {  	[sflag:s15] =	ssyncset.done $0x0  }
0x8f: {  	[sflag:s15] =	ssyncadd.s32 $0xFFFFE000  }
0x90: {  	_ =	swait.ge [sflag:s28], $0x2000  }
0x91: {  	[sflag:s28] =	ssyncset.done $0x0  }
0x92: {  	[sflag:s28] =	ssyncadd.s32 $0xFFFFE000  }
0x93: {  	[spmem:s2] =	stream.indirect.scatter.add.f32 [tilespmem:s21], [sflag:$0x5], $0x40, s0, s17, $0xb8;
	[tilespmem:$0x19000] =	vst v63  }
0x94: {  	_ =	swait.ge [sflag:s15], $0x2000  }
0x95: {  	[sflag:s15] =	ssyncset.done $0x0  }
0x96: {  	[sflag:s15] =	ssyncadd.s32 $0xFFFFE000  }
0x97: {  	_ =	swait.ge [sflag:s29], $0x2000  }
0x98: {  	[sflag:s29] =	ssyncset.done $0x0  }
0x99: {  	[sflag:s29] =	ssyncadd.s32 $0xFFFFE000  }
0x9a: {  	[spmem:s2] =	stream.indirect.scatter.add.f32 [tilespmem:s23], [sflag:$0x5], $0x40, s16, s17, $0xb8;
	[tilespmem:$0x19000] =	vst v63  }
0x9b: {  	_ =	swait.ge [sflag:s15], $0x2000  }
0x9c: {  	s31 =	stileid.u32;
	s3 =	sadd.s32 $0x1, s3;
	[sflag:s15] =	ssyncset.done $0x0  }
0x9d: {  	p0 =	sne.s32 s3, s9;
	s22 =	sshll.u32 s31, $0x6;
	[sflag:s15] =	ssyncadd.s32 $0xFFFFE000  }
.Ltmp2:
0x9e: {  	s22 =	sor.u32 $0x1C05, s22;
	[bflag:$0x0] =	sbarrier.arrive $0xFFFF;
	(pc) =	sbr.rel @p0 .LBB2_1-.Ltmp2, $4  }
0x9f: {  	[hbm:s8@s1], [sflag:s22] =	dma.strided [spmem:s25@s20], $0x1388, s24, $0x8   }
0xa0: {  	_ =	swait.ge [sflag:s15], $0x1388  }
0xa1: {  	[sflag:s15] =	ssyncset.done $0x0  }
0xa2: {  	[sflag:s15] =	ssyncadd.s32 $0xFFFFEC78  }
0xa3: {  	_ =	sfence.sel $0x180000  }
0xa4: {  	[bflag:$0x0] =	sbarrier.arrive $0xFFFF  }
0xa5: {  	_ =	strace $0x90000050  }
0xa6: {  	s0 =	stileid.u32;
	[bflag:$0x2] =	sbarrier.arrive $0xFFFF  }
0xa7: {  	p0 =	sne.s32 s0, $0x0;
	s0 =	rddreg [dreg:$0x2]  }
0xa8: {  	s0 =	sadd.s32 @!p0 $0x100000, s0  }
0xa9: {  	[sflag:s0] =	ssyncadd.tile.s32 @!p0 $0x1;
	_ =	shalt  }
.Lfunc_end2:
_tile_overlayer_lowered:
.L_overlay_start_2:
0xaa: {  	(tag) =	ssettag $0x2  }
0xab: {  	s0 =	rddreg [dreg:$0x0];
	s2 =	stileid.u32  }
0xac: {  	s1 =	rddreg [dreg:$0x1];
	p0 =	sne.s32 s2, $0x0  }
0xad: {  	s3 =	rddreg [dreg:$0x2];
	[bflag:$0x3] =	sbarrier.arrive $0xFFFF;
	s2 =	simm.s32 @!p0 $0x1C05  }
0xae: {  	[timem:s3], [sflag:s2] =	dma.local @!p0 [hbm:s0], s1  }
0xaf: {  	s0 =	simm.s32 @!p0 $0x5  }
0xb0: {  	_ =	swait.ge @!p0 [sflag:s0], s1  }
0xb1: {  	s1 =	ssub.s32 @!p0 $0x0, s1;
	[sflag:s0] =	ssyncset.done @!p0 $0x0  }
0xb2: {  	[sflag:s0] =	ssyncadd.s32 @!p0 s1  }
0xb3: {  	[bflag:$0x3] =	sbarrier.arrive $0xFFFF  }
0xb4: {  	_ =	shalt  }

// kernel: kernel.25.cloned.1.call-start
scs
__scs_entry_jumppad:
0x0: {  	(pc) =	sbr.rel $0x88, $3  }
0x1: {  	(tag) =	ssettag $0x0;
	lr =	simm.s32 $0x1  }
0x2: {  	[smem:$0x3F8C] =	sst lr;
	_ =	strace $0xD0000000  }
0x3: {  	_ = 	snop  }
0x4: {  	_ = 	snop  }
0x5: {  	_ = 	snop  }
0x6: {  	_ = 	snop  }
0x7: {  	_ = 	snop  }
__scs_overlays_trampoline_lowered:
0x8: {  	[smem:$0x3F9B] =	sst s0  }
0x9: {  	[smem:$0x3F9C] =	sst s1  }
0xa: {  	[smem:$0x3F9D] =	sst s2  }
0xb: {  	[smem:$0x3F9E] =	sst s3  }
0xc: {  	[smem:$0x3F9F] =	sst s4  }
0xd: {  	[smem:$0x3FA0] =	sst s5  }
0xe: {  	[smem:$0x3FA1] =	sst s6  }
0xf: {  	[smem:$0x3FA2] =	sst s7  }
0x10: {  	[smem:$0x3FA3] =	sst s8  }
0x11: {  	[smem:$0x3FA4] =	sst s9;
	s0 =	simm.s32 @!p0 $0x0  }
0x12: {  	s1 =	sld [smem:$0x3F8A];
	s0 =	simm.s32 @p0 $0x1  }
0x13: {  	[smem:$0x3FA5] =	sst s0;
	s0 =	simm.s32 @!p1 $0x0  }
0x14: {  	s2 =	sld [smem:$0x3F89];
	s0 =	simm.s32 @p1 $0x1  }
0x15: {  	[smem:$0x3FA6] =	sst s0;
	s0 =	simm.s32 @!p2 $0x0  }
0x16: {  	s3 =	sld [smem:$0x3FDB];
	s0 =	simm.s32 @p2 $0x1  }
0x17: {  	s4 =	simm.s32 $0x1BF5;
	[smem:$0x3FA8] =	sst s0  }
0x18: {  	s0 =	sld [smem:$0x3F8B];
	_ =	swait.ge [sflag:s4], $0x0  }
0x19: {  	s7 =	sld [smem:$0x3F8C]  }
0x1a: {  	s8 =	sadd.s32 $0xFFFFE003, lr  }
0x1b: {  	s9 =	sadd.s32 $0xFFFFFEF7, lr;
	s5 =	simm.s32 $0xFFFFFFFF;
	p2 =	slt.u32 s8, $0xFFFFF086  }
0x1c: {  	p1 =	slt.u32 s9, $0xF7A;
	s5 =	simm.s32 @!p2 $0x0  }
0x1d: {  	s5 =	simm.s32 @p1 $0x1;
	p0 =	seq.s32 s7, s2  }
0x1e: {  	s7 =	smul.u32 @!p0 $0xF7A, s2;
	p2 =	seq.s32 @!p0 s5, $0x0  }
0x1f: {  	s9 =	smul.u32 $0xF7A, s1;
	s8 =	simm.s32 @!p0 $0x1BF5;
	p2 =	por !p2, p0  }
0x20: {  	[sflag:s8] =	ssyncset.s32 @!p0 $0xFFFFF086;
	s6 =	sadd.s32 @!p0 s3, s7;
	s7 =	simm.s32 @!p0 $0x108  }
0x21: {  	s3 =	sadd.s32 s3, s9;
	s6 =	sadd.s32 @!p0 $0x88, s6;
	s7 =	simm.s32 @p2 $0x1082  }
0x22: {  	[simem:s7], [sflag:s8] =	dma.local @!p0 [hbm:s6], $0xF7A  }
0x23: {  	s9 =	sor.u32 $0xD0000000, s2;
	s6 =	simm.s32 $0x108;
	_ =	swait.ge @!p0 [sflag:s8], $0x0  }
0x24: {  	s3 =	sadd.s32 $0x88, s3;
	s6 =	simm.s32 @!p1 $0x1082;
	[sflag:s4] =	ssyncset.s32 $0xFFFFF086  }
0x25: {  	[simem:s6], [sflag:s4] =	dma.local [hbm:s3], $0xF7A  }
0x26: {  	[smem:$0x3F8C] =	sst s1;
	(tag) =	ssettag s2;
	_ =	strace s9  }
0x27: {  	s1 =	sld [smem:$0x3F9C]  }
0x28: {  	s2 =	sld [smem:$0x3F9D]  }
0x29: {  	s4 =	sld [smem:$0x3F9F]  }
0x2a: {  	p0 =	seq.s32 s5, $0x0;
	s5 =	sld [smem:$0x3FA0]  }
0x2b: {  	s6 =	sld [smem:$0x3FA1]  }
0x2c: {  	s7 =	sld [smem:$0x3FA2]  }
0x2d: {  	s3 =	simm.s32 $0x108;
	s8 =	sld [smem:$0x3FA3]  }
0x2e: {  	s3 =	simm.s32 @!p0 $0x1082;
	s9 =	sld [smem:$0x3FA4]  }
0x2f: {  	lr =	sadd.s32 s0, s3;
	s0 =	sld [smem:$0x3F9B]  }
0x30: {  	s3 =	sld [smem:$0x3F9E]  }
0x31: {  	[smem:$0x3FA7] =	sst s10  }
0x32: {  	s10 =	sld [smem:$0x3FA5];
	_ =	sdelay $0x3  }
0x33: {  	p0 =	seq.s32 s10, $0x1;
	s10 =	sld [smem:$0x3FA7];
	_ =	sdelay $0x3  }
0x34: {  	[smem:$0x3FA7] =	sst s10  }
0x35: {  	s10 =	sld [smem:$0x3FA6];
	_ =	sdelay $0x3  }
0x36: {  	p1 =	seq.s32 s10, $0x1;
	s10 =	sld [smem:$0x3FA7];
	_ =	sdelay $0x3  }
0x37: {  	[smem:$0x3FA7] =	sst s10  }
0x38: {  	s10 =	sld [smem:$0x3FA8]  }
0x39: {  	_ = 	snop;
	(pc) =	sbr.ind lr, $3  }
0x3a: {  	_ = 	snop  }
0x3b: {  	_ = 	snop  }
0x3c: {  	p2 =	seq.s32 s10, $0x1;
	s10 =	sld [smem:$0x3FA7]  }
0x3d: {  	_ =	shalt  }
0x3e: {  	_ =	shalt  }
0x3f: {  	_ =	shalt  }
0x40: {  	_ =	shalt  }
0x41: {  	_ =	shalt  }
0x42: {  	_ =	shalt  }
0x43: {  	_ =	shalt  }
0x44: {  	_ =	shalt  }
0x45: {  	_ =	shalt  }
0x46: {  	_ =	shalt  }
0x47: {  	_ =	shalt  }
0x48: {  	_ =	shalt  }
0x49: {  	_ =	shalt  }
0x4a: {  	_ =	shalt  }
0x4b: {  	_ =	shalt  }
0x4c: {  	_ =	shalt  }
0x4d: {  	_ =	shalt  }
0x4e: {  	_ =	shalt  }
0x4f: {  	_ =	shalt  }
0x50: {  	_ =	shalt  }
0x51: {  	_ =	shalt  }
0x52: {  	_ =	shalt  }
0x53: {  	_ =	shalt  }
0x54: {  	_ =	shalt  }
0x55: {  	_ =	shalt  }
0x56: {  	_ =	shalt  }
0x57: {  	_ =	shalt  }
0x58: {  	_ =	shalt  }
0x59: {  	_ =	shalt  }
0x5a: {  	_ =	shalt  }
0x5b: {  	_ =	shalt  }
0x5c: {  	_ =	shalt  }
0x5d: {  	_ =	shalt  }
0x5e: {  	_ =	shalt  }
0x5f: {  	_ =	shalt  }
0x60: {  	_ =	shalt  }
0x61: {  	_ =	shalt  }
0x62: {  	_ =	shalt  }
0x63: {  	_ =	shalt  }
0x64: {  	_ =	shalt  }
0x65: {  	_ =	shalt  }
0x66: {  	_ =	shalt  }
0x67: {  	_ =	shalt  }
0x68: {  	_ =	shalt  }
0x69: {  	_ =	shalt  }
0x6a: {  	_ =	shalt  }
0x6b: {  	_ =	shalt  }
0x6c: {  	_ =	shalt  }
0x6d: {  	_ =	shalt  }
0x6e: {  	_ =	shalt  }
0x6f: {  	_ =	shalt  }
0x70: {  	_ =	shalt  }
0x71: {  	_ =	shalt  }
0x72: {  	_ =	shalt  }
0x73: {  	_ =	shalt  }
0x74: {  	_ =	shalt  }
0x75: {  	_ =	shalt  }
0x76: {  	_ =	shalt  }
0x77: {  	_ =	shalt  }
0x78: {  	_ =	shalt  }
0x79: {  	_ =	shalt  }
0x7a: {  	_ =	shalt  }
0x7b: {  	_ =	shalt  }
0x7c: {  	_ =	shalt  }
0x7d: {  	_ =	shalt  }
0x7e: {  	_ =	shalt  }
0x7f: {  	_ =	shalt  }
0x80: {  	_ =	shalt  }
0x81: {  	_ =	shalt  }
0x82: {  	_ =	shalt  }
0x83: {  	_ =	shalt  }
0x84: {  	_ =	shalt  }
0x85: {  	_ =	shalt  }
0x86: {  	_ =	shalt  }
0x87: {  	_ =	shalt  }
.Lfunc_end0:
.L_simem_size_0:
called_computation.4_lowered:
.L_overlay_start_0:
0x88: {  	s2 =	sld [smem:$0x3FD9]  }
0x89: {  	s3 =	sld [smem:$0x3FFE];
	_ =	sdelay $0x1  }
0x8a: {  	s1 =	srdreg.scid  }
0x8b: {  	s0 =	sand.u32 $0x1, s1  }
0x8c: {  	s16 =	sshll.u32 s0, $0xA;
	s2 =	sadd.s32 s3, s2  }
0x8d: {  	s2 =	sadd.s32 s2, s16  }
0x8e: {  	[smem:$0x3FB3] =	sst s2  }
0x8f: {  	_ = 	snop  }
0x90: {  	(tm) =	ssettm $0x1  }
0x91: {  	s17 =	sld [smem:$0x3FFB];
	_ =	sdelay $0x3  }
0x92: {  	_ =	strace s17  }
0x93: {  	s2 =	sld [smem:$0x3FFC];
	_ =	sdelay $0x3  }
0x94: {  	_ =	strace s2  }
0x95: {  	s2 =	sld [smem:$0x3FFD];
	_ =	sdelay $0x3  }
0x96: {  	_ =	strace s2  }
0x97: {  	_ =	strace $0x8FFFFFFF  }
0x98: {  	s18 =	sld [smem:$0x3FDB];
	_ =	sdelay $0x1  }
0x99: {  	s19 =	simm.s32 $_scs_section_size  }
0x9a: {  	s4 =	simm.s32 $_size__tile_overlayer_lowered;
	s5 =	simm.s32 $_tile_overlayer_lowered  }
0x9b: {  	s22 =	simm.s32 $0x1BFF;
	s21 =	sshll.u32 s5, $0x1;
	s2 =	sadd.s32 s19, s18  }
0x9c: {  	s6 =	simm.s32 $0x0;
	s20 =	sshll.u32 s4, $0x1;
	s4 =	sadd.s32 s21, s2  }
0x9d: {  	[timem:s6], [sflag:s22] =	dma.local [hbm:s4], s20  }
0x9e: {  	_ =	swait.ge [sflag:s22], s20  }
0x9f: {  	s3 =	ssub.s32 $0x0, s20;
	[sflag:s22] =	ssyncset.done $0x0  }
0xa0: {  	[sflag:s22] =	ssyncadd.s32 s3;
	_ =	sdelay $0x1  }
0xa1: {  	s23 =	simm.s32 $0x1B8B  }
0xa2: {  	_ =	swait.ge [sflag:s23], $0x1  }
0xa3: {  	[sflag:s23] =	ssyncset.done $0x0  }
0xa4: {  	s25 =	simm.s32 $0x1B8E;
	s24 =	sld [smem:$0x3FFE];
	[sflag:s23] =	ssyncadd.s32 $0xFFFFFFFF  }
0xa5: {  	s26 =	simm.s32 $execute0_lowered;
	[smem:$0x3FD2] =	sst s25  }
0xa6: {  	s4 =	sshll.u32 s26, $0x1;
	_ =	strace $0x80000052;
	[dreg:$0x1] =	wrdreg $0xFFFFFFFF  }
0xa7: {  	s28 =	simm.s32 $_size_execute0_lowered;
	s2 =	sadd.s32 s2, s4;
	[dreg:$0x0] =	wrdreg $0x0  }
0xa8: {  	s4 =	sshll.u32 s28, $0x1;
	[dreg:$0x2] =	wrdreg s2  }
0xa9: {  	[dreg:$0x3] =	wrdreg s4  }
0xaa: {  	[dreg:$0x4] =	wrdreg $0xC0  }
0xab: {  	_ =	task [dreg:s6], $0x5FFFF  }
0xac: {  	[dreg:$0x1] =	wrdreg $0xFFFFFFFF  }
0xad: {  	[dreg:$0x0] =	wrdreg $0x60  }
0xae: {  	[dreg:$0x2] =	wrdreg s24  }
0xaf: {  	[dreg:$0x3] =	wrdreg $0xF0000  }
0xb0: {  	[dreg:$0x4] =	wrdreg $0x9  }
0xb1: {  	_ =	task.clear_ibuf [dreg:s6], $0x5FFFF;
	_ =	strace $0x90000052  }
0xb2: {  	s29 =	simm.s32 $0x9;
	_ =	strace $0x80000054  }
0xb3: {  	_ =	swait.ge [sflag:s29], $0x1  }
0xb4: {  	[sflag:s29] =	ssyncadd.s32 $0xFFFFFFFF  }
0xb5: {  	_ =	strace $0x90000054  }
0xb6: {  	_ =	sfence  }
0xb7: {  	s30 =	sld [smem:$0x0];
	_ =	sdelay $0x2  }
0xb8: {  	s31 =	sshll.u32 s1, $0xD;
	s1 =	sshrl.u32 s1, $0x2  }
0xb9: {  	s3 =	sand.u32 $0x4000, s31;
	s1 =	sadd.s32 s1, s30  }
0xba: {  	s0 =	sor.u32 s3, s0;
	s1 =	sshll.u32 s1, $0x11  }
0xbb: {  	s0 =	sor.u32 s1, s0  }
0xbc: {  	s0 =	sadd.s32 $0x8F2B, s0  }
0xbd: {  	[sflag:s0] =	ssyncadd.remote.s32 $0x1  }
0xbe: {  	_ =	sfence.sel $0xFFFF  }
0xbf: {  	[dreg:$0x0] =	wrdreg $0xFFFFFFFF;
	(pc) =	sbr.abs _section_cstart, $3  }
0xc0: {  	[dreg:$0x1] =	wrdreg $0xFFFFFFFF  }
0xc1: {  	_ =	task.clear_ibuf [dreg:s6], $0x2FFFF;
	_ =	strace $0x9FFFFFFF  }
0xc2: {  	(tm) =	ssettm $0x7FFFFFFF  }
0xc3: {  	_ =	shalt  }
tec
execute0_lowered:
.L_overlay_start_1:
0x0: {  	(tag) =	ssettag $0x1  }
0x1: {  	s0 =	rddreg [dreg:$0x0]  }
0x2: {  	s2 =	rddreg [dreg:$0x1];
	s1 =	srdreg.scid  }
0x3: {  	s8 =	stileid.u32;
	s3 =	simm.s32 $0x0;
	s14 =	simm.s32 $0x5000  }
0x4: {  	s15 =	simm.s32 $0x5;
	s17 =	simm.s32 $0x80;
	s18 =	simm.s32 $0x7000  }
0x5: {  	s19 =	simm.s32 $0x9000;
	s21 =	simm.s32 $0xB000;
	s23 =	simm.s32 $0xD000  }
0x6: {  	s24 =	simm.s32 $0x1;
	s28 =	simm.s32 $0x3;
	s29 =	simm.s32 $0x4  }
0x7: {  	s16 =	simm.s32 $0x4F80;
	s20 =	simm.s32 $0x8;
	s5 =	smul.u32 $0x13880, s8  }
0x8: {  	s1 =	sand.u32 $0x1, s1;
	[smem:$0x7FF] =	sst s3;
	s26 =	smul.u32 $0x28000, s8  }
0x9: {  	s9 =	smul.u32 $0x27100, s8;
	s4 =	sshll.u32 s1, $0x4;
	s6 =	sshll.u32 s1, $0x6  }
0xa: {  	_ =	strace $0x80000053;
	s1 =	ssub.s32 $0x2, s1;
	s4 =	sor.u32 s8, s4  }
0xb: {  	s5 =	sor.u32 s6, s5;
	s30 =	sshrl.u32 s1, $0x1;
	s6 =	sshrl.u32 s26, $0x2  }
0xc: {  	s31 =	sshrl.u32 s9, $0x2;
	s26 =	simm.s32 $0x2;
	s7 =	smul.u32 $0x500, s4  }
0xd: {  	s4 =	sadd.s32 $0x18400, s0;
	s5 =	sshrl.u32 s5, $0x3;
	s1 =	ssub.s32 s1, s30  }
0xe: {  	s9 =	smax.u32 s1, $0x1;
	s1 =	simm.s32 $0x10;
	s7 =	sadd.s32 s7, s0  }
0xf: {  	s0 =	sadd.s32 s5, s0;
	s5 =	sadd.s32 s6, s2;
	s6 =	sadd.s32 $0x4400, s7  }
0x10: {  	s7 =	sadd.s32 $0xE400, s7;
	s8 =	sadd.s32 $0x2BE00, s0;
	s0 =	sadd.s32 s31, s2  }
0x11: {  	s10 =	sadd.s32 $0x2000, s5;
	s11 =	sadd.s32 $0x4000, s5;
	s12 =	sadd.s32 $0x6000, s5  }
0x12: {  	v0 =	vimm.f32 $0.0e+00;
	s13 =	sadd.s32 $0x8000, s5;
	s25 =	sshrl.u32 s0, $0x3;
	s0 =	simm.s32 $0x4F00  }
.LBB2_1:
0x13: {  	s30 =	simm.s32 $0x100;
	s22 =	simm.s32 $0x0  }
.LBB2_2:
0x14: {  	p0 =	sne.s32 s30, $0x7F00;
	[tilespmem:s22+$0x5030] =	vst v0;
	s31 =	smov.u32 s30;
	s30 =	sadd.s32 $0x100, s30  }
.Ltmp0:
0x15: {  	[tilespmem:s22+$0x5020] =	vst v0;
	(pc) =	sbr.rel @p0 .LBB2_2-.Ltmp0, $3  }
0x16: {  	[tilespmem:s22+$0x5000] =	vst v0  }
0x17: {  	[tilespmem:s22+$0x5010] =	vst v0;
	_ =	sdelay $0x1  }
0x18: {  	s22 =	sshra.s32 s31, $0x2  }
0x19: {  	[tilespmem:s22+$0x5030] =	vst v0  }
0x1a: {  	[tilespmem:s22+$0x5020] =	vst v0  }
0x1b: {  	[tilespmem:s22+$0x5000] =	vst v0  }
0x1c: {  	[tilespmem:s22+$0x5010] =	vst v0  }
0x1d: {  	[spmem:s5] =	stream.linear.scatter [tilespmem:s14], [sflag:$0x5], $0x2000, $0x38;
	[tilespmem:$0x19000] =	vst v63  }
0x1e: {  	_ =	swait.ge [sflag:s15], $0x2000  }
0x1f: {  	[sflag:s15] =	ssyncset.done $0x0  }
0x20: {  	[sflag:s15] =	ssyncadd.s32 $0xFFFFE000  }
0x21: {  	[spmem:s10] =	stream.linear.scatter [tilespmem:s14], [sflag:$0x5], $0x2000, $0x38;
	[tilespmem:$0x19000] =	vst v63  }
0x22: {  	_ =	swait.ge [sflag:s15], $0x2000  }
0x23: {  	[sflag:s15] =	ssyncset.done $0x0  }
0x24: {  	[sflag:s15] =	ssyncadd.s32 $0xFFFFE000  }
0x25: {  	[spmem:s11] =	stream.linear.scatter [tilespmem:s14], [sflag:$0x5], $0x2000, $0x38;
	[tilespmem:$0x19000] =	vst v63  }
0x26: {  	_ =	swait.ge [sflag:s15], $0x2000  }
0x27: {  	[sflag:s15] =	ssyncset.done $0x0  }
0x28: {  	[sflag:s15] =	ssyncadd.s32 $0xFFFFE000  }
0x29: {  	[spmem:s12] =	stream.linear.scatter [tilespmem:s14], [sflag:$0x5], $0x2000, $0x38;
	[tilespmem:$0x19000] =	vst v63  }
0x2a: {  	_ =	swait.ge [sflag:s15], $0x2000  }
0x2b: {  	[sflag:s15] =	ssyncset.done $0x0  }
0x2c: {  	[sflag:s15] =	ssyncadd.s32 $0xFFFFE000  }
0x2d: {  	[spmem:s13] =	stream.linear.scatter [tilespmem:s14], [sflag:$0x5], $0x2000, $0x38;
	[tilespmem:$0x19000] =	vst v63  }
0x2e: {  	_ =	swait.ge [sflag:s15], $0x2000  }
0x2f: {  	[sflag:s15] =	ssyncset.done $0x0  }
0x30: {  	s31 =	simm.s32 $0x0;
	[sflag:s15] =	ssyncadd.s32 $0xFFFFE000  }
0x31: {  	[tilespmem:s31], [sflag:$0x5] =	stream.linear.gather [hbm4b:s6+s31], $0x2800, $0x38;
	[tilespmem:$0x19000] =	vst v63  }
0x32: {  	_ =	swait.ge [sflag:s15], $0x2800  }
0x33: {  	[sflag:s15] =	ssyncset.done $0x0  }
0x34: {  	s30 =	simm.s32 $0x2800;
	[sflag:s15] =	ssyncadd.s32 $0xFFFFD800  }
0x35: {  	[tilespmem:s30], [sflag:$0x5] =	stream.linear.gather [hbm4b:s7+s31], $0x2800, $0x38;
	[tilespmem:$0x19000] =	vst v63  }
0x36: {  	_ =	swait.ge [sflag:s15], $0x2800  }
0x37: {  	[sflag:s15] =	ssyncset.done $0x0  }
0x38: {  	[sflag:s15] =	ssyncadd.s32 $0xFFFFD800  }
0x39: {  	[tilespmem:s18], [sflag:$0x1] =	stream.indirect.gather [hbm4b:s4+s17], $0x40, s31, s17, $0xb8;
	[tilespmem:$0x19000] =	vst v63  }
0x3a: {  	_ = 	snop  }
0x3b: {  	[tilespmem:s19], [sflag:$0x2] =	stream.indirect.gather [hbm4b:s4+s17], $0x40, s17, s17, $0xb8;
	[tilespmem:$0x19000] =	vst v63  }
0x3c: {  	s31 =	simm.s32 $0x100  }
0x3d: {  	[tilespmem:s21], [sflag:$0x3] =	stream.indirect.gather [hbm4b:s4+s17], $0x40, s31, s17, $0xb8;
	[tilespmem:$0x19000] =	vst v63  }
0x3e: {  	s31 =	simm.s32 $0x180  }
0x3f: {  	[tilespmem:s23], [sflag:$0x4] =	stream.indirect.gather [hbm4b:s4+s17], $0x40, s31, s17, $0xb8;
	[tilespmem:$0x19000] =	vst v63  }
0x40: {  	[bflag:$0x0] =	sbarrier.arrive $0xFFFF  }
0x41: {  	_ =	swait.ge [sflag:s24], $0x2000  }
0x42: {  	[sflag:s24] =	ssyncset.done $0x0  }
0x43: {  	s31 =	simm.s32 $0x2800;
	[sflag:s24] =	ssyncadd.s32 $0xFFFFE000  }
0x44: {  	[spmem:s2] =	stream.indirect.scatter.add.f32 [tilespmem:s18], [sflag:$0x5], $0x40, s31, s17, $0xb8;
	[tilespmem:$0x19000] =	vst v63  }
0x45: {  	_ =	swait.ge [sflag:s15], $0x2000  }
0x46: {  	[sflag:s15] =	ssyncset.done $0x0  }
0x47: {  	s31 =	simm.s32 $0x200;
	[sflag:s15] =	ssyncadd.s32 $0xFFFFE000  }
0x48: {  	[tilespmem:s18], [sflag:$0x1] =	stream.indirect.gather [hbm4b:s4+s17], $0x40, s31, s17, $0xb8;
	[tilespmem:$0x19000] =	vst v63  }
0x49: {  	_ =	swait.ge [sflag:s26], $0x2000  }
0x4a: {  	[sflag:s26] =	ssyncset.done $0x0  }
0x4b: {  	s31 =	simm.s32 $0x2880;
	[sflag:s26] =	ssyncadd.s32 $0xFFFFE000  }
0x4c: {  	[spmem:s2] =	stream.indirect.scatter.add.f32 [tilespmem:s19], [sflag:$0x5], $0x40, s31, s17, $0xb8;
	[tilespmem:$0x19000] =	vst v63  }
0x4d: {  	_ =	swait.ge [sflag:s15], $0x2000  }
0x4e: {  	[sflag:s15] =	ssyncset.done $0x0  }
0x4f: {  	s31 =	simm.s32 $0x280;
	[sflag:s15] =	ssyncadd.s32 $0xFFFFE000  }
0x50: {  	[tilespmem:s19], [sflag:$0x2] =	stream.indirect.gather [hbm4b:s4+s17], $0x40, s31, s17, $0xb8;
	[tilespmem:$0x19000] =	vst v63  }
0x51: {  	_ =	swait.ge [sflag:s28], $0x2000  }
0x52: {  	[sflag:s28] =	ssyncset.done $0x0  }
0x53: {  	s31 =	simm.s32 $0x2900;
	[sflag:s28] =	ssyncadd.s32 $0xFFFFE000  }
0x54: {  	[spmem:s2] =	stream.indirect.scatter.add.f32 [tilespmem:s21], [sflag:$0x5], $0x40, s31, s17, $0xb8;
	[tilespmem:$0x19000] =	vst v63  }
0x55: {  	_ =	swait.ge [sflag:s15], $0x2000  }
0x56: {  	[sflag:s15] =	ssyncset.done $0x0  }
0x57: {  	s31 =	simm.s32 $0x300;
	[sflag:s15] =	ssyncadd.s32 $0xFFFFE000  }
0x58: {  	[tilespmem:s21], [sflag:$0x3] =	stream.indirect.gather [hbm4b:s4+s17], $0x40, s31, s17, $0xb8;
	[tilespmem:$0x19000] =	vst v63  }
0x59: {  	_ =	swait.ge [sflag:s29], $0x2000  }
0x5a: {  	[sflag:s29] =	ssyncset.done $0x0  }
0x5b: {  	s31 =	simm.s32 $0x2980;
	[sflag:s29] =	ssyncadd.s32 $0xFFFFE000  }
0x5c: {  	[spmem:s2] =	stream.indirect.scatter.add.f32 [tilespmem:s23], [sflag:$0x5], $0x40, s31, s17, $0xb8;
	[tilespmem:$0x19000] =	vst v63  }
0x5d: {  	_ =	swait.ge [sflag:s15], $0x2000  }
0x5e: {  	[sflag:s15] =	ssyncset.done $0x0  }
0x5f: {  	s22 =	simm.s32 $0x800;
	s30 =	simm.s32 $0x380;
	[sflag:s15] =	ssyncadd.s32 $0xFFFFE000  }
.LBB2_4:
0x60: {  	[tilespmem:s23], [sflag:$0x4] =	stream.indirect.gather [hbm4b:s4+s17], $0x40, s30, s17, $0xb8;
	[tilespmem:$0x19000] =	vst v63  }
0x61: {  	s30 =	smov.u32 s22  }
0x62: {  	p0 =	sne.s32 s22, $0x9000;
	s22 =	sadd.s32 $0x800, s22;
	_ =	swait.ge [sflag:s24], $0x2000  }
0x63: {  	s30 =	sshra.s32 s30, $0x2;
	[sflag:s24] =	ssyncset.done $0x0  }
0x64: {  	s31 =	sadd.s32 $0x2800, s30;
	[sflag:s24] =	ssyncadd.s32 $0xFFFFE000  }
0x65: {  	[spmem:s2] =	stream.indirect.scatter.add.f32 [tilespmem:s18], [sflag:$0x5], $0x40, s31, s17, $0xb8;
	[tilespmem:$0x19000] =	vst v63  }
0x66: {  	_ =	swait.ge [sflag:s15], $0x2000  }
0x67: {  	[sflag:s15] =	ssyncset.done $0x0  }
0x68: {  	s31 =	sadd.s32 $0x200, s30;
	[sflag:s15] =	ssyncadd.s32 $0xFFFFE000  }
0x69: {  	[tilespmem:s18], [sflag:$0x1] =	stream.indirect.gather [hbm4b:s4+s17], $0x40, s31, s17, $0xb8;
	[tilespmem:$0x19000] =	vst v63  }
0x6a: {  	_ =	swait.ge [sflag:s26], $0x2000  }
0x6b: {  	[sflag:s26] =	ssyncset.done $0x0  }
0x6c: {  	s31 =	sadd.s32 $0x2880, s30;
	[sflag:s26] =	ssyncadd.s32 $0xFFFFE000  }
0x6d: {  	[spmem:s2] =	stream.indirect.scatter.add.f32 [tilespmem:s19], [sflag:$0x5], $0x40, s31, s17, $0xb8;
	[tilespmem:$0x19000] =	vst v63  }
0x6e: {  	_ =	swait.ge [sflag:s15], $0x2000  }
0x6f: {  	[sflag:s15] =	ssyncset.done $0x0  }
0x70: {  	s31 =	sadd.s32 $0x280, s30;
	[sflag:s15] =	ssyncadd.s32 $0xFFFFE000  }
0x71: {  	[tilespmem:s19], [sflag:$0x2] =	stream.indirect.gather [hbm4b:s4+s17], $0x40, s31, s17, $0xb8;
	[tilespmem:$0x19000] =	vst v63  }
0x72: {  	_ =	swait.ge [sflag:s28], $0x2000  }
0x73: {  	[sflag:s28] =	ssyncset.done $0x0  }
0x74: {  	s31 =	sadd.s32 $0x2900, s30;
	[sflag:s28] =	ssyncadd.s32 $0xFFFFE000  }
0x75: {  	[spmem:s2] =	stream.indirect.scatter.add.f32 [tilespmem:s21], [sflag:$0x5], $0x40, s31, s17, $0xb8;
	[tilespmem:$0x19000] =	vst v63  }
0x76: {  	_ =	swait.ge [sflag:s15], $0x2000  }
0x77: {  	[sflag:s15] =	ssyncset.done $0x0  }
0x78: {  	s31 =	sadd.s32 $0x300, s30;
	[sflag:s15] =	ssyncadd.s32 $0xFFFFE000  }
0x79: {  	[tilespmem:s21], [sflag:$0x3] =	stream.indirect.gather [hbm4b:s4+s17], $0x40, s31, s17, $0xb8;
	[tilespmem:$0x19000] =	vst v63  }
0x7a: {  	_ =	swait.ge [sflag:s29], $0x2000  }
0x7b: {  	[sflag:s29] =	ssyncset.done $0x0  }
.Ltmp1:
0x7c: {  	s31 =	sadd.s32 $0x2980, s30;
	[sflag:s29] =	ssyncadd.s32 $0xFFFFE000;
	(pc) =	sbr.rel @p0 .LBB2_4-.Ltmp1, $4  }
0x7d: {  	[spmem:s2] =	stream.indirect.scatter.add.f32 [tilespmem:s23], [sflag:$0x5], $0x40, s31, s17, $0xb8;
	[tilespmem:$0x19000] =	vst v63  }
0x7e: {  	_ =	swait.ge [sflag:s15], $0x2000  }
0x7f: {  	[sflag:s15] =	ssyncset.done $0x0  }
0x80: {  	s30 =	sadd.s32 $0x380, s30;
	[sflag:s15] =	ssyncadd.s32 $0xFFFFE000  }
0x81: {  	[tilespmem:s23], [sflag:$0x4] =	stream.indirect.gather [hbm4b:s4+s17], $0x40, s30, s17, $0xb8;
	[tilespmem:$0x19000] =	vst v63  }
0x82: {  	_ =	swait.ge [sflag:s24], $0x2000  }
0x83: {  	[sflag:s24] =	ssyncset.done $0x0  }
0x84: {  	s22 =	simm.s32 $0x4E00;
	[sflag:s24] =	ssyncadd.s32 $0xFFFFE000  }
0x85: {  	[spmem:s2] =	stream.indirect.scatter.add.f32 [tilespmem:s18], [sflag:$0x5], $0x40, s22, s17, $0xb8;
	[tilespmem:$0x19000] =	vst v63  }
0x86: {  	_ =	swait.ge [sflag:s15], $0x2000  }
0x87: {  	[sflag:s15] =	ssyncset.done $0x0  }
0x88: {  	[sflag:s15] =	ssyncadd.s32 $0xFFFFE000  }
0x89: {  	_ =	swait.ge [sflag:s26], $0x2000  }
0x8a: {  	[sflag:s26] =	ssyncset.done $0x0  }
0x8b: {  	s30 =	simm.s32 $0x4E80;
	[sflag:s26] =	ssyncadd.s32 $0xFFFFE000  }
0x8c: {  	[spmem:s2] =	stream.indirect.scatter.add.f32 [tilespmem:s19], [sflag:$0x5], $0x40, s30, s17, $0xb8;
	[tilespmem:$0x19000] =	vst v63  }
0x8d: {  	_ =	swait.ge [sflag:s15], $0x2000  }
0x8e: {  	[sflag:s15] =	ssyncset.done $0x0  }
0x8f: {  	[sflag:s15] =	ssyncadd.s32 $0xFFFFE000  }
0x90: {  	_ =	swait.ge [sflag:s28], $0x2000  }
0x91: {  	[sflag:s28] =	ssyncset.done $0x0  }
0x92: {  	[sflag:s28] =	ssyncadd.s32 $0xFFFFE000  }
0x93: {  	[spmem:s2] =	stream.indirect.scatter.add.f32 [tilespmem:s21], [sflag:$0x5], $0x40, s0, s17, $0xb8;
	[tilespmem:$0x19000] =	vst v63  }
0x94: {  	_ =	swait.ge [sflag:s15], $0x2000  }
0x95: {  	[sflag:s15] =	ssyncset.done $0x0  }
0x96: {  	[sflag:s15] =	ssyncadd.s32 $0xFFFFE000  }
0x97: {  	_ =	swait.ge [sflag:s29], $0x2000  }
0x98: {  	[sflag:s29] =	ssyncset.done $0x0  }
0x99: {  	[sflag:s29] =	ssyncadd.s32 $0xFFFFE000  }
0x9a: {  	[spmem:s2] =	stream.indirect.scatter.add.f32 [tilespmem:s23], [sflag:$0x5], $0x40, s16, s17, $0xb8;
	[tilespmem:$0x19000] =	vst v63  }
0x9b: {  	_ =	swait.ge [sflag:s15], $0x2000  }
0x9c: {  	s31 =	stileid.u32;
	s3 =	sadd.s32 $0x1, s3;
	[sflag:s15] =	ssyncset.done $0x0  }
0x9d: {  	p0 =	sne.s32 s3, s9;
	s22 =	sshll.u32 s31, $0x6;
	[sflag:s15] =	ssyncadd.s32 $0xFFFFE000  }
.Ltmp2:
0x9e: {  	s22 =	sor.u32 $0x1C05, s22;
	[bflag:$0x0] =	sbarrier.arrive $0xFFFF;
	(pc) =	sbr.rel @p0 .LBB2_1-.Ltmp2, $4  }
0x9f: {  	[hbm:s8@s1], [sflag:s22] =	dma.strided [spmem:s25@s20], $0x1388, s24, $0x8   }
0xa0: {  	_ =	swait.ge [sflag:s15], $0x1388  }
0xa1: {  	[sflag:s15] =	ssyncset.done $0x0  }
0xa2: {  	[sflag:s15] =	ssyncadd.s32 $0xFFFFEC78  }
0xa3: {  	_ =	sfence.sel $0x180000  }
0xa4: {  	[bflag:$0x0] =	sbarrier.arrive $0xFFFF  }
0xa5: {  	_ =	strace $0x90000053  }
0xa6: {  	s0 =	stileid.u32;
	[bflag:$0x2] =	sbarrier.arrive $0xFFFF  }
0xa7: {  	p0 =	sne.s32 s0, $0x0;
	s0 =	rddreg [dreg:$0x2]  }
0xa8: {  	s0 =	sadd.s32 @!p0 $0x100000, s0  }
0xa9: {  	[sflag:s0] =	ssyncadd.tile.s32 @!p0 $0x1;
	_ =	shalt  }
.Lfunc_end2:
_tile_overlayer_lowered:
.L_overlay_start_2:
0xaa: {  	(tag) =	ssettag $0x2  }
0xab: {  	s0 =	rddreg [dreg:$0x0];
	s2 =	stileid.u32  }
0xac: {  	s1 =	rddreg [dreg:$0x1];
	p0 =	sne.s32 s2, $0x0  }
0xad: {  	s3 =	rddreg [dreg:$0x2];
	[bflag:$0x3] =	sbarrier.arrive $0xFFFF;
	s2 =	simm.s32 @!p0 $0x1C05  }
0xae: {  	[timem:s3], [sflag:s2] =	dma.local @!p0 [hbm:s0], s1  }
0xaf: {  	s0 =	simm.s32 @!p0 $0x5  }
0xb0: {  	_ =	swait.ge @!p0 [sflag:s0], s1  }
0xb1: {  	s1 =	ssub.s32 @!p0 $0x0, s1;
	[sflag:s0] =	ssyncset.done @!p0 $0x0  }
0xb2: {  	[sflag:s0] =	ssyncadd.s32 @!p0 s1  }
0xb3: {  	[bflag:$0x3] =	sbarrier.arrive $0xFFFF  }
0xb4: {  	_ =	shalt  }

// kernel: kernel.28.cloned.1.call-start
scs
__scs_entry_jumppad:
0x0: {  	(pc) =	sbr.rel $0x88, $3  }
0x1: {  	(tag) =	ssettag $0x0;
	lr =	simm.s32 $0x1  }
0x2: {  	[smem:$0x3F8C] =	sst lr;
	_ =	strace $0xD0000000  }
0x3: {  	_ = 	snop  }
0x4: {  	_ = 	snop  }
0x5: {  	_ = 	snop  }
0x6: {  	_ = 	snop  }
0x7: {  	_ = 	snop  }
__scs_overlays_trampoline_lowered:
0x8: {  	[smem:$0x3F9B] =	sst s0  }
0x9: {  	[smem:$0x3F9C] =	sst s1  }
0xa: {  	[smem:$0x3F9D] =	sst s2  }
0xb: {  	[smem:$0x3F9E] =	sst s3  }
0xc: {  	[smem:$0x3F9F] =	sst s4  }
0xd: {  	[smem:$0x3FA0] =	sst s5  }
0xe: {  	[smem:$0x3FA1] =	sst s6  }
0xf: {  	[smem:$0x3FA2] =	sst s7  }
0x10: {  	[smem:$0x3FA3] =	sst s8  }
0x11: {  	[smem:$0x3FA4] =	sst s9;
	s0 =	simm.s32 @!p0 $0x0  }
0x12: {  	s1 =	sld [smem:$0x3F8A];
	s0 =	simm.s32 @p0 $0x1  }
0x13: {  	[smem:$0x3FA5] =	sst s0;
	s0 =	simm.s32 @!p1 $0x0  }
0x14: {  	s2 =	sld [smem:$0x3F89];
	s0 =	simm.s32 @p1 $0x1  }
0x15: {  	[smem:$0x3FA6] =	sst s0;
	s0 =	simm.s32 @!p2 $0x0  }
0x16: {  	s3 =	sld [smem:$0x3FDB];
	s0 =	simm.s32 @p2 $0x1  }
0x17: {  	s4 =	simm.s32 $0x1BF5;
	[smem:$0x3FA8] =	sst s0  }
0x18: {  	s0 =	sld [smem:$0x3F8B];
	_ =	swait.ge [sflag:s4], $0x0  }
0x19: {  	s7 =	sld [smem:$0x3F8C]  }
0x1a: {  	s8 =	sadd.s32 $0xFFFFE003, lr  }
0x1b: {  	s9 =	sadd.s32 $0xFFFFFEF7, lr;
	s5 =	simm.s32 $0xFFFFFFFF;
	p2 =	slt.u32 s8, $0xFFFFF086  }
0x1c: {  	p1 =	slt.u32 s9, $0xF7A;
	s5 =	simm.s32 @!p2 $0x0  }
0x1d: {  	s5 =	simm.s32 @p1 $0x1;
	p0 =	seq.s32 s7, s2  }
0x1e: {  	s7 =	smul.u32 @!p0 $0xF7A, s2;
	p2 =	seq.s32 @!p0 s5, $0x0  }
0x1f: {  	s9 =	smul.u32 $0xF7A, s1;
	s8 =	simm.s32 @!p0 $0x1BF5;
	p2 =	por !p2, p0  }
0x20: {  	[sflag:s8] =	ssyncset.s32 @!p0 $0xFFFFF086;
	s6 =	sadd.s32 @!p0 s3, s7;
	s7 =	simm.s32 @!p0 $0x108  }
0x21: {  	s3 =	sadd.s32 s3, s9;
	s6 =	sadd.s32 @!p0 $0x88, s6;
	s7 =	simm.s32 @p2 $0x1082  }
0x22: {  	[simem:s7], [sflag:s8] =	dma.local @!p0 [hbm:s6], $0xF7A  }
0x23: {  	s9 =	sor.u32 $0xD0000000, s2;
	s6 =	simm.s32 $0x108;
	_ =	swait.ge @!p0 [sflag:s8], $0x0  }
0x24: {  	s3 =	sadd.s32 $0x88, s3;
	s6 =	simm.s32 @!p1 $0x1082;
	[sflag:s4] =	ssyncset.s32 $0xFFFFF086  }
0x25: {  	[simem:s6], [sflag:s4] =	dma.local [hbm:s3], $0xF7A  }
0x26: {  	[smem:$0x3F8C] =	sst s1;
	(tag) =	ssettag s2;
	_ =	strace s9  }
0x27: {  	s1 =	sld [smem:$0x3F9C]  }
0x28: {  	s2 =	sld [smem:$0x3F9D]  }
0x29: {  	s4 =	sld [smem:$0x3F9F]  }
0x2a: {  	p0 =	seq.s32 s5, $0x0;
	s5 =	sld [smem:$0x3FA0]  }
0x2b: {  	s6 =	sld [smem:$0x3FA1]  }
0x2c: {  	s7 =	sld [smem:$0x3FA2]  }
0x2d: {  	s3 =	simm.s32 $0x108;
	s8 =	sld [smem:$0x3FA3]  }
0x2e: {  	s3 =	simm.s32 @!p0 $0x1082;
	s9 =	sld [smem:$0x3FA4]  }
0x2f: {  	lr =	sadd.s32 s0, s3;
	s0 =	sld [smem:$0x3F9B]  }
0x30: {  	s3 =	sld [smem:$0x3F9E]  }
0x31: {  	[smem:$0x3FA7] =	sst s10  }
0x32: {  	s10 =	sld [smem:$0x3FA5];
	_ =	sdelay $0x3  }
0x33: {  	p0 =	seq.s32 s10, $0x1;
	s10 =	sld [smem:$0x3FA7];
	_ =	sdelay $0x3  }
0x34: {  	[smem:$0x3FA7] =	sst s10  }
0x35: {  	s10 =	sld [smem:$0x3FA6];
	_ =	sdelay $0x3  }
0x36: {  	p1 =	seq.s32 s10, $0x1;
	s10 =	sld [smem:$0x3FA7];
	_ =	sdelay $0x3  }
0x37: {  	[smem:$0x3FA7] =	sst s10  }
0x38: {  	s10 =	sld [smem:$0x3FA8]  }
0x39: {  	_ = 	snop;
	(pc) =	sbr.ind lr, $3  }
0x3a: {  	_ = 	snop  }
0x3b: {  	_ = 	snop  }
0x3c: {  	p2 =	seq.s32 s10, $0x1;
	s10 =	sld [smem:$0x3FA7]  }
0x3d: {  	_ =	shalt  }
0x3e: {  	_ =	shalt  }
0x3f: {  	_ =	shalt  }
0x40: {  	_ =	shalt  }
0x41: {  	_ =	shalt  }
0x42: {  	_ =	shalt  }
0x43: {  	_ =	shalt  }
0x44: {  	_ =	shalt  }
0x45: {  	_ =	shalt  }
0x46: {  	_ =	shalt  }
0x47: {  	_ =	shalt  }
0x48: {  	_ =	shalt  }
0x49: {  	_ =	shalt  }
0x4a: {  	_ =	shalt  }
0x4b: {  	_ =	shalt  }
0x4c: {  	_ =	shalt  }
0x4d: {  	_ =	shalt  }
0x4e: {  	_ =	shalt  }
0x4f: {  	_ =	shalt  }
0x50: {  	_ =	shalt  }
0x51: {  	_ =	shalt  }
0x52: {  	_ =	shalt  }
0x53: {  	_ =	shalt  }
0x54: {  	_ =	shalt  }
0x55: {  	_ =	shalt  }
0x56: {  	_ =	shalt  }
0x57: {  	_ =	shalt  }
0x58: {  	_ =	shalt  }
0x59: {  	_ =	shalt  }
0x5a: {  	_ =	shalt  }
0x5b: {  	_ =	shalt  }
0x5c: {  	_ =	shalt  }
0x5d: {  	_ =	shalt  }
0x5e: {  	_ =	shalt  }
0x5f: {  	_ =	shalt  }
0x60: {  	_ =	shalt  }
0x61: {  	_ =	shalt  }
0x62: {  	_ =	shalt  }
0x63: {  	_ =	shalt  }
0x64: {  	_ =	shalt  }
0x65: {  	_ =	shalt  }
0x66: {  	_ =	shalt  }
0x67: {  	_ =	shalt  }
0x68: {  	_ =	shalt  }
0x69: {  	_ =	shalt  }
0x6a: {  	_ =	shalt  }
0x6b: {  	_ =	shalt  }
0x6c: {  	_ =	shalt  }
0x6d: {  	_ =	shalt  }
0x6e: {  	_ =	shalt  }
0x6f: {  	_ =	shalt  }
0x70: {  	_ =	shalt  }
0x71: {  	_ =	shalt  }
0x72: {  	_ =	shalt  }
0x73: {  	_ =	shalt  }
0x74: {  	_ =	shalt  }
0x75: {  	_ =	shalt  }
0x76: {  	_ =	shalt  }
0x77: {  	_ =	shalt  }
0x78: {  	_ =	shalt  }
0x79: {  	_ =	shalt  }
0x7a: {  	_ =	shalt  }
0x7b: {  	_ =	shalt  }
0x7c: {  	_ =	shalt  }
0x7d: {  	_ =	shalt  }
0x7e: {  	_ =	shalt  }
0x7f: {  	_ =	shalt  }
0x80: {  	_ =	shalt  }
0x81: {  	_ =	shalt  }
0x82: {  	_ =	shalt  }
0x83: {  	_ =	shalt  }
0x84: {  	_ =	shalt  }
0x85: {  	_ =	shalt  }
0x86: {  	_ =	shalt  }
0x87: {  	_ =	shalt  }
.Lfunc_end0:
.L_simem_size_0:
called_computation.5_lowered:
.L_overlay_start_0:
0x88: {  	s2 =	sld [smem:$0x3FD9]  }
0x89: {  	s3 =	sld [smem:$0x3FFE];
	_ =	sdelay $0x1  }
0x8a: {  	s1 =	srdreg.scid  }
0x8b: {  	s0 =	sand.u32 $0x1, s1  }
0x8c: {  	s16 =	sshll.u32 s0, $0xA;
	s2 =	sadd.s32 s3, s2  }
0x8d: {  	s2 =	sadd.s32 s2, s16  }
0x8e: {  	[smem:$0x3FB3] =	sst s2  }
0x8f: {  	_ = 	snop  }
0x90: {  	(tm) =	ssettm $0x1  }
0x91: {  	s17 =	sld [smem:$0x3FFB];
	_ =	sdelay $0x3  }
0x92: {  	_ =	strace s17  }
0x93: {  	s2 =	sld [smem:$0x3FFC];
	_ =	sdelay $0x3  }
0x94: {  	_ =	strace s2  }
0x95: {  	s2 =	sld [smem:$0x3FFD];
	_ =	sdelay $0x3  }
0x96: {  	_ =	strace s2  }
0x97: {  	_ =	strace $0x8FFFFFFF  }
0x98: {  	s18 =	sld [smem:$0x3FDB];
	_ =	sdelay $0x1  }
0x99: {  	s19 =	simm.s32 $_scs_section_size  }
0x9a: {  	s4 =	simm.s32 $_size__tile_overlayer_lowered;
	s5 =	simm.s32 $_tile_overlayer_lowered  }
0x9b: {  	s22 =	simm.s32 $0x1BFF;
	s21 =	sshll.u32 s5, $0x1;
	s2 =	sadd.s32 s19, s18  }
0x9c: {  	s6 =	simm.s32 $0x0;
	s20 =	sshll.u32 s4, $0x1;
	s4 =	sadd.s32 s21, s2  }
0x9d: {  	[timem:s6], [sflag:s22] =	dma.local [hbm:s4], s20  }
0x9e: {  	_ =	swait.ge [sflag:s22], s20  }
0x9f: {  	s3 =	ssub.s32 $0x0, s20;
	[sflag:s22] =	ssyncset.done $0x0  }
0xa0: {  	[sflag:s22] =	ssyncadd.s32 s3;
	_ =	sdelay $0x1  }
0xa1: {  	s23 =	simm.s32 $0x1B8B  }
0xa2: {  	_ =	swait.ge [sflag:s23], $0x1  }
0xa3: {  	[sflag:s23] =	ssyncset.done $0x0  }
0xa4: {  	s25 =	simm.s32 $0x1B8E;
	s24 =	sld [smem:$0x3FFE];
	[sflag:s23] =	ssyncadd.s32 $0xFFFFFFFF  }
0xa5: {  	s26 =	simm.s32 $execute0_lowered;
	[smem:$0x3FD2] =	sst s25  }
0xa6: {  	s4 =	sshll.u32 s26, $0x1;
	_ =	strace $0x80000055;
	[dreg:$0x1] =	wrdreg $0xFFFFFFFF  }
0xa7: {  	s28 =	simm.s32 $_size_execute0_lowered;
	s2 =	sadd.s32 s2, s4;
	[dreg:$0x0] =	wrdreg $0x0  }
0xa8: {  	s4 =	sshll.u32 s28, $0x1;
	[dreg:$0x2] =	wrdreg s2  }
0xa9: {  	[dreg:$0x3] =	wrdreg s4  }
0xaa: {  	[dreg:$0x4] =	wrdreg $0xC0  }
0xab: {  	_ =	task [dreg:s6], $0x5FFFF  }
0xac: {  	[dreg:$0x1] =	wrdreg $0xFFFFFFFF  }
0xad: {  	[dreg:$0x0] =	wrdreg $0x60  }
0xae: {  	[dreg:$0x2] =	wrdreg s24  }
0xaf: {  	[dreg:$0x3] =	wrdreg $0xF0000  }
0xb0: {  	[dreg:$0x4] =	wrdreg $0x9  }
0xb1: {  	_ =	task.clear_ibuf [dreg:s6], $0x5FFFF;
	_ =	strace $0x90000055  }
0xb2: {  	s29 =	simm.s32 $0x9;
	_ =	strace $0x80000057  }
0xb3: {  	_ =	swait.ge [sflag:s29], $0x1  }
0xb4: {  	[sflag:s29] =	ssyncadd.s32 $0xFFFFFFFF  }
0xb5: {  	_ =	strace $0x90000057  }
0xb6: {  	_ =	sfence  }
0xb7: {  	s30 =	sld [smem:$0x0];
	_ =	sdelay $0x2  }
0xb8: {  	s31 =	sshll.u32 s1, $0xD;
	s1 =	sshrl.u32 s1, $0x2  }
0xb9: {  	s3 =	sand.u32 $0x4000, s31;
	s1 =	sadd.s32 s1, s30  }
0xba: {  	s0 =	sor.u32 s3, s0;
	s1 =	sshll.u32 s1, $0x11  }
0xbb: {  	s0 =	sor.u32 s1, s0  }
0xbc: {  	s0 =	sadd.s32 $0x8F2B, s0  }
0xbd: {  	[sflag:s0] =	ssyncadd.remote.s32 $0x1  }
0xbe: {  	_ =	sfence.sel $0xFFFF  }
0xbf: {  	[dreg:$0x0] =	wrdreg $0xFFFFFFFF;
	(pc) =	sbr.abs _section_cstart, $3  }
0xc0: {  	[dreg:$0x1] =	wrdreg $0xFFFFFFFF  }
0xc1: {  	_ =	task.clear_ibuf [dreg:s6], $0x2FFFF;
	_ =	strace $0x9FFFFFFF  }
0xc2: {  	(tm) =	ssettm $0x7FFFFFFF  }
0xc3: {  	_ =	shalt  }
tec
execute0_lowered:
.L_overlay_start_1:
0x0: {  	(tag) =	ssettag $0x1  }
0x1: {  	s0 =	rddreg [dreg:$0x0]  }
0x2: {  	s2 =	rddreg [dreg:$0x1];
	s1 =	srdreg.scid  }
0x3: {  	s8 =	stileid.u32;
	s3 =	simm.s32 $0x0;
	s14 =	simm.s32 $0x5000  }
0x4: {  	s15 =	simm.s32 $0x5;
	s17 =	simm.s32 $0x80;
	s18 =	simm.s32 $0x7000  }
0x5: {  	s19 =	simm.s32 $0x9000;
	s21 =	simm.s32 $0xB000;
	s23 =	simm.s32 $0xD000  }
0x6: {  	s24 =	simm.s32 $0x1;
	s28 =	simm.s32 $0x3;
	s29 =	simm.s32 $0x4  }
0x7: {  	s16 =	simm.s32 $0x4F80;
	s20 =	simm.s32 $0x8;
	s5 =	smul.u32 $0x13880, s8  }
0x8: {  	s1 =	sand.u32 $0x1, s1;
	[smem:$0x7FF] =	sst s3;
	s26 =	smul.u32 $0x28000, s8  }
0x9: {  	s9 =	smul.u32 $0x27100, s8;
	s4 =	sshll.u32 s1, $0x4;
	s6 =	sshll.u32 s1, $0x6  }
0xa: {  	_ =	strace $0x80000056;
	s1 =	ssub.s32 $0x2, s1;
	s4 =	sor.u32 s8, s4  }
0xb: {  	s5 =	sor.u32 s6, s5;
	s30 =	sshrl.u32 s1, $0x1;
	s6 =	sshrl.u32 s26, $0x2  }
0xc: {  	s31 =	sshrl.u32 s9, $0x2;
	s26 =	simm.s32 $0x2;
	s7 =	smul.u32 $0x500, s4  }
0xd: {  	s4 =	sadd.s32 $0x18400, s0;
	s5 =	sshrl.u32 s5, $0x3;
	s1 =	ssub.s32 s1, s30  }
0xe: {  	s9 =	smax.u32 s1, $0x1;
	s1 =	simm.s32 $0x10;
	s7 =	sadd.s32 s7, s0  }
0xf: {  	s0 =	sadd.s32 s5, s0;
	s5 =	sadd.s32 s6, s2;
	s6 =	sadd.s32 $0x4400, s7  }
0x10: {  	s7 =	sadd.s32 $0xE400, s7;
	s8 =	sadd.s32 $0x2BE00, s0;
	s0 =	sadd.s32 s31, s2  }
0x11: {  	s10 =	sadd.s32 $0x2000, s5;
	s11 =	sadd.s32 $0x4000, s5;
	s12 =	sadd.s32 $0x6000, s5  }
0x12: {  	v0 =	vimm.f32 $0.0e+00;
	s13 =	sadd.s32 $0x8000, s5;
	s25 =	sshrl.u32 s0, $0x3;
	s0 =	simm.s32 $0x4F00  }
.LBB2_1:
0x13: {  	s30 =	simm.s32 $0x100;
	s22 =	simm.s32 $0x0  }
.LBB2_2:
0x14: {  	p0 =	sne.s32 s30, $0x7F00;
	[tilespmem:s22+$0x5030] =	vst v0;
	s31 =	smov.u32 s30;
	s30 =	sadd.s32 $0x100, s30  }
.Ltmp0:
0x15: {  	[tilespmem:s22+$0x5020] =	vst v0;
	(pc) =	sbr.rel @p0 .LBB2_2-.Ltmp0, $3  }
0x16: {  	[tilespmem:s22+$0x5000] =	vst v0  }
0x17: {  	[tilespmem:s22+$0x5010] =	vst v0;
	_ =	sdelay $0x1  }
0x18: {  	s22 =	sshra.s32 s31, $0x2  }
0x19: {  	[tilespmem:s22+$0x5030] =	vst v0  }
0x1a: {  	[tilespmem:s22+$0x5020] =	vst v0  }
0x1b: {  	[tilespmem:s22+$0x5000] =	vst v0  }
0x1c: {  	[tilespmem:s22+$0x5010] =	vst v0  }
0x1d: {  	[spmem:s5] =	stream.linear.scatter [tilespmem:s14], [sflag:$0x5], $0x2000, $0x38;
	[tilespmem:$0x19000] =	vst v63  }
0x1e: {  	_ =	swait.ge [sflag:s15], $0x2000  }
0x1f: {  	[sflag:s15] =	ssyncset.done $0x0  }
0x20: {  	[sflag:s15] =	ssyncadd.s32 $0xFFFFE000  }
0x21: {  	[spmem:s10] =	stream.linear.scatter [tilespmem:s14], [sflag:$0x5], $0x2000, $0x38;
	[tilespmem:$0x19000] =	vst v63  }
0x22: {  	_ =	swait.ge [sflag:s15], $0x2000  }
0x23: {  	[sflag:s15] =	ssyncset.done $0x0  }
0x24: {  	[sflag:s15] =	ssyncadd.s32 $0xFFFFE000  }
0x25: {  	[spmem:s11] =	stream.linear.scatter [tilespmem:s14], [sflag:$0x5], $0x2000, $0x38;
	[tilespmem:$0x19000] =	vst v63  }
0x26: {  	_ =	swait.ge [sflag:s15], $0x2000  }
0x27: {  	[sflag:s15] =	ssyncset.done $0x0  }
0x28: {  	[sflag:s15] =	ssyncadd.s32 $0xFFFFE000  }
0x29: {  	[spmem:s12] =	stream.linear.scatter [tilespmem:s14], [sflag:$0x5], $0x2000, $0x38;
	[tilespmem:$0x19000] =	vst v63  }
0x2a: {  	_ =	swait.ge [sflag:s15], $0x2000  }
0x2b: {  	[sflag:s15] =	ssyncset.done $0x0  }
0x2c: {  	[sflag:s15] =	ssyncadd.s32 $0xFFFFE000  }
0x2d: {  	[spmem:s13] =	stream.linear.scatter [tilespmem:s14], [sflag:$0x5], $0x2000, $0x38;
	[tilespmem:$0x19000] =	vst v63  }
0x2e: {  	_ =	swait.ge [sflag:s15], $0x2000  }
0x2f: {  	[sflag:s15] =	ssyncset.done $0x0  }
0x30: {  	s31 =	simm.s32 $0x0;
	[sflag:s15] =	ssyncadd.s32 $0xFFFFE000  }
0x31: {  	[tilespmem:s31], [sflag:$0x5] =	stream.linear.gather [hbm4b:s6+s31], $0x2800, $0x38;
	[tilespmem:$0x19000] =	vst v63  }
0x32: {  	_ =	swait.ge [sflag:s15], $0x2800  }
0x33: {  	[sflag:s15] =	ssyncset.done $0x0  }
0x34: {  	s30 =	simm.s32 $0x2800;
	[sflag:s15] =	ssyncadd.s32 $0xFFFFD800  }
0x35: {  	[tilespmem:s30], [sflag:$0x5] =	stream.linear.gather [hbm4b:s7+s31], $0x2800, $0x38;
	[tilespmem:$0x19000] =	vst v63  }
0x36: {  	_ =	swait.ge [sflag:s15], $0x2800  }
0x37: {  	[sflag:s15] =	ssyncset.done $0x0  }
0x38: {  	[sflag:s15] =	ssyncadd.s32 $0xFFFFD800  }
0x39: {  	[tilespmem:s18], [sflag:$0x1] =	stream.indirect.gather [hbm4b:s4+s17], $0x40, s31, s17, $0xb8;
	[tilespmem:$0x19000] =	vst v63  }
0x3a: {  	_ = 	snop  }
0x3b: {  	[tilespmem:s19], [sflag:$0x2] =	stream.indirect.gather [hbm4b:s4+s17], $0x40, s17, s17, $0xb8;
	[tilespmem:$0x19000] =	vst v63  }
0x3c: {  	s31 =	simm.s32 $0x100  }
0x3d: {  	[tilespmem:s21], [sflag:$0x3] =	stream.indirect.gather [hbm4b:s4+s17], $0x40, s31, s17, $0xb8;
	[tilespmem:$0x19000] =	vst v63  }
0x3e: {  	s31 =	simm.s32 $0x180  }
0x3f: {  	[tilespmem:s23], [sflag:$0x4] =	stream.indirect.gather [hbm4b:s4+s17], $0x40, s31, s17, $0xb8;
	[tilespmem:$0x19000] =	vst v63  }
0x40: {  	[bflag:$0x0] =	sbarrier.arrive $0xFFFF  }
0x41: {  	_ =	swait.ge [sflag:s24], $0x2000  }
0x42: {  	[sflag:s24] =	ssyncset.done $0x0  }
0x43: {  	s31 =	simm.s32 $0x2800;
	[sflag:s24] =	ssyncadd.s32 $0xFFFFE000  }
0x44: {  	[spmem:s2] =	stream.indirect.scatter.add.f32 [tilespmem:s18], [sflag:$0x5], $0x40, s31, s17, $0xb8;
	[tilespmem:$0x19000] =	vst v63  }
0x45: {  	_ =	swait.ge [sflag:s15], $0x2000  }
0x46: {  	[sflag:s15] =	ssyncset.done $0x0  }
0x47: {  	s31 =	simm.s32 $0x200;
	[sflag:s15] =	ssyncadd.s32 $0xFFFFE000  }
0x48: {  	[tilespmem:s18], [sflag:$0x1] =	stream.indirect.gather [hbm4b:s4+s17], $0x40, s31, s17, $0xb8;
	[tilespmem:$0x19000] =	vst v63  }
0x49: {  	_ =	swait.ge [sflag:s26], $0x2000  }
0x4a: {  	[sflag:s26] =	ssyncset.done $0x0  }
0x4b: {  	s31 =	simm.s32 $0x2880;
	[sflag:s26] =	ssyncadd.s32 $0xFFFFE000  }
0x4c: {  	[spmem:s2] =	stream.indirect.scatter.add.f32 [tilespmem:s19], [sflag:$0x5], $0x40, s31, s17, $0xb8;
	[tilespmem:$0x19000] =	vst v63  }
0x4d: {  	_ =	swait.ge [sflag:s15], $0x2000  }
0x4e: {  	[sflag:s15] =	ssyncset.done $0x0  }
0x4f: {  	s31 =	simm.s32 $0x280;
	[sflag:s15] =	ssyncadd.s32 $0xFFFFE000  }
0x50: {  	[tilespmem:s19], [sflag:$0x2] =	stream.indirect.gather [hbm4b:s4+s17], $0x40, s31, s17, $0xb8;
	[tilespmem:$0x19000] =	vst v63  }
0x51: {  	_ =	swait.ge [sflag:s28], $0x2000  }
0x52: {  	[sflag:s28] =	ssyncset.done $0x0  }
0x53: {  	s31 =	simm.s32 $0x2900;
	[sflag:s28] =	ssyncadd.s32 $0xFFFFE000  }
0x54: {  	[spmem:s2] =	stream.indirect.scatter.add.f32 [tilespmem:s21], [sflag:$0x5], $0x40, s31, s17, $0xb8;
	[tilespmem:$0x19000] =	vst v63  }
0x55: {  	_ =	swait.ge [sflag:s15], $0x2000  }
0x56: {  	[sflag:s15] =	ssyncset.done $0x0  }
0x57: {  	s31 =	simm.s32 $0x300;
	[sflag:s15] =	ssyncadd.s32 $0xFFFFE000  }
0x58: {  	[tilespmem:s21], [sflag:$0x3] =	stream.indirect.gather [hbm4b:s4+s17], $0x40, s31, s17, $0xb8;
	[tilespmem:$0x19000] =	vst v63  }
0x59: {  	_ =	swait.ge [sflag:s29], $0x2000  }
0x5a: {  	[sflag:s29] =	ssyncset.done $0x0  }
0x5b: {  	s31 =	simm.s32 $0x2980;
	[sflag:s29] =	ssyncadd.s32 $0xFFFFE000  }
0x5c: {  	[spmem:s2] =	stream.indirect.scatter.add.f32 [tilespmem:s23], [sflag:$0x5], $0x40, s31, s17, $0xb8;
	[tilespmem:$0x19000] =	vst v63  }
0x5d: {  	_ =	swait.ge [sflag:s15], $0x2000  }
0x5e: {  	[sflag:s15] =	ssyncset.done $0x0  }
0x5f: {  	s22 =	simm.s32 $0x800;
	s30 =	simm.s32 $0x380;
	[sflag:s15] =	ssyncadd.s32 $0xFFFFE000  }
.LBB2_4:
0x60: {  	[tilespmem:s23], [sflag:$0x4] =	stream.indirect.gather [hbm4b:s4+s17], $0x40, s30, s17, $0xb8;
	[tilespmem:$0x19000] =	vst v63  }
0x61: {  	s30 =	smov.u32 s22  }
0x62: {  	p0 =	sne.s32 s22, $0x9000;
	s22 =	sadd.s32 $0x800, s22;
	_ =	swait.ge [sflag:s24], $0x2000  }
0x63: {  	s30 =	sshra.s32 s30, $0x2;
	[sflag:s24] =	ssyncset.done $0x0  }
0x64: {  	s31 =	sadd.s32 $0x2800, s30;
	[sflag:s24] =	ssyncadd.s32 $0xFFFFE000  }
0x65: {  	[spmem:s2] =	stream.indirect.scatter.add.f32 [tilespmem:s18], [sflag:$0x5], $0x40, s31, s17, $0xb8;
	[tilespmem:$0x19000] =	vst v63  }
0x66: {  	_ =	swait.ge [sflag:s15], $0x2000  }
0x67: {  	[sflag:s15] =	ssyncset.done $0x0  }
0x68: {  	s31 =	sadd.s32 $0x200, s30;
	[sflag:s15] =	ssyncadd.s32 $0xFFFFE000  }
0x69: {  	[tilespmem:s18], [sflag:$0x1] =	stream.indirect.gather [hbm4b:s4+s17], $0x40, s31, s17, $0xb8;
	[tilespmem:$0x19000] =	vst v63  }
0x6a: {  	_ =	swait.ge [sflag:s26], $0x2000  }
0x6b: {  	[sflag:s26] =	ssyncset.done $0x0  }
0x6c: {  	s31 =	sadd.s32 $0x2880, s30;
	[sflag:s26] =	ssyncadd.s32 $0xFFFFE000  }
0x6d: {  	[spmem:s2] =	stream.indirect.scatter.add.f32 [tilespmem:s19], [sflag:$0x5], $0x40, s31, s17, $0xb8;
	[tilespmem:$0x19000] =	vst v63  }
0x6e: {  	_ =	swait.ge [sflag:s15], $0x2000  }
0x6f: {  	[sflag:s15] =	ssyncset.done $0x0  }
0x70: {  	s31 =	sadd.s32 $0x280, s30;
	[sflag:s15] =	ssyncadd.s32 $0xFFFFE000  }
0x71: {  	[tilespmem:s19], [sflag:$0x2] =	stream.indirect.gather [hbm4b:s4+s17], $0x40, s31, s17, $0xb8;
	[tilespmem:$0x19000] =	vst v63  }
0x72: {  	_ =	swait.ge [sflag:s28], $0x2000  }
0x73: {  	[sflag:s28] =	ssyncset.done $0x0  }
0x74: {  	s31 =	sadd.s32 $0x2900, s30;
	[sflag:s28] =	ssyncadd.s32 $0xFFFFE000  }
0x75: {  	[spmem:s2] =	stream.indirect.scatter.add.f32 [tilespmem:s21], [sflag:$0x5], $0x40, s31, s17, $0xb8;
	[tilespmem:$0x19000] =	vst v63  }
0x76: {  	_ =	swait.ge [sflag:s15], $0x2000  }
0x77: {  	[sflag:s15] =	ssyncset.done $0x0  }
0x78: {  	s31 =	sadd.s32 $0x300, s30;
	[sflag:s15] =	ssyncadd.s32 $0xFFFFE000  }
0x79: {  	[tilespmem:s21], [sflag:$0x3] =	stream.indirect.gather [hbm4b:s4+s17], $0x40, s31, s17, $0xb8;
	[tilespmem:$0x19000] =	vst v63  }
0x7a: {  	_ =	swait.ge [sflag:s29], $0x2000  }
0x7b: {  	[sflag:s29] =	ssyncset.done $0x0  }
.Ltmp1:
0x7c: {  	s31 =	sadd.s32 $0x2980, s30;
	[sflag:s29] =	ssyncadd.s32 $0xFFFFE000;
	(pc) =	sbr.rel @p0 .LBB2_4-.Ltmp1, $4  }
0x7d: {  	[spmem:s2] =	stream.indirect.scatter.add.f32 [tilespmem:s23], [sflag:$0x5], $0x40, s31, s17, $0xb8;
	[tilespmem:$0x19000] =	vst v63  }
0x7e: {  	_ =	swait.ge [sflag:s15], $0x2000  }
0x7f: {  	[sflag:s15] =	ssyncset.done $0x0  }
0x80: {  	s30 =	sadd.s32 $0x380, s30;
	[sflag:s15] =	ssyncadd.s32 $0xFFFFE000  }
0x81: {  	[tilespmem:s23], [sflag:$0x4] =	stream.indirect.gather [hbm4b:s4+s17], $0x40, s30, s17, $0xb8;
	[tilespmem:$0x19000] =	vst v63  }
0x82: {  	_ =	swait.ge [sflag:s24], $0x2000  }
0x83: {  	[sflag:s24] =	ssyncset.done $0x0  }
0x84: {  	s22 =	simm.s32 $0x4E00;
	[sflag:s24] =	ssyncadd.s32 $0xFFFFE000  }
0x85: {  	[spmem:s2] =	stream.indirect.scatter.add.f32 [tilespmem:s18], [sflag:$0x5], $0x40, s22, s17, $0xb8;
	[tilespmem:$0x19000] =	vst v63  }
0x86: {  	_ =	swait.ge [sflag:s15], $0x2000  }
0x87: {  	[sflag:s15] =	ssyncset.done $0x0  }
0x88: {  	[sflag:s15] =	ssyncadd.s32 $0xFFFFE000  }
0x89: {  	_ =	swait.ge [sflag:s26], $0x2000  }
0x8a: {  	[sflag:s26] =	ssyncset.done $0x0  }
0x8b: {  	s30 =	simm.s32 $0x4E80;
	[sflag:s26] =	ssyncadd.s32 $0xFFFFE000  }
0x8c: {  	[spmem:s2] =	stream.indirect.scatter.add.f32 [tilespmem:s19], [sflag:$0x5], $0x40, s30, s17, $0xb8;
	[tilespmem:$0x19000] =	vst v63  }
0x8d: {  	_ =	swait.ge [sflag:s15], $0x2000  }
0x8e: {  	[sflag:s15] =	ssyncset.done $0x0  }
0x8f: {  	[sflag:s15] =	ssyncadd.s32 $0xFFFFE000  }
0x90: {  	_ =	swait.ge [sflag:s28], $0x2000  }
0x91: {  	[sflag:s28] =	ssyncset.done $0x0  }
0x92: {  	[sflag:s28] =	ssyncadd.s32 $0xFFFFE000  }
0x93: {  	[spmem:s2] =	stream.indirect.scatter.add.f32 [tilespmem:s21], [sflag:$0x5], $0x40, s0, s17, $0xb8;
	[tilespmem:$0x19000] =	vst v63  }
0x94: {  	_ =	swait.ge [sflag:s15], $0x2000  }
0x95: {  	[sflag:s15] =	ssyncset.done $0x0  }
0x96: {  	[sflag:s15] =	ssyncadd.s32 $0xFFFFE000  }
0x97: {  	_ =	swait.ge [sflag:s29], $0x2000  }
0x98: {  	[sflag:s29] =	ssyncset.done $0x0  }
0x99: {  	[sflag:s29] =	ssyncadd.s32 $0xFFFFE000  }
0x9a: {  	[spmem:s2] =	stream.indirect.scatter.add.f32 [tilespmem:s23], [sflag:$0x5], $0x40, s16, s17, $0xb8;
	[tilespmem:$0x19000] =	vst v63  }
0x9b: {  	_ =	swait.ge [sflag:s15], $0x2000  }
0x9c: {  	s31 =	stileid.u32;
	s3 =	sadd.s32 $0x1, s3;
	[sflag:s15] =	ssyncset.done $0x0  }
0x9d: {  	p0 =	sne.s32 s3, s9;
	s22 =	sshll.u32 s31, $0x6;
	[sflag:s15] =	ssyncadd.s32 $0xFFFFE000  }
.Ltmp2:
0x9e: {  	s22 =	sor.u32 $0x1C05, s22;
	[bflag:$0x0] =	sbarrier.arrive $0xFFFF;
	(pc) =	sbr.rel @p0 .LBB2_1-.Ltmp2, $4  }
0x9f: {  	[hbm:s8@s1], [sflag:s22] =	dma.strided [spmem:s25@s20], $0x1388, s24, $0x8   }
0xa0: {  	_ =	swait.ge [sflag:s15], $0x1388  }
0xa1: {  	[sflag:s15] =	ssyncset.done $0x0  }
0xa2: {  	[sflag:s15] =	ssyncadd.s32 $0xFFFFEC78  }
0xa3: {  	_ =	sfence.sel $0x180000  }
0xa4: {  	[bflag:$0x0] =	sbarrier.arrive $0xFFFF  }
0xa5: {  	_ =	strace $0x90000056  }
0xa6: {  	s0 =	stileid.u32;
	[bflag:$0x2] =	sbarrier.arrive $0xFFFF  }
0xa7: {  	p0 =	sne.s32 s0, $0x0;
	s0 =	rddreg [dreg:$0x2]  }
0xa8: {  	s0 =	sadd.s32 @!p0 $0x100000, s0  }
0xa9: {  	[sflag:s0] =	ssyncadd.tile.s32 @!p0 $0x1;
	_ =	shalt  }
.Lfunc_end2:
_tile_overlayer_lowered:
.L_overlay_start_2:
0xaa: {  	(tag) =	ssettag $0x2  }
0xab: {  	s0 =	rddreg [dreg:$0x0];
	s2 =	stileid.u32  }
0xac: {  	s1 =	rddreg [dreg:$0x1];
	p0 =	sne.s32 s2, $0x0  }
0xad: {  	s3 =	rddreg [dreg:$0x2];
	[bflag:$0x3] =	sbarrier.arrive $0xFFFF;
	s2 =	simm.s32 @!p0 $0x1C05  }
0xae: {  	[timem:s3], [sflag:s2] =	dma.local @!p0 [hbm:s0], s1  }
0xaf: {  	s0 =	simm.s32 @!p0 $0x5  }
0xb0: {  	_ =	swait.ge @!p0 [sflag:s0], s1  }
0xb1: {  	s1 =	ssub.s32 @!p0 $0x0, s1;
	[sflag:s0] =	ssyncset.done @!p0 $0x0  }
0xb2: {  	[sflag:s0] =	ssyncadd.s32 @!p0 s1  }
0xb3: {  	[bflag:$0x3] =	sbarrier.arrive $0xFFFF  }
0xb4: {  	_ =	shalt  }

</sc_bundles>
